<compile_context>
chip_gen: v7x
topology: tpu7x:2x2x1
jax: 0.10.2.dev20260603
libtpu: 0.0.44.dev20260713+nightly
codegen_flags: <defaults>
</compile_context>

<pallas_src>
import functools

import jax
import jax.numpy as jnp
from jax.experimental import pallas as pl
from jax.experimental.pallas import tpu as pltpu
from jax.experimental.pallas import tpu_sc as plsc

S = 10
NB = 16
NODE1 = 128
DEG = 8
BS = 2

_F32 = jnp.float32
_HIGH = jax.lax.Precision.HIGHEST


def _dot(a, b, precision=None):
    return jnp.dot(a, b, preferred_element_type=_F32, precision=precision)


def _dot_bf16(a, b):
    return jnp.dot(a.astype(jnp.bfloat16), b.astype(jnp.bfloat16),
                   preferred_element_type=_F32)


def _relu(x):
    return jnp.maximum(x, 0.0)


def _lrelu(x):
    return jnp.where(x >= 0, x, 0.2 * x)


def _norm_cols(d):
    n = jnp.sqrt(jnp.sum(d * d, axis=0, keepdims=True))
    return d / jnp.maximum(n, 1e-12)


def _extract_knn(dmat, iota_lane):
    picks = []
    d_cur = dmat
    for t in range(NB + 1):
        m = jnp.min(d_cur, axis=1, keepdims=True)
        eq = d_cur == m
        idxf = jnp.min(jnp.where(eq, iota_lane, 1073741824.0), axis=1,
                       keepdims=True)
        oh_b = iota_lane == idxf
        if t > 0:
            picks.append((oh_b.astype(_F32), idxf))
        d_cur = jnp.where(oh_b, jnp.inf, d_cur)
    return picks


def _nd_from_onehot(oh, pts):
    nbr = _dot(oh, pts, precision=_HIGH)
    dirv = nbr - pts
    n = jnp.sqrt(jnp.sum(dirv * dirv, axis=1, keepdims=True))
    return dirv / jnp.maximum(n, 1e-12)


def _sum_s(x, w):
    acc = x[:, 0:w]
    for s in range(1, S):
        acc = acc + x[:, s * w:(s + 1) * w]
    return acc



def _stage1_body(pts_ref, ptsT_ref, dir0_ref, w1_ref, b1_ref, dir1_ref,
                 wr1_ref, wb1_ref, wl1a_ref, wl1b_ref, tb1_ref, out_ref):
    pts = pts_ref[0]
    ptsT = ptsT_ref[0]
    g = _dot_bf16(pts, ptsT)
    q = jnp.sum(pts * pts, axis=1, keepdims=True)
    qT = jnp.sum(ptsT * ptsT, axis=0, keepdims=True)
    d = (-2.0 * g + qT) + q
    iota = jax.lax.broadcasted_iota(jnp.int32, (NODE1, NODE1), 1).astype(_F32)
    picks = _extract_knn(d, iota)
    nds = [_nd_from_onehot(oh, pts) for oh, _ in picks]

    sd0 = _norm_cols(dir0_ref[...])
    mx = None
    for nd in nds:
        th = _relu(_dot_bf16(nd, sd0))
        mx = th if mx is None else jnp.maximum(mx, th)
    fm0 = _relu(_sum_s(mx, 32))

    fout = _dot_bf16(fm0, w1_ref[...]) + b1_ref[...]
    sd1 = _norm_cols(dir1_ref[...])
    fc = fout[:, :64]
    ft = fout[:, 64:]
    acc = None
    for (oh, _), nd in zip(picks, nds):
        th = _relu(_dot_bf16(nd, sd1))
        fs = _dot(oh, ft, precision=_HIGH)
        a = th * fs
        acc = a if acc is None else jnp.maximum(acc, a)
    fm1 = _relu(fc + _sum_s(acc, 64))

    root = _dot_bf16(fm1, wr1_ref[...])
    fm1r = fm1.astype(jnp.bfloat16).astype(_F32)
    br = None
    for i in range(64):
        wbi = wb1_ref[:, i, :].astype(jnp.bfloat16).astype(_F32)
        contrib = fm1r[:, i:i + 1] * wbi
        br = contrib if br is None else br + contrib
    br = _lrelu(br)
    for dd in range(DEG):
        t1 = _dot_bf16(br[:, dd * 64:(dd + 1) * 64], wl1a_ref[...])
        o3 = _dot_bf16(t1, wl1b_ref[...])
        out_ref[0, :, dd, :] = _lrelu(o3 + root + tb1_ref[dd:dd + 1, :])


def _stage1(pts, dir0, w1, b1, dir1, wr1, wb1, wl1a, wl1b, tb1):
    ptsT = jnp.transpose(pts, (0, 2, 1))
    full = lambda *shape: pl.BlockSpec(shape, lambda i: (0,) * len(shape))
    out = pl.pallas_call(
        _stage1_body,
        out_shape=jax.ShapeDtypeStruct((BS, NODE1, DEG, 3), _F32),
        grid=(BS,),
        in_specs=[
            pl.BlockSpec((1, NODE1, 3), lambda i: (i, 0, 0)),
            pl.BlockSpec((1, 3, NODE1), lambda i: (i, 0, 0)),
            full(3, S * 32),
            full(32, (S + 1) * 64),
            full(1, (S + 1) * 64),
            full(3, S * 64),
            full(64, 3),
            full(NODE1, 64, DEG * 64),
            full(64, 64 * S),
            full(64 * S, 3),
            full(DEG, 3),
        ],
        out_specs=pl.BlockSpec((1, NODE1, DEG, 3), lambda i: (i, 0, 0, 0)),
    )(pts, ptsT, dir0, w1, b1.reshape(1, -1), dir1, wr1, wb1, wl1a, wl1b,
      tb1.reshape(DEG, 3))
    return out.reshape(BS, NODE1 * DEG, 3)



def _knn2_body(pc_ref, pcT_ref, dir2_ref, ni_ref, nd_ref, fm2_ref,
               d_ref, mx_ref, acc_ref):
    v = pc_ref.shape[1]
    b = pl.program_id(0)
    pc = pc_ref[0]
    pcT = pcT_ref[0]
    g = _dot_bf16(pc, pcT)
    q = jnp.sum(pc * pc, axis=1, keepdims=True)
    qT = jnp.sum(pcT * pcT, axis=0, keepdims=True)
    iota = jax.lax.broadcasted_iota(jnp.int32, (v, v), 1).astype(_F32)
    iota16 = jax.lax.broadcasted_iota(jnp.int32, (v, NB), 1).astype(_F32)
    sd2 = _norm_cols(dir2_ref[...])

    d0 = (-2.0 * g + qT) + q
    m = jnp.min(d0, axis=1, keepdims=True)
    eq = d0 == m
    idxf = jnp.min(jnp.where(eq, iota, 1073741824.0), axis=1, keepdims=True)
    d_ref[...] = jnp.where(iota == idxf, jnp.inf, d0)
    mx_ref[...] = jnp.zeros((v, S * 32), _F32)
    acc_ref[...] = jnp.zeros((v, NB), _F32)

    def body(t, _):
        d = d_ref[...]
        m = jnp.min(d, axis=1, keepdims=True)
        eq = d == m
        idxf = jnp.min(jnp.where(eq, iota, 1073741824.0), axis=1,
                       keepdims=True)
        oh_b = iota == idxf
        oh = oh_b.astype(_F32)
        nd = _nd_from_onehot(oh, pc)
        nd_ref[0, t] = nd
        th = _relu(_dot(nd, sd2))
        mx_ref[...] = jnp.maximum(mx_ref[...], th)
        acc_ref[...] = acc_ref[...] + jnp.where(
            iota16 == t.astype(_F32), idxf, 0.0)
        d_ref[...] = jnp.where(oh_b, jnp.inf, d)
        return 0

    jax.lax.fori_loop(0, NB, body, 0)
    ni_ref[0] = acc_ref[...].astype(jnp.int32) + v * b
    fm2 = _relu(_sum_s(mx_ref[...], 32))
    fm2_ref[0] = jnp.concatenate([fm2, jnp.zeros((v, 96), _F32)], axis=1)


def _knn2(pc1, dir2):
    v = NODE1 * DEG
    pc1T = jnp.transpose(pc1, (0, 2, 1))
    ni, nd, fm2 = pl.pallas_call(
        _knn2_body,
        out_shape=(
            jax.ShapeDtypeStruct((BS, v, NB), jnp.int32),
            jax.ShapeDtypeStruct((BS, NB, v, 3), _F32),
            jax.ShapeDtypeStruct((BS, v, 128), _F32),
        ),
        grid=(BS,),
        in_specs=[
            pl.BlockSpec((1, v, 3), lambda i: (i, 0, 0)),
            pl.BlockSpec((1, 3, v), lambda i: (i, 0, 0)),
            pl.BlockSpec((3, S * 32), lambda i: (0, 0)),
        ],
        out_specs=(
            pl.BlockSpec((1, v, NB), lambda i: (i, 0, 0)),
            pl.BlockSpec((1, NB, v, 3), lambda i: (i, 0, 0, 0)),
            pl.BlockSpec((1, v, 128), lambda i: (i, 0, 0)),
        ),
        scratch_shapes=[
            pltpu.VMEM((v, v), _F32),
            pltpu.VMEM((v, S * 32), _F32),
            pltpu.VMEM((v, NB), _F32),
        ],
    )(pc1, pc1T, dir2)
    return ni, nd, fm2



def _sc_gather(table, idx_flat):
    n, c = idx_flat.shape[0], table.shape[1]
    win = 128
    mesh = plsc.VectorSubcoreMesh(core_axis_name="c", subcore_axis_name="s")
    idx2 = idx_flat.reshape(1, n)

    @functools.partial(
        pl.kernel,
        out_type=jax.ShapeDtypeStruct((n, c), table.dtype),
        mesh=mesh)
    def _gather_kernel(x_hbm, i_hbm, o_hbm):
        def body(i_vmem, o_vmem):
            pltpu.sync_copy(x_hbm.at[i_vmem.at[0]], o_vmem)

        pltpu.emit_pipeline(
            body,
            grid=(n // win,),
            in_specs=[pl.BlockSpec((1, win), index_map=lambda i: (0, i))],
            out_specs=[pl.BlockSpec((win, c), index_map=lambda i: (i, 0))],
            core_axis_name=("c", "s"),
            dimension_semantics=(pltpu.PARALLEL,),
        )(i_hbm, o_hbm)

    return _gather_kernel(table, idx2)



def _conv2_body(cin, fm_ref, g_ref, nd_ref, w_ref, b_ref, dir_ref, out_ref,
                acc_ref):
    v = fm_ref.shape[1]
    w = w_ref[...]
    bias = b_ref[...]
    sd = _norm_cols(dir_ref[...])
    fout_head = _dot(fm_ref[0][:, :cin], w[:, :64]) + bias[:, :64]
    w_tail = w[:, 64:]
    b_tail = bias[:, 64:]
    acc_ref[...] = jnp.full((v, S * 64), -jnp.inf, _F32)

    def body(t, _):
        th = _relu(_dot(nd_ref[0, t], sd))
        fs = _dot(g_ref[0, t][:, :cin], w_tail) + b_tail
        acc_ref[...] = jnp.maximum(acc_ref[...], th * fs)
        return 0

    jax.lax.fori_loop(0, NB, body, 0)
    res = _relu(fout_head + _sum_s(acc_ref[...], 64))
    out_ref[0] = jnp.concatenate([res, jnp.zeros((v, 64), _F32)], axis=1)


def _conv2(fm, gathered, nd, w, b, dirs):
    v = NODE1 * DEG
    cin = w.shape[0]
    out = pl.pallas_call(
        functools.partial(_conv2_body, cin),
        out_shape=jax.ShapeDtypeStruct((BS, v, 128), _F32),
        grid=(BS,),
        in_specs=[
            pl.BlockSpec((1, v, 128), lambda i: (i, 0, 0)),
            pl.BlockSpec((1, NB, v, 128), lambda i: (i, 0, 0, 0)),
            pl.BlockSpec((1, NB, v, 3), lambda i: (i, 0, 0, 0)),
            pl.BlockSpec((cin, (S + 1) * 64), lambda i: (0, 0)),
            pl.BlockSpec((1, (S + 1) * 64), lambda i: (0, 0)),
            pl.BlockSpec((3, S * 64), lambda i: (0, 0)),
        ],
        out_specs=pl.BlockSpec((1, v, 128), lambda i: (i, 0, 0)),
        scratch_shapes=[pltpu.VMEM((v, S * 64), _F32)],
    )(fm, gathered, nd, w, b.reshape(1, -1), dirs)
    return out


def _conv_layer2(fm, ni_flat, nd, w, b, dirs):
    v = NODE1 * DEG
    g = _sc_gather(fm.reshape(BS * v, 128), ni_flat)
    g = g.reshape(BS, NB, v, 128)
    return _conv2(fm, g, nd, w, b, dirs)



def _tgcn2_body(fm5_ref, wb2_ref, wr2_ref, wl2a_ref, wl2b_ref, out_ref):
    wlf = _dot(wl2a_ref[...], wl2b_ref[...])
    wr2 = wr2_ref[...]
    for bb in range(BS):
        fm = fm5_ref[bb][:, :64]
        br = None
        for i in range(64):
            contrib = fm[:, i:i + 1] * wb2_ref[:, i, :]
            br = contrib if br is None else br + contrib
        br = _lrelu(br)
        root = _dot(fm, wr2)
        for dd in range(DEG):
            o3 = _dot(br[:, dd * 64:(dd + 1) * 64], wlf)
            out_ref[bb, :, dd, :] = o3 + root


def _tree_gcn2(fm5, wr2, wb2, wl2a, wl2b):
    node = NODE1 * DEG
    nblk = 64
    out = pl.pallas_call(
        _tgcn2_body,
        out_shape=jax.ShapeDtypeStruct((BS, node, DEG, 3), _F32),
        grid=(node // nblk,),
        in_specs=[
            pl.BlockSpec((BS, nblk, 128), lambda j: (0, j, 0)),
            pl.BlockSpec((nblk, 64, DEG * 64), lambda j: (j, 0, 0)),
            pl.BlockSpec((64, 3), lambda j: (0, 0)),
            pl.BlockSpec((64, 64 * S), lambda j: (0, 0)),
            pl.BlockSpec((64 * S, 3), lambda j: (0, 0)),
        ],
        out_specs=pl.BlockSpec((BS, nblk, DEG, 3), lambda j: (0, j, 0, 0)),
    )(fm5, wb2, wr2, wl2a, wl2b)
    return out.reshape(BS, node * DEG, 3)



def kernel(coase_points, dir0, w1, b1, dir1, dir2, w3, b3, dir3, w4, b4,
           dir4, w5, b5, dir5, wr1, wb1, wl1a, wl1b, tb1, wr2, wb2, wl2a,
           wl2b):
    pc1 = _stage1(coase_points, dir0, w1, b1, dir1, wr1, wb1, wl1a, wl1b,
                  tb1)
    ni, nd, fm2 = _knn2(pc1, dir2)
    ni_flat = jnp.transpose(ni, (0, 2, 1)).reshape(-1)
    fm3 = _conv_layer2(fm2, ni_flat, nd, w3, b3, dir3)
    fm4 = _conv_layer2(fm3, ni_flat, nd, w4, b4, dir4)
    fm5 = _conv_layer2(fm4, ni_flat, nd, w5, b5, dir5)
    pc2 = _tree_gcn2(fm5, wr2, wb2, wl2a, wl2b)
    return pc1, pc2

# --- scband reference (transcript-rebuilt; emitter-appended) ---
"""Pipeline reference for scband-decoder-52656299049337 (READ-ONLY COPY).

The authoritative reference and input builder live on the scoring server;
editing this copy changes nothing except your own understanding.
"""

import jax, jax.numpy as jnp
import numpy as np

S = 10
NB = 16
NODE1 = 128
DEG = 8
BS = 2

def _normalize(x, axis):
    n = jnp.linalg.norm(x, axis=axis, keepdims=True)
    return x / jnp.maximum(n, 1e-12)

def get_neighbor_index(vertices, neighbor_num):
    inner = jnp.einsum('bik,bjk->bij', vertices, vertices)
    quadratic = jnp.sum(vertices ** 2, axis=2)
    distance = inner * -2 + quadratic[:, None, :] + quadratic[:, :, None]
    _, idx = jax.lax.top_k(-distance, neighbor_num + 1)
    return idx[:, :, 1:]

def indexing_neighbor(tensor, index):
    return jax.vmap(lambda t, i: t[i])(tensor, index)

def neighbor_direction_norm(vertices, index):
    neighbors = indexing_neighbor(vertices, index)
    direction = neighbors - vertices[:, :, None, :]
    return _normalize(direction, -1)

def conv_surface(index, vertices, directions, kernel_num):
    bs, v, n = index.shape
    nd = neighbor_direction_norm(vertices, index)
    sd = _normalize(directions, 0)
    theta = jax.nn.relu(nd @ sd)
    theta = theta.reshape(bs, v, n, S, kernel_num)
    return jnp.sum(jnp.max(theta, axis=2), axis=2)

def conv_layer(index, vertices, fmap, weights, bias, directions, out_channel):
    bs, v, n = index.shape
    nd = neighbor_direction_norm(vertices, index)
    sd = _normalize(directions, 0)
    theta = jax.nn.relu(nd @ sd)
    fout = fmap @ weights + bias
    fc = fout[:, :, :out_channel]
    fs = indexing_neighbor(fout[:, :, out_channel:], index)
    act = (theta * fs).reshape(bs, v, n, S, out_channel)
    act = jnp.sum(jnp.max(act, axis=2), axis=2)
    return fc + act

def tree_gcn(x, w_root, w_branch, w_loop1, w_loop2, bias, node, out_feature, activation):
    bs, root_num, in_feature = x.shape
    repeat_num = node // root_num
    root_node = x @ w_root
    root = jnp.tile(root_node, (1, 1, repeat_num)).reshape(bs, -1, out_feature)
    branch = jnp.einsum('bni,nio->bno', x, w_branch)
    branch = jax.nn.leaky_relu(branch, 0.2)
    branch = branch.reshape(bs, node * DEG, in_feature)
    branch = (branch @ w_loop1) @ w_loop2
    root_rep = jnp.tile(root, (1, 1, DEG)).reshape(bs, -1, out_feature)
    branch = root_rep + branch
    if activation:
        branch = jax.nn.leaky_relu(branch + jnp.tile(bias, (1, node, 1)), 0.2)
    return branch

def _forward(coase_points, dir0, w1, b1, dir1, dir2, w3, b3, dir3, w4, b4, dir4, w5, b5, dir5, wr1, wb1, wl1a, wl1b, tb1, wr2, wb2, wl2a, wl2b):
    ni = get_neighbor_index(coase_points, NB)
    fm0 = jax.nn.relu(conv_surface(ni, coase_points, dir0, 32))
    fm1 = jax.nn.relu(conv_layer(ni, coase_points, fm0, w1, b1, dir1, 64))
    pc1 = tree_gcn(fm1, wr1, wb1, wl1a, wl1b, tb1, NODE1, 3, True)
    ni2 = get_neighbor_index(pc1, NB)
    fm2 = jax.nn.relu(conv_surface(ni2, pc1, dir2, 32))
    fm3 = jax.nn.relu(conv_layer(ni2, pc1, fm2, w3, b3, dir3, 64))
    fm4 = jax.nn.relu(conv_layer(ni2, pc1, fm3, w4, b4, dir4, 64))
    fm5 = jax.nn.relu(conv_layer(ni2, pc1, fm4, w5, b5, dir5, 64))
    pc2 = tree_gcn(fm5, wr2, wb2, wl2a, wl2b, None, NODE1 * DEG, 3, False)
    return pc1, pc2

def setup_inputs(seed: int = 0):
    key = jax.random.key(seed)
    ks = jax.random.split(key, 24)
    def rn(k, shape, scale):
        return jax.random.normal(k, shape, dtype=jnp.float32) * scale
    inp = {}
    inp['coase_points'] = rn(ks[0], (BS, NODE1, 3), 1.0)
    inp['dir0'] = rn(ks[1], (3, S * 32), 0.06)
    inp['w1'] = rn(ks[2], (32, (S + 1) * 64), 0.06)
    inp['b1'] = rn(ks[3], ((S + 1) * 64,), 0.01)
    inp['dir1'] = rn(ks[4], (3, S * 64), 0.04)
    inp['dir2'] = rn(ks[5], (3, S * 32), 0.06)
    inp['w3'] = rn(ks[6], (32, (S + 1) * 64), 0.06)
    inp['b3'] = rn(ks[7], ((S + 1) * 64,), 0.01)
    inp['dir3'] = rn(ks[8], (3, S * 64), 0.04)
    inp['w4'] = rn(ks[9], (64, (S + 1) * 64), 0.05)
    inp['b4'] = rn(ks[10], ((S + 1) * 64,), 0.01)
    inp['dir4'] = rn(ks[11], (3, S * 64), 0.04)
    inp['w5'] = rn(ks[12], (64, (S + 1) * 64), 0.05)
    inp['b5'] = rn(ks[13], ((S + 1) * 64,), 0.01)
    inp['dir5'] = rn(ks[14], (3, S * 64), 0.04)
    inp['wr1'] = rn(ks[15], (64, 3), 0.1)
    inp['wb1'] = rn(ks[16], (NODE1, 64, DEG * 64), 0.04)
    inp['wl1a'] = rn(ks[17], (64, 64 * S), 0.04)
    inp['wl1b'] = rn(ks[18], (64 * S, 3), 0.04)
    inp['tb1'] = rn(ks[19], (1, DEG, 3), 0.01)
    inp['wr2'] = rn(ks[20], (64, 3), 0.1)
    inp['wb2'] = rn(ks[21], (NODE1 * DEG, 64, DEG * 64), 0.02)
    inp['wl2a'] = rn(ks[22], (64, 64 * S), 0.04)
    inp['wl2b'] = rn(ks[23], (64 * S, 3), 0.04)
    return inp

def reference(coase_points, dir0, w1, b1, dir1, dir2, w3, b3, dir3, w4, b4, dir4, w5, b5, dir5, wr1, wb1, wl1a, wl1b, tb1, wr2, wb2, wl2a, wl2b):
    return _forward(coase_points, dir0, w1, b1, dir1, dir2, w3, b3, dir3, w4, b4, dir4, w5, b5, dir5, wr1, wb1, wl1a, wl1b, tb1, wr2, wb2, wl2a, wl2b)

if __name__ == "__main__":
    import jax
    _d = setup_inputs()
    print(jax.jit(kernel)(*tuple(_d.values())))

</pallas_src>

<mosaic_0001>
#map = affine_map<(d0, d1) -> (0, 0)>
module attributes {stable_mosaic.version = 14 : i64} {
  func.func @_gather_kernel(%arg0: i32, %arg1: i32, %arg2: memref<2048x128xf32, #tpu.memory_space<hbm>>, %arg3: memref<1x32768xi32, #tpu.memory_space<hbm>>, %arg4: memref<32768x128xf32, #tpu.memory_space<hbm>>) attributes {dimension_semantics = [#tpu.dimension_semantics<core_parallel>, #tpu.dimension_semantics<subcore_parallel>], iteration_bounds = array<i64: 2, 16>, scalar_prefetch = 0 : i64, scratch_operands = 0 : i64, tpu.core_type = #tpu.core_type<sc_vector_subcore>, window_params = [{transform_indices = #map}, {transform_indices = #map}, {transform_indices = #map}]} {
    %mul3A = arith.constant 1 : i32
    %mul3A_0 = arith.muli %arg1, %mul3A : i32
    %add3A = arith.constant 0 : i32
    %add3A_1 = arith.addi %add3A, %mul3A_0 : i32
    %mul3A_2 = arith.constant 16 : i32
    %mul3A_3 = arith.muli %arg0, %mul3A_2 : i32
    %add3A_4 = arith.addi %add3A_1, %mul3A_3 : i32
    %mul3A_5 = arith.constant 8 : i32
    %mul3A_6 = arith.muli %add3A_4, %mul3A_5 : i32
    "tpu.region"() ({
      %run_scoped3A = memref.alloca() : memref<2x1x128xi32, #tpu.memory_space<vmem>>
      %run_scoped3A_7 = tpu.sem_alloc : memref<2x!tpu.dma_semaphore, #tpu.memory_space<semaphore_mem>>
      %run_scoped3A_8 = memref.alloca() : memref<2x128x128xf32, #tpu.memory_space<vmem>>
      %run_scoped3A_9 = tpu.sem_alloc : memref<2x!tpu.dma_semaphore, #tpu.memory_space<semaphore_mem>>
      %add3A_10 = arith.constant 0 : i32
      %add3A_11 = arith.addi %add3A_10, %mul3A_6 : i32
      %select_n3A = arith.constant true
      %select_n3A_12 = arith.constant 0 : i32
      %select_n3A_13 = arith.constant -1 : i32
      %select_n3A_14 = arith.select %select_n3A, %select_n3A_13, %select_n3A_12 : i32
      %eq3A = arith.constant -1 : i32
      %eq3A_15 = arith.cmpi eq, %select_n3A_14, %eq3A : i32
      %select_n3A_16 = arith.constant 7 : i32
      %select_n3A_17 = arith.select %eq3A_15, %select_n3A_16, %select_n3A_14 : i32
      %add3A_18 = arith.addi %select_n3A_17, %mul3A_6 : i32
      %select_n3A_19 = arith.constant true
      %select_n3A_20 = arith.constant 0 : i32
      %select_n3A_21 = arith.constant 1 : i32
      %select_n3A_22 = arith.select %select_n3A_19, %select_n3A_21, %select_n3A_20 : i32
      %eq3A_23 = arith.constant 8 : i32
      %eq3A_24 = arith.cmpi eq, %select_n3A_22, %eq3A_23 : i32
      %select_n3A_25 = arith.constant 0 : i32
      %select_n3A_26 = arith.select %eq3A_24, %select_n3A_25, %select_n3A_22 : i32
      %add3A_27 = arith.addi %select_n3A_26, %mul3A_6 : i32
      %add3A_28 = arith.constant 1 : i32
      %add3A_29 = arith.addi %select_n3A_26, %add3A_28 : i32
      %select_n3A_30 = arith.constant true
      %select_n3A_31 = arith.select %select_n3A_30, %add3A_29, %select_n3A_26 : i32
      %eq3A_32 = arith.constant 8 : i32
      %eq3A_33 = arith.cmpi eq, %select_n3A_31, %eq3A_32 : i32
      %select_n3A_34 = arith.constant 0 : i32
      %select_n3A_35 = arith.select %eq3A_33, %select_n3A_34, %select_n3A_31 : i32
      %add3A_36 = arith.addi %select_n3A_35, %mul3A_6 : i32
      "tpu.trace_start"() <{level = 10 : i32, message = "ep_initialize_0"}> : () -> ()
      %rem3A = arith.constant 0 : i32
      %rem3A_37 = arith.constant 2 : i32
      %rem3A_38 = arith.remui %rem3A, %rem3A_37 : i32
      %mul3A_39 = arith.constant 128 : i32
      %mul3A_40 = arith.muli %mul3A_39, %add3A_11 : i32
      %dma_start3A = arith.constant 0 : i32
      %dma_start3A_41 = arith.constant 0 : i32
      %dma_start3A_42 = tpu.memref_slice %run_scoped3A[%rem3A_38, %dma_start3A, %dma_start3A_41] : memref<2x1x128xi32, #tpu.memory_space<vmem>> -> memref<1x1x128xi32, #tpu.memory_space<vmem>>
      %dma_start3A_43 = tpu.memref_squeeze %dma_start3A_42 : memref<1x1x128xi32, #tpu.memory_space<vmem>> -> memref<1x128xi32, #tpu.memory_space<vmem>>
      %dma_start3A_44 = arith.constant 0 : i32
      %dma_start3A_45 = tpu.memref_slice %arg3[%dma_start3A_44, %mul3A_40] : memref<1x32768xi32, #tpu.memory_space<hbm>> -> memref<1x128xi32, #tpu.memory_space<hbm>>
      %dma_start3A_46 = tpu.memref_slice %run_scoped3A_7[%rem3A_38] : memref<2x!tpu.dma_semaphore, #tpu.memory_space<semaphore_mem>> -> memref<1x!tpu.dma_semaphore, #tpu.memory_space<semaphore_mem>>
      %dma_start3A_47 = tpu.memref_squeeze %dma_start3A_46 : memref<1x!tpu.dma_semaphore, #tpu.memory_space<semaphore_mem>> -> memref<!tpu.dma_semaphore, #tpu.memory_space<semaphore_mem>>
      %dma_start3A_48 = arith.constant 0 : i32
      %dma_start3A_49 = arith.constant 0 : i32
      %dma_start3A_50 = tpu.memref_slice %run_scoped3A[%rem3A_38, %dma_start3A_48, %dma_start3A_49] : memref<2x1x128xi32, #tpu.memory_space<vmem>> -> memref<1x1x128xi32, #tpu.memory_space<vmem>>
      %dma_start3A_51 = tpu.memref_squeeze %dma_start3A_50 : memref<1x1x128xi32, #tpu.memory_space<vmem>> -> memref<1x128xi32, #tpu.memory_space<vmem>>
      %dma_start3A_52 = arith.constant 0 : i32
      %dma_start3A_53 = tpu.memref_slice %arg3[%dma_start3A_52, %mul3A_40] : memref<1x32768xi32, #tpu.memory_space<hbm>> -> memref<1x128xi32, #tpu.memory_space<hbm>>
      tpu.enqueue_dma source(%dma_start3A_53 : memref<1x128xi32, #tpu.memory_space<hbm>>) target(%dma_start3A_51 : memref<1x128xi32, #tpu.memory_space<vmem>>) target_semaphore(%dma_start3A_47 : memref<!tpu.dma_semaphore, #tpu.memory_space<semaphore_mem>>)
      %add3A_54 = arith.constant 0 : i32
      %add3A_55 = arith.constant 1 : i32
      %add3A_56 = arith.addi %add3A_54, %add3A_55 : i32
      %select_n3A_57 = arith.constant true
      %select_n3A_58 = arith.constant 0 : i32
      %select_n3A_59 = arith.select %select_n3A_57, %add3A_56, %select_n3A_58 : i32
      "tpu.trace_stop"() : () -> ()
      %scan3A = arith.constant 0 : i32
      %scan3A_60 = arith.constant 0 : i32
      %scan3A_61 = arith.constant 0 : i32
      %scan3A_62 = arith.constant 0 : i32
      %scan3A_63 = arith.constant 0 : i32
      %scan3A_64 = arith.constant 8 : i32
      %scan3A_65 = arith.addi %scan3A_63, %scan3A_64 : i32
      %scan3A_66 = arith.constant 1 : i32
      %scan3A_67:5 = scf.for %scan3A_121 = %scan3A_63 to %scan3A_65 step %scan3A_66 iter_args(%scan3A_122 = %select_n3A_59, %scan3A_123 = %scan3A, %scan3A_124 = %scan3A_60, %scan3A_125 = %scan3A_61, %scan3A_126 = %scan3A_62) -> (i32, i32, i32, i32, i32)  : i32 {
        %eq3A_127 = arith.constant 0 : i32
        %eq3A_128 = arith.cmpi eq, %scan3A_121, %eq3A_127 : i32
        %eq3A_129 = arith.constant 7 : i32
        %eq3A_130 = arith.cmpi eq, %scan3A_121, %eq3A_129 : i32
        %add3A_131 = arith.addi %scan3A_126, %mul3A_6 : i32
        %sub3A_132 = arith.constant 1 : i32
        %sub3A_133 = arith.subi %scan3A_126, %sub3A_132 : i32
        %select_n3A_134 = arith.constant true
        %select_n3A_135 = arith.select %select_n3A_134, %sub3A_133, %scan3A_126 : i32
        %eq3A_136 = arith.constant -1 : i32
        %eq3A_137 = arith.cmpi eq, %select_n3A_135, %eq3A_136 : i32
        %select_n3A_138 = arith.constant 7 : i32
        %select_n3A_139 = arith.select %eq3A_137, %select_n3A_138, %select_n3A_135 : i32
        %add3A_140 = arith.addi %select_n3A_139, %mul3A_6 : i32
        %add3A_141 = arith.constant 1 : i32
        %add3A_142 = arith.addi %scan3A_126, %add3A_141 : i32
        %select_n3A_143 = arith.constant true
        %select_n3A_144 = arith.select %select_n3A_143, %add3A_142, %scan3A_126 : i32
        %eq3A_145 = arith.constant 8 : i32
        %eq3A_146 = arith.cmpi eq, %select_n3A_144, %eq3A_145 : i32
        %select_n3A_147 = arith.constant 0 : i32
        %select_n3A_148 = arith.select %eq3A_146, %select_n3A_147, %select_n3A_144 : i32
        %add3A_149 = arith.addi %select_n3A_148, %mul3A_6 : i32
        %add3A_150 = arith.constant 1 : i32
        %add3A_151 = arith.addi %select_n3A_148, %add3A_150 : i32
        %select_n3A_152 = arith.constant true
        %select_n3A_153 = arith.select %select_n3A_152, %add3A_151, %select_n3A_148 : i32
        %eq3A_154 = arith.constant 8 : i32
        %eq3A_155 = arith.cmpi eq, %select_n3A_153, %eq3A_154 : i32
        %select_n3A_156 = arith.constant 0 : i32
        %select_n3A_157 = arith.select %eq3A_155, %select_n3A_156, %select_n3A_153 : i32
        %add3A_158 = arith.addi %select_n3A_157, %mul3A_6 : i32
        %ne3A = arith.cmpi ne, %add3A_131, %add3A_149 : i32
        %or3A = arith.constant false
        %or3A_159 = arith.ori %or3A, %ne3A : i1
        %ge3A = arith.constant 7 : i32
        %ge3A_160 = arith.cmpi sge, %scan3A_121, %ge3A : i32
        %not3A = arith.constant true
        %not3A_161 = arith.xori %ge3A_160, %not3A : i1
        %and3A = arith.andi %or3A_159, %not3A_161 : i1
        %convert_element_type3A = arith.extui %and3A : i1 to i32
        %cond3A = arith.constant 0 : i32
        %cond3A_162 = arith.cmpi ne, %convert_element_type3A, %cond3A : i32
        scf.if %cond3A_162 {
          "tpu.trace_start"() <{level = 10 : i32, message = "ep_copy_in"}> : () -> ()
          %rem3A_264 = arith.constant 2 : i32
          %rem3A_265 = arith.remui %scan3A_122, %rem3A_264 : i32
          %mul3A_266 = arith.constant 128 : i32
          %mul3A_267 = arith.muli %mul3A_266, %add3A_149 : i32
          %dma_start3A_268 = arith.constant 0 : i32
          %dma_start3A_269 = arith.constant 0 : i32
          %dma_start3A_270 = tpu.memref_slice %run_scoped3A[%rem3A_265, %dma_start3A_268, %dma_start3A_269] : memref<2x1x128xi32, #tpu.memory_space<vmem>> -> memref<1x1x128xi32, #tpu.memory_space<vmem>>
          %dma_start3A_271 = tpu.memref_squeeze %dma_start3A_270 : memref<1x1x128xi32, #tpu.memory_space<vmem>> -> memref<1x128xi32, #tpu.memory_space<vmem>>
          %dma_start3A_272 = arith.constant 0 : i32
          %dma_start3A_273 = tpu.memref_slice %arg3[%dma_start3A_272, %mul3A_267] : memref<1x32768xi32, #tpu.memory_space<hbm>> -> memref<1x128xi32, #tpu.memory_space<hbm>>
          %dma_start3A_274 = tpu.memref_slice %run_scoped3A_7[%rem3A_265] : memref<2x!tpu.dma_semaphore, #tpu.memory_space<semaphore_mem>> -> memref<1x!tpu.dma_semaphore, #tpu.memory_space<semaphore_mem>>
          %dma_start3A_275 = tpu.memref_squeeze %dma_start3A_274 : memref<1x!tpu.dma_semaphore, #tpu.memory_space<semaphore_mem>> -> memref<!tpu.dma_semaphore, #tpu.memory_space<semaphore_mem>>
          %dma_start3A_276 = arith.constant 0 : i32
          %dma_start3A_277 = arith.constant 0 : i32
          %dma_start3A_278 = tpu.memref_slice %run_scoped3A[%rem3A_265, %dma_start3A_276, %dma_start3A_277] : memref<2x1x128xi32, #tpu.memory_space<vmem>> -> memref<1x1x128xi32, #tpu.memory_space<vmem>>
          %dma_start3A_279 = tpu.memref_squeeze %dma_start3A_278 : memref<1x1x128xi32, #tpu.memory_space<vmem>> -> memref<1x128xi32, #tpu.memory_space<vmem>>
          %dma_start3A_280 = arith.constant 0 : i32
          %dma_start3A_281 = tpu.memref_slice %arg3[%dma_start3A_280, %mul3A_267] : memref<1x32768xi32, #tpu.memory_space<hbm>> -> memref<1x128xi32, #tpu.memory_space<hbm>>
          tpu.enqueue_dma source(%dma_start3A_281 : memref<1x128xi32, #tpu.memory_space<hbm>>) target(%dma_start3A_279 : memref<1x128xi32, #tpu.memory_space<vmem>>) target_semaphore(%dma_start3A_275 : memref<!tpu.dma_semaphore, #tpu.memory_space<semaphore_mem>>)
          "tpu.trace_stop"() : () -> ()
        } else {
        }
        %and3A_163 = arith.constant true
        %and3A_164 = arith.andi %and3A, %and3A_163 : i1
        %add3A_165 = arith.constant 1 : i32
        %add3A_166 = arith.addi %scan3A_122, %add3A_165 : i32
        %select_n3A_167 = arith.select %and3A_164, %add3A_166, %scan3A_122 : i32
        %ne3A_168 = arith.cmpi ne, %add3A_131, %add3A_149 : i32
        %or3A_169 = arith.constant false
        %or3A_170 = arith.ori %or3A_169, %ne3A_168 : i1
        %or3A_171 = arith.constant false
        %or3A_172 = arith.ori %or3A_170, %or3A_171 : i1
        %ge3A_173 = arith.constant 7 : i32
        %ge3A_174 = arith.cmpi sge, %scan3A_121, %ge3A_173 : i32
        %not3A_175 = arith.constant true
        %not3A_176 = arith.xori %ge3A_174, %not3A_175 : i1
        %and3A_177 = arith.andi %or3A_172, %not3A_176 : i1
        %ne3A_178 = arith.cmpi ne, %add3A_131, %add3A_140 : i32
        %or3A_179 = arith.constant false
        %or3A_180 = arith.ori %or3A_179, %ne3A_178 : i1
        %or3A_181 = arith.ori %or3A_180, %eq3A_128 : i1
        %convert_element_type3A_182 = arith.extui %or3A_181 : i1 to i32
        %cond3A_183 = arith.constant 0 : i32
        %cond3A_184 = arith.cmpi ne, %convert_element_type3A_182, %cond3A_183 : i32
        scf.if %cond3A_184 {
          "tpu.trace_start"() <{level = 10 : i32, message = "ep_wait_in"}> : () -> ()
          %mul3A_264 = arith.constant 128 : i32
          %mul3A_265 = arith.muli %mul3A_264, %add3A_131 : i32
          %rem3A_266 = arith.constant 2 : i32
          %rem3A_267 = arith.remui %scan3A_123, %rem3A_266 : i32
          %dma_wait3A_268 = arith.constant 0 : i32
          %dma_wait3A_269 = arith.constant 0 : i32
          %dma_wait3A_270 = tpu.memref_slice %run_scoped3A[%rem3A_267, %dma_wait3A_268, %dma_wait3A_269] : memref<2x1x128xi32, #tpu.memory_space<vmem>> -> memref<1x1x128xi32, #tpu.memory_space<vmem>>
          %dma_wait3A_271 = tpu.memref_squeeze %dma_wait3A_270 : memref<1x1x128xi32, #tpu.memory_space<vmem>> -> memref<1x128xi32, #tpu.memory_space<vmem>>
          %dma_wait3A_272 = arith.constant 0 : i32
          %dma_wait3A_273 = tpu.memref_slice %arg3[%dma_wait3A_272, %mul3A_265] : memref<1x32768xi32, #tpu.memory_space<hbm>> -> memref<1x128xi32, #tpu.memory_space<hbm>>
          %dma_wait3A_274 = tpu.memref_slice %run_scoped3A_7[%rem3A_267] : memref<2x!tpu.dma_semaphore, #tpu.memory_space<semaphore_mem>> -> memref<1x!tpu.dma_semaphore, #tpu.memory_space<semaphore_mem>>
          %dma_wait3A_275 = tpu.memref_squeeze %dma_wait3A_274 : memref<1x!tpu.dma_semaphore, #tpu.memory_space<semaphore_mem>> -> memref<!tpu.dma_semaphore, #tpu.memory_space<semaphore_mem>>
          %dma_wait3A_276 = arith.constant 0 : i32
          %dma_wait3A_277 = arith.constant 0 : i32
          %dma_wait3A_278 = tpu.memref_slice %run_scoped3A[%rem3A_267, %dma_wait3A_276, %dma_wait3A_277] : memref<2x1x128xi32, #tpu.memory_space<vmem>> -> memref<1x1x128xi32, #tpu.memory_space<vmem>>
          %dma_wait3A_279 = tpu.memref_squeeze %dma_wait3A_278 : memref<1x1x128xi32, #tpu.memory_space<vmem>> -> memref<1x128xi32, #tpu.memory_space<vmem>>
          %dma_wait3A_280 = arith.constant 0 : i32
          %dma_wait3A_281 = tpu.memref_slice %arg3[%dma_wait3A_280, %mul3A_265] : memref<1x32768xi32, #tpu.memory_space<hbm>> -> memref<1x128xi32, #tpu.memory_space<hbm>>
          tpu.wait_dma2 semaphore(%dma_wait3A_275 : memref<!tpu.dma_semaphore, #tpu.memory_space<semaphore_mem>>) src(%dma_wait3A_281 : memref<1x128xi32, #tpu.memory_space<hbm>>) dst(%dma_wait3A_279 : memref<1x128xi32, #tpu.memory_space<vmem>>)
          "tpu.trace_stop"() : () -> ()
        } else {
        }
        %ne3A_185 = arith.cmpi ne, %add3A_131, %add3A_140 : i32
        %or3A_186 = arith.constant false
        %or3A_187 = arith.ori %or3A_186, %ne3A_185 : i1
        %or3A_188 = arith.constant false
        %or3A_189 = arith.ori %or3A_187, %or3A_188 : i1
        %or3A_190 = arith.ori %or3A_189, %eq3A_128 : i1
        %convert_element_type3A_191 = arith.extui %or3A_190 : i1 to i32
        %cond3A_192 = arith.constant 0 : i32
        %cond3A_193 = arith.cmpi ne, %convert_element_type3A_191, %cond3A_192 : i32
        scf.if %cond3A_193 {
        } else {
        }
        %rem3A_194 = arith.constant 2 : i32
        %rem3A_195 = arith.remui %scan3A_123, %rem3A_194 : i32
        %rem3A_196 = arith.constant 2 : i32
        %rem3A_197 = arith.remui %scan3A_124, %rem3A_196 : i32
        %run_scoped3A_198 = arith.constant 0 : i32
        "tpu.trace_start"() <{level = 10 : i32, message = "ep_run_kernel"}> : () -> ()
        "tpu.region"() ({
          %run_scoped3A_264 = tpu.sem_alloc : memref<!tpu.dma_semaphore, #tpu.memory_space<semaphore_mem>>
          %dma_start3A_265 = arith.constant 0 : i32
          %dma_start3A_266 = arith.constant 0 : i32
          %dma_start3A_267 = tpu.memref_slice %run_scoped3A_8[%rem3A_197, %dma_start3A_265, %dma_start3A_266] : memref<2x128x128xf32, #tpu.memory_space<vmem>> -> memref<1x128x128xf32, #tpu.memory_space<vmem>>
          %dma_start3A_268 = tpu.memref_squeeze %dma_start3A_267 : memref<1x128x128xf32, #tpu.memory_space<vmem>> -> memref<128x128xf32, #tpu.memory_space<vmem>>
          %dma_start3A_269 = arith.constant 0 : i32
          %dma_start3A_270 = arith.constant 0 : i32
          %dma_start3A_271 = tpu.memref_slice %run_scoped3A[%rem3A_195, %dma_start3A_269, %dma_start3A_270] : memref<2x1x128xi32, #tpu.memory_space<vmem>> -> memref<1x1x128xi32, #tpu.memory_space<vmem>>
          %dma_start3A_272 = tpu.memref_squeeze %dma_start3A_271 : memref<1x1x128xi32, #tpu.memory_space<vmem>> -> memref<1x128xi32, #tpu.memory_space<vmem>>
          %dma_start3A_273 = arith.constant 0 : i32
          %dma_start3A_274 = tpu.memref_slice %dma_start3A_272[%run_scoped3A_198, %dma_start3A_273] : memref<1x128xi32, #tpu.memory_space<vmem>> -> memref<1x128xi32, #tpu.memory_space<vmem>>
          %dma_start3A_275 = tpu.memref_squeeze %dma_start3A_274 : memref<1x128xi32, #tpu.memory_space<vmem>> -> memref<128xi32, #tpu.memory_space<vmem>>
          %dma_start3A_276 = arith.constant 0 : i32
          %dma_start3A_277 = arith.constant 0 : i32
          %dma_start3A_278 = tpu.memref_slice %arg2[%dma_start3A_276, %dma_start3A_277] : memref<2048x128xf32, #tpu.memory_space<hbm>> -> memref<2048x128xf32, #tpu.memory_space<hbm>>
          tpu.enqueue_indirect_dma source(%dma_start3A_278 : memref<2048x128xf32, #tpu.memory_space<hbm>>) target(%dma_start3A_268 : memref<128x128xf32, #tpu.memory_space<vmem>>) offsets(%dma_start3A_275 : memref<128xi32, #tpu.memory_space<vmem>>) semaphore(%run_scoped3A_264 : memref<!tpu.dma_semaphore, #tpu.memory_space<semaphore_mem>>)
          %dma_wait3A_279 = arith.constant 0 : i32
          %dma_wait3A_280 = arith.constant 0 : i32
          %dma_wait3A_281 = tpu.memref_slice %run_scoped3A_8[%rem3A_197, %dma_wait3A_279, %dma_wait3A_280] : memref<2x128x128xf32, #tpu.memory_space<vmem>> -> memref<1x128x128xf32, #tpu.memory_space<vmem>>
          %dma_wait3A_282 = tpu.memref_squeeze %dma_wait3A_281 : memref<1x128x128xf32, #tpu.memory_space<vmem>> -> memref<128x128xf32, #tpu.memory_space<vmem>>
          %dma_wait3A_283 = arith.constant 0 : i32
          %dma_wait3A_284 = arith.constant 0 : i32
          %dma_wait3A_285 = tpu.memref_slice %run_scoped3A[%rem3A_195, %dma_wait3A_283, %dma_wait3A_284] : memref<2x1x128xi32, #tpu.memory_space<vmem>> -> memref<1x1x128xi32, #tpu.memory_space<vmem>>
          %dma_wait3A_286 = tpu.memref_squeeze %dma_wait3A_285 : memref<1x1x128xi32, #tpu.memory_space<vmem>> -> memref<1x128xi32, #tpu.memory_space<vmem>>
          %dma_wait3A_287 = arith.constant 0 : i32
          %dma_wait3A_288 = tpu.memref_slice %dma_wait3A_286[%run_scoped3A_198, %dma_wait3A_287] : memref<1x128xi32, #tpu.memory_space<vmem>> -> memref<1x128xi32, #tpu.memory_space<vmem>>
          %dma_wait3A_289 = tpu.memref_squeeze %dma_wait3A_288 : memref<1x128xi32, #tpu.memory_space<vmem>> -> memref<128xi32, #tpu.memory_space<vmem>>
          %dma_wait3A_290 = arith.constant 0 : i32
          %dma_wait3A_291 = arith.constant 0 : i32
          %dma_wait3A_292 = tpu.memref_slice %arg2[%dma_wait3A_290, %dma_wait3A_291] : memref<2048x128xf32, #tpu.memory_space<hbm>> -> memref<2048x128xf32, #tpu.memory_space<hbm>>
          tpu.wait_indirect_dma semaphore(%run_scoped3A_264 : memref<!tpu.dma_semaphore, #tpu.memory_space<semaphore_mem>>) src(%dma_wait3A_292 : memref<2048x128xf32, #tpu.memory_space<hbm>>) dst(%dma_wait3A_282 : memref<128x128xf32, #tpu.memory_space<vmem>>)
          tpu.yield
        }) : () -> ()
        "tpu.trace_stop"() : () -> ()
        %ne3A_199 = arith.cmpi ne, %add3A_131, %add3A_149 : i32
        %or3A_200 = arith.constant false
        %or3A_201 = arith.ori %or3A_200, %ne3A_199 : i1
        %or3A_202 = arith.ori %or3A_201, %eq3A_130 : i1
        %convert_element_type3A_203 = arith.extui %or3A_202 : i1 to i32
        %cond3A_204 = arith.constant 0 : i32
        %cond3A_205 = arith.cmpi ne, %convert_element_type3A_203, %cond3A_204 : i32
        scf.if %cond3A_205 {
        } else {
        }
        %and3A_206 = arith.constant false
        %and3A_207 = arith.andi %or3A_202, %and3A_206 : i1
        %ne3A_208 = arith.cmpi ne, %add3A_131, %add3A_149 : i32
        %or3A_209 = arith.constant false
        %or3A_210 = arith.ori %or3A_209, %ne3A_208 : i1
        %or3A_211 = arith.constant false
        %or3A_212 = arith.ori %or3A_210, %or3A_211 : i1
        %or3A_213 = arith.ori %or3A_212, %eq3A_130 : i1
        %convert_element_type3A_214 = arith.extui %or3A_213 : i1 to i32
        %cond3A_215 = arith.constant 0 : i32
        %cond3A_216 = arith.cmpi ne, %convert_element_type3A_214, %cond3A_215 : i32
        scf.if %cond3A_216 {
          "tpu.trace_start"() <{level = 10 : i32, message = "ep_copy_out"}> : () -> ()
          %rem3A_264 = arith.constant 2 : i32
          %rem3A_265 = arith.remui %scan3A_124, %rem3A_264 : i32
          %mul3A_266 = arith.constant 128 : i32
          %mul3A_267 = arith.muli %mul3A_266, %add3A_131 : i32
          %dma_start3A_268 = arith.constant 0 : i32
          %dma_start3A_269 = arith.constant 0 : i32
          %dma_start3A_270 = tpu.memref_slice %run_scoped3A_8[%rem3A_265, %dma_start3A_268, %dma_start3A_269] : memref<2x128x128xf32, #tpu.memory_space<vmem>> -> memref<1x128x128xf32, #tpu.memory_space<vmem>>
          %dma_start3A_271 = tpu.memref_squeeze %dma_start3A_270 : memref<1x128x128xf32, #tpu.memory_space<vmem>> -> memref<128x128xf32, #tpu.memory_space<vmem>>
          %dma_start3A_272 = arith.constant 0 : i32
          %dma_start3A_273 = tpu.memref_slice %arg4[%mul3A_267, %dma_start3A_272] : memref<32768x128xf32, #tpu.memory_space<hbm>> -> memref<128x128xf32, #tpu.memory_space<hbm>>
          %dma_start3A_274 = tpu.memref_slice %run_scoped3A_9[%rem3A_265] : memref<2x!tpu.dma_semaphore, #tpu.memory_space<semaphore_mem>> -> memref<1x!tpu.dma_semaphore, #tpu.memory_space<semaphore_mem>>
          %dma_start3A_275 = tpu.memref_squeeze %dma_start3A_274 : memref<1x!tpu.dma_semaphore, #tpu.memory_space<semaphore_mem>> -> memref<!tpu.dma_semaphore, #tpu.memory_space<semaphore_mem>>
          %dma_start3A_276 = arith.constant 0 : i32
          %dma_start3A_277 = tpu.memref_slice %arg4[%mul3A_267, %dma_start3A_276] : memref<32768x128xf32, #tpu.memory_space<hbm>> -> memref<128x128xf32, #tpu.memory_space<hbm>>
          %dma_start3A_278 = arith.constant 0 : i32
          %dma_start3A_279 = arith.constant 0 : i32
          %dma_start3A_280 = tpu.memref_slice %run_scoped3A_8[%rem3A_265, %dma_start3A_278, %dma_start3A_279] : memref<2x128x128xf32, #tpu.memory_space<vmem>> -> memref<1x128x128xf32, #tpu.memory_space<vmem>>
          %dma_start3A_281 = tpu.memref_squeeze %dma_start3A_280 : memref<1x128x128xf32, #tpu.memory_space<vmem>> -> memref<128x128xf32, #tpu.memory_space<vmem>>
          tpu.enqueue_dma source(%dma_start3A_281 : memref<128x128xf32, #tpu.memory_space<vmem>>) target(%dma_start3A_277 : memref<128x128xf32, #tpu.memory_space<hbm>>) target_semaphore(%dma_start3A_275 : memref<!tpu.dma_semaphore, #tpu.memory_space<semaphore_mem>>)
          "tpu.trace_stop"() : () -> ()
        } else {
        }
        %and3A_217 = arith.constant true
        %and3A_218 = arith.andi %or3A_213, %and3A_217 : i1
        %add3A_219 = arith.constant 1 : i32
        %add3A_220 = arith.addi %scan3A_124, %add3A_219 : i32
        %select_n3A_221 = arith.select %and3A_218, %add3A_220, %scan3A_124 : i32
        %ne3A_222 = arith.cmpi ne, %add3A_131, %add3A_140 : i32
        %or3A_223 = arith.constant false
        %or3A_224 = arith.ori %or3A_223, %ne3A_222 : i1
        %not3A_225 = arith.constant true
        %not3A_226 = arith.xori %eq3A_128, %not3A_225 : i1
        %and3A_227 = arith.andi %or3A_224, %not3A_226 : i1
        %convert_element_type3A_228 = arith.extui %and3A_227 : i1 to i32
        %cond3A_229 = arith.constant 0 : i32
        %cond3A_230 = arith.cmpi ne, %convert_element_type3A_228, %cond3A_229 : i32
        scf.if %cond3A_230 {
        } else {
        }
        %and3A_231 = arith.constant false
        %and3A_232 = arith.andi %and3A_227, %and3A_231 : i1
        %ne3A_233 = arith.cmpi ne, %add3A_131, %add3A_140 : i32
        %or3A_234 = arith.constant false
        %or3A_235 = arith.ori %or3A_234, %ne3A_233 : i1
        %or3A_236 = arith.constant false
        %or3A_237 = arith.ori %or3A_235, %or3A_236 : i1
        %not3A_238 = arith.constant true
        %not3A_239 = arith.xori %eq3A_128, %not3A_238 : i1
        %and3A_240 = arith.andi %or3A_237, %not3A_239 : i1
        %convert_element_type3A_241 = arith.extui %and3A_240 : i1 to i32
        %cond3A_242 = arith.constant 0 : i32
        %cond3A_243 = arith.cmpi ne, %convert_element_type3A_241, %cond3A_242 : i32
        scf.if %cond3A_243 {
          "tpu.trace_start"() <{level = 10 : i32, message = "ep_wait_out"}> : () -> ()
          %rem3A_264 = arith.constant 2 : i32
          %rem3A_265 = arith.remui %scan3A_125, %rem3A_264 : i32
          %mul3A_266 = arith.constant 128 : i32
          %mul3A_267 = arith.muli %mul3A_266, %add3A_140 : i32
          %dma_wait3A_268 = arith.constant 0 : i32
          %dma_wait3A_269 = arith.constant 0 : i32
          %dma_wait3A_270 = tpu.memref_slice %run_scoped3A_8[%rem3A_265, %dma_wait3A_268, %dma_wait3A_269] : memref<2x128x128xf32, #tpu.memory_space<vmem>> -> memref<1x128x128xf32, #tpu.memory_space<vmem>>
          %dma_wait3A_271 = tpu.memref_squeeze %dma_wait3A_270 : memref<1x128x128xf32, #tpu.memory_space<vmem>> -> memref<128x128xf32, #tpu.memory_space<vmem>>
          %dma_wait3A_272 = arith.constant 0 : i32
          %dma_wait3A_273 = tpu.memref_slice %arg4[%mul3A_267, %dma_wait3A_272] : memref<32768x128xf32, #tpu.memory_space<hbm>> -> memref<128x128xf32, #tpu.memory_space<hbm>>
          %dma_wait3A_274 = tpu.memref_slice %run_scoped3A_9[%rem3A_265] : memref<2x!tpu.dma_semaphore, #tpu.memory_space<semaphore_mem>> -> memref<1x!tpu.dma_semaphore, #tpu.memory_space<semaphore_mem>>
          %dma_wait3A_275 = tpu.memref_squeeze %dma_wait3A_274 : memref<1x!tpu.dma_semaphore, #tpu.memory_space<semaphore_mem>> -> memref<!tpu.dma_semaphore, #tpu.memory_space<semaphore_mem>>
          %dma_wait3A_276 = arith.constant 0 : i32
          %dma_wait3A_277 = tpu.memref_slice %arg4[%mul3A_267, %dma_wait3A_276] : memref<32768x128xf32, #tpu.memory_space<hbm>> -> memref<128x128xf32, #tpu.memory_space<hbm>>
          %dma_wait3A_278 = arith.constant 0 : i32
          %dma_wait3A_279 = arith.constant 0 : i32
          %dma_wait3A_280 = tpu.memref_slice %run_scoped3A_8[%rem3A_265, %dma_wait3A_278, %dma_wait3A_279] : memref<2x128x128xf32, #tpu.memory_space<vmem>> -> memref<1x128x128xf32, #tpu.memory_space<vmem>>
          %dma_wait3A_281 = tpu.memref_squeeze %dma_wait3A_280 : memref<1x128x128xf32, #tpu.memory_space<vmem>> -> memref<128x128xf32, #tpu.memory_space<vmem>>
          tpu.wait_dma2 semaphore(%dma_wait3A_275 : memref<!tpu.dma_semaphore, #tpu.memory_space<semaphore_mem>>) src(%dma_wait3A_281 : memref<128x128xf32, #tpu.memory_space<vmem>>) dst(%dma_wait3A_277 : memref<128x128xf32, #tpu.memory_space<hbm>>)
          "tpu.trace_stop"() : () -> ()
        } else {
        }
        %and3A_244 = arith.constant true
        %and3A_245 = arith.andi %and3A_240, %and3A_244 : i1
        %add3A_246 = arith.constant 1 : i32
        %add3A_247 = arith.addi %scan3A_125, %add3A_246 : i32
        %select_n3A_248 = arith.select %and3A_245, %add3A_247, %scan3A_125 : i32
        %ne3A_249 = arith.cmpi ne, %add3A_131, %add3A_149 : i32
        %or3A_250 = arith.constant false
        %or3A_251 = arith.ori %or3A_250, %ne3A_249 : i1
        %or3A_252 = arith.ori %or3A_251, %eq3A_130 : i1
        %add3A_253 = arith.constant 1 : i32
        %add3A_254 = arith.addi %scan3A_123, %add3A_253 : i32
        %select_n3A_255 = arith.select %or3A_252, %add3A_254, %scan3A_123 : i32
        %add3A_256 = arith.constant 1 : i32
        %add3A_257 = arith.addi %scan3A_126, %add3A_256 : i32
        %select_n3A_258 = arith.constant true
        %select_n3A_259 = arith.select %select_n3A_258, %add3A_257, %scan3A_126 : i32
        %eq3A_260 = arith.constant 8 : i32
        %eq3A_261 = arith.cmpi eq, %select_n3A_259, %eq3A_260 : i32
        %select_n3A_262 = arith.constant 0 : i32
        %select_n3A_263 = arith.select %eq3A_261, %select_n3A_262, %select_n3A_259 : i32
        scf.yield %select_n3A_167, %select_n3A_255, %select_n3A_221, %select_n3A_248, %select_n3A_263 : i32, i32, i32, i32, i32
      }
      %scan3A_68 = arith.constant 8 : i32
      %sub3A = arith.constant 1 : i32
      %sub3A_69 = arith.subi %scan3A_67#4, %sub3A : i32
      %select_n3A_70 = arith.constant true
      %select_n3A_71 = arith.select %select_n3A_70, %sub3A_69, %scan3A_67#4 : i32
      %eq3A_72 = arith.constant -1 : i32
      %eq3A_73 = arith.cmpi eq, %select_n3A_71, %eq3A_72 : i32
      %select_n3A_74 = arith.constant 7 : i32
      %select_n3A_75 = arith.select %eq3A_73, %select_n3A_74, %select_n3A_71 : i32
      %add3A_76 = arith.addi %select_n3A_75, %mul3A_6 : i32
      %sub3A_77 = arith.constant 1 : i32
      %sub3A_78 = arith.subi %select_n3A_75, %sub3A_77 : i32
      %select_n3A_79 = arith.constant true
      %select_n3A_80 = arith.select %select_n3A_79, %sub3A_78, %select_n3A_75 : i32
      %eq3A_81 = arith.constant -1 : i32
      %eq3A_82 = arith.cmpi eq, %select_n3A_80, %eq3A_81 : i32
      %select_n3A_83 = arith.constant 7 : i32
      %select_n3A_84 = arith.select %eq3A_82, %select_n3A_83, %select_n3A_80 : i32
      %add3A_85 = arith.addi %select_n3A_84, %mul3A_6 : i32
      %add3A_86 = arith.constant 1 : i32
      %add3A_87 = arith.addi %select_n3A_75, %add3A_86 : i32
      %select_n3A_88 = arith.constant true
      %select_n3A_89 = arith.select %select_n3A_88, %add3A_87, %select_n3A_75 : i32
      %eq3A_90 = arith.constant 8 : i32
      %eq3A_91 = arith.cmpi eq, %select_n3A_89, %eq3A_90 : i32
      %select_n3A_92 = arith.constant 0 : i32
      %select_n3A_93 = arith.select %eq3A_91, %select_n3A_92, %select_n3A_89 : i32
      %add3A_94 = arith.addi %select_n3A_93, %mul3A_6 : i32
      %add3A_95 = arith.constant 1 : i32
      %add3A_96 = arith.addi %select_n3A_93, %add3A_95 : i32
      %select_n3A_97 = arith.constant true
      %select_n3A_98 = arith.select %select_n3A_97, %add3A_96, %select_n3A_93 : i32
      %eq3A_99 = arith.constant 8 : i32
      %eq3A_100 = arith.cmpi eq, %select_n3A_98, %eq3A_99 : i32
      %select_n3A_101 = arith.constant 0 : i32
      %select_n3A_102 = arith.select %eq3A_100, %select_n3A_101, %select_n3A_98 : i32
      %add3A_103 = arith.addi %select_n3A_102, %mul3A_6 : i32
      "tpu.trace_start"() <{level = 10 : i32, message = "ep_finalize"}> : () -> ()
      %rem3A_104 = arith.constant 2 : i32
      %rem3A_105 = arith.remui %scan3A_67#3, %rem3A_104 : i32
      %mul3A_106 = arith.constant 128 : i32
      %mul3A_107 = arith.muli %mul3A_106, %add3A_76 : i32
      %dma_wait3A = arith.constant 0 : i32
      %dma_wait3A_108 = arith.constant 0 : i32
      %dma_wait3A_109 = tpu.memref_slice %run_scoped3A_8[%rem3A_105, %dma_wait3A, %dma_wait3A_108] : memref<2x128x128xf32, #tpu.memory_space<vmem>> -> memref<1x128x128xf32, #tpu.memory_space<vmem>>
      %dma_wait3A_110 = tpu.memref_squeeze %dma_wait3A_109 : memref<1x128x128xf32, #tpu.memory_space<vmem>> -> memref<128x128xf32, #tpu.memory_space<vmem>>
      %dma_wait3A_111 = arith.constant 0 : i32
      %dma_wait3A_112 = tpu.memref_slice %arg4[%mul3A_107, %dma_wait3A_111] : memref<32768x128xf32, #tpu.memory_space<hbm>> -> memref<128x128xf32, #tpu.memory_space<hbm>>
      %dma_wait3A_113 = tpu.memref_slice %run_scoped3A_9[%rem3A_105] : memref<2x!tpu.dma_semaphore, #tpu.memory_space<semaphore_mem>> -> memref<1x!tpu.dma_semaphore, #tpu.memory_space<semaphore_mem>>
      %dma_wait3A_114 = tpu.memref_squeeze %dma_wait3A_113 : memref<1x!tpu.dma_semaphore, #tpu.memory_space<semaphore_mem>> -> memref<!tpu.dma_semaphore, #tpu.memory_space<semaphore_mem>>
      %dma_wait3A_115 = arith.constant 0 : i32
      %dma_wait3A_116 = tpu.memref_slice %arg4[%mul3A_107, %dma_wait3A_115] : memref<32768x128xf32, #tpu.memory_space<hbm>> -> memref<128x128xf32, #tpu.memory_space<hbm>>
      %dma_wait3A_117 = arith.constant 0 : i32
      %dma_wait3A_118 = arith.constant 0 : i32
      %dma_wait3A_119 = tpu.memref_slice %run_scoped3A_8[%rem3A_105, %dma_wait3A_117, %dma_wait3A_118] : memref<2x128x128xf32, #tpu.memory_space<vmem>> -> memref<1x128x128xf32, #tpu.memory_space<vmem>>
      %dma_wait3A_120 = tpu.memref_squeeze %dma_wait3A_119 : memref<1x128x128xf32, #tpu.memory_space<vmem>> -> memref<128x128xf32, #tpu.memory_space<vmem>>
      tpu.wait_dma2 semaphore(%dma_wait3A_114 : memref<!tpu.dma_semaphore, #tpu.memory_space<semaphore_mem>>) src(%dma_wait3A_120 : memref<128x128xf32, #tpu.memory_space<vmem>>) dst(%dma_wait3A_116 : memref<128x128xf32, #tpu.memory_space<hbm>>)
      "tpu.trace_stop"() : () -> ()
      tpu.yield
    }) : () -> ()
    return
  }
}

#map = affine_map<(d0, d1) -> (0, 0)>
module attributes {stable_mosaic.version = 14 : i64} {
  func.func @_gather_kernel(%arg0: i32, %arg1: i32, %arg2: memref<2048x128xf32, #tpu.memory_space<hbm>>, %arg3: memref<1x32768xi32, #tpu.memory_space<hbm>>, %arg4: memref<32768x128xf32, #tpu.memory_space<hbm>>) attributes {dimension_semantics = [#tpu.dimension_semantics<core_parallel>, #tpu.dimension_semantics<subcore_parallel>], iteration_bounds = array<i64: 2, 16>, scalar_prefetch = 0 : i64, scratch_operands = 0 : i64, tpu.core_type = #tpu.core_type<sc_vector_subcore>, window_params = [{transform_indices = #map}, {transform_indices = #map}, {transform_indices = #map}]} {
    %mul3A = arith.constant 1 : i32
    %mul3A_0 = arith.muli %arg1, %mul3A : i32
    %add3A = arith.constant 0 : i32
    %add3A_1 = arith.addi %add3A, %mul3A_0 : i32
    %mul3A_2 = arith.constant 16 : i32
    %mul3A_3 = arith.muli %arg0, %mul3A_2 : i32
    %add3A_4 = arith.addi %add3A_1, %mul3A_3 : i32
    %mul3A_5 = arith.constant 8 : i32
    %mul3A_6 = arith.muli %add3A_4, %mul3A_5 : i32
    "tpu.region"() ({
      %run_scoped3A = memref.alloca() : memref<2x1x128xi32, #tpu.memory_space<vmem>>
      %run_scoped3A_7 = tpu.sem_alloc : memref<2x!tpu.dma_semaphore, #tpu.memory_space<semaphore_mem>>
      %run_scoped3A_8 = memref.alloca() : memref<2x128x128xf32, #tpu.memory_space<vmem>>
      %run_scoped3A_9 = tpu.sem_alloc : memref<2x!tpu.dma_semaphore, #tpu.memory_space<semaphore_mem>>
      %add3A_10 = arith.constant 0 : i32
      %add3A_11 = arith.addi %add3A_10, %mul3A_6 : i32
      %select_n3A = arith.constant true
      %select_n3A_12 = arith.constant 0 : i32
      %select_n3A_13 = arith.constant -1 : i32
      %select_n3A_14 = arith.select %select_n3A, %select_n3A_13, %select_n3A_12 : i32
      %eq3A = arith.constant -1 : i32
      %eq3A_15 = arith.cmpi eq, %select_n3A_14, %eq3A : i32
      %select_n3A_16 = arith.constant 7 : i32
      %select_n3A_17 = arith.select %eq3A_15, %select_n3A_16, %select_n3A_14 : i32
      %add3A_18 = arith.addi %select_n3A_17, %mul3A_6 : i32
      %select_n3A_19 = arith.constant true
      %select_n3A_20 = arith.constant 0 : i32
      %select_n3A_21 = arith.constant 1 : i32
      %select_n3A_22 = arith.select %select_n3A_19, %select_n3A_21, %select_n3A_20 : i32
      %eq3A_23 = arith.constant 8 : i32
      %eq3A_24 = arith.cmpi eq, %select_n3A_22, %eq3A_23 : i32
      %select_n3A_25 = arith.constant 0 : i32
      %select_n3A_26 = arith.select %eq3A_24, %select_n3A_25, %select_n3A_22 : i32
      %add3A_27 = arith.addi %select_n3A_26, %mul3A_6 : i32
      %add3A_28 = arith.constant 1 : i32
      %add3A_29 = arith.addi %select_n3A_26, %add3A_28 : i32
      %select_n3A_30 = arith.constant true
      %select_n3A_31 = arith.select %select_n3A_30, %add3A_29, %select_n3A_26 : i32
      %eq3A_32 = arith.constant 8 : i32
      %eq3A_33 = arith.cmpi eq, %select_n3A_31, %eq3A_32 : i32
      %select_n3A_34 = arith.constant 0 : i32
      %select_n3A_35 = arith.select %eq3A_33, %select_n3A_34, %select_n3A_31 : i32
      %add3A_36 = arith.addi %select_n3A_35, %mul3A_6 : i32
      "tpu.trace_start"() <{level = 10 : i32, message = "ep_initialize_0"}> : () -> ()
      %rem3A = arith.constant 0 : i32
      %rem3A_37 = arith.constant 2 : i32
      %rem3A_38 = arith.remui %rem3A, %rem3A_37 : i32
      %mul3A_39 = arith.constant 128 : i32
      %mul3A_40 = arith.muli %mul3A_39, %add3A_11 : i32
      %dma_start3A = arith.constant 0 : i32
      %dma_start3A_41 = arith.constant 0 : i32
      %dma_start3A_42 = tpu.memref_slice %run_scoped3A[%rem3A_38, %dma_start3A, %dma_start3A_41] : memref<2x1x128xi32, #tpu.memory_space<vmem>> -> memref<1x1x128xi32, #tpu.memory_space<vmem>>
      %dma_start3A_43 = tpu.memref_squeeze %dma_start3A_42 : memref<1x1x128xi32, #tpu.memory_space<vmem>> -> memref<1x128xi32, #tpu.memory_space<vmem>>
      %dma_start3A_44 = arith.constant 0 : i32
      %dma_start3A_45 = tpu.memref_slice %arg3[%dma_start3A_44, %mul3A_40] : memref<1x32768xi32, #tpu.memory_space<hbm>> -> memref<1x128xi32, #tpu.memory_space<hbm>>
      %dma_start3A_46 = tpu.memref_slice %run_scoped3A_7[%rem3A_38] : memref<2x!tpu.dma_semaphore, #tpu.memory_space<semaphore_mem>> -> memref<1x!tpu.dma_semaphore, #tpu.memory_space<semaphore_mem>>
      %dma_start3A_47 = tpu.memref_squeeze %dma_start3A_46 : memref<1x!tpu.dma_semaphore, #tpu.memory_space<semaphore_mem>> -> memref<!tpu.dma_semaphore, #tpu.memory_space<semaphore_mem>>
      %dma_start3A_48 = arith.constant 0 : i32
      %dma_start3A_49 = arith.constant 0 : i32
      %dma_start3A_50 = tpu.memref_slice %run_scoped3A[%rem3A_38, %dma_start3A_48, %dma_start3A_49] : memref<2x1x128xi32, #tpu.memory_space<vmem>> -> memref<1x1x128xi32, #tpu.memory_space<vmem>>
      %dma_start3A_51 = tpu.memref_squeeze %dma_start3A_50 : memref<1x1x128xi32, #tpu.memory_space<vmem>> -> memref<1x128xi32, #tpu.memory_space<vmem>>
      %dma_start3A_52 = arith.constant 0 : i32
      %dma_start3A_53 = tpu.memref_slice %arg3[%dma_start3A_52, %mul3A_40] : memref<1x32768xi32, #tpu.memory_space<hbm>> -> memref<1x128xi32, #tpu.memory_space<hbm>>
      tpu.enqueue_dma source(%dma_start3A_53 : memref<1x128xi32, #tpu.memory_space<hbm>>) target(%dma_start3A_51 : memref<1x128xi32, #tpu.memory_space<vmem>>) target_semaphore(%dma_start3A_47 : memref<!tpu.dma_semaphore, #tpu.memory_space<semaphore_mem>>)
      %add3A_54 = arith.constant 0 : i32
      %add3A_55 = arith.constant 1 : i32
      %add3A_56 = arith.addi %add3A_54, %add3A_55 : i32
      %select_n3A_57 = arith.constant true
      %select_n3A_58 = arith.constant 0 : i32
      %select_n3A_59 = arith.select %select_n3A_57, %add3A_56, %select_n3A_58 : i32
      "tpu.trace_stop"() : () -> ()
      %scan3A = arith.constant 0 : i32
      %scan3A_60 = arith.constant 0 : i32
      %scan3A_61 = arith.constant 0 : i32
      %scan3A_62 = arith.constant 0 : i32
      %scan3A_63 = arith.constant 0 : i32
      %scan3A_64 = arith.constant 8 : i32
      %scan3A_65 = arith.addi %scan3A_63, %scan3A_64 : i32
      %scan3A_66 = arith.constant 1 : i32
      %scan3A_67:5 = scf.for %scan3A_121 = %scan3A_63 to %scan3A_65 step %scan3A_66 iter_args(%scan3A_122 = %select_n3A_59, %scan3A_123 = %scan3A, %scan3A_124 = %scan3A_60, %scan3A_125 = %scan3A_61, %scan3A_126 = %scan3A_62) -> (i32, i32, i32, i32, i32)  : i32 {
        %eq3A_127 = arith.constant 0 : i32
        %eq3A_128 = arith.cmpi eq, %scan3A_121, %eq3A_127 : i32
        %eq3A_129 = arith.constant 7 : i32
        %eq3A_130 = arith.cmpi eq, %scan3A_121, %eq3A_129 : i32
        %add3A_131 = arith.addi %scan3A_126, %mul3A_6 : i32
        %sub3A_132 = arith.constant 1 : i32
        %sub3A_133 = arith.subi %scan3A_126, %sub3A_132 : i32
        %select_n3A_134 = arith.constant true
        %select_n3A_135 = arith.select %select_n3A_134, %sub3A_133, %scan3A_126 : i32
        %eq3A_136 = arith.constant -1 : i32
        %eq3A_137 = arith.cmpi eq, %select_n3A_135, %eq3A_136 : i32
        %select_n3A_138 = arith.constant 7 : i32
        %select_n3A_139 = arith.select %eq3A_137, %select_n3A_138, %select_n3A_135 : i32
        %add3A_140 = arith.addi %select_n3A_139, %mul3A_6 : i32
        %add3A_141 = arith.constant 1 : i32
        %add3A_142 = arith.addi %scan3A_126, %add3A_141 : i32
        %select_n3A_143 = arith.constant true
        %select_n3A_144 = arith.select %select_n3A_143, %add3A_142, %scan3A_126 : i32
        %eq3A_145 = arith.constant 8 : i32
        %eq3A_146 = arith.cmpi eq, %select_n3A_144, %eq3A_145 : i32
        %select_n3A_147 = arith.constant 0 : i32
        %select_n3A_148 = arith.select %eq3A_146, %select_n3A_147, %select_n3A_144 : i32
        %add3A_149 = arith.addi %select_n3A_148, %mul3A_6 : i32
        %add3A_150 = arith.constant 1 : i32
        %add3A_151 = arith.addi %select_n3A_148, %add3A_150 : i32
        %select_n3A_152 = arith.constant true
        %select_n3A_153 = arith.select %select_n3A_152, %add3A_151, %select_n3A_148 : i32
        %eq3A_154 = arith.constant 8 : i32
        %eq3A_155 = arith.cmpi eq, %select_n3A_153, %eq3A_154 : i32
        %select_n3A_156 = arith.constant 0 : i32
        %select_n3A_157 = arith.select %eq3A_155, %select_n3A_156, %select_n3A_153 : i32
        %add3A_158 = arith.addi %select_n3A_157, %mul3A_6 : i32
        %ne3A = arith.cmpi ne, %add3A_131, %add3A_149 : i32
        %or3A = arith.constant false
        %or3A_159 = arith.ori %or3A, %ne3A : i1
        %ge3A = arith.constant 7 : i32
        %ge3A_160 = arith.cmpi sge, %scan3A_121, %ge3A : i32
        %not3A = arith.constant true
        %not3A_161 = arith.xori %ge3A_160, %not3A : i1
        %and3A = arith.andi %or3A_159, %not3A_161 : i1
        %convert_element_type3A = arith.extui %and3A : i1 to i32
        %cond3A = arith.constant 0 : i32
        %cond3A_162 = arith.cmpi ne, %convert_element_type3A, %cond3A : i32
        scf.if %cond3A_162 {
          "tpu.trace_start"() <{level = 10 : i32, message = "ep_copy_in"}> : () -> ()
          %rem3A_264 = arith.constant 2 : i32
          %rem3A_265 = arith.remui %scan3A_122, %rem3A_264 : i32
          %mul3A_266 = arith.constant 128 : i32
          %mul3A_267 = arith.muli %mul3A_266, %add3A_149 : i32
          %dma_start3A_268 = arith.constant 0 : i32
          %dma_start3A_269 = arith.constant 0 : i32
          %dma_start3A_270 = tpu.memref_slice %run_scoped3A[%rem3A_265, %dma_start3A_268, %dma_start3A_269] : memref<2x1x128xi32, #tpu.memory_space<vmem>> -> memref<1x1x128xi32, #tpu.memory_space<vmem>>
          %dma_start3A_271 = tpu.memref_squeeze %dma_start3A_270 : memref<1x1x128xi32, #tpu.memory_space<vmem>> -> memref<1x128xi32, #tpu.memory_space<vmem>>
          %dma_start3A_272 = arith.constant 0 : i32
          %dma_start3A_273 = tpu.memref_slice %arg3[%dma_start3A_272, %mul3A_267] : memref<1x32768xi32, #tpu.memory_space<hbm>> -> memref<1x128xi32, #tpu.memory_space<hbm>>
          %dma_start3A_274 = tpu.memref_slice %run_scoped3A_7[%rem3A_265] : memref<2x!tpu.dma_semaphore, #tpu.memory_space<semaphore_mem>> -> memref<1x!tpu.dma_semaphore, #tpu.memory_space<semaphore_mem>>
          %dma_start3A_275 = tpu.memref_squeeze %dma_start3A_274 : memref<1x!tpu.dma_semaphore, #tpu.memory_space<semaphore_mem>> -> memref<!tpu.dma_semaphore, #tpu.memory_space<semaphore_mem>>
          %dma_start3A_276 = arith.constant 0 : i32
          %dma_start3A_277 = arith.constant 0 : i32
          %dma_start3A_278 = tpu.memref_slice %run_scoped3A[%rem3A_265, %dma_start3A_276, %dma_start3A_277] : memref<2x1x128xi32, #tpu.memory_space<vmem>> -> memref<1x1x128xi32, #tpu.memory_space<vmem>>
          %dma_start3A_279 = tpu.memref_squeeze %dma_start3A_278 : memref<1x1x128xi32, #tpu.memory_space<vmem>> -> memref<1x128xi32, #tpu.memory_space<vmem>>
          %dma_start3A_280 = arith.constant 0 : i32
          %dma_start3A_281 = tpu.memref_slice %arg3[%dma_start3A_280, %mul3A_267] : memref<1x32768xi32, #tpu.memory_space<hbm>> -> memref<1x128xi32, #tpu.memory_space<hbm>>
          tpu.enqueue_dma source(%dma_start3A_281 : memref<1x128xi32, #tpu.memory_space<hbm>>) target(%dma_start3A_279 : memref<1x128xi32, #tpu.memory_space<vmem>>) target_semaphore(%dma_start3A_275 : memref<!tpu.dma_semaphore, #tpu.memory_space<semaphore_mem>>)
          "tpu.trace_stop"() : () -> ()
        } else {
        }
        %and3A_163 = arith.constant true
        %and3A_164 = arith.andi %and3A, %and3A_163 : i1
        %add3A_165 = arith.constant 1 : i32
        %add3A_166 = arith.addi %scan3A_122, %add3A_165 : i32
        %select_n3A_167 = arith.select %and3A_164, %add3A_166, %scan3A_122 : i32
        %ne3A_168 = arith.cmpi ne, %add3A_131, %add3A_149 : i32
        %or3A_169 = arith.constant false
        %or3A_170 = arith.ori %or3A_169, %ne3A_168 : i1
        %or3A_171 = arith.constant false
        %or3A_172 = arith.ori %or3A_170, %or3A_171 : i1
        %ge3A_173 = arith.constant 7 : i32
        %ge3A_174 = arith.cmpi sge, %scan3A_121, %ge3A_173 : i32
        %not3A_175 = arith.constant true
        %not3A_176 = arith.xori %ge3A_174, %not3A_175 : i1
        %and3A_177 = arith.andi %or3A_172, %not3A_176 : i1
        %ne3A_178 = arith.cmpi ne, %add3A_131, %add3A_140 : i32
        %or3A_179 = arith.constant false
        %or3A_180 = arith.ori %or3A_179, %ne3A_178 : i1
        %or3A_181 = arith.ori %or3A_180, %eq3A_128 : i1
        %convert_element_type3A_182 = arith.extui %or3A_181 : i1 to i32
        %cond3A_183 = arith.constant 0 : i32
        %cond3A_184 = arith.cmpi ne, %convert_element_type3A_182, %cond3A_183 : i32
        scf.if %cond3A_184 {
          "tpu.trace_start"() <{level = 10 : i32, message = "ep_wait_in"}> : () -> ()
          %mul3A_264 = arith.constant 128 : i32
          %mul3A_265 = arith.muli %mul3A_264, %add3A_131 : i32
          %rem3A_266 = arith.constant 2 : i32
          %rem3A_267 = arith.remui %scan3A_123, %rem3A_266 : i32
          %dma_wait3A_268 = arith.constant 0 : i32
          %dma_wait3A_269 = arith.constant 0 : i32
          %dma_wait3A_270 = tpu.memref_slice %run_scoped3A[%rem3A_267, %dma_wait3A_268, %dma_wait3A_269] : memref<2x1x128xi32, #tpu.memory_space<vmem>> -> memref<1x1x128xi32, #tpu.memory_space<vmem>>
          %dma_wait3A_271 = tpu.memref_squeeze %dma_wait3A_270 : memref<1x1x128xi32, #tpu.memory_space<vmem>> -> memref<1x128xi32, #tpu.memory_space<vmem>>
          %dma_wait3A_272 = arith.constant 0 : i32
          %dma_wait3A_273 = tpu.memref_slice %arg3[%dma_wait3A_272, %mul3A_265] : memref<1x32768xi32, #tpu.memory_space<hbm>> -> memref<1x128xi32, #tpu.memory_space<hbm>>
          %dma_wait3A_274 = tpu.memref_slice %run_scoped3A_7[%rem3A_267] : memref<2x!tpu.dma_semaphore, #tpu.memory_space<semaphore_mem>> -> memref<1x!tpu.dma_semaphore, #tpu.memory_space<semaphore_mem>>
          %dma_wait3A_275 = tpu.memref_squeeze %dma_wait3A_274 : memref<1x!tpu.dma_semaphore, #tpu.memory_space<semaphore_mem>> -> memref<!tpu.dma_semaphore, #tpu.memory_space<semaphore_mem>>
          %dma_wait3A_276 = arith.constant 0 : i32
          %dma_wait3A_277 = arith.constant 0 : i32
          %dma_wait3A_278 = tpu.memref_slice %run_scoped3A[%rem3A_267, %dma_wait3A_276, %dma_wait3A_277] : memref<2x1x128xi32, #tpu.memory_space<vmem>> -> memref<1x1x128xi32, #tpu.memory_space<vmem>>
          %dma_wait3A_279 = tpu.memref_squeeze %dma_wait3A_278 : memref<1x1x128xi32, #tpu.memory_space<vmem>> -> memref<1x128xi32, #tpu.memory_space<vmem>>
          %dma_wait3A_280 = arith.constant 0 : i32
          %dma_wait3A_281 = tpu.memref_slice %arg3[%dma_wait3A_280, %mul3A_265] : memref<1x32768xi32, #tpu.memory_space<hbm>> -> memref<1x128xi32, #tpu.memory_space<hbm>>
          tpu.wait_dma2 semaphore(%dma_wait3A_275 : memref<!tpu.dma_semaphore, #tpu.memory_space<semaphore_mem>>) src(%dma_wait3A_281 : memref<1x128xi32, #tpu.memory_space<hbm>>) dst(%dma_wait3A_279 : memref<1x128xi32, #tpu.memory_space<vmem>>)
          "tpu.trace_stop"() : () -> ()
        } else {
        }
        %ne3A_185 = arith.cmpi ne, %add3A_131, %add3A_140 : i32
        %or3A_186 = arith.constant false
        %or3A_187 = arith.ori %or3A_186, %ne3A_185 : i1
        %or3A_188 = arith.constant false
        %or3A_189 = arith.ori %or3A_187, %or3A_188 : i1
        %or3A_190 = arith.ori %or3A_189, %eq3A_128 : i1
        %convert_element_type3A_191 = arith.extui %or3A_190 : i1 to i32
        %cond3A_192 = arith.constant 0 : i32
        %cond3A_193 = arith.cmpi ne, %convert_element_type3A_191, %cond3A_192 : i32
        scf.if %cond3A_193 {
        } else {
        }
        %rem3A_194 = arith.constant 2 : i32
        %rem3A_195 = arith.remui %scan3A_123, %rem3A_194 : i32
        %rem3A_196 = arith.constant 2 : i32
        %rem3A_197 = arith.remui %scan3A_124, %rem3A_196 : i32
        %run_scoped3A_198 = arith.constant 0 : i32
        "tpu.trace_start"() <{level = 10 : i32, message = "ep_run_kernel"}> : () -> ()
        "tpu.region"() ({
          %run_scoped3A_264 = tpu.sem_alloc : memref<!tpu.dma_semaphore, #tpu.memory_space<semaphore_mem>>
          %dma_start3A_265 = arith.constant 0 : i32
          %dma_start3A_266 = arith.constant 0 : i32
          %dma_start3A_267 = tpu.memref_slice %run_scoped3A_8[%rem3A_197, %dma_start3A_265, %dma_start3A_266] : memref<2x128x128xf32, #tpu.memory_space<vmem>> -> memref<1x128x128xf32, #tpu.memory_space<vmem>>
          %dma_start3A_268 = tpu.memref_squeeze %dma_start3A_267 : memref<1x128x128xf32, #tpu.memory_space<vmem>> -> memref<128x128xf32, #tpu.memory_space<vmem>>
          %dma_start3A_269 = arith.constant 0 : i32
          %dma_start3A_270 = arith.constant 0 : i32
          %dma_start3A_271 = tpu.memref_slice %run_scoped3A[%rem3A_195, %dma_start3A_269, %dma_start3A_270] : memref<2x1x128xi32, #tpu.memory_space<vmem>> -> memref<1x1x128xi32, #tpu.memory_space<vmem>>
          %dma_start3A_272 = tpu.memref_squeeze %dma_start3A_271 : memref<1x1x128xi32, #tpu.memory_space<vmem>> -> memref<1x128xi32, #tpu.memory_space<vmem>>
          %dma_start3A_273 = arith.constant 0 : i32
          %dma_start3A_274 = tpu.memref_slice %dma_start3A_272[%run_scoped3A_198, %dma_start3A_273] : memref<1x128xi32, #tpu.memory_space<vmem>> -> memref<1x128xi32, #tpu.memory_space<vmem>>
          %dma_start3A_275 = tpu.memref_squeeze %dma_start3A_274 : memref<1x128xi32, #tpu.memory_space<vmem>> -> memref<128xi32, #tpu.memory_space<vmem>>
          %dma_start3A_276 = arith.constant 0 : i32
          %dma_start3A_277 = arith.constant 0 : i32
          %dma_start3A_278 = tpu.memref_slice %arg2[%dma_start3A_276, %dma_start3A_277] : memref<2048x128xf32, #tpu.memory_space<hbm>> -> memref<2048x128xf32, #tpu.memory_space<hbm>>
          tpu.enqueue_indirect_dma source(%dma_start3A_278 : memref<2048x128xf32, #tpu.memory_space<hbm>>) target(%dma_start3A_268 : memref<128x128xf32, #tpu.memory_space<vmem>>) offsets(%dma_start3A_275 : memref<128xi32, #tpu.memory_space<vmem>>) semaphore(%run_scoped3A_264 : memref<!tpu.dma_semaphore, #tpu.memory_space<semaphore_mem>>)
          %dma_wait3A_279 = arith.constant 0 : i32
          %dma_wait3A_280 = arith.constant 0 : i32
          %dma_wait3A_281 = tpu.memref_slice %run_scoped3A_8[%rem3A_197, %dma_wait3A_279, %dma_wait3A_280] : memref<2x128x128xf32, #tpu.memory_space<vmem>> -> memref<1x128x128xf32, #tpu.memory_space<vmem>>
          %dma_wait3A_282 = tpu.memref_squeeze %dma_wait3A_281 : memref<1x128x128xf32, #tpu.memory_space<vmem>> -> memref<128x128xf32, #tpu.memory_space<vmem>>
          %dma_wait3A_283 = arith.constant 0 : i32
          %dma_wait3A_284 = arith.constant 0 : i32
          %dma_wait3A_285 = tpu.memref_slice %run_scoped3A[%rem3A_195, %dma_wait3A_283, %dma_wait3A_284] : memref<2x1x128xi32, #tpu.memory_space<vmem>> -> memref<1x1x128xi32, #tpu.memory_space<vmem>>
          %dma_wait3A_286 = tpu.memref_squeeze %dma_wait3A_285 : memref<1x1x128xi32, #tpu.memory_space<vmem>> -> memref<1x128xi32, #tpu.memory_space<vmem>>
          %dma_wait3A_287 = arith.constant 0 : i32
          %dma_wait3A_288 = tpu.memref_slice %dma_wait3A_286[%run_scoped3A_198, %dma_wait3A_287] : memref<1x128xi32, #tpu.memory_space<vmem>> -> memref<1x128xi32, #tpu.memory_space<vmem>>
          %dma_wait3A_289 = tpu.memref_squeeze %dma_wait3A_288 : memref<1x128xi32, #tpu.memory_space<vmem>> -> memref<128xi32, #tpu.memory_space<vmem>>
          %dma_wait3A_290 = arith.constant 0 : i32
          %dma_wait3A_291 = arith.constant 0 : i32
          %dma_wait3A_292 = tpu.memref_slice %arg2[%dma_wait3A_290, %dma_wait3A_291] : memref<2048x128xf32, #tpu.memory_space<hbm>> -> memref<2048x128xf32, #tpu.memory_space<hbm>>
          tpu.wait_indirect_dma semaphore(%run_scoped3A_264 : memref<!tpu.dma_semaphore, #tpu.memory_space<semaphore_mem>>) src(%dma_wait3A_292 : memref<2048x128xf32, #tpu.memory_space<hbm>>) dst(%dma_wait3A_282 : memref<128x128xf32, #tpu.memory_space<vmem>>)
          tpu.yield
        }) : () -> ()
        "tpu.trace_stop"() : () -> ()
        %ne3A_199 = arith.cmpi ne, %add3A_131, %add3A_149 : i32
        %or3A_200 = arith.constant false
        %or3A_201 = arith.ori %or3A_200, %ne3A_199 : i1
        %or3A_202 = arith.ori %or3A_201, %eq3A_130 : i1
        %convert_element_type3A_203 = arith.extui %or3A_202 : i1 to i32
        %cond3A_204 = arith.constant 0 : i32
        %cond3A_205 = arith.cmpi ne, %convert_element_type3A_203, %cond3A_204 : i32
        scf.if %cond3A_205 {
        } else {
        }
        %and3A_206 = arith.constant false
        %and3A_207 = arith.andi %or3A_202, %and3A_206 : i1
        %ne3A_208 = arith.cmpi ne, %add3A_131, %add3A_149 : i32
        %or3A_209 = arith.constant false
        %or3A_210 = arith.ori %or3A_209, %ne3A_208 : i1
        %or3A_211 = arith.constant false
        %or3A_212 = arith.ori %or3A_210, %or3A_211 : i1
        %or3A_213 = arith.ori %or3A_212, %eq3A_130 : i1
        %convert_element_type3A_214 = arith.extui %or3A_213 : i1 to i32
        %cond3A_215 = arith.constant 0 : i32
        %cond3A_216 = arith.cmpi ne, %convert_element_type3A_214, %cond3A_215 : i32
        scf.if %cond3A_216 {
          "tpu.trace_start"() <{level = 10 : i32, message = "ep_copy_out"}> : () -> ()
          %rem3A_264 = arith.constant 2 : i32
          %rem3A_265 = arith.remui %scan3A_124, %rem3A_264 : i32
          %mul3A_266 = arith.constant 128 : i32
          %mul3A_267 = arith.muli %mul3A_266, %add3A_131 : i32
          %dma_start3A_268 = arith.constant 0 : i32
          %dma_start3A_269 = arith.constant 0 : i32
          %dma_start3A_270 = tpu.memref_slice %run_scoped3A_8[%rem3A_265, %dma_start3A_268, %dma_start3A_269] : memref<2x128x128xf32, #tpu.memory_space<vmem>> -> memref<1x128x128xf32, #tpu.memory_space<vmem>>
          %dma_start3A_271 = tpu.memref_squeeze %dma_start3A_270 : memref<1x128x128xf32, #tpu.memory_space<vmem>> -> memref<128x128xf32, #tpu.memory_space<vmem>>
          %dma_start3A_272 = arith.constant 0 : i32
          %dma_start3A_273 = tpu.memref_slice %arg4[%mul3A_267, %dma_start3A_272] : memref<32768x128xf32, #tpu.memory_space<hbm>> -> memref<128x128xf32, #tpu.memory_space<hbm>>
          %dma_start3A_274 = tpu.memref_slice %run_scoped3A_9[%rem3A_265] : memref<2x!tpu.dma_semaphore, #tpu.memory_space<semaphore_mem>> -> memref<1x!tpu.dma_semaphore, #tpu.memory_space<semaphore_mem>>
          %dma_start3A_275 = tpu.memref_squeeze %dma_start3A_274 : memref<1x!tpu.dma_semaphore, #tpu.memory_space<semaphore_mem>> -> memref<!tpu.dma_semaphore, #tpu.memory_space<semaphore_mem>>
          %dma_start3A_276 = arith.constant 0 : i32
          %dma_start3A_277 = tpu.memref_slice %arg4[%mul3A_267, %dma_start3A_276] : memref<32768x128xf32, #tpu.memory_space<hbm>> -> memref<128x128xf32, #tpu.memory_space<hbm>>
          %dma_start3A_278 = arith.constant 0 : i32
          %dma_start3A_279 = arith.constant 0 : i32
          %dma_start3A_280 = tpu.memref_slice %run_scoped3A_8[%rem3A_265, %dma_start3A_278, %dma_start3A_279] : memref<2x128x128xf32, #tpu.memory_space<vmem>> -> memref<1x128x128xf32, #tpu.memory_space<vmem>>
          %dma_start3A_281 = tpu.memref_squeeze %dma_start3A_280 : memref<1x128x128xf32, #tpu.memory_space<vmem>> -> memref<128x128xf32, #tpu.memory_space<vmem>>
          tpu.enqueue_dma source(%dma_start3A_281 : memref<128x128xf32, #tpu.memory_space<vmem>>) target(%dma_start3A_277 : memref<128x128xf32, #tpu.memory_space<hbm>>) target_semaphore(%dma_start3A_275 : memref<!tpu.dma_semaphore, #tpu.memory_space<semaphore_mem>>)
          "tpu.trace_stop"() : () -> ()
        } else {
        }
        %and3A_217 = arith.constant true
        %and3A_218 = arith.andi %or3A_213, %and3A_217 : i1
        %add3A_219 = arith.constant 1 : i32
        %add3A_220 = arith.addi %scan3A_124, %add3A_219 : i32
        %select_n3A_221 = arith.select %and3A_218, %add3A_220, %scan3A_124 : i32
        %ne3A_222 = arith.cmpi ne, %add3A_131, %add3A_140 : i32
        %or3A_223 = arith.constant false
        %or3A_224 = arith.ori %or3A_223, %ne3A_222 : i1
        %not3A_225 = arith.constant true
        %not3A_226 = arith.xori %eq3A_128, %not3A_225 : i1
        %and3A_227 = arith.andi %or3A_224, %not3A_226 : i1
        %convert_element_type3A_228 = arith.extui %and3A_227 : i1 to i32
        %cond3A_229 = arith.constant 0 : i32
        %cond3A_230 = arith.cmpi ne, %convert_element_type3A_228, %cond3A_229 : i32
        scf.if %cond3A_230 {
        } else {
        }
        %and3A_231 = arith.constant false
        %and3A_232 = arith.andi %and3A_227, %and3A_231 : i1
        %ne3A_233 = arith.cmpi ne, %add3A_131, %add3A_140 : i32
        %or3A_234 = arith.constant false
        %or3A_235 = arith.ori %or3A_234, %ne3A_233 : i1
        %or3A_236 = arith.constant false
        %or3A_237 = arith.ori %or3A_235, %or3A_236 : i1
        %not3A_238 = arith.constant true
        %not3A_239 = arith.xori %eq3A_128, %not3A_238 : i1
        %and3A_240 = arith.andi %or3A_237, %not3A_239 : i1
        %convert_element_type3A_241 = arith.extui %and3A_240 : i1 to i32
        %cond3A_242 = arith.constant 0 : i32
        %cond3A_243 = arith.cmpi ne, %convert_element_type3A_241, %cond3A_242 : i32
        scf.if %cond3A_243 {
          "tpu.trace_start"() <{level = 10 : i32, message = "ep_wait_out"}> : () -> ()
          %rem3A_264 = arith.constant 2 : i32
          %rem3A_265 = arith.remui %scan3A_125, %rem3A_264 : i32
          %mul3A_266 = arith.constant 128 : i32
          %mul3A_267 = arith.muli %mul3A_266, %add3A_140 : i32
          %dma_wait3A_268 = arith.constant 0 : i32
          %dma_wait3A_269 = arith.constant 0 : i32
          %dma_wait3A_270 = tpu.memref_slice %run_scoped3A_8[%rem3A_265, %dma_wait3A_268, %dma_wait3A_269] : memref<2x128x128xf32, #tpu.memory_space<vmem>> -> memref<1x128x128xf32, #tpu.memory_space<vmem>>
          %dma_wait3A_271 = tpu.memref_squeeze %dma_wait3A_270 : memref<1x128x128xf32, #tpu.memory_space<vmem>> -> memref<128x128xf32, #tpu.memory_space<vmem>>
          %dma_wait3A_272 = arith.constant 0 : i32
          %dma_wait3A_273 = tpu.memref_slice %arg4[%mul3A_267, %dma_wait3A_272] : memref<32768x128xf32, #tpu.memory_space<hbm>> -> memref<128x128xf32, #tpu.memory_space<hbm>>
          %dma_wait3A_274 = tpu.memref_slice %run_scoped3A_9[%rem3A_265] : memref<2x!tpu.dma_semaphore, #tpu.memory_space<semaphore_mem>> -> memref<1x!tpu.dma_semaphore, #tpu.memory_space<semaphore_mem>>
          %dma_wait3A_275 = tpu.memref_squeeze %dma_wait3A_274 : memref<1x!tpu.dma_semaphore, #tpu.memory_space<semaphore_mem>> -> memref<!tpu.dma_semaphore, #tpu.memory_space<semaphore_mem>>
          %dma_wait3A_276 = arith.constant 0 : i32
          %dma_wait3A_277 = tpu.memref_slice %arg4[%mul3A_267, %dma_wait3A_276] : memref<32768x128xf32, #tpu.memory_space<hbm>> -> memref<128x128xf32, #tpu.memory_space<hbm>>
          %dma_wait3A_278 = arith.constant 0 : i32
          %dma_wait3A_279 = arith.constant 0 : i32
          %dma_wait3A_280 = tpu.memref_slice %run_scoped3A_8[%rem3A_265, %dma_wait3A_278, %dma_wait3A_279] : memref<2x128x128xf32, #tpu.memory_space<vmem>> -> memref<1x128x128xf32, #tpu.memory_space<vmem>>
          %dma_wait3A_281 = tpu.memref_squeeze %dma_wait3A_280 : memref<1x128x128xf32, #tpu.memory_space<vmem>> -> memref<128x128xf32, #tpu.memory_space<vmem>>
          tpu.wait_dma2 semaphore(%dma_wait3A_275 : memref<!tpu.dma_semaphore, #tpu.memory_space<semaphore_mem>>) src(%dma_wait3A_281 : memref<128x128xf32, #tpu.memory_space<vmem>>) dst(%dma_wait3A_277 : memref<128x128xf32, #tpu.memory_space<hbm>>)
          "tpu.trace_stop"() : () -> ()
        } else {
        }
        %and3A_244 = arith.constant true
        %and3A_245 = arith.andi %and3A_240, %and3A_244 : i1
        %add3A_246 = arith.constant 1 : i32
        %add3A_247 = arith.addi %scan3A_125, %add3A_246 : i32
        %select_n3A_248 = arith.select %and3A_245, %add3A_247, %scan3A_125 : i32
        %ne3A_249 = arith.cmpi ne, %add3A_131, %add3A_149 : i32
        %or3A_250 = arith.constant false
        %or3A_251 = arith.ori %or3A_250, %ne3A_249 : i1
        %or3A_252 = arith.ori %or3A_251, %eq3A_130 : i1
        %add3A_253 = arith.constant 1 : i32
        %add3A_254 = arith.addi %scan3A_123, %add3A_253 : i32
        %select_n3A_255 = arith.select %or3A_252, %add3A_254, %scan3A_123 : i32
        %add3A_256 = arith.constant 1 : i32
        %add3A_257 = arith.addi %scan3A_126, %add3A_256 : i32
        %select_n3A_258 = arith.constant true
        %select_n3A_259 = arith.select %select_n3A_258, %add3A_257, %scan3A_126 : i32
        %eq3A_260 = arith.constant 8 : i32
        %eq3A_261 = arith.cmpi eq, %select_n3A_259, %eq3A_260 : i32
        %select_n3A_262 = arith.constant 0 : i32
        %select_n3A_263 = arith.select %eq3A_261, %select_n3A_262, %select_n3A_259 : i32
        scf.yield %select_n3A_167, %select_n3A_255, %select_n3A_221, %select_n3A_248, %select_n3A_263 : i32, i32, i32, i32, i32
      }
      %scan3A_68 = arith.constant 8 : i32
      %sub3A = arith.constant 1 : i32
      %sub3A_69 = arith.subi %scan3A_67#4, %sub3A : i32
      %select_n3A_70 = arith.constant true
      %select_n3A_71 = arith.select %select_n3A_70, %sub3A_69, %scan3A_67#4 : i32
      %eq3A_72 = arith.constant -1 : i32
      %eq3A_73 = arith.cmpi eq, %select_n3A_71, %eq3A_72 : i32
      %select_n3A_74 = arith.constant 7 : i32
      %select_n3A_75 = arith.select %eq3A_73, %select_n3A_74, %select_n3A_71 : i32
      %add3A_76 = arith.addi %select_n3A_75, %mul3A_6 : i32
      %sub3A_77 = arith.constant 1 : i32
      %sub3A_78 = arith.subi %select_n3A_75, %sub3A_77 : i32
      %select_n3A_79 = arith.constant true
      %select_n3A_80 = arith.select %select_n3A_79, %sub3A_78, %select_n3A_75 : i32
      %eq3A_81 = arith.constant -1 : i32
      %eq3A_82 = arith.cmpi eq, %select_n3A_80, %eq3A_81 : i32
      %select_n3A_83 = arith.constant 7 : i32
      %select_n3A_84 = arith.select %eq3A_82, %select_n3A_83, %select_n3A_80 : i32
      %add3A_85 = arith.addi %select_n3A_84, %mul3A_6 : i32
      %add3A_86 = arith.constant 1 : i32
      %add3A_87 = arith.addi %select_n3A_75, %add3A_86 : i32
      %select_n3A_88 = arith.constant true
      %select_n3A_89 = arith.select %select_n3A_88, %add3A_87, %select_n3A_75 : i32
      %eq3A_90 = arith.constant 8 : i32
      %eq3A_91 = arith.cmpi eq, %select_n3A_89, %eq3A_90 : i32
      %select_n3A_92 = arith.constant 0 : i32
      %select_n3A_93 = arith.select %eq3A_91, %select_n3A_92, %select_n3A_89 : i32
      %add3A_94 = arith.addi %select_n3A_93, %mul3A_6 : i32
      %add3A_95 = arith.constant 1 : i32
      %add3A_96 = arith.addi %select_n3A_93, %add3A_95 : i32
      %select_n3A_97 = arith.constant true
      %select_n3A_98 = arith.select %select_n3A_97, %add3A_96, %select_n3A_93 : i32
      %eq3A_99 = arith.constant 8 : i32
      %eq3A_100 = arith.cmpi eq, %select_n3A_98, %eq3A_99 : i32
      %select_n3A_101 = arith.constant 0 : i32
      %select_n3A_102 = arith.select %eq3A_100, %select_n3A_101, %select_n3A_98 : i32
      %add3A_103 = arith.addi %select_n3A_102, %mul3A_6 : i32
      "tpu.trace_start"() <{level = 10 : i32, message = "ep_finalize"}> : () -> ()
      %rem3A_104 = arith.constant 2 : i32
      %rem3A_105 = arith.remui %scan3A_67#3, %rem3A_104 : i32
      %mul3A_106 = arith.constant 128 : i32
      %mul3A_107 = arith.muli %mul3A_106, %add3A_76 : i32
      %dma_wait3A = arith.constant 0 : i32
      %dma_wait3A_108 = arith.constant 0 : i32
      %dma_wait3A_109 = tpu.memref_slice %run_scoped3A_8[%rem3A_105, %dma_wait3A, %dma_wait3A_108] : memref<2x128x128xf32, #tpu.memory_space<vmem>> -> memref<1x128x128xf32, #tpu.memory_space<vmem>>
      %dma_wait3A_110 = tpu.memref_squeeze %dma_wait3A_109 : memref<1x128x128xf32, #tpu.memory_space<vmem>> -> memref<128x128xf32, #tpu.memory_space<vmem>>
      %dma_wait3A_111 = arith.constant 0 : i32
      %dma_wait3A_112 = tpu.memref_slice %arg4[%mul3A_107, %dma_wait3A_111] : memref<32768x128xf32, #tpu.memory_space<hbm>> -> memref<128x128xf32, #tpu.memory_space<hbm>>
      %dma_wait3A_113 = tpu.memref_slice %run_scoped3A_9[%rem3A_105] : memref<2x!tpu.dma_semaphore, #tpu.memory_space<semaphore_mem>> -> memref<1x!tpu.dma_semaphore, #tpu.memory_space<semaphore_mem>>
      %dma_wait3A_114 = tpu.memref_squeeze %dma_wait3A_113 : memref<1x!tpu.dma_semaphore, #tpu.memory_space<semaphore_mem>> -> memref<!tpu.dma_semaphore, #tpu.memory_space<semaphore_mem>>
      %dma_wait3A_115 = arith.constant 0 : i32
      %dma_wait3A_116 = tpu.memref_slice %arg4[%mul3A_107, %dma_wait3A_115] : memref<32768x128xf32, #tpu.memory_space<hbm>> -> memref<128x128xf32, #tpu.memory_space<hbm>>
      %dma_wait3A_117 = arith.constant 0 : i32
      %dma_wait3A_118 = arith.constant 0 : i32
      %dma_wait3A_119 = tpu.memref_slice %run_scoped3A_8[%rem3A_105, %dma_wait3A_117, %dma_wait3A_118] : memref<2x128x128xf32, #tpu.memory_space<vmem>> -> memref<1x128x128xf32, #tpu.memory_space<vmem>>
      %dma_wait3A_120 = tpu.memref_squeeze %dma_wait3A_119 : memref<1x128x128xf32, #tpu.memory_space<vmem>> -> memref<128x128xf32, #tpu.memory_space<vmem>>
      tpu.wait_dma2 semaphore(%dma_wait3A_114 : memref<!tpu.dma_semaphore, #tpu.memory_space<semaphore_mem>>) src(%dma_wait3A_120 : memref<128x128xf32, #tpu.memory_space<vmem>>) dst(%dma_wait3A_116 : memref<128x128xf32, #tpu.memory_space<hbm>>)
      "tpu.trace_stop"() : () -> ()
      tpu.yield
    }) : () -> ()
    return
  }
}

#map = affine_map<(d0, d1) -> (0, 0)>
module attributes {stable_mosaic.version = 14 : i64} {
  func.func @_gather_kernel(%arg0: i32, %arg1: i32, %arg2: memref<2048x128xf32, #tpu.memory_space<hbm>>, %arg3: memref<1x32768xi32, #tpu.memory_space<hbm>>, %arg4: memref<32768x128xf32, #tpu.memory_space<hbm>>) attributes {dimension_semantics = [#tpu.dimension_semantics<core_parallel>, #tpu.dimension_semantics<subcore_parallel>], iteration_bounds = array<i64: 2, 16>, scalar_prefetch = 0 : i64, scratch_operands = 0 : i64, tpu.core_type = #tpu.core_type<sc_vector_subcore>, window_params = [{transform_indices = #map}, {transform_indices = #map}, {transform_indices = #map}]} {
    %mul3A = arith.constant 1 : i32
    %mul3A_0 = arith.muli %arg1, %mul3A : i32
    %add3A = arith.constant 0 : i32
    %add3A_1 = arith.addi %add3A, %mul3A_0 : i32
    %mul3A_2 = arith.constant 16 : i32
    %mul3A_3 = arith.muli %arg0, %mul3A_2 : i32
    %add3A_4 = arith.addi %add3A_1, %mul3A_3 : i32
    %mul3A_5 = arith.constant 8 : i32
    %mul3A_6 = arith.muli %add3A_4, %mul3A_5 : i32
    "tpu.region"() ({
      %run_scoped3A = memref.alloca() : memref<2x1x128xi32, #tpu.memory_space<vmem>>
      %run_scoped3A_7 = tpu.sem_alloc : memref<2x!tpu.dma_semaphore, #tpu.memory_space<semaphore_mem>>
      %run_scoped3A_8 = memref.alloca() : memref<2x128x128xf32, #tpu.memory_space<vmem>>
      %run_scoped3A_9 = tpu.sem_alloc : memref<2x!tpu.dma_semaphore, #tpu.memory_space<semaphore_mem>>
      %add3A_10 = arith.constant 0 : i32
      %add3A_11 = arith.addi %add3A_10, %mul3A_6 : i32
      %select_n3A = arith.constant true
      %select_n3A_12 = arith.constant 0 : i32
      %select_n3A_13 = arith.constant -1 : i32
      %select_n3A_14 = arith.select %select_n3A, %select_n3A_13, %select_n3A_12 : i32
      %eq3A = arith.constant -1 : i32
      %eq3A_15 = arith.cmpi eq, %select_n3A_14, %eq3A : i32
      %select_n3A_16 = arith.constant 7 : i32
      %select_n3A_17 = arith.select %eq3A_15, %select_n3A_16, %select_n3A_14 : i32
      %add3A_18 = arith.addi %select_n3A_17, %mul3A_6 : i32
      %select_n3A_19 = arith.constant true
      %select_n3A_20 = arith.constant 0 : i32
      %select_n3A_21 = arith.constant 1 : i32
      %select_n3A_22 = arith.select %select_n3A_19, %select_n3A_21, %select_n3A_20 : i32
      %eq3A_23 = arith.constant 8 : i32
      %eq3A_24 = arith.cmpi eq, %select_n3A_22, %eq3A_23 : i32
      %select_n3A_25 = arith.constant 0 : i32
      %select_n3A_26 = arith.select %eq3A_24, %select_n3A_25, %select_n3A_22 : i32
      %add3A_27 = arith.addi %select_n3A_26, %mul3A_6 : i32
      %add3A_28 = arith.constant 1 : i32
      %add3A_29 = arith.addi %select_n3A_26, %add3A_28 : i32
      %select_n3A_30 = arith.constant true
      %select_n3A_31 = arith.select %select_n3A_30, %add3A_29, %select_n3A_26 : i32
      %eq3A_32 = arith.constant 8 : i32
      %eq3A_33 = arith.cmpi eq, %select_n3A_31, %eq3A_32 : i32
      %select_n3A_34 = arith.constant 0 : i32
      %select_n3A_35 = arith.select %eq3A_33, %select_n3A_34, %select_n3A_31 : i32
      %add3A_36 = arith.addi %select_n3A_35, %mul3A_6 : i32
      "tpu.trace_start"() <{level = 10 : i32, message = "ep_initialize_0"}> : () -> ()
      %rem3A = arith.constant 0 : i32
      %rem3A_37 = arith.constant 2 : i32
      %rem3A_38 = arith.remui %rem3A, %rem3A_37 : i32
      %mul3A_39 = arith.constant 128 : i32
      %mul3A_40 = arith.muli %mul3A_39, %add3A_11 : i32
      %dma_start3A = arith.constant 0 : i32
      %dma_start3A_41 = arith.constant 0 : i32
      %dma_start3A_42 = tpu.memref_slice %run_scoped3A[%rem3A_38, %dma_start3A, %dma_start3A_41] : memref<2x1x128xi32, #tpu.memory_space<vmem>> -> memref<1x1x128xi32, #tpu.memory_space<vmem>>
      %dma_start3A_43 = tpu.memref_squeeze %dma_start3A_42 : memref<1x1x128xi32, #tpu.memory_space<vmem>> -> memref<1x128xi32, #tpu.memory_space<vmem>>
      %dma_start3A_44 = arith.constant 0 : i32
      %dma_start3A_45 = tpu.memref_slice %arg3[%dma_start3A_44, %mul3A_40] : memref<1x32768xi32, #tpu.memory_space<hbm>> -> memref<1x128xi32, #tpu.memory_space<hbm>>
      %dma_start3A_46 = tpu.memref_slice %run_scoped3A_7[%rem3A_38] : memref<2x!tpu.dma_semaphore, #tpu.memory_space<semaphore_mem>> -> memref<1x!tpu.dma_semaphore, #tpu.memory_space<semaphore_mem>>
      %dma_start3A_47 = tpu.memref_squeeze %dma_start3A_46 : memref<1x!tpu.dma_semaphore, #tpu.memory_space<semaphore_mem>> -> memref<!tpu.dma_semaphore, #tpu.memory_space<semaphore_mem>>
      %dma_start3A_48 = arith.constant 0 : i32
      %dma_start3A_49 = arith.constant 0 : i32
      %dma_start3A_50 = tpu.memref_slice %run_scoped3A[%rem3A_38, %dma_start3A_48, %dma_start3A_49] : memref<2x1x128xi32, #tpu.memory_space<vmem>> -> memref<1x1x128xi32, #tpu.memory_space<vmem>>
      %dma_start3A_51 = tpu.memref_squeeze %dma_start3A_50 : memref<1x1x128xi32, #tpu.memory_space<vmem>> -> memref<1x128xi32, #tpu.memory_space<vmem>>
      %dma_start3A_52 = arith.constant 0 : i32
      %dma_start3A_53 = tpu.memref_slice %arg3[%dma_start3A_52, %mul3A_40] : memref<1x32768xi32, #tpu.memory_space<hbm>> -> memref<1x128xi32, #tpu.memory_space<hbm>>
      tpu.enqueue_dma source(%dma_start3A_53 : memref<1x128xi32, #tpu.memory_space<hbm>>) target(%dma_start3A_51 : memref<1x128xi32, #tpu.memory_space<vmem>>) target_semaphore(%dma_start3A_47 : memref<!tpu.dma_semaphore, #tpu.memory_space<semaphore_mem>>)
      %add3A_54 = arith.constant 0 : i32
      %add3A_55 = arith.constant 1 : i32
      %add3A_56 = arith.addi %add3A_54, %add3A_55 : i32
      %select_n3A_57 = arith.constant true
      %select_n3A_58 = arith.constant 0 : i32
      %select_n3A_59 = arith.select %select_n3A_57, %add3A_56, %select_n3A_58 : i32
      "tpu.trace_stop"() : () -> ()
      %scan3A = arith.constant 0 : i32
      %scan3A_60 = arith.constant 0 : i32
      %scan3A_61 = arith.constant 0 : i32
      %scan3A_62 = arith.constant 0 : i32
      %scan3A_63 = arith.constant 0 : i32
      %scan3A_64 = arith.constant 8 : i32
      %scan3A_65 = arith.addi %scan3A_63, %scan3A_64 : i32
      %scan3A_66 = arith.constant 1 : i32
      %scan3A_67:5 = scf.for %scan3A_121 = %scan3A_63 to %scan3A_65 step %scan3A_66 iter_args(%scan3A_122 = %select_n3A_59, %scan3A_123 = %scan3A, %scan3A_124 = %scan3A_60, %scan3A_125 = %scan3A_61, %scan3A_126 = %scan3A_62) -> (i32, i32, i32, i32, i32)  : i32 {
        %eq3A_127 = arith.constant 0 : i32
        %eq3A_128 = arith.cmpi eq, %scan3A_121, %eq3A_127 : i32
        %eq3A_129 = arith.constant 7 : i32
        %eq3A_130 = arith.cmpi eq, %scan3A_121, %eq3A_129 : i32
        %add3A_131 = arith.addi %scan3A_126, %mul3A_6 : i32
        %sub3A_132 = arith.constant 1 : i32
        %sub3A_133 = arith.subi %scan3A_126, %sub3A_132 : i32
        %select_n3A_134 = arith.constant true
        %select_n3A_135 = arith.select %select_n3A_134, %sub3A_133, %scan3A_126 : i32
        %eq3A_136 = arith.constant -1 : i32
        %eq3A_137 = arith.cmpi eq, %select_n3A_135, %eq3A_136 : i32
        %select_n3A_138 = arith.constant 7 : i32
        %select_n3A_139 = arith.select %eq3A_137, %select_n3A_138, %select_n3A_135 : i32
        %add3A_140 = arith.addi %select_n3A_139, %mul3A_6 : i32
        %add3A_141 = arith.constant 1 : i32
        %add3A_142 = arith.addi %scan3A_126, %add3A_141 : i32
        %select_n3A_143 = arith.constant true
        %select_n3A_144 = arith.select %select_n3A_143, %add3A_142, %scan3A_126 : i32
        %eq3A_145 = arith.constant 8 : i32
        %eq3A_146 = arith.cmpi eq, %select_n3A_144, %eq3A_145 : i32
        %select_n3A_147 = arith.constant 0 : i32
        %select_n3A_148 = arith.select %eq3A_146, %select_n3A_147, %select_n3A_144 : i32
        %add3A_149 = arith.addi %select_n3A_148, %mul3A_6 : i32
        %add3A_150 = arith.constant 1 : i32
        %add3A_151 = arith.addi %select_n3A_148, %add3A_150 : i32
        %select_n3A_152 = arith.constant true
        %select_n3A_153 = arith.select %select_n3A_152, %add3A_151, %select_n3A_148 : i32
        %eq3A_154 = arith.constant 8 : i32
        %eq3A_155 = arith.cmpi eq, %select_n3A_153, %eq3A_154 : i32
        %select_n3A_156 = arith.constant 0 : i32
        %select_n3A_157 = arith.select %eq3A_155, %select_n3A_156, %select_n3A_153 : i32
        %add3A_158 = arith.addi %select_n3A_157, %mul3A_6 : i32
        %ne3A = arith.cmpi ne, %add3A_131, %add3A_149 : i32
        %or3A = arith.constant false
        %or3A_159 = arith.ori %or3A, %ne3A : i1
        %ge3A = arith.constant 7 : i32
        %ge3A_160 = arith.cmpi sge, %scan3A_121, %ge3A : i32
        %not3A = arith.constant true
        %not3A_161 = arith.xori %ge3A_160, %not3A : i1
        %and3A = arith.andi %or3A_159, %not3A_161 : i1
        %convert_element_type3A = arith.extui %and3A : i1 to i32
        %cond3A = arith.constant 0 : i32
        %cond3A_162 = arith.cmpi ne, %convert_element_type3A, %cond3A : i32
        scf.if %cond3A_162 {
          "tpu.trace_start"() <{level = 10 : i32, message = "ep_copy_in"}> : () -> ()
          %rem3A_264 = arith.constant 2 : i32
          %rem3A_265 = arith.remui %scan3A_122, %rem3A_264 : i32
          %mul3A_266 = arith.constant 128 : i32
          %mul3A_267 = arith.muli %mul3A_266, %add3A_149 : i32
          %dma_start3A_268 = arith.constant 0 : i32
          %dma_start3A_269 = arith.constant 0 : i32
          %dma_start3A_270 = tpu.memref_slice %run_scoped3A[%rem3A_265, %dma_start3A_268, %dma_start3A_269] : memref<2x1x128xi32, #tpu.memory_space<vmem>> -> memref<1x1x128xi32, #tpu.memory_space<vmem>>
          %dma_start3A_271 = tpu.memref_squeeze %dma_start3A_270 : memref<1x1x128xi32, #tpu.memory_space<vmem>> -> memref<1x128xi32, #tpu.memory_space<vmem>>
          %dma_start3A_272 = arith.constant 0 : i32
          %dma_start3A_273 = tpu.memref_slice %arg3[%dma_start3A_272, %mul3A_267] : memref<1x32768xi32, #tpu.memory_space<hbm>> -> memref<1x128xi32, #tpu.memory_space<hbm>>
          %dma_start3A_274 = tpu.memref_slice %run_scoped3A_7[%rem3A_265] : memref<2x!tpu.dma_semaphore, #tpu.memory_space<semaphore_mem>> -> memref<1x!tpu.dma_semaphore, #tpu.memory_space<semaphore_mem>>
          %dma_start3A_275 = tpu.memref_squeeze %dma_start3A_274 : memref<1x!tpu.dma_semaphore, #tpu.memory_space<semaphore_mem>> -> memref<!tpu.dma_semaphore, #tpu.memory_space<semaphore_mem>>
          %dma_start3A_276 = arith.constant 0 : i32
          %dma_start3A_277 = arith.constant 0 : i32
          %dma_start3A_278 = tpu.memref_slice %run_scoped3A[%rem3A_265, %dma_start3A_276, %dma_start3A_277] : memref<2x1x128xi32, #tpu.memory_space<vmem>> -> memref<1x1x128xi32, #tpu.memory_space<vmem>>
          %dma_start3A_279 = tpu.memref_squeeze %dma_start3A_278 : memref<1x1x128xi32, #tpu.memory_space<vmem>> -> memref<1x128xi32, #tpu.memory_space<vmem>>
          %dma_start3A_280 = arith.constant 0 : i32
          %dma_start3A_281 = tpu.memref_slice %arg3[%dma_start3A_280, %mul3A_267] : memref<1x32768xi32, #tpu.memory_space<hbm>> -> memref<1x128xi32, #tpu.memory_space<hbm>>
          tpu.enqueue_dma source(%dma_start3A_281 : memref<1x128xi32, #tpu.memory_space<hbm>>) target(%dma_start3A_279 : memref<1x128xi32, #tpu.memory_space<vmem>>) target_semaphore(%dma_start3A_275 : memref<!tpu.dma_semaphore, #tpu.memory_space<semaphore_mem>>)
          "tpu.trace_stop"() : () -> ()
        } else {
        }
        %and3A_163 = arith.constant true
        %and3A_164 = arith.andi %and3A, %and3A_163 : i1
        %add3A_165 = arith.constant 1 : i32
        %add3A_166 = arith.addi %scan3A_122, %add3A_165 : i32
        %select_n3A_167 = arith.select %and3A_164, %add3A_166, %scan3A_122 : i32
        %ne3A_168 = arith.cmpi ne, %add3A_131, %add3A_149 : i32
        %or3A_169 = arith.constant false
        %or3A_170 = arith.ori %or3A_169, %ne3A_168 : i1
        %or3A_171 = arith.constant false
        %or3A_172 = arith.ori %or3A_170, %or3A_171 : i1
        %ge3A_173 = arith.constant 7 : i32
        %ge3A_174 = arith.cmpi sge, %scan3A_121, %ge3A_173 : i32
        %not3A_175 = arith.constant true
        %not3A_176 = arith.xori %ge3A_174, %not3A_175 : i1
        %and3A_177 = arith.andi %or3A_172, %not3A_176 : i1
        %ne3A_178 = arith.cmpi ne, %add3A_131, %add3A_140 : i32
        %or3A_179 = arith.constant false
        %or3A_180 = arith.ori %or3A_179, %ne3A_178 : i1
        %or3A_181 = arith.ori %or3A_180, %eq3A_128 : i1
        %convert_element_type3A_182 = arith.extui %or3A_181 : i1 to i32
        %cond3A_183 = arith.constant 0 : i32
        %cond3A_184 = arith.cmpi ne, %convert_element_type3A_182, %cond3A_183 : i32
        scf.if %cond3A_184 {
          "tpu.trace_start"() <{level = 10 : i32, message = "ep_wait_in"}> : () -> ()
          %mul3A_264 = arith.constant 128 : i32
          %mul3A_265 = arith.muli %mul3A_264, %add3A_131 : i32
          %rem3A_266 = arith.constant 2 : i32
          %rem3A_267 = arith.remui %scan3A_123, %rem3A_266 : i32
          %dma_wait3A_268 = arith.constant 0 : i32
          %dma_wait3A_269 = arith.constant 0 : i32
          %dma_wait3A_270 = tpu.memref_slice %run_scoped3A[%rem3A_267, %dma_wait3A_268, %dma_wait3A_269] : memref<2x1x128xi32, #tpu.memory_space<vmem>> -> memref<1x1x128xi32, #tpu.memory_space<vmem>>
          %dma_wait3A_271 = tpu.memref_squeeze %dma_wait3A_270 : memref<1x1x128xi32, #tpu.memory_space<vmem>> -> memref<1x128xi32, #tpu.memory_space<vmem>>
          %dma_wait3A_272 = arith.constant 0 : i32
          %dma_wait3A_273 = tpu.memref_slice %arg3[%dma_wait3A_272, %mul3A_265] : memref<1x32768xi32, #tpu.memory_space<hbm>> -> memref<1x128xi32, #tpu.memory_space<hbm>>
          %dma_wait3A_274 = tpu.memref_slice %run_scoped3A_7[%rem3A_267] : memref<2x!tpu.dma_semaphore, #tpu.memory_space<semaphore_mem>> -> memref<1x!tpu.dma_semaphore, #tpu.memory_space<semaphore_mem>>
          %dma_wait3A_275 = tpu.memref_squeeze %dma_wait3A_274 : memref<1x!tpu.dma_semaphore, #tpu.memory_space<semaphore_mem>> -> memref<!tpu.dma_semaphore, #tpu.memory_space<semaphore_mem>>
          %dma_wait3A_276 = arith.constant 0 : i32
          %dma_wait3A_277 = arith.constant 0 : i32
          %dma_wait3A_278 = tpu.memref_slice %run_scoped3A[%rem3A_267, %dma_wait3A_276, %dma_wait3A_277] : memref<2x1x128xi32, #tpu.memory_space<vmem>> -> memref<1x1x128xi32, #tpu.memory_space<vmem>>
          %dma_wait3A_279 = tpu.memref_squeeze %dma_wait3A_278 : memref<1x1x128xi32, #tpu.memory_space<vmem>> -> memref<1x128xi32, #tpu.memory_space<vmem>>
          %dma_wait3A_280 = arith.constant 0 : i32
          %dma_wait3A_281 = tpu.memref_slice %arg3[%dma_wait3A_280, %mul3A_265] : memref<1x32768xi32, #tpu.memory_space<hbm>> -> memref<1x128xi32, #tpu.memory_space<hbm>>
          tpu.wait_dma2 semaphore(%dma_wait3A_275 : memref<!tpu.dma_semaphore, #tpu.memory_space<semaphore_mem>>) src(%dma_wait3A_281 : memref<1x128xi32, #tpu.memory_space<hbm>>) dst(%dma_wait3A_279 : memref<1x128xi32, #tpu.memory_space<vmem>>)
          "tpu.trace_stop"() : () -> ()
        } else {
        }
        %ne3A_185 = arith.cmpi ne, %add3A_131, %add3A_140 : i32
        %or3A_186 = arith.constant false
        %or3A_187 = arith.ori %or3A_186, %ne3A_185 : i1
        %or3A_188 = arith.constant false
        %or3A_189 = arith.ori %or3A_187, %or3A_188 : i1
        %or3A_190 = arith.ori %or3A_189, %eq3A_128 : i1
        %convert_element_type3A_191 = arith.extui %or3A_190 : i1 to i32
        %cond3A_192 = arith.constant 0 : i32
        %cond3A_193 = arith.cmpi ne, %convert_element_type3A_191, %cond3A_192 : i32
        scf.if %cond3A_193 {
        } else {
        }
        %rem3A_194 = arith.constant 2 : i32
        %rem3A_195 = arith.remui %scan3A_123, %rem3A_194 : i32
        %rem3A_196 = arith.constant 2 : i32
        %rem3A_197 = arith.remui %scan3A_124, %rem3A_196 : i32
        %run_scoped3A_198 = arith.constant 0 : i32
        "tpu.trace_start"() <{level = 10 : i32, message = "ep_run_kernel"}> : () -> ()
        "tpu.region"() ({
          %run_scoped3A_264 = tpu.sem_alloc : memref<!tpu.dma_semaphore, #tpu.memory_space<semaphore_mem>>
          %dma_start3A_265 = arith.constant 0 : i32
          %dma_start3A_266 = arith.constant 0 : i32
          %dma_start3A_267 = tpu.memref_slice %run_scoped3A_8[%rem3A_197, %dma_start3A_265, %dma_start3A_266] : memref<2x128x128xf32, #tpu.memory_space<vmem>> -> memref<1x128x128xf32, #tpu.memory_space<vmem>>
          %dma_start3A_268 = tpu.memref_squeeze %dma_start3A_267 : memref<1x128x128xf32, #tpu.memory_space<vmem>> -> memref<128x128xf32, #tpu.memory_space<vmem>>
          %dma_start3A_269 = arith.constant 0 : i32
          %dma_start3A_270 = arith.constant 0 : i32
          %dma_start3A_271 = tpu.memref_slice %run_scoped3A[%rem3A_195, %dma_start3A_269, %dma_start3A_270] : memref<2x1x128xi32, #tpu.memory_space<vmem>> -> memref<1x1x128xi32, #tpu.memory_space<vmem>>
          %dma_start3A_272 = tpu.memref_squeeze %dma_start3A_271 : memref<1x1x128xi32, #tpu.memory_space<vmem>> -> memref<1x128xi32, #tpu.memory_space<vmem>>
          %dma_start3A_273 = arith.constant 0 : i32
          %dma_start3A_274 = tpu.memref_slice %dma_start3A_272[%run_scoped3A_198, %dma_start3A_273] : memref<1x128xi32, #tpu.memory_space<vmem>> -> memref<1x128xi32, #tpu.memory_space<vmem>>
          %dma_start3A_275 = tpu.memref_squeeze %dma_start3A_274 : memref<1x128xi32, #tpu.memory_space<vmem>> -> memref<128xi32, #tpu.memory_space<vmem>>
          %dma_start3A_276 = arith.constant 0 : i32
          %dma_start3A_277 = arith.constant 0 : i32
          %dma_start3A_278 = tpu.memref_slice %arg2[%dma_start3A_276, %dma_start3A_277] : memref<2048x128xf32, #tpu.memory_space<hbm>> -> memref<2048x128xf32, #tpu.memory_space<hbm>>
          tpu.enqueue_indirect_dma source(%dma_start3A_278 : memref<2048x128xf32, #tpu.memory_space<hbm>>) target(%dma_start3A_268 : memref<128x128xf32, #tpu.memory_space<vmem>>) offsets(%dma_start3A_275 : memref<128xi32, #tpu.memory_space<vmem>>) semaphore(%run_scoped3A_264 : memref<!tpu.dma_semaphore, #tpu.memory_space<semaphore_mem>>)
          %dma_wait3A_279 = arith.constant 0 : i32
          %dma_wait3A_280 = arith.constant 0 : i32
          %dma_wait3A_281 = tpu.memref_slice %run_scoped3A_8[%rem3A_197, %dma_wait3A_279, %dma_wait3A_280] : memref<2x128x128xf32, #tpu.memory_space<vmem>> -> memref<1x128x128xf32, #tpu.memory_space<vmem>>
          %dma_wait3A_282 = tpu.memref_squeeze %dma_wait3A_281 : memref<1x128x128xf32, #tpu.memory_space<vmem>> -> memref<128x128xf32, #tpu.memory_space<vmem>>
          %dma_wait3A_283 = arith.constant 0 : i32
          %dma_wait3A_284 = arith.constant 0 : i32
          %dma_wait3A_285 = tpu.memref_slice %run_scoped3A[%rem3A_195, %dma_wait3A_283, %dma_wait3A_284] : memref<2x1x128xi32, #tpu.memory_space<vmem>> -> memref<1x1x128xi32, #tpu.memory_space<vmem>>
          %dma_wait3A_286 = tpu.memref_squeeze %dma_wait3A_285 : memref<1x1x128xi32, #tpu.memory_space<vmem>> -> memref<1x128xi32, #tpu.memory_space<vmem>>
          %dma_wait3A_287 = arith.constant 0 : i32
          %dma_wait3A_288 = tpu.memref_slice %dma_wait3A_286[%run_scoped3A_198, %dma_wait3A_287] : memref<1x128xi32, #tpu.memory_space<vmem>> -> memref<1x128xi32, #tpu.memory_space<vmem>>
          %dma_wait3A_289 = tpu.memref_squeeze %dma_wait3A_288 : memref<1x128xi32, #tpu.memory_space<vmem>> -> memref<128xi32, #tpu.memory_space<vmem>>
          %dma_wait3A_290 = arith.constant 0 : i32
          %dma_wait3A_291 = arith.constant 0 : i32
          %dma_wait3A_292 = tpu.memref_slice %arg2[%dma_wait3A_290, %dma_wait3A_291] : memref<2048x128xf32, #tpu.memory_space<hbm>> -> memref<2048x128xf32, #tpu.memory_space<hbm>>
          tpu.wait_indirect_dma semaphore(%run_scoped3A_264 : memref<!tpu.dma_semaphore, #tpu.memory_space<semaphore_mem>>) src(%dma_wait3A_292 : memref<2048x128xf32, #tpu.memory_space<hbm>>) dst(%dma_wait3A_282 : memref<128x128xf32, #tpu.memory_space<vmem>>)
          tpu.yield
        }) : () -> ()
        "tpu.trace_stop"() : () -> ()
        %ne3A_199 = arith.cmpi ne, %add3A_131, %add3A_149 : i32
        %or3A_200 = arith.constant false
        %or3A_201 = arith.ori %or3A_200, %ne3A_199 : i1
        %or3A_202 = arith.ori %or3A_201, %eq3A_130 : i1
        %convert_element_type3A_203 = arith.extui %or3A_202 : i1 to i32
        %cond3A_204 = arith.constant 0 : i32
        %cond3A_205 = arith.cmpi ne, %convert_element_type3A_203, %cond3A_204 : i32
        scf.if %cond3A_205 {
        } else {
        }
        %and3A_206 = arith.constant false
        %and3A_207 = arith.andi %or3A_202, %and3A_206 : i1
        %ne3A_208 = arith.cmpi ne, %add3A_131, %add3A_149 : i32
        %or3A_209 = arith.constant false
        %or3A_210 = arith.ori %or3A_209, %ne3A_208 : i1
        %or3A_211 = arith.constant false
        %or3A_212 = arith.ori %or3A_210, %or3A_211 : i1
        %or3A_213 = arith.ori %or3A_212, %eq3A_130 : i1
        %convert_element_type3A_214 = arith.extui %or3A_213 : i1 to i32
        %cond3A_215 = arith.constant 0 : i32
        %cond3A_216 = arith.cmpi ne, %convert_element_type3A_214, %cond3A_215 : i32
        scf.if %cond3A_216 {
          "tpu.trace_start"() <{level = 10 : i32, message = "ep_copy_out"}> : () -> ()
          %rem3A_264 = arith.constant 2 : i32
          %rem3A_265 = arith.remui %scan3A_124, %rem3A_264 : i32
          %mul3A_266 = arith.constant 128 : i32
          %mul3A_267 = arith.muli %mul3A_266, %add3A_131 : i32
          %dma_start3A_268 = arith.constant 0 : i32
          %dma_start3A_269 = arith.constant 0 : i32
          %dma_start3A_270 = tpu.memref_slice %run_scoped3A_8[%rem3A_265, %dma_start3A_268, %dma_start3A_269] : memref<2x128x128xf32, #tpu.memory_space<vmem>> -> memref<1x128x128xf32, #tpu.memory_space<vmem>>
          %dma_start3A_271 = tpu.memref_squeeze %dma_start3A_270 : memref<1x128x128xf32, #tpu.memory_space<vmem>> -> memref<128x128xf32, #tpu.memory_space<vmem>>
          %dma_start3A_272 = arith.constant 0 : i32
          %dma_start3A_273 = tpu.memref_slice %arg4[%mul3A_267, %dma_start3A_272] : memref<32768x128xf32, #tpu.memory_space<hbm>> -> memref<128x128xf32, #tpu.memory_space<hbm>>
          %dma_start3A_274 = tpu.memref_slice %run_scoped3A_9[%rem3A_265] : memref<2x!tpu.dma_semaphore, #tpu.memory_space<semaphore_mem>> -> memref<1x!tpu.dma_semaphore, #tpu.memory_space<semaphore_mem>>
          %dma_start3A_275 = tpu.memref_squeeze %dma_start3A_274 : memref<1x!tpu.dma_semaphore, #tpu.memory_space<semaphore_mem>> -> memref<!tpu.dma_semaphore, #tpu.memory_space<semaphore_mem>>
          %dma_start3A_276 = arith.constant 0 : i32
          %dma_start3A_277 = tpu.memref_slice %arg4[%mul3A_267, %dma_start3A_276] : memref<32768x128xf32, #tpu.memory_space<hbm>> -> memref<128x128xf32, #tpu.memory_space<hbm>>
          %dma_start3A_278 = arith.constant 0 : i32
          %dma_start3A_279 = arith.constant 0 : i32
          %dma_start3A_280 = tpu.memref_slice %run_scoped3A_8[%rem3A_265, %dma_start3A_278, %dma_start3A_279] : memref<2x128x128xf32, #tpu.memory_space<vmem>> -> memref<1x128x128xf32, #tpu.memory_space<vmem>>
          %dma_start3A_281 = tpu.memref_squeeze %dma_start3A_280 : memref<1x128x128xf32, #tpu.memory_space<vmem>> -> memref<128x128xf32, #tpu.memory_space<vmem>>
          tpu.enqueue_dma source(%dma_start3A_281 : memref<128x128xf32, #tpu.memory_space<vmem>>) target(%dma_start3A_277 : memref<128x128xf32, #tpu.memory_space<hbm>>) target_semaphore(%dma_start3A_275 : memref<!tpu.dma_semaphore, #tpu.memory_space<semaphore_mem>>)
          "tpu.trace_stop"() : () -> ()
        } else {
        }
        %and3A_217 = arith.constant true
        %and3A_218 = arith.andi %or3A_213, %and3A_217 : i1
        %add3A_219 = arith.constant 1 : i32
        %add3A_220 = arith.addi %scan3A_124, %add3A_219 : i32
        %select_n3A_221 = arith.select %and3A_218, %add3A_220, %scan3A_124 : i32
        %ne3A_222 = arith.cmpi ne, %add3A_131, %add3A_140 : i32
        %or3A_223 = arith.constant false
        %or3A_224 = arith.ori %or3A_223, %ne3A_222 : i1
        %not3A_225 = arith.constant true
        %not3A_226 = arith.xori %eq3A_128, %not3A_225 : i1
        %and3A_227 = arith.andi %or3A_224, %not3A_226 : i1
        %convert_element_type3A_228 = arith.extui %and3A_227 : i1 to i32
        %cond3A_229 = arith.constant 0 : i32
        %cond3A_230 = arith.cmpi ne, %convert_element_type3A_228, %cond3A_229 : i32
        scf.if %cond3A_230 {
        } else {
        }
        %and3A_231 = arith.constant false
        %and3A_232 = arith.andi %and3A_227, %and3A_231 : i1
        %ne3A_233 = arith.cmpi ne, %add3A_131, %add3A_140 : i32
        %or3A_234 = arith.constant false
        %or3A_235 = arith.ori %or3A_234, %ne3A_233 : i1
        %or3A_236 = arith.constant false
        %or3A_237 = arith.ori %or3A_235, %or3A_236 : i1
        %not3A_238 = arith.constant true
        %not3A_239 = arith.xori %eq3A_128, %not3A_238 : i1
        %and3A_240 = arith.andi %or3A_237, %not3A_239 : i1
        %convert_element_type3A_241 = arith.extui %and3A_240 : i1 to i32
        %cond3A_242 = arith.constant 0 : i32
        %cond3A_243 = arith.cmpi ne, %convert_element_type3A_241, %cond3A_242 : i32
        scf.if %cond3A_243 {
          "tpu.trace_start"() <{level = 10 : i32, message = "ep_wait_out"}> : () -> ()
          %rem3A_264 = arith.constant 2 : i32
          %rem3A_265 = arith.remui %scan3A_125, %rem3A_264 : i32
          %mul3A_266 = arith.constant 128 : i32
          %mul3A_267 = arith.muli %mul3A_266, %add3A_140 : i32
          %dma_wait3A_268 = arith.constant 0 : i32
          %dma_wait3A_269 = arith.constant 0 : i32
          %dma_wait3A_270 = tpu.memref_slice %run_scoped3A_8[%rem3A_265, %dma_wait3A_268, %dma_wait3A_269] : memref<2x128x128xf32, #tpu.memory_space<vmem>> -> memref<1x128x128xf32, #tpu.memory_space<vmem>>
          %dma_wait3A_271 = tpu.memref_squeeze %dma_wait3A_270 : memref<1x128x128xf32, #tpu.memory_space<vmem>> -> memref<128x128xf32, #tpu.memory_space<vmem>>
          %dma_wait3A_272 = arith.constant 0 : i32
          %dma_wait3A_273 = tpu.memref_slice %arg4[%mul3A_267, %dma_wait3A_272] : memref<32768x128xf32, #tpu.memory_space<hbm>> -> memref<128x128xf32, #tpu.memory_space<hbm>>
          %dma_wait3A_274 = tpu.memref_slice %run_scoped3A_9[%rem3A_265] : memref<2x!tpu.dma_semaphore, #tpu.memory_space<semaphore_mem>> -> memref<1x!tpu.dma_semaphore, #tpu.memory_space<semaphore_mem>>
          %dma_wait3A_275 = tpu.memref_squeeze %dma_wait3A_274 : memref<1x!tpu.dma_semaphore, #tpu.memory_space<semaphore_mem>> -> memref<!tpu.dma_semaphore, #tpu.memory_space<semaphore_mem>>
          %dma_wait3A_276 = arith.constant 0 : i32
          %dma_wait3A_277 = tpu.memref_slice %arg4[%mul3A_267, %dma_wait3A_276] : memref<32768x128xf32, #tpu.memory_space<hbm>> -> memref<128x128xf32, #tpu.memory_space<hbm>>
          %dma_wait3A_278 = arith.constant 0 : i32
          %dma_wait3A_279 = arith.constant 0 : i32
          %dma_wait3A_280 = tpu.memref_slice %run_scoped3A_8[%rem3A_265, %dma_wait3A_278, %dma_wait3A_279] : memref<2x128x128xf32, #tpu.memory_space<vmem>> -> memref<1x128x128xf32, #tpu.memory_space<vmem>>
          %dma_wait3A_281 = tpu.memref_squeeze %dma_wait3A_280 : memref<1x128x128xf32, #tpu.memory_space<vmem>> -> memref<128x128xf32, #tpu.memory_space<vmem>>
          tpu.wait_dma2 semaphore(%dma_wait3A_275 : memref<!tpu.dma_semaphore, #tpu.memory_space<semaphore_mem>>) src(%dma_wait3A_281 : memref<128x128xf32, #tpu.memory_space<vmem>>) dst(%dma_wait3A_277 : memref<128x128xf32, #tpu.memory_space<hbm>>)
          "tpu.trace_stop"() : () -> ()
        } else {
        }
        %and3A_244 = arith.constant true
        %and3A_245 = arith.andi %and3A_240, %and3A_244 : i1
        %add3A_246 = arith.constant 1 : i32
        %add3A_247 = arith.addi %scan3A_125, %add3A_246 : i32
        %select_n3A_248 = arith.select %and3A_245, %add3A_247, %scan3A_125 : i32
        %ne3A_249 = arith.cmpi ne, %add3A_131, %add3A_149 : i32
        %or3A_250 = arith.constant false
        %or3A_251 = arith.ori %or3A_250, %ne3A_249 : i1
        %or3A_252 = arith.ori %or3A_251, %eq3A_130 : i1
        %add3A_253 = arith.constant 1 : i32
        %add3A_254 = arith.addi %scan3A_123, %add3A_253 : i32
        %select_n3A_255 = arith.select %or3A_252, %add3A_254, %scan3A_123 : i32
        %add3A_256 = arith.constant 1 : i32
        %add3A_257 = arith.addi %scan3A_126, %add3A_256 : i32
        %select_n3A_258 = arith.constant true
        %select_n3A_259 = arith.select %select_n3A_258, %add3A_257, %scan3A_126 : i32
        %eq3A_260 = arith.constant 8 : i32
        %eq3A_261 = arith.cmpi eq, %select_n3A_259, %eq3A_260 : i32
        %select_n3A_262 = arith.constant 0 : i32
        %select_n3A_263 = arith.select %eq3A_261, %select_n3A_262, %select_n3A_259 : i32
        scf.yield %select_n3A_167, %select_n3A_255, %select_n3A_221, %select_n3A_248, %select_n3A_263 : i32, i32, i32, i32, i32
      }
      %scan3A_68 = arith.constant 8 : i32
      %sub3A = arith.constant 1 : i32
      %sub3A_69 = arith.subi %scan3A_67#4, %sub3A : i32
      %select_n3A_70 = arith.constant true
      %select_n3A_71 = arith.select %select_n3A_70, %sub3A_69, %scan3A_67#4 : i32
      %eq3A_72 = arith.constant -1 : i32
      %eq3A_73 = arith.cmpi eq, %select_n3A_71, %eq3A_72 : i32
      %select_n3A_74 = arith.constant 7 : i32
      %select_n3A_75 = arith.select %eq3A_73, %select_n3A_74, %select_n3A_71 : i32
      %add3A_76 = arith.addi %select_n3A_75, %mul3A_6 : i32
      %sub3A_77 = arith.constant 1 : i32
      %sub3A_78 = arith.subi %select_n3A_75, %sub3A_77 : i32
      %select_n3A_79 = arith.constant true
      %select_n3A_80 = arith.select %select_n3A_79, %sub3A_78, %select_n3A_75 : i32
      %eq3A_81 = arith.constant -1 : i32
      %eq3A_82 = arith.cmpi eq, %select_n3A_80, %eq3A_81 : i32
      %select_n3A_83 = arith.constant 7 : i32
      %select_n3A_84 = arith.select %eq3A_82, %select_n3A_83, %select_n3A_80 : i32
      %add3A_85 = arith.addi %select_n3A_84, %mul3A_6 : i32
      %add3A_86 = arith.constant 1 : i32
      %add3A_87 = arith.addi %select_n3A_75, %add3A_86 : i32
      %select_n3A_88 = arith.constant true
      %select_n3A_89 = arith.select %select_n3A_88, %add3A_87, %select_n3A_75 : i32
      %eq3A_90 = arith.constant 8 : i32
      %eq3A_91 = arith.cmpi eq, %select_n3A_89, %eq3A_90 : i32
      %select_n3A_92 = arith.constant 0 : i32
      %select_n3A_93 = arith.select %eq3A_91, %select_n3A_92, %select_n3A_89 : i32
      %add3A_94 = arith.addi %select_n3A_93, %mul3A_6 : i32
      %add3A_95 = arith.constant 1 : i32
      %add3A_96 = arith.addi %select_n3A_93, %add3A_95 : i32
      %select_n3A_97 = arith.constant true
      %select_n3A_98 = arith.select %select_n3A_97, %add3A_96, %select_n3A_93 : i32
      %eq3A_99 = arith.constant 8 : i32
      %eq3A_100 = arith.cmpi eq, %select_n3A_98, %eq3A_99 : i32
      %select_n3A_101 = arith.constant 0 : i32
      %select_n3A_102 = arith.select %eq3A_100, %select_n3A_101, %select_n3A_98 : i32
      %add3A_103 = arith.addi %select_n3A_102, %mul3A_6 : i32
      "tpu.trace_start"() <{level = 10 : i32, message = "ep_finalize"}> : () -> ()
      %rem3A_104 = arith.constant 2 : i32
      %rem3A_105 = arith.remui %scan3A_67#3, %rem3A_104 : i32
      %mul3A_106 = arith.constant 128 : i32
      %mul3A_107 = arith.muli %mul3A_106, %add3A_76 : i32
      %dma_wait3A = arith.constant 0 : i32
      %dma_wait3A_108 = arith.constant 0 : i32
      %dma_wait3A_109 = tpu.memref_slice %run_scoped3A_8[%rem3A_105, %dma_wait3A, %dma_wait3A_108] : memref<2x128x128xf32, #tpu.memory_space<vmem>> -> memref<1x128x128xf32, #tpu.memory_space<vmem>>
      %dma_wait3A_110 = tpu.memref_squeeze %dma_wait3A_109 : memref<1x128x128xf32, #tpu.memory_space<vmem>> -> memref<128x128xf32, #tpu.memory_space<vmem>>
      %dma_wait3A_111 = arith.constant 0 : i32
      %dma_wait3A_112 = tpu.memref_slice %arg4[%mul3A_107, %dma_wait3A_111] : memref<32768x128xf32, #tpu.memory_space<hbm>> -> memref<128x128xf32, #tpu.memory_space<hbm>>
      %dma_wait3A_113 = tpu.memref_slice %run_scoped3A_9[%rem3A_105] : memref<2x!tpu.dma_semaphore, #tpu.memory_space<semaphore_mem>> -> memref<1x!tpu.dma_semaphore, #tpu.memory_space<semaphore_mem>>
      %dma_wait3A_114 = tpu.memref_squeeze %dma_wait3A_113 : memref<1x!tpu.dma_semaphore, #tpu.memory_space<semaphore_mem>> -> memref<!tpu.dma_semaphore, #tpu.memory_space<semaphore_mem>>
      %dma_wait3A_115 = arith.constant 0 : i32
      %dma_wait3A_116 = tpu.memref_slice %arg4[%mul3A_107, %dma_wait3A_115] : memref<32768x128xf32, #tpu.memory_space<hbm>> -> memref<128x128xf32, #tpu.memory_space<hbm>>
      %dma_wait3A_117 = arith.constant 0 : i32
      %dma_wait3A_118 = arith.constant 0 : i32
      %dma_wait3A_119 = tpu.memref_slice %run_scoped3A_8[%rem3A_105, %dma_wait3A_117, %dma_wait3A_118] : memref<2x128x128xf32, #tpu.memory_space<vmem>> -> memref<1x128x128xf32, #tpu.memory_space<vmem>>
      %dma_wait3A_120 = tpu.memref_squeeze %dma_wait3A_119 : memref<1x128x128xf32, #tpu.memory_space<vmem>> -> memref<128x128xf32, #tpu.memory_space<vmem>>
      tpu.wait_dma2 semaphore(%dma_wait3A_114 : memref<!tpu.dma_semaphore, #tpu.memory_space<semaphore_mem>>) src(%dma_wait3A_120 : memref<128x128xf32, #tpu.memory_space<vmem>>) dst(%dma_wait3A_116 : memref<128x128xf32, #tpu.memory_space<hbm>>)
      "tpu.trace_stop"() : () -> ()
      tpu.yield
    }) : () -> ()
    return
  }
}

module attributes {stable_mosaic.version = 14 : i64} {
  func.func @_knn2_body(%arg0: i32, %arg1: memref<1x1024x3xf32, #tpu.memory_space<vmem>>, %arg2: memref<1x3x1024xf32, #tpu.memory_space<vmem>>, %arg3: memref<3x320xf32, #tpu.memory_space<vmem>>, %arg4: memref<1x1024x16xi32, #tpu.memory_space<vmem>>, %arg5: memref<1x16x1024x3xf32, #tpu.memory_space<vmem>>, %arg6: memref<1x1024x128xf32, #tpu.memory_space<vmem>>, %arg7: memref<1024x1024xf32, #tpu.memory_space<vmem>>, %arg8: memref<1024x320xf32, #tpu.memory_space<vmem>>, %arg9: memref<1024x16xf32, #tpu.memory_space<vmem>>) attributes {dimension_semantics = [#tpu.dimension_semantics<arbitrary>], iteration_bounds = array<i64: 2>, scalar_prefetch = 0 : i64, scratch_operands = 3 : i64, tpu.core_type = #tpu.core_type<tc>, window_params = [{transform_indices = @transform_0, window_bounds = array<i64: 1, 1024, 3>}, {transform_indices = @transform_1, window_bounds = array<i64: 1, 3, 1024>}, {pipeline_mode = #tpu.pipeline_mode<synchronous>, transform_indices = @transform_2, window_bounds = array<i64: 3, 320>}, {transform_indices = @transform_3, window_bounds = array<i64: 1, 1024, 16>}, {transform_indices = @transform_4, window_bounds = array<i64: 1, 16, 1024, 3>}, {transform_indices = @transform_5, window_bounds = array<i64: 1, 1024, 128>}]} {
    %get3A = arith.constant 0 : index
    %get3A_0 = arith.constant 0 : index
    %get3A_1 = arith.constant 0 : index
    %get3A_2 = vector.load %arg1[%get3A, %get3A_0, %get3A_1] : memref<1x1024x3xf32, #tpu.memory_space<vmem>>, vector<1x1024x3xf32>
    %get3A_3 = vector.shape_cast %get3A_2 : vector<1x1024x3xf32> to vector<1024x3xf32>
    %get3A_4 = arith.constant 0 : index
    %get3A_5 = arith.constant 0 : index
    %get3A_6 = arith.constant 0 : index
    %get3A_7 = vector.load %arg2[%get3A_4, %get3A_5, %get3A_6] : memref<1x3x1024xf32, #tpu.memory_space<vmem>>, vector<1x3x1024xf32>
    %get3A_8 = vector.shape_cast %get3A_7 : vector<1x3x1024xf32> to vector<3x1024xf32>
    %convert_element_type3A = arith.truncf %get3A_3 : vector<1024x3xf32> to vector<1024x3xbf16>
    %convert_element_type3A_9 = arith.truncf %get3A_8 : vector<3x1024xf32> to vector<3x1024xbf16>
    %dot_general3A = arith.constant dense<0.000000e+00> : vector<1024x1024xf32>
    %dot_general3A_10 = tpu.matmul %convert_element_type3A, %convert_element_type3A_9, %dot_general3A {dimension_numbers = #tpu.dot_dimension_numbers<[1], [0], [0], [1], [0, 0, 1, 1], [], []>, transpose_lhs_hint = false} : vector<1024x3xbf16>, vector<3x1024xbf16>, vector<1024x1024xf32> -> vector<1024x1024xf32>
    %mul3A = arith.mulf %get3A_3, %get3A_3 : vector<1024x3xf32>
    %reduce_sum3A = arith.constant dense<0.000000e+00> : vector<1024xf32>
    %reduce_sum3A_11 = vector.multi_reduction <add>, %mul3A, %reduce_sum3A [1] : vector<1024x3xf32> to vector<1024xf32>
    %broadcast_in_dim3A = vector.shape_cast %reduce_sum3A_11 : vector<1024xf32> to vector<1024x1xf32>
    %mul3A_12 = arith.mulf %get3A_8, %get3A_8 : vector<3x1024xf32>
    %reduce_sum3A_13 = arith.constant dense<0.000000e+00> : vector<1024xf32>
    %reduce_sum3A_14 = vector.multi_reduction <add>, %mul3A_12, %reduce_sum3A_13 [0] : vector<3x1024xf32> to vector<1024xf32>
    %broadcast_in_dim3A_15 = vector.shape_cast %reduce_sum3A_14 : vector<1024xf32> to vector<1x1024xf32>
    %iota3A = tpu.iota {dimensions = array<i32: 1>} : vector<1024x1024xi32>
    %convert_element_type3A_16 = arith.sitofp %iota3A : vector<1024x1024xi32> to vector<1024x1024xf32>
    %iota3A_17 = tpu.iota {dimensions = array<i32: 1>} : vector<1024x16xi32>
    %convert_element_type3A_18 = arith.sitofp %iota3A_17 : vector<1024x16xi32> to vector<1024x16xf32>
    %get3A_19 = arith.constant 0 : index
    %get3A_20 = arith.constant 0 : index
    %get3A_21 = vector.load %arg3[%get3A_19, %get3A_20] : memref<3x320xf32, #tpu.memory_space<vmem>>, vector<3x320xf32>
    %mul3A_22 = arith.mulf %get3A_21, %get3A_21 : vector<3x320xf32>
    %reduce_sum3A_23 = arith.constant dense<0.000000e+00> : vector<320xf32>
    %reduce_sum3A_24 = vector.multi_reduction <add>, %mul3A_22, %reduce_sum3A_23 [0] : vector<3x320xf32> to vector<320xf32>
    %broadcast_in_dim3A_25 = vector.shape_cast %reduce_sum3A_24 : vector<320xf32> to vector<1x320xf32>
    %sqrt3A = math.sqrt %broadcast_in_dim3A_25 : vector<1x320xf32>
    %max3A = arith.constant 9.99999996E-13 : f32
    %max3A_26 = vector.broadcast %max3A : f32 to vector<1x320xf32>
    %max3A_27 = arith.maximumf %sqrt3A, %max3A_26 : vector<1x320xf32>
    %div3A = vector.broadcast %max3A_27 : vector<1x320xf32> to vector<3x320xf32>
    %div3A_28 = arith.divf %get3A_21, %div3A : vector<3x320xf32>
    %mul3A_29 = arith.constant -2.000000e+00 : f32
    %mul3A_30 = vector.broadcast %mul3A_29 : f32 to vector<1024x1024xf32>
    %mul3A_31 = arith.mulf %mul3A_30, %dot_general3A_10 : vector<1024x1024xf32>
    %add3A = vector.broadcast %broadcast_in_dim3A_15 : vector<1x1024xf32> to vector<1024x1024xf32>
    %add3A_32 = arith.addf %mul3A_31, %add3A : vector<1024x1024xf32>
    %add3A_33 = vector.broadcast %broadcast_in_dim3A : vector<1024x1xf32> to vector<1024x1024xf32>
    %add3A_34 = arith.addf %add3A_32, %add3A_33 : vector<1024x1024xf32>
    %reduce_min3A = arith.constant dense<0x7F800000> : vector<1024xf32>
    %reduce_min3A_35 = vector.multi_reduction <minimumf>, %add3A_34, %reduce_min3A [1] : vector<1024x1024xf32> to vector<1024xf32>
    %broadcast_in_dim3A_36 = vector.shape_cast %reduce_min3A_35 : vector<1024xf32> to vector<1024x1xf32>
    %eq3A = vector.broadcast %broadcast_in_dim3A_36 : vector<1024x1xf32> to vector<1024x1024xf32>
    %eq3A_37 = arith.cmpf oeq, %add3A_34, %eq3A : vector<1024x1024xf32>
    %jit3A = arith.constant 1.07374182E+9 : f32
    %broadcast_in_dim3A_38 = vector.broadcast %jit3A : f32 to vector<1024x1024xf32>
    %select_n3A = arith.select %eq3A_37, %convert_element_type3A_16, %broadcast_in_dim3A_38 : vector<1024x1024xi1>, vector<1024x1024xf32>
    %reduce_min3A_39 = arith.constant dense<0x7F800000> : vector<1024xf32>
    %reduce_min3A_40 = vector.multi_reduction <minimumf>, %select_n3A, %reduce_min3A_39 [1] : vector<1024x1024xf32> to vector<1024xf32>
    %broadcast_in_dim3A_41 = vector.shape_cast %reduce_min3A_40 : vector<1024xf32> to vector<1024x1xf32>
    %eq3A_42 = vector.broadcast %broadcast_in_dim3A_41 : vector<1024x1xf32> to vector<1024x1024xf32>
    %eq3A_43 = arith.cmpf oeq, %convert_element_type3A_16, %eq3A_42 : vector<1024x1024xf32>
    %jit3A_44 = arith.constant 0x7F800000 : f32
    %broadcast_in_dim3A_45 = vector.broadcast %jit3A_44 : f32 to vector<1024x1024xf32>
    %select_n3A_46 = arith.select %eq3A_43, %broadcast_in_dim3A_45, %add3A_34 : vector<1024x1024xi1>, vector<1024x1024xf32>
    %swap3A = arith.constant 0 : index
    %swap3A_47 = arith.constant 0 : index
    %swap3A_48 = vector.load %arg7[%swap3A, %swap3A_47] : memref<1024x1024xf32, #tpu.memory_space<vmem>>, vector<1024x1024xf32>
    tpu.vector_store %arg7[%swap3A, %swap3A_47], %select_n3A_46 {strides = array<i32>} : memref<1024x1024xf32, #tpu.memory_space<vmem>>, vector<1024x1024xf32>,
    %broadcast_in_dim3A_49 = arith.constant 0.000000e+00 : f32
    %broadcast_in_dim3A_50 = vector.broadcast %broadcast_in_dim3A_49 : f32 to vector<1024x320xf32>
    %swap3A_51 = arith.constant 0 : index
    %swap3A_52 = arith.constant 0 : index
    %swap3A_53 = vector.load %arg8[%swap3A_51, %swap3A_52] : memref<1024x320xf32, #tpu.memory_space<vmem>>, vector<1024x320xf32>
    tpu.vector_store %arg8[%swap3A_51, %swap3A_52], %broadcast_in_dim3A_50 {strides = array<i32>} : memref<1024x320xf32, #tpu.memory_space<vmem>>, vector<1024x320xf32>,
    %broadcast_in_dim3A_54 = arith.constant 0.000000e+00 : f32
    %broadcast_in_dim3A_55 = vector.broadcast %broadcast_in_dim3A_54 : f32 to vector<1024x16xf32>
    %swap3A_56 = arith.constant 0 : index
    %swap3A_57 = arith.constant 0 : index
    %swap3A_58 = vector.load %arg9[%swap3A_56, %swap3A_57] : memref<1024x16xf32, #tpu.memory_space<vmem>>, vector<1024x16xf32>
    tpu.vector_store %arg9[%swap3A_56, %swap3A_57], %broadcast_in_dim3A_55 {strides = array<i32>} : memref<1024x16xf32, #tpu.memory_space<vmem>>, vector<1024x16xf32>,
    %scan3A = arith.constant 0 : i32
    %scan3A_59 = arith.constant 16 : i32
    %scan3A_60 = arith.addi %scan3A, %scan3A_59 : i32
    %scan3A_61 = arith.constant 1 : i32
    scf.for %scan3A_109 = %scan3A to %scan3A_60 step %scan3A_61  : i32 {
      %get3A_110 = arith.constant 0 : index
      %get3A_111 = arith.constant 0 : index
      %get3A_112 = vector.load %arg7[%get3A_110, %get3A_111] : memref<1024x1024xf32, #tpu.memory_space<vmem>>, vector<1024x1024xf32>
      %reduce_min3A_113 = arith.constant dense<0x7F800000> : vector<1024xf32>
      %reduce_min3A_114 = vector.multi_reduction <minimumf>, %get3A_112, %reduce_min3A_113 [1] : vector<1024x1024xf32> to vector<1024xf32>
      %broadcast_in_dim3A_115 = vector.shape_cast %reduce_min3A_114 : vector<1024xf32> to vector<1024x1xf32>
      %eq3A_116 = vector.broadcast %broadcast_in_dim3A_115 : vector<1024x1xf32> to vector<1024x1024xf32>
      %eq3A_117 = arith.cmpf oeq, %get3A_112, %eq3A_116 : vector<1024x1024xf32>
      %jit3A_118 = arith.constant 1.07374182E+9 : f32
      %broadcast_in_dim3A_119 = vector.broadcast %jit3A_118 : f32 to vector<1024x1024xf32>
      %select_n3A_120 = arith.select %eq3A_117, %convert_element_type3A_16, %broadcast_in_dim3A_119 : vector<1024x1024xi1>, vector<1024x1024xf32>
      %reduce_min3A_121 = arith.constant dense<0x7F800000> : vector<1024xf32>
      %reduce_min3A_122 = vector.multi_reduction <minimumf>, %select_n3A_120, %reduce_min3A_121 [1] : vector<1024x1024xf32> to vector<1024xf32>
      %broadcast_in_dim3A_123 = vector.shape_cast %reduce_min3A_122 : vector<1024xf32> to vector<1024x1xf32>
      %eq3A_124 = vector.broadcast %broadcast_in_dim3A_123 : vector<1024x1xf32> to vector<1024x1024xf32>
      %eq3A_125 = arith.cmpf oeq, %convert_element_type3A_16, %eq3A_124 : vector<1024x1024xf32>
      %convert_element_type3A_126 = arith.extui %eq3A_125 : vector<1024x1024xi1> to vector<1024x1024xi32>
      %convert_element_type3A_127 = arith.sitofp %convert_element_type3A_126 : vector<1024x1024xi32> to vector<1024x1024xf32>
      %dot_general3A_128 = arith.constant dense<0.000000e+00> : vector<1024x3xf32>
      %dot_general3A_129 = tpu.matmul %convert_element_type3A_127, %get3A_3, %dot_general3A_128 {dimension_numbers = #tpu.dot_dimension_numbers<[1], [0], [0], [1], [0, 0, 1, 1], [], []>, precision = #tpu.contract_precision<fp32>, transpose_lhs_hint = false} : vector<1024x1024xf32>, vector<1024x3xf32>, vector<1024x3xf32> -> vector<1024x3xf32>
      %sub3A = arith.subf %dot_general3A_129, %get3A_3 : vector<1024x3xf32>
      %mul3A_130 = arith.mulf %sub3A, %sub3A : vector<1024x3xf32>
      %reduce_sum3A_131 = arith.constant dense<0.000000e+00> : vector<1024xf32>
      %reduce_sum3A_132 = vector.multi_reduction <add>, %mul3A_130, %reduce_sum3A_131 [1] : vector<1024x3xf32> to vector<1024xf32>
      %broadcast_in_dim3A_133 = vector.shape_cast %reduce_sum3A_132 : vector<1024xf32> to vector<1024x1xf32>
      %sqrt3A_134 = math.sqrt %broadcast_in_dim3A_133 : vector<1024x1xf32>
      %max3A_135 = arith.constant 9.99999996E-13 : f32
      %max3A_136 = vector.broadcast %max3A_135 : f32 to vector<1024x1xf32>
      %max3A_137 = arith.maximumf %sqrt3A_134, %max3A_136 : vector<1024x1xf32>
      %div3A_138 = vector.broadcast %max3A_137 : vector<1024x1xf32> to vector<1024x3xf32>
      %div3A_139 = arith.divf %sub3A, %div3A_138 : vector<1024x3xf32>
      %swap3A_140 = arith.constant 0 : index
      %swap3A_141 = arith.index_cast %scan3A_109 : i32 to index
      %swap3A_142 = arith.constant 0 : index
      %swap3A_143 = arith.constant 0 : index
      %swap3A_144 = vector.load %arg5[%swap3A_140, %swap3A_141, %swap3A_142, %swap3A_143] : memref<1x16x1024x3xf32, #tpu.memory_space<vmem>>, vector<1x1x1024x3xf32>
      %swap3A_145 = vector.shape_cast %swap3A_144 : vector<1x1x1024x3xf32> to vector<1024x3xf32>
      %swap3A_146 = vector.shape_cast %div3A_139 : vector<1024x3xf32> to vector<1x1x1024x3xf32>
      tpu.vector_store %arg5[%swap3A_140, %swap3A_141, %swap3A_142, %swap3A_143], %swap3A_146 {strides = array<i32>} : memref<1x16x1024x3xf32, #tpu.memory_space<vmem>>, vector<1x1x1024x3xf32>,
      %dot_general3A_147 = arith.constant dense<0.000000e+00> : vector<1024x320xf32>
      %dot_general3A_148 = tpu.matmul %div3A_139, %div3A_28, %dot_general3A_147 {dimension_numbers = #tpu.dot_dimension_numbers<[1], [0], [0], [1], [0, 0, 1, 1], [], []>, transpose_lhs_hint = false} : vector<1024x3xf32>, vector<3x320xf32>, vector<1024x320xf32> -> vector<1024x320xf32>
      %max3A_149 = arith.constant 0.000000e+00 : f32
      %max3A_150 = vector.broadcast %max3A_149 : f32 to vector<1024x320xf32>
      %max3A_151 = arith.maximumf %dot_general3A_148, %max3A_150 : vector<1024x320xf32>
      %get3A_152 = arith.constant 0 : index
      %get3A_153 = arith.constant 0 : index
      %get3A_154 = vector.load %arg8[%get3A_152, %get3A_153] : memref<1024x320xf32, #tpu.memory_space<vmem>>, vector<1024x320xf32>
      %max3A_155 = arith.maximumf %get3A_154, %max3A_151 : vector<1024x320xf32>
      %swap3A_156 = arith.constant 0 : index
      %swap3A_157 = arith.constant 0 : index
      %swap3A_158 = vector.load %arg8[%swap3A_156, %swap3A_157] : memref<1024x320xf32, #tpu.memory_space<vmem>>, vector<1024x320xf32>
      tpu.vector_store %arg8[%swap3A_156, %swap3A_157], %max3A_155 {strides = array<i32>} : memref<1024x320xf32, #tpu.memory_space<vmem>>, vector<1024x320xf32>,
      %get3A_159 = arith.constant 0 : index
      %get3A_160 = arith.constant 0 : index
      %get3A_161 = vector.load %arg9[%get3A_159, %get3A_160] : memref<1024x16xf32, #tpu.memory_space<vmem>>, vector<1024x16xf32>
      %convert_element_type3A_162 = arith.sitofp %scan3A_109 : i32 to f32
      %eq3A_163 = vector.broadcast %convert_element_type3A_162 : f32 to vector<1024x16xf32>
      %eq3A_164 = arith.cmpf oeq, %convert_element_type3A_18, %eq3A_163 : vector<1024x16xf32>
      %jit3A_165 = arith.constant 0.000000e+00 : f32
      %broadcast_in_dim3A_166 = vector.shape_cast %broadcast_in_dim3A_123 : vector<1024x1xf32> to vector<1024x1xf32>
      %broadcast_in_dim3A_167 = vector.broadcast %broadcast_in_dim3A_166 : vector<1024x1xf32> to vector<1024x16xf32>
      %broadcast_in_dim3A_168 = vector.broadcast %jit3A_165 : f32 to vector<1024x16xf32>
      %select_n3A_169 = arith.select %eq3A_164, %broadcast_in_dim3A_167, %broadcast_in_dim3A_168 : vector<1024x16xi1>, vector<1024x16xf32>
      %add3A_170 = arith.addf %get3A_161, %select_n3A_169 : vector<1024x16xf32>
      %swap3A_171 = arith.constant 0 : index
      %swap3A_172 = arith.constant 0 : index
      %swap3A_173 = vector.load %arg9[%swap3A_171, %swap3A_172] : memref<1024x16xf32, #tpu.memory_space<vmem>>, vector<1024x16xf32>
      tpu.vector_store %arg9[%swap3A_171, %swap3A_172], %add3A_170 {strides = array<i32>} : memref<1024x16xf32, #tpu.memory_space<vmem>>, vector<1024x16xf32>,
      %jit3A_174 = arith.constant 0x7F800000 : f32
      %broadcast_in_dim3A_175 = vector.broadcast %jit3A_174 : f32 to vector<1024x1024xf32>
      %select_n3A_176 = arith.select %eq3A_125, %broadcast_in_dim3A_175, %get3A_112 : vector<1024x1024xi1>, vector<1024x1024xf32>
      %swap3A_177 = arith.constant 0 : index
      %swap3A_178 = arith.constant 0 : index
      %swap3A_179 = vector.load %arg7[%swap3A_177, %swap3A_178] : memref<1024x1024xf32, #tpu.memory_space<vmem>>, vector<1024x1024xf32>
      tpu.vector_store %arg7[%swap3A_177, %swap3A_178], %select_n3A_176 {strides = array<i32>} : memref<1024x1024xf32, #tpu.memory_space<vmem>>, vector<1024x1024xf32>,
    }
    %scan3A_62 = arith.constant 16 : i32
    %get3A_63 = arith.constant 0 : index
    %get3A_64 = arith.constant 0 : index
    %get3A_65 = vector.load %arg9[%get3A_63, %get3A_64] : memref<1024x16xf32, #tpu.memory_space<vmem>>, vector<1024x16xf32>
    %convert_element_type3A_66 = arith.fptosi %get3A_65 : vector<1024x16xf32> to vector<1024x16xi32>
    %mul3A_67 = arith.constant 1024 : i32
    %mul3A_68 = arith.muli %mul3A_67, %arg0 : i32
    %add3A_69 = vector.broadcast %mul3A_68 : i32 to vector<1024x16xi32>
    %add3A_70 = arith.addi %convert_element_type3A_66, %add3A_69 : vector<1024x16xi32>
    %swap3A_71 = arith.constant 0 : index
    %swap3A_72 = arith.constant 0 : index
    %swap3A_73 = arith.constant 0 : index
    %swap3A_74 = vector.load %arg4[%swap3A_71, %swap3A_72, %swap3A_73] : memref<1x1024x16xi32, #tpu.memory_space<vmem>>, vector<1x1024x16xi32>
    %swap3A_75 = vector.shape_cast %swap3A_74 : vector<1x1024x16xi32> to vector<1024x16xi32>
    %swap3A_76 = vector.shape_cast %add3A_70 : vector<1024x16xi32> to vector<1x1024x16xi32>
    tpu.vector_store %arg4[%swap3A_71, %swap3A_72, %swap3A_73], %swap3A_76 {strides = array<i32>} : memref<1x1024x16xi32, #tpu.memory_space<vmem>>, vector<1x1024x16xi32>,
    %get3A_77 = arith.constant 0 : index
    %get3A_78 = arith.constant 0 : index
    %get3A_79 = vector.load %arg8[%get3A_77, %get3A_78] : memref<1024x320xf32, #tpu.memory_space<vmem>>, vector<1024x320xf32>
    %slice3A = vector.extract_strided_slice %get3A_79 {offsets = [0, 0], sizes = [1024, 32], strides = [1, 1]} : vector<1024x320xf32> to vector<1024x32xf32>
    %slice3A_80 = vector.extract_strided_slice %get3A_79 {offsets = [0, 32], sizes = [1024, 32], strides = [1, 1]} : vector<1024x320xf32> to vector<1024x32xf32>
    %add3A_81 = arith.addf %slice3A, %slice3A_80 : vector<1024x32xf32>
    %slice3A_82 = vector.extract_strided_slice %get3A_79 {offsets = [0, 64], sizes = [1024, 32], strides = [1, 1]} : vector<1024x320xf32> to vector<1024x32xf32>
    %add3A_83 = arith.addf %add3A_81, %slice3A_82 : vector<1024x32xf32>
    %slice3A_84 = vector.extract_strided_slice %get3A_79 {offsets = [0, 96], sizes = [1024, 32], strides = [1, 1]} : vector<1024x320xf32> to vector<1024x32xf32>
    %add3A_85 = arith.addf %add3A_83, %slice3A_84 : vector<1024x32xf32>
    %slice3A_86 = vector.extract_strided_slice %get3A_79 {offsets = [0, 128], sizes = [1024, 32], strides = [1, 1]} : vector<1024x320xf32> to vector<1024x32xf32>
    %add3A_87 = arith.addf %add3A_85, %slice3A_86 : vector<1024x32xf32>
    %slice3A_88 = vector.extract_strided_slice %get3A_79 {offsets = [0, 160], sizes = [1024, 32], strides = [1, 1]} : vector<1024x320xf32> to vector<1024x32xf32>
    %add3A_89 = arith.addf %add3A_87, %slice3A_88 : vector<1024x32xf32>
    %slice3A_90 = vector.extract_strided_slice %get3A_79 {offsets = [0, 192], sizes = [1024, 32], strides = [1, 1]} : vector<1024x320xf32> to vector<1024x32xf32>
    %add3A_91 = arith.addf %add3A_89, %slice3A_90 : vector<1024x32xf32>
    %slice3A_92 = vector.extract_strided_slice %get3A_79 {offsets = [0, 224], sizes = [1024, 32], strides = [1, 1]} : vector<1024x320xf32> to vector<1024x32xf32>
    %add3A_93 = arith.addf %add3A_91, %slice3A_92 : vector<1024x32xf32>
    %slice3A_94 = vector.extract_strided_slice %get3A_79 {offsets = [0, 256], sizes = [1024, 32], strides = [1, 1]} : vector<1024x320xf32> to vector<1024x32xf32>
    %add3A_95 = arith.addf %add3A_93, %slice3A_94 : vector<1024x32xf32>
    %slice3A_96 = vector.extract_strided_slice %get3A_79 {offsets = [0, 288], sizes = [1024, 32], strides = [1, 1]} : vector<1024x320xf32> to vector<1024x32xf32>
    %add3A_97 = arith.addf %add3A_95, %slice3A_96 : vector<1024x32xf32>
    %max3A_98 = arith.constant 0.000000e+00 : f32
    %max3A_99 = vector.broadcast %max3A_98 : f32 to vector<1024x32xf32>
    %max3A_100 = arith.maximumf %add3A_97, %max3A_99 : vector<1024x32xf32>
    %broadcast_in_dim3A_101 = arith.constant 0.000000e+00 : f32
    %broadcast_in_dim3A_102 = vector.broadcast %broadcast_in_dim3A_101 : f32 to vector<1024x96xf32>
    %concatenate3A = tpu.concatenate %max3A_100, %broadcast_in_dim3A_102 in 1 : vector<1024x32xf32>, vector<1024x96xf32> -> vector<1024x128xf32>
    %swap3A_103 = arith.constant 0 : index
    %swap3A_104 = arith.constant 0 : index
    %swap3A_105 = arith.constant 0 : index
    %swap3A_106 = vector.load %arg6[%swap3A_103, %swap3A_104, %swap3A_105] : memref<1x1024x128xf32, #tpu.memory_space<vmem>>, vector<1x1024x128xf32>
    %swap3A_107 = vector.shape_cast %swap3A_106 : vector<1x1024x128xf32> to vector<1024x128xf32>
    %swap3A_108 = vector.shape_cast %concatenate3A : vector<1024x128xf32> to vector<1x1024x128xf32>
    tpu.vector_store %arg6[%swap3A_103, %swap3A_104, %swap3A_105], %swap3A_108 {strides = array<i32>} : memref<1x1024x128xf32, #tpu.memory_space<vmem>>, vector<1x1024x128xf32>,
    return
  }
  func.func @transform_0(%arg0: i32) -> (i32, i32, i32) {
    %c0_i32 = arith.constant 0 : i32
    %c0_i32_0 = arith.constant 0 : i32
    %c0_i32_1 = arith.constant 0 : i32
    return %arg0, %c0_i32, %c0_i32_0 : i32, i32, i32
  }
  func.func @transform_1(%arg0: i32) -> (i32, i32, i32) {
    %c0_i32 = arith.constant 0 : i32
    %c0_i32_0 = arith.constant 0 : i32
    %c0_i32_1 = arith.constant 0 : i32
    return %arg0, %c0_i32, %c0_i32_0 : i32, i32, i32
  }
  func.func @transform_2(%arg0: i32) -> (i32, i32) {
    %c0_i32 = arith.constant 0 : i32
    %c0_i32_0 = arith.constant 0 : i32
    %c0_i32_1 = arith.constant 0 : i32
    return %c0_i32, %c0_i32_0 : i32, i32
  }
  func.func @transform_3(%arg0: i32) -> (i32, i32, i32) {
    %c0_i32 = arith.constant 0 : i32
    %c0_i32_0 = arith.constant 0 : i32
    %c0_i32_1 = arith.constant 0 : i32
    return %arg0, %c0_i32, %c0_i32_0 : i32, i32, i32
  }
  func.func @transform_4(%arg0: i32) -> (i32, i32, i32, i32) {
    %c0_i32 = arith.constant 0 : i32
    %c0_i32_0 = arith.constant 0 : i32
    %c0_i32_1 = arith.constant 0 : i32
    %c0_i32_2 = arith.constant 0 : i32
    return %arg0, %c0_i32, %c0_i32_0, %c0_i32_1 : i32, i32, i32, i32
  }
  func.func @transform_5(%arg0: i32) -> (i32, i32, i32) {
    %c0_i32 = arith.constant 0 : i32
    %c0_i32_0 = arith.constant 0 : i32
    %c0_i32_1 = arith.constant 0 : i32
    return %arg0, %c0_i32, %c0_i32_0 : i32, i32, i32
  }
}

module attributes {stable_mosaic.version = 14 : i64} {
  func.func @_stage1_body(%arg0: i32, %arg1: memref<1x128x3xf32, #tpu.memory_space<vmem>>, %arg2: memref<1x3x128xf32, #tpu.memory_space<vmem>>, %arg3: memref<3x320xf32, #tpu.memory_space<vmem>>, %arg4: memref<32x704xf32, #tpu.memory_space<vmem>>, %arg5: memref<1x704xf32, #tpu.memory_space<vmem>>, %arg6: memref<3x640xf32, #tpu.memory_space<vmem>>, %arg7: memref<64x3xf32, #tpu.memory_space<vmem>>, %arg8: memref<128x64x512xf32, #tpu.memory_space<vmem>>, %arg9: memref<64x640xf32, #tpu.memory_space<vmem>>, %arg10: memref<640x3xf32, #tpu.memory_space<vmem>>, %arg11: memref<8x3xf32, #tpu.memory_space<vmem>>, %arg12: memref<1x128x8x3xf32, #tpu.memory_space<vmem>>) attributes {dimension_semantics = [#tpu.dimension_semantics<arbitrary>], iteration_bounds = array<i64: 2>, scalar_prefetch = 0 : i64, scratch_operands = 0 : i64, tpu.core_type = #tpu.core_type<tc>, window_params = [{transform_indices = @transform_0, window_bounds = array<i64: 1, 128, 3>}, {transform_indices = @transform_1, window_bounds = array<i64: 1, 3, 128>}, {pipeline_mode = #tpu.pipeline_mode<synchronous>, transform_indices = @transform_2, window_bounds = array<i64: 3, 320>}, {pipeline_mode = #tpu.pipeline_mode<synchronous>, transform_indices = @transform_3, window_bounds = array<i64: 32, 704>}, {pipeline_mode = #tpu.pipeline_mode<synchronous>, transform_indices = @transform_4, window_bounds = array<i64: 1, 704>}, {pipeline_mode = #tpu.pipeline_mode<synchronous>, transform_indices = @transform_5, window_bounds = array<i64: 3, 640>}, {pipeline_mode = #tpu.pipeline_mode<synchronous>, transform_indices = @transform_6, window_bounds = array<i64: 64, 3>}, {pipeline_mode = #tpu.pipeline_mode<synchronous>, transform_indices = @transform_7, window_bounds = array<i64: 128, 64, 512>}, {pipeline_mode = #tpu.pipeline_mode<synchronous>, transform_indices = @transform_8, window_bounds = array<i64: 64, 640>}, {pipeline_mode = #tpu.pipeline_mode<synchronous>, transform_indices = @transform_9, window_bounds = array<i64: 640, 3>}, {pipeline_mode = #tpu.pipeline_mode<synchronous>, transform_indices = @transform_10, window_bounds = array<i64: 8, 3>}, {transform_indices = @transform_11, window_bounds = array<i64: 1, 128, 8, 3>}]} {
    %get3A = arith.constant 0 : index
    %get3A_0 = arith.constant 0 : index
    %get3A_1 = arith.constant 0 : index
    %get3A_2 = vector.load %arg1[%get3A, %get3A_0, %get3A_1] : memref<1x128x3xf32, #tpu.memory_space<vmem>>, vector<1x128x3xf32>
    %get3A_3 = vector.shape_cast %get3A_2 : vector<1x128x3xf32> to vector<128x3xf32>
    %get3A_4 = arith.constant 0 : index
    %get3A_5 = arith.constant 0 : index
    %get3A_6 = arith.constant 0 : index
    %get3A_7 = vector.load %arg2[%get3A_4, %get3A_5, %get3A_6] : memref<1x3x128xf32, #tpu.memory_space<vmem>>, vector<1x3x128xf32>
    %get3A_8 = vector.shape_cast %get3A_7 : vector<1x3x128xf32> to vector<3x128xf32>
    %convert_element_type3A = arith.truncf %get3A_3 : vector<128x3xf32> to vector<128x3xbf16>
    %convert_element_type3A_9 = arith.truncf %get3A_8 : vector<3x128xf32> to vector<3x128xbf16>
    %dot_general3A = arith.constant dense<0.000000e+00> : vector<128x128xf32>
    %dot_general3A_10 = tpu.matmul %convert_element_type3A, %convert_element_type3A_9, %dot_general3A {dimension_numbers = #tpu.dot_dimension_numbers<[1], [0], [0], [1], [0, 0, 1, 1], [], []>, transpose_lhs_hint = false} : vector<128x3xbf16>, vector<3x128xbf16>, vector<128x128xf32> -> vector<128x128xf32>
    %mul3A = arith.mulf %get3A_3, %get3A_3 : vector<128x3xf32>
    %reduce_sum3A = arith.constant dense<0.000000e+00> : vector<128xf32>
    %reduce_sum3A_11 = vector.multi_reduction <add>, %mul3A, %reduce_sum3A [1] : vector<128x3xf32> to vector<128xf32>
    %broadcast_in_dim3A = vector.shape_cast %reduce_sum3A_11 : vector<128xf32> to vector<128x1xf32>
    %mul3A_12 = arith.mulf %get3A_8, %get3A_8 : vector<3x128xf32>
    %reduce_sum3A_13 = arith.constant dense<0.000000e+00> : vector<128xf32>
    %reduce_sum3A_14 = vector.multi_reduction <add>, %mul3A_12, %reduce_sum3A_13 [0] : vector<3x128xf32> to vector<128xf32>
    %broadcast_in_dim3A_15 = vector.shape_cast %reduce_sum3A_14 : vector<128xf32> to vector<1x128xf32>
    %mul3A_16 = arith.constant -2.000000e+00 : f32
    %mul3A_17 = vector.broadcast %mul3A_16 : f32 to vector<128x128xf32>
    %mul3A_18 = arith.mulf %mul3A_17, %dot_general3A_10 : vector<128x128xf32>
    %add3A = vector.broadcast %broadcast_in_dim3A_15 : vector<1x128xf32> to vector<128x128xf32>
    %add3A_19 = arith.addf %mul3A_18, %add3A : vector<128x128xf32>
    %add3A_20 = vector.broadcast %broadcast_in_dim3A : vector<128x1xf32> to vector<128x128xf32>
    %add3A_21 = arith.addf %add3A_19, %add3A_20 : vector<128x128xf32>
    %iota3A = tpu.iota {dimensions = array<i32: 1>} : vector<128x128xi32>
    %convert_element_type3A_22 = arith.sitofp %iota3A : vector<128x128xi32> to vector<128x128xf32>
    %reduce_min3A = arith.constant dense<0x7F800000> : vector<128xf32>
    %reduce_min3A_23 = vector.multi_reduction <minimumf>, %add3A_21, %reduce_min3A [1] : vector<128x128xf32> to vector<128xf32>
    %broadcast_in_dim3A_24 = vector.shape_cast %reduce_min3A_23 : vector<128xf32> to vector<128x1xf32>
    %eq3A = vector.broadcast %broadcast_in_dim3A_24 : vector<128x1xf32> to vector<128x128xf32>
    %eq3A_25 = arith.cmpf oeq, %add3A_21, %eq3A : vector<128x128xf32>
    %jit3A = arith.constant 1.07374182E+9 : f32
    %broadcast_in_dim3A_26 = vector.broadcast %jit3A : f32 to vector<128x128xf32>
    %select_n3A = arith.select %eq3A_25, %convert_element_type3A_22, %broadcast_in_dim3A_26 : vector<128x128xi1>, vector<128x128xf32>
    %reduce_min3A_27 = arith.constant dense<0x7F800000> : vector<128xf32>
    %reduce_min3A_28 = vector.multi_reduction <minimumf>, %select_n3A, %reduce_min3A_27 [1] : vector<128x128xf32> to vector<128xf32>
    %broadcast_in_dim3A_29 = vector.shape_cast %reduce_min3A_28 : vector<128xf32> to vector<128x1xf32>
    %eq3A_30 = vector.broadcast %broadcast_in_dim3A_29 : vector<128x1xf32> to vector<128x128xf32>
    %eq3A_31 = arith.cmpf oeq, %convert_element_type3A_22, %eq3A_30 : vector<128x128xf32>
    %jit3A_32 = arith.constant 0x7F800000 : f32
    %broadcast_in_dim3A_33 = vector.broadcast %jit3A_32 : f32 to vector<128x128xf32>
    %select_n3A_34 = arith.select %eq3A_31, %broadcast_in_dim3A_33, %add3A_21 : vector<128x128xi1>, vector<128x128xf32>
    %reduce_min3A_35 = arith.constant dense<0x7F800000> : vector<128xf32>
    %reduce_min3A_36 = vector.multi_reduction <minimumf>, %select_n3A_34, %reduce_min3A_35 [1] : vector<128x128xf32> to vector<128xf32>
    %broadcast_in_dim3A_37 = vector.shape_cast %reduce_min3A_36 : vector<128xf32> to vector<128x1xf32>
    %eq3A_38 = vector.broadcast %broadcast_in_dim3A_37 : vector<128x1xf32> to vector<128x128xf32>
    %eq3A_39 = arith.cmpf oeq, %select_n3A_34, %eq3A_38 : vector<128x128xf32>
    %jit3A_40 = arith.constant 1.07374182E+9 : f32
    %broadcast_in_dim3A_41 = vector.broadcast %jit3A_40 : f32 to vector<128x128xf32>
    %select_n3A_42 = arith.select %eq3A_39, %convert_element_type3A_22, %broadcast_in_dim3A_41 : vector<128x128xi1>, vector<128x128xf32>
    %reduce_min3A_43 = arith.constant dense<0x7F800000> : vector<128xf32>
    %reduce_min3A_44 = vector.multi_reduction <minimumf>, %select_n3A_42, %reduce_min3A_43 [1] : vector<128x128xf32> to vector<128xf32>
    %broadcast_in_dim3A_45 = vector.shape_cast %reduce_min3A_44 : vector<128xf32> to vector<128x1xf32>
    %eq3A_46 = vector.broadcast %broadcast_in_dim3A_45 : vector<128x1xf32> to vector<128x128xf32>
    %eq3A_47 = arith.cmpf oeq, %convert_element_type3A_22, %eq3A_46 : vector<128x128xf32>
    %convert_element_type3A_48 = arith.extui %eq3A_47 : vector<128x128xi1> to vector<128x128xi32>
    %convert_element_type3A_49 = arith.sitofp %convert_element_type3A_48 : vector<128x128xi32> to vector<128x128xf32>
    %jit3A_50 = arith.constant 0x7F800000 : f32
    %broadcast_in_dim3A_51 = vector.broadcast %jit3A_50 : f32 to vector<128x128xf32>
    %select_n3A_52 = arith.select %eq3A_47, %broadcast_in_dim3A_51, %select_n3A_34 : vector<128x128xi1>, vector<128x128xf32>
    %reduce_min3A_53 = arith.constant dense<0x7F800000> : vector<128xf32>
    %reduce_min3A_54 = vector.multi_reduction <minimumf>, %select_n3A_52, %reduce_min3A_53 [1] : vector<128x128xf32> to vector<128xf32>
    %broadcast_in_dim3A_55 = vector.shape_cast %reduce_min3A_54 : vector<128xf32> to vector<128x1xf32>
    %eq3A_56 = vector.broadcast %broadcast_in_dim3A_55 : vector<128x1xf32> to vector<128x128xf32>
    %eq3A_57 = arith.cmpf oeq, %select_n3A_52, %eq3A_56 : vector<128x128xf32>
    %jit3A_58 = arith.constant 1.07374182E+9 : f32
    %broadcast_in_dim3A_59 = vector.broadcast %jit3A_58 : f32 to vector<128x128xf32>
    %select_n3A_60 = arith.select %eq3A_57, %convert_element_type3A_22, %broadcast_in_dim3A_59 : vector<128x128xi1>, vector<128x128xf32>
    %reduce_min3A_61 = arith.constant dense<0x7F800000> : vector<128xf32>
    %reduce_min3A_62 = vector.multi_reduction <minimumf>, %select_n3A_60, %reduce_min3A_61 [1] : vector<128x128xf32> to vector<128xf32>
    %broadcast_in_dim3A_63 = vector.shape_cast %reduce_min3A_62 : vector<128xf32> to vector<128x1xf32>
    %eq3A_64 = vector.broadcast %broadcast_in_dim3A_63 : vector<128x1xf32> to vector<128x128xf32>
    %eq3A_65 = arith.cmpf oeq, %convert_element_type3A_22, %eq3A_64 : vector<128x128xf32>
    %convert_element_type3A_66 = arith.extui %eq3A_65 : vector<128x128xi1> to vector<128x128xi32>
    %convert_element_type3A_67 = arith.sitofp %convert_element_type3A_66 : vector<128x128xi32> to vector<128x128xf32>
    %jit3A_68 = arith.constant 0x7F800000 : f32
    %broadcast_in_dim3A_69 = vector.broadcast %jit3A_68 : f32 to vector<128x128xf32>
    %select_n3A_70 = arith.select %eq3A_65, %broadcast_in_dim3A_69, %select_n3A_52 : vector<128x128xi1>, vector<128x128xf32>
    %reduce_min3A_71 = arith.constant dense<0x7F800000> : vector<128xf32>
    %reduce_min3A_72 = vector.multi_reduction <minimumf>, %select_n3A_70, %reduce_min3A_71 [1] : vector<128x128xf32> to vector<128xf32>
    %broadcast_in_dim3A_73 = vector.shape_cast %reduce_min3A_72 : vector<128xf32> to vector<128x1xf32>
    %eq3A_74 = vector.broadcast %broadcast_in_dim3A_73 : vector<128x1xf32> to vector<128x128xf32>
    %eq3A_75 = arith.cmpf oeq, %select_n3A_70, %eq3A_74 : vector<128x128xf32>
    %jit3A_76 = arith.constant 1.07374182E+9 : f32
    %broadcast_in_dim3A_77 = vector.broadcast %jit3A_76 : f32 to vector<128x128xf32>
    %select_n3A_78 = arith.select %eq3A_75, %convert_element_type3A_22, %broadcast_in_dim3A_77 : vector<128x128xi1>, vector<128x128xf32>
    %reduce_min3A_79 = arith.constant dense<0x7F800000> : vector<128xf32>
    %reduce_min3A_80 = vector.multi_reduction <minimumf>, %select_n3A_78, %reduce_min3A_79 [1] : vector<128x128xf32> to vector<128xf32>
    %broadcast_in_dim3A_81 = vector.shape_cast %reduce_min3A_80 : vector<128xf32> to vector<128x1xf32>
    %eq3A_82 = vector.broadcast %broadcast_in_dim3A_81 : vector<128x1xf32> to vector<128x128xf32>
    %eq3A_83 = arith.cmpf oeq, %convert_element_type3A_22, %eq3A_82 : vector<128x128xf32>
    %convert_element_type3A_84 = arith.extui %eq3A_83 : vector<128x128xi1> to vector<128x128xi32>
    %convert_element_type3A_85 = arith.sitofp %convert_element_type3A_84 : vector<128x128xi32> to vector<128x128xf32>
    %jit3A_86 = arith.constant 0x7F800000 : f32
    %broadcast_in_dim3A_87 = vector.broadcast %jit3A_86 : f32 to vector<128x128xf32>
    %select_n3A_88 = arith.select %eq3A_83, %broadcast_in_dim3A_87, %select_n3A_70 : vector<128x128xi1>, vector<128x128xf32>
    %reduce_min3A_89 = arith.constant dense<0x7F800000> : vector<128xf32>
    %reduce_min3A_90 = vector.multi_reduction <minimumf>, %select_n3A_88, %reduce_min3A_89 [1] : vector<128x128xf32> to vector<128xf32>
    %broadcast_in_dim3A_91 = vector.shape_cast %reduce_min3A_90 : vector<128xf32> to vector<128x1xf32>
    %eq3A_92 = vector.broadcast %broadcast_in_dim3A_91 : vector<128x1xf32> to vector<128x128xf32>
    %eq3A_93 = arith.cmpf oeq, %select_n3A_88, %eq3A_92 : vector<128x128xf32>
    %jit3A_94 = arith.constant 1.07374182E+9 : f32
    %broadcast_in_dim3A_95 = vector.broadcast %jit3A_94 : f32 to vector<128x128xf32>
    %select_n3A_96 = arith.select %eq3A_93, %convert_element_type3A_22, %broadcast_in_dim3A_95 : vector<128x128xi1>, vector<128x128xf32>
    %reduce_min3A_97 = arith.constant dense<0x7F800000> : vector<128xf32>
    %reduce_min3A_98 = vector.multi_reduction <minimumf>, %select_n3A_96, %reduce_min3A_97 [1] : vector<128x128xf32> to vector<128xf32>
    %broadcast_in_dim3A_99 = vector.shape_cast %reduce_min3A_98 : vector<128xf32> to vector<128x1xf32>
    %eq3A_100 = vector.broadcast %broadcast_in_dim3A_99 : vector<128x1xf32> to vector<128x128xf32>
    %eq3A_101 = arith.cmpf oeq, %convert_element_type3A_22, %eq3A_100 : vector<128x128xf32>
    %convert_element_type3A_102 = arith.extui %eq3A_101 : vector<128x128xi1> to vector<128x128xi32>
    %convert_element_type3A_103 = arith.sitofp %convert_element_type3A_102 : vector<128x128xi32> to vector<128x128xf32>
    %jit3A_104 = arith.constant 0x7F800000 : f32
    %broadcast_in_dim3A_105 = vector.broadcast %jit3A_104 : f32 to vector<128x128xf32>
    %select_n3A_106 = arith.select %eq3A_101, %broadcast_in_dim3A_105, %select_n3A_88 : vector<128x128xi1>, vector<128x128xf32>
    %reduce_min3A_107 = arith.constant dense<0x7F800000> : vector<128xf32>
    %reduce_min3A_108 = vector.multi_reduction <minimumf>, %select_n3A_106, %reduce_min3A_107 [1] : vector<128x128xf32> to vector<128xf32>
    %broadcast_in_dim3A_109 = vector.shape_cast %reduce_min3A_108 : vector<128xf32> to vector<128x1xf32>
    %eq3A_110 = vector.broadcast %broadcast_in_dim3A_109 : vector<128x1xf32> to vector<128x128xf32>
    %eq3A_111 = arith.cmpf oeq, %select_n3A_106, %eq3A_110 : vector<128x128xf32>
    %jit3A_112 = arith.constant 1.07374182E+9 : f32
    %broadcast_in_dim3A_113 = vector.broadcast %jit3A_112 : f32 to vector<128x128xf32>
    %select_n3A_114 = arith.select %eq3A_111, %convert_element_type3A_22, %broadcast_in_dim3A_113 : vector<128x128xi1>, vector<128x128xf32>
    %reduce_min3A_115 = arith.constant dense<0x7F800000> : vector<128xf32>
    %reduce_min3A_116 = vector.multi_reduction <minimumf>, %select_n3A_114, %reduce_min3A_115 [1] : vector<128x128xf32> to vector<128xf32>
    %broadcast_in_dim3A_117 = vector.shape_cast %reduce_min3A_116 : vector<128xf32> to vector<128x1xf32>
    %eq3A_118 = vector.broadcast %broadcast_in_dim3A_117 : vector<128x1xf32> to vector<128x128xf32>
    %eq3A_119 = arith.cmpf oeq, %convert_element_type3A_22, %eq3A_118 : vector<128x128xf32>
    %convert_element_type3A_120 = arith.extui %eq3A_119 : vector<128x128xi1> to vector<128x128xi32>
    %convert_element_type3A_121 = arith.sitofp %convert_element_type3A_120 : vector<128x128xi32> to vector<128x128xf32>
    %jit3A_122 = arith.constant 0x7F800000 : f32
    %broadcast_in_dim3A_123 = vector.broadcast %jit3A_122 : f32 to vector<128x128xf32>
    %select_n3A_124 = arith.select %eq3A_119, %broadcast_in_dim3A_123, %select_n3A_106 : vector<128x128xi1>, vector<128x128xf32>
    %reduce_min3A_125 = arith.constant dense<0x7F800000> : vector<128xf32>
    %reduce_min3A_126 = vector.multi_reduction <minimumf>, %select_n3A_124, %reduce_min3A_125 [1] : vector<128x128xf32> to vector<128xf32>
    %broadcast_in_dim3A_127 = vector.shape_cast %reduce_min3A_126 : vector<128xf32> to vector<128x1xf32>
    %eq3A_128 = vector.broadcast %broadcast_in_dim3A_127 : vector<128x1xf32> to vector<128x128xf32>
    %eq3A_129 = arith.cmpf oeq, %select_n3A_124, %eq3A_128 : vector<128x128xf32>
    %jit3A_130 = arith.constant 1.07374182E+9 : f32
    %broadcast_in_dim3A_131 = vector.broadcast %jit3A_130 : f32 to vector<128x128xf32>
    %select_n3A_132 = arith.select %eq3A_129, %convert_element_type3A_22, %broadcast_in_dim3A_131 : vector<128x128xi1>, vector<128x128xf32>
    %reduce_min3A_133 = arith.constant dense<0x7F800000> : vector<128xf32>
    %reduce_min3A_134 = vector.multi_reduction <minimumf>, %select_n3A_132, %reduce_min3A_133 [1] : vector<128x128xf32> to vector<128xf32>
    %broadcast_in_dim3A_135 = vector.shape_cast %reduce_min3A_134 : vector<128xf32> to vector<128x1xf32>
    %eq3A_136 = vector.broadcast %broadcast_in_dim3A_135 : vector<128x1xf32> to vector<128x128xf32>
    %eq3A_137 = arith.cmpf oeq, %convert_element_type3A_22, %eq3A_136 : vector<128x128xf32>
    %convert_element_type3A_138 = arith.extui %eq3A_137 : vector<128x128xi1> to vector<128x128xi32>
    %convert_element_type3A_139 = arith.sitofp %convert_element_type3A_138 : vector<128x128xi32> to vector<128x128xf32>
    %jit3A_140 = arith.constant 0x7F800000 : f32
    %broadcast_in_dim3A_141 = vector.broadcast %jit3A_140 : f32 to vector<128x128xf32>
    %select_n3A_142 = arith.select %eq3A_137, %broadcast_in_dim3A_141, %select_n3A_124 : vector<128x128xi1>, vector<128x128xf32>
    %reduce_min3A_143 = arith.constant dense<0x7F800000> : vector<128xf32>
    %reduce_min3A_144 = vector.multi_reduction <minimumf>, %select_n3A_142, %reduce_min3A_143 [1] : vector<128x128xf32> to vector<128xf32>
    %broadcast_in_dim3A_145 = vector.shape_cast %reduce_min3A_144 : vector<128xf32> to vector<128x1xf32>
    %eq3A_146 = vector.broadcast %broadcast_in_dim3A_145 : vector<128x1xf32> to vector<128x128xf32>
    %eq3A_147 = arith.cmpf oeq, %select_n3A_142, %eq3A_146 : vector<128x128xf32>
    %jit3A_148 = arith.constant 1.07374182E+9 : f32
    %broadcast_in_dim3A_149 = vector.broadcast %jit3A_148 : f32 to vector<128x128xf32>
    %select_n3A_150 = arith.select %eq3A_147, %convert_element_type3A_22, %broadcast_in_dim3A_149 : vector<128x128xi1>, vector<128x128xf32>
    %reduce_min3A_151 = arith.constant dense<0x7F800000> : vector<128xf32>
    %reduce_min3A_152 = vector.multi_reduction <minimumf>, %select_n3A_150, %reduce_min3A_151 [1] : vector<128x128xf32> to vector<128xf32>
    %broadcast_in_dim3A_153 = vector.shape_cast %reduce_min3A_152 : vector<128xf32> to vector<128x1xf32>
    %eq3A_154 = vector.broadcast %broadcast_in_dim3A_153 : vector<128x1xf32> to vector<128x128xf32>
    %eq3A_155 = arith.cmpf oeq, %convert_element_type3A_22, %eq3A_154 : vector<128x128xf32>
    %convert_element_type3A_156 = arith.extui %eq3A_155 : vector<128x128xi1> to vector<128x128xi32>
    %convert_element_type3A_157 = arith.sitofp %convert_element_type3A_156 : vector<128x128xi32> to vector<128x128xf32>
    %jit3A_158 = arith.constant 0x7F800000 : f32
    %broadcast_in_dim3A_159 = vector.broadcast %jit3A_158 : f32 to vector<128x128xf32>
    %select_n3A_160 = arith.select %eq3A_155, %broadcast_in_dim3A_159, %select_n3A_142 : vector<128x128xi1>, vector<128x128xf32>
    %reduce_min3A_161 = arith.constant dense<0x7F800000> : vector<128xf32>
    %reduce_min3A_162 = vector.multi_reduction <minimumf>, %select_n3A_160, %reduce_min3A_161 [1] : vector<128x128xf32> to vector<128xf32>
    %broadcast_in_dim3A_163 = vector.shape_cast %reduce_min3A_162 : vector<128xf32> to vector<128x1xf32>
    %eq3A_164 = vector.broadcast %broadcast_in_dim3A_163 : vector<128x1xf32> to vector<128x128xf32>
    %eq3A_165 = arith.cmpf oeq, %select_n3A_160, %eq3A_164 : vector<128x128xf32>
    %jit3A_166 = arith.constant 1.07374182E+9 : f32
    %broadcast_in_dim3A_167 = vector.broadcast %jit3A_166 : f32 to vector<128x128xf32>
    %select_n3A_168 = arith.select %eq3A_165, %convert_element_type3A_22, %broadcast_in_dim3A_167 : vector<128x128xi1>, vector<128x128xf32>
    %reduce_min3A_169 = arith.constant dense<0x7F800000> : vector<128xf32>
    %reduce_min3A_170 = vector.multi_reduction <minimumf>, %select_n3A_168, %reduce_min3A_169 [1] : vector<128x128xf32> to vector<128xf32>
    %broadcast_in_dim3A_171 = vector.shape_cast %reduce_min3A_170 : vector<128xf32> to vector<128x1xf32>
    %eq3A_172 = vector.broadcast %broadcast_in_dim3A_171 : vector<128x1xf32> to vector<128x128xf32>
    %eq3A_173 = arith.cmpf oeq, %convert_element_type3A_22, %eq3A_172 : vector<128x128xf32>
    %convert_element_type3A_174 = arith.extui %eq3A_173 : vector<128x128xi1> to vector<128x128xi32>
    %convert_element_type3A_175 = arith.sitofp %convert_element_type3A_174 : vector<128x128xi32> to vector<128x128xf32>
    %jit3A_176 = arith.constant 0x7F800000 : f32
    %broadcast_in_dim3A_177 = vector.broadcast %jit3A_176 : f32 to vector<128x128xf32>
    %select_n3A_178 = arith.select %eq3A_173, %broadcast_in_dim3A_177, %select_n3A_160 : vector<128x128xi1>, vector<128x128xf32>
    %reduce_min3A_179 = arith.constant dense<0x7F800000> : vector<128xf32>
    %reduce_min3A_180 = vector.multi_reduction <minimumf>, %select_n3A_178, %reduce_min3A_179 [1] : vector<128x128xf32> to vector<128xf32>
    %broadcast_in_dim3A_181 = vector.shape_cast %reduce_min3A_180 : vector<128xf32> to vector<128x1xf32>
    %eq3A_182 = vector.broadcast %broadcast_in_dim3A_181 : vector<128x1xf32> to vector<128x128xf32>
    %eq3A_183 = arith.cmpf oeq, %select_n3A_178, %eq3A_182 : vector<128x128xf32>
    %jit3A_184 = arith.constant 1.07374182E+9 : f32
    %broadcast_in_dim3A_185 = vector.broadcast %jit3A_184 : f32 to vector<128x128xf32>
    %select_n3A_186 = arith.select %eq3A_183, %convert_element_type3A_22, %broadcast_in_dim3A_185 : vector<128x128xi1>, vector<128x128xf32>
    %reduce_min3A_187 = arith.constant dense<0x7F800000> : vector<128xf32>
    %reduce_min3A_188 = vector.multi_reduction <minimumf>, %select_n3A_186, %reduce_min3A_187 [1] : vector<128x128xf32> to vector<128xf32>
    %broadcast_in_dim3A_189 = vector.shape_cast %reduce_min3A_188 : vector<128xf32> to vector<128x1xf32>
    %eq3A_190 = vector.broadcast %broadcast_in_dim3A_189 : vector<128x1xf32> to vector<128x128xf32>
    %eq3A_191 = arith.cmpf oeq, %convert_element_type3A_22, %eq3A_190 : vector<128x128xf32>
    %convert_element_type3A_192 = arith.extui %eq3A_191 : vector<128x128xi1> to vector<128x128xi32>
    %convert_element_type3A_193 = arith.sitofp %convert_element_type3A_192 : vector<128x128xi32> to vector<128x128xf32>
    %jit3A_194 = arith.constant 0x7F800000 : f32
    %broadcast_in_dim3A_195 = vector.broadcast %jit3A_194 : f32 to vector<128x128xf32>
    %select_n3A_196 = arith.select %eq3A_191, %broadcast_in_dim3A_195, %select_n3A_178 : vector<128x128xi1>, vector<128x128xf32>
    %reduce_min3A_197 = arith.constant dense<0x7F800000> : vector<128xf32>
    %reduce_min3A_198 = vector.multi_reduction <minimumf>, %select_n3A_196, %reduce_min3A_197 [1] : vector<128x128xf32> to vector<128xf32>
    %broadcast_in_dim3A_199 = vector.shape_cast %reduce_min3A_198 : vector<128xf32> to vector<128x1xf32>
    %eq3A_200 = vector.broadcast %broadcast_in_dim3A_199 : vector<128x1xf32> to vector<128x128xf32>
    %eq3A_201 = arith.cmpf oeq, %select_n3A_196, %eq3A_200 : vector<128x128xf32>
    %jit3A_202 = arith.constant 1.07374182E+9 : f32
    %broadcast_in_dim3A_203 = vector.broadcast %jit3A_202 : f32 to vector<128x128xf32>
    %select_n3A_204 = arith.select %eq3A_201, %convert_element_type3A_22, %broadcast_in_dim3A_203 : vector<128x128xi1>, vector<128x128xf32>
    %reduce_min3A_205 = arith.constant dense<0x7F800000> : vector<128xf32>
    %reduce_min3A_206 = vector.multi_reduction <minimumf>, %select_n3A_204, %reduce_min3A_205 [1] : vector<128x128xf32> to vector<128xf32>
    %broadcast_in_dim3A_207 = vector.shape_cast %reduce_min3A_206 : vector<128xf32> to vector<128x1xf32>
    %eq3A_208 = vector.broadcast %broadcast_in_dim3A_207 : vector<128x1xf32> to vector<128x128xf32>
    %eq3A_209 = arith.cmpf oeq, %convert_element_type3A_22, %eq3A_208 : vector<128x128xf32>
    %convert_element_type3A_210 = arith.extui %eq3A_209 : vector<128x128xi1> to vector<128x128xi32>
    %convert_element_type3A_211 = arith.sitofp %convert_element_type3A_210 : vector<128x128xi32> to vector<128x128xf32>
    %jit3A_212 = arith.constant 0x7F800000 : f32
    %broadcast_in_dim3A_213 = vector.broadcast %jit3A_212 : f32 to vector<128x128xf32>
    %select_n3A_214 = arith.select %eq3A_209, %broadcast_in_dim3A_213, %select_n3A_196 : vector<128x128xi1>, vector<128x128xf32>
    %reduce_min3A_215 = arith.constant dense<0x7F800000> : vector<128xf32>
    %reduce_min3A_216 = vector.multi_reduction <minimumf>, %select_n3A_214, %reduce_min3A_215 [1] : vector<128x128xf32> to vector<128xf32>
    %broadcast_in_dim3A_217 = vector.shape_cast %reduce_min3A_216 : vector<128xf32> to vector<128x1xf32>
    %eq3A_218 = vector.broadcast %broadcast_in_dim3A_217 : vector<128x1xf32> to vector<128x128xf32>
    %eq3A_219 = arith.cmpf oeq, %select_n3A_214, %eq3A_218 : vector<128x128xf32>
    %jit3A_220 = arith.constant 1.07374182E+9 : f32
    %broadcast_in_dim3A_221 = vector.broadcast %jit3A_220 : f32 to vector<128x128xf32>
    %select_n3A_222 = arith.select %eq3A_219, %convert_element_type3A_22, %broadcast_in_dim3A_221 : vector<128x128xi1>, vector<128x128xf32>
    %reduce_min3A_223 = arith.constant dense<0x7F800000> : vector<128xf32>
    %reduce_min3A_224 = vector.multi_reduction <minimumf>, %select_n3A_222, %reduce_min3A_223 [1] : vector<128x128xf32> to vector<128xf32>
    %broadcast_in_dim3A_225 = vector.shape_cast %reduce_min3A_224 : vector<128xf32> to vector<128x1xf32>
    %eq3A_226 = vector.broadcast %broadcast_in_dim3A_225 : vector<128x1xf32> to vector<128x128xf32>
    %eq3A_227 = arith.cmpf oeq, %convert_element_type3A_22, %eq3A_226 : vector<128x128xf32>
    %convert_element_type3A_228 = arith.extui %eq3A_227 : vector<128x128xi1> to vector<128x128xi32>
    %convert_element_type3A_229 = arith.sitofp %convert_element_type3A_228 : vector<128x128xi32> to vector<128x128xf32>
    %jit3A_230 = arith.constant 0x7F800000 : f32
    %broadcast_in_dim3A_231 = vector.broadcast %jit3A_230 : f32 to vector<128x128xf32>
    %select_n3A_232 = arith.select %eq3A_227, %broadcast_in_dim3A_231, %select_n3A_214 : vector<128x128xi1>, vector<128x128xf32>
    %reduce_min3A_233 = arith.constant dense<0x7F800000> : vector<128xf32>
    %reduce_min3A_234 = vector.multi_reduction <minimumf>, %select_n3A_232, %reduce_min3A_233 [1] : vector<128x128xf32> to vector<128xf32>
    %broadcast_in_dim3A_235 = vector.shape_cast %reduce_min3A_234 : vector<128xf32> to vector<128x1xf32>
    %eq3A_236 = vector.broadcast %broadcast_in_dim3A_235 : vector<128x1xf32> to vector<128x128xf32>
    %eq3A_237 = arith.cmpf oeq, %select_n3A_232, %eq3A_236 : vector<128x128xf32>
    %jit3A_238 = arith.constant 1.07374182E+9 : f32
    %broadcast_in_dim3A_239 = vector.broadcast %jit3A_238 : f32 to vector<128x128xf32>
    %select_n3A_240 = arith.select %eq3A_237, %convert_element_type3A_22, %broadcast_in_dim3A_239 : vector<128x128xi1>, vector<128x128xf32>
    %reduce_min3A_241 = arith.constant dense<0x7F800000> : vector<128xf32>
    %reduce_min3A_242 = vector.multi_reduction <minimumf>, %select_n3A_240, %reduce_min3A_241 [1] : vector<128x128xf32> to vector<128xf32>
    %broadcast_in_dim3A_243 = vector.shape_cast %reduce_min3A_242 : vector<128xf32> to vector<128x1xf32>
    %eq3A_244 = vector.broadcast %broadcast_in_dim3A_243 : vector<128x1xf32> to vector<128x128xf32>
    %eq3A_245 = arith.cmpf oeq, %convert_element_type3A_22, %eq3A_244 : vector<128x128xf32>
    %convert_element_type3A_246 = arith.extui %eq3A_245 : vector<128x128xi1> to vector<128x128xi32>
    %convert_element_type3A_247 = arith.sitofp %convert_element_type3A_246 : vector<128x128xi32> to vector<128x128xf32>
    %jit3A_248 = arith.constant 0x7F800000 : f32
    %broadcast_in_dim3A_249 = vector.broadcast %jit3A_248 : f32 to vector<128x128xf32>
    %select_n3A_250 = arith.select %eq3A_245, %broadcast_in_dim3A_249, %select_n3A_232 : vector<128x128xi1>, vector<128x128xf32>
    %reduce_min3A_251 = arith.constant dense<0x7F800000> : vector<128xf32>
    %reduce_min3A_252 = vector.multi_reduction <minimumf>, %select_n3A_250, %reduce_min3A_251 [1] : vector<128x128xf32> to vector<128xf32>
    %broadcast_in_dim3A_253 = vector.shape_cast %reduce_min3A_252 : vector<128xf32> to vector<128x1xf32>
    %eq3A_254 = vector.broadcast %broadcast_in_dim3A_253 : vector<128x1xf32> to vector<128x128xf32>
    %eq3A_255 = arith.cmpf oeq, %select_n3A_250, %eq3A_254 : vector<128x128xf32>
    %jit3A_256 = arith.constant 1.07374182E+9 : f32
    %broadcast_in_dim3A_257 = vector.broadcast %jit3A_256 : f32 to vector<128x128xf32>
    %select_n3A_258 = arith.select %eq3A_255, %convert_element_type3A_22, %broadcast_in_dim3A_257 : vector<128x128xi1>, vector<128x128xf32>
    %reduce_min3A_259 = arith.constant dense<0x7F800000> : vector<128xf32>
    %reduce_min3A_260 = vector.multi_reduction <minimumf>, %select_n3A_258, %reduce_min3A_259 [1] : vector<128x128xf32> to vector<128xf32>
    %broadcast_in_dim3A_261 = vector.shape_cast %reduce_min3A_260 : vector<128xf32> to vector<128x1xf32>
    %eq3A_262 = vector.broadcast %broadcast_in_dim3A_261 : vector<128x1xf32> to vector<128x128xf32>
    %eq3A_263 = arith.cmpf oeq, %convert_element_type3A_22, %eq3A_262 : vector<128x128xf32>
    %convert_element_type3A_264 = arith.extui %eq3A_263 : vector<128x128xi1> to vector<128x128xi32>
    %convert_element_type3A_265 = arith.sitofp %convert_element_type3A_264 : vector<128x128xi32> to vector<128x128xf32>
    %jit3A_266 = arith.constant 0x7F800000 : f32
    %broadcast_in_dim3A_267 = vector.broadcast %jit3A_266 : f32 to vector<128x128xf32>
    %select_n3A_268 = arith.select %eq3A_263, %broadcast_in_dim3A_267, %select_n3A_250 : vector<128x128xi1>, vector<128x128xf32>
    %reduce_min3A_269 = arith.constant dense<0x7F800000> : vector<128xf32>
    %reduce_min3A_270 = vector.multi_reduction <minimumf>, %select_n3A_268, %reduce_min3A_269 [1] : vector<128x128xf32> to vector<128xf32>
    %broadcast_in_dim3A_271 = vector.shape_cast %reduce_min3A_270 : vector<128xf32> to vector<128x1xf32>
    %eq3A_272 = vector.broadcast %broadcast_in_dim3A_271 : vector<128x1xf32> to vector<128x128xf32>
    %eq3A_273 = arith.cmpf oeq, %select_n3A_268, %eq3A_272 : vector<128x128xf32>
    %jit3A_274 = arith.constant 1.07374182E+9 : f32
    %broadcast_in_dim3A_275 = vector.broadcast %jit3A_274 : f32 to vector<128x128xf32>
    %select_n3A_276 = arith.select %eq3A_273, %convert_element_type3A_22, %broadcast_in_dim3A_275 : vector<128x128xi1>, vector<128x128xf32>
    %reduce_min3A_277 = arith.constant dense<0x7F800000> : vector<128xf32>
    %reduce_min3A_278 = vector.multi_reduction <minimumf>, %select_n3A_276, %reduce_min3A_277 [1] : vector<128x128xf32> to vector<128xf32>
    %broadcast_in_dim3A_279 = vector.shape_cast %reduce_min3A_278 : vector<128xf32> to vector<128x1xf32>
    %eq3A_280 = vector.broadcast %broadcast_in_dim3A_279 : vector<128x1xf32> to vector<128x128xf32>
    %eq3A_281 = arith.cmpf oeq, %convert_element_type3A_22, %eq3A_280 : vector<128x128xf32>
    %convert_element_type3A_282 = arith.extui %eq3A_281 : vector<128x128xi1> to vector<128x128xi32>
    %convert_element_type3A_283 = arith.sitofp %convert_element_type3A_282 : vector<128x128xi32> to vector<128x128xf32>
    %jit3A_284 = arith.constant 0x7F800000 : f32
    %broadcast_in_dim3A_285 = vector.broadcast %jit3A_284 : f32 to vector<128x128xf32>
    %select_n3A_286 = arith.select %eq3A_281, %broadcast_in_dim3A_285, %select_n3A_268 : vector<128x128xi1>, vector<128x128xf32>
    %reduce_min3A_287 = arith.constant dense<0x7F800000> : vector<128xf32>
    %reduce_min3A_288 = vector.multi_reduction <minimumf>, %select_n3A_286, %reduce_min3A_287 [1] : vector<128x128xf32> to vector<128xf32>
    %broadcast_in_dim3A_289 = vector.shape_cast %reduce_min3A_288 : vector<128xf32> to vector<128x1xf32>
    %eq3A_290 = vector.broadcast %broadcast_in_dim3A_289 : vector<128x1xf32> to vector<128x128xf32>
    %eq3A_291 = arith.cmpf oeq, %select_n3A_286, %eq3A_290 : vector<128x128xf32>
    %jit3A_292 = arith.constant 1.07374182E+9 : f32
    %broadcast_in_dim3A_293 = vector.broadcast %jit3A_292 : f32 to vector<128x128xf32>
    %select_n3A_294 = arith.select %eq3A_291, %convert_element_type3A_22, %broadcast_in_dim3A_293 : vector<128x128xi1>, vector<128x128xf32>
    %reduce_min3A_295 = arith.constant dense<0x7F800000> : vector<128xf32>
    %reduce_min3A_296 = vector.multi_reduction <minimumf>, %select_n3A_294, %reduce_min3A_295 [1] : vector<128x128xf32> to vector<128xf32>
    %broadcast_in_dim3A_297 = vector.shape_cast %reduce_min3A_296 : vector<128xf32> to vector<128x1xf32>
    %eq3A_298 = vector.broadcast %broadcast_in_dim3A_297 : vector<128x1xf32> to vector<128x128xf32>
    %eq3A_299 = arith.cmpf oeq, %convert_element_type3A_22, %eq3A_298 : vector<128x128xf32>
    %convert_element_type3A_300 = arith.extui %eq3A_299 : vector<128x128xi1> to vector<128x128xi32>
    %convert_element_type3A_301 = arith.sitofp %convert_element_type3A_300 : vector<128x128xi32> to vector<128x128xf32>
    %jit3A_302 = arith.constant 0x7F800000 : f32
    %broadcast_in_dim3A_303 = vector.broadcast %jit3A_302 : f32 to vector<128x128xf32>
    %select_n3A_304 = arith.select %eq3A_299, %broadcast_in_dim3A_303, %select_n3A_286 : vector<128x128xi1>, vector<128x128xf32>
    %reduce_min3A_305 = arith.constant dense<0x7F800000> : vector<128xf32>
    %reduce_min3A_306 = vector.multi_reduction <minimumf>, %select_n3A_304, %reduce_min3A_305 [1] : vector<128x128xf32> to vector<128xf32>
    %broadcast_in_dim3A_307 = vector.shape_cast %reduce_min3A_306 : vector<128xf32> to vector<128x1xf32>
    %eq3A_308 = vector.broadcast %broadcast_in_dim3A_307 : vector<128x1xf32> to vector<128x128xf32>
    %eq3A_309 = arith.cmpf oeq, %select_n3A_304, %eq3A_308 : vector<128x128xf32>
    %jit3A_310 = arith.constant 1.07374182E+9 : f32
    %broadcast_in_dim3A_311 = vector.broadcast %jit3A_310 : f32 to vector<128x128xf32>
    %select_n3A_312 = arith.select %eq3A_309, %convert_element_type3A_22, %broadcast_in_dim3A_311 : vector<128x128xi1>, vector<128x128xf32>
    %reduce_min3A_313 = arith.constant dense<0x7F800000> : vector<128xf32>
    %reduce_min3A_314 = vector.multi_reduction <minimumf>, %select_n3A_312, %reduce_min3A_313 [1] : vector<128x128xf32> to vector<128xf32>
    %broadcast_in_dim3A_315 = vector.shape_cast %reduce_min3A_314 : vector<128xf32> to vector<128x1xf32>
    %eq3A_316 = vector.broadcast %broadcast_in_dim3A_315 : vector<128x1xf32> to vector<128x128xf32>
    %eq3A_317 = arith.cmpf oeq, %convert_element_type3A_22, %eq3A_316 : vector<128x128xf32>
    %convert_element_type3A_318 = arith.extui %eq3A_317 : vector<128x128xi1> to vector<128x128xi32>
    %convert_element_type3A_319 = arith.sitofp %convert_element_type3A_318 : vector<128x128xi32> to vector<128x128xf32>
    %dot_general3A_320 = arith.constant dense<0.000000e+00> : vector<128x3xf32>
    %dot_general3A_321 = tpu.matmul %convert_element_type3A_49, %get3A_3, %dot_general3A_320 {dimension_numbers = #tpu.dot_dimension_numbers<[1], [0], [0], [1], [0, 0, 1, 1], [], []>, precision = #tpu.contract_precision<fp32>, transpose_lhs_hint = false} : vector<128x128xf32>, vector<128x3xf32>, vector<128x3xf32> -> vector<128x3xf32>
    %sub3A = arith.subf %dot_general3A_321, %get3A_3 : vector<128x3xf32>
    %mul3A_322 = arith.mulf %sub3A, %sub3A : vector<128x3xf32>
    %reduce_sum3A_323 = arith.constant dense<0.000000e+00> : vector<128xf32>
    %reduce_sum3A_324 = vector.multi_reduction <add>, %mul3A_322, %reduce_sum3A_323 [1] : vector<128x3xf32> to vector<128xf32>
    %broadcast_in_dim3A_325 = vector.shape_cast %reduce_sum3A_324 : vector<128xf32> to vector<128x1xf32>
    %sqrt3A = math.sqrt %broadcast_in_dim3A_325 : vector<128x1xf32>
    %max3A = arith.constant 9.99999996E-13 : f32
    %max3A_326 = vector.broadcast %max3A : f32 to vector<128x1xf32>
    %max3A_327 = arith.maximumf %sqrt3A, %max3A_326 : vector<128x1xf32>
    %div3A = vector.broadcast %max3A_327 : vector<128x1xf32> to vector<128x3xf32>
    %div3A_328 = arith.divf %sub3A, %div3A : vector<128x3xf32>
    %dot_general3A_329 = arith.constant dense<0.000000e+00> : vector<128x3xf32>
    %dot_general3A_330 = tpu.matmul %convert_element_type3A_67, %get3A_3, %dot_general3A_329 {dimension_numbers = #tpu.dot_dimension_numbers<[1], [0], [0], [1], [0, 0, 1, 1], [], []>, precision = #tpu.contract_precision<fp32>, transpose_lhs_hint = false} : vector<128x128xf32>, vector<128x3xf32>, vector<128x3xf32> -> vector<128x3xf32>
    %sub3A_331 = arith.subf %dot_general3A_330, %get3A_3 : vector<128x3xf32>
    %mul3A_332 = arith.mulf %sub3A_331, %sub3A_331 : vector<128x3xf32>
    %reduce_sum3A_333 = arith.constant dense<0.000000e+00> : vector<128xf32>
    %reduce_sum3A_334 = vector.multi_reduction <add>, %mul3A_332, %reduce_sum3A_333 [1] : vector<128x3xf32> to vector<128xf32>
    %broadcast_in_dim3A_335 = vector.shape_cast %reduce_sum3A_334 : vector<128xf32> to vector<128x1xf32>
    %sqrt3A_336 = math.sqrt %broadcast_in_dim3A_335 : vector<128x1xf32>
    %max3A_337 = arith.constant 9.99999996E-13 : f32
    %max3A_338 = vector.broadcast %max3A_337 : f32 to vector<128x1xf32>
    %max3A_339 = arith.maximumf %sqrt3A_336, %max3A_338 : vector<128x1xf32>
    %div3A_340 = vector.broadcast %max3A_339 : vector<128x1xf32> to vector<128x3xf32>
    %div3A_341 = arith.divf %sub3A_331, %div3A_340 : vector<128x3xf32>
    %dot_general3A_342 = arith.constant dense<0.000000e+00> : vector<128x3xf32>
    %dot_general3A_343 = tpu.matmul %convert_element_type3A_85, %get3A_3, %dot_general3A_342 {dimension_numbers = #tpu.dot_dimension_numbers<[1], [0], [0], [1], [0, 0, 1, 1], [], []>, precision = #tpu.contract_precision<fp32>, transpose_lhs_hint = false} : vector<128x128xf32>, vector<128x3xf32>, vector<128x3xf32> -> vector<128x3xf32>
    %sub3A_344 = arith.subf %dot_general3A_343, %get3A_3 : vector<128x3xf32>
    %mul3A_345 = arith.mulf %sub3A_344, %sub3A_344 : vector<128x3xf32>
    %reduce_sum3A_346 = arith.constant dense<0.000000e+00> : vector<128xf32>
    %reduce_sum3A_347 = vector.multi_reduction <add>, %mul3A_345, %reduce_sum3A_346 [1] : vector<128x3xf32> to vector<128xf32>
    %broadcast_in_dim3A_348 = vector.shape_cast %reduce_sum3A_347 : vector<128xf32> to vector<128x1xf32>
    %sqrt3A_349 = math.sqrt %broadcast_in_dim3A_348 : vector<128x1xf32>
    %max3A_350 = arith.constant 9.99999996E-13 : f32
    %max3A_351 = vector.broadcast %max3A_350 : f32 to vector<128x1xf32>
    %max3A_352 = arith.maximumf %sqrt3A_349, %max3A_351 : vector<128x1xf32>
    %div3A_353 = vector.broadcast %max3A_352 : vector<128x1xf32> to vector<128x3xf32>
    %div3A_354 = arith.divf %sub3A_344, %div3A_353 : vector<128x3xf32>
    %dot_general3A_355 = arith.constant dense<0.000000e+00> : vector<128x3xf32>
    %dot_general3A_356 = tpu.matmul %convert_element_type3A_103, %get3A_3, %dot_general3A_355 {dimension_numbers = #tpu.dot_dimension_numbers<[1], [0], [0], [1], [0, 0, 1, 1], [], []>, precision = #tpu.contract_precision<fp32>, transpose_lhs_hint = false} : vector<128x128xf32>, vector<128x3xf32>, vector<128x3xf32> -> vector<128x3xf32>
    %sub3A_357 = arith.subf %dot_general3A_356, %get3A_3 : vector<128x3xf32>
    %mul3A_358 = arith.mulf %sub3A_357, %sub3A_357 : vector<128x3xf32>
    %reduce_sum3A_359 = arith.constant dense<0.000000e+00> : vector<128xf32>
    %reduce_sum3A_360 = vector.multi_reduction <add>, %mul3A_358, %reduce_sum3A_359 [1] : vector<128x3xf32> to vector<128xf32>
    %broadcast_in_dim3A_361 = vector.shape_cast %reduce_sum3A_360 : vector<128xf32> to vector<128x1xf32>
    %sqrt3A_362 = math.sqrt %broadcast_in_dim3A_361 : vector<128x1xf32>
    %max3A_363 = arith.constant 9.99999996E-13 : f32
    %max3A_364 = vector.broadcast %max3A_363 : f32 to vector<128x1xf32>
    %max3A_365 = arith.maximumf %sqrt3A_362, %max3A_364 : vector<128x1xf32>
    %div3A_366 = vector.broadcast %max3A_365 : vector<128x1xf32> to vector<128x3xf32>
    %div3A_367 = arith.divf %sub3A_357, %div3A_366 : vector<128x3xf32>
    %dot_general3A_368 = arith.constant dense<0.000000e+00> : vector<128x3xf32>
    %dot_general3A_369 = tpu.matmul %convert_element_type3A_121, %get3A_3, %dot_general3A_368 {dimension_numbers = #tpu.dot_dimension_numbers<[1], [0], [0], [1], [0, 0, 1, 1], [], []>, precision = #tpu.contract_precision<fp32>, transpose_lhs_hint = false} : vector<128x128xf32>, vector<128x3xf32>, vector<128x3xf32> -> vector<128x3xf32>
    %sub3A_370 = arith.subf %dot_general3A_369, %get3A_3 : vector<128x3xf32>
    %mul3A_371 = arith.mulf %sub3A_370, %sub3A_370 : vector<128x3xf32>
    %reduce_sum3A_372 = arith.constant dense<0.000000e+00> : vector<128xf32>
    %reduce_sum3A_373 = vector.multi_reduction <add>, %mul3A_371, %reduce_sum3A_372 [1] : vector<128x3xf32> to vector<128xf32>
    %broadcast_in_dim3A_374 = vector.shape_cast %reduce_sum3A_373 : vector<128xf32> to vector<128x1xf32>
    %sqrt3A_375 = math.sqrt %broadcast_in_dim3A_374 : vector<128x1xf32>
    %max3A_376 = arith.constant 9.99999996E-13 : f32
    %max3A_377 = vector.broadcast %max3A_376 : f32 to vector<128x1xf32>
    %max3A_378 = arith.maximumf %sqrt3A_375, %max3A_377 : vector<128x1xf32>
    %div3A_379 = vector.broadcast %max3A_378 : vector<128x1xf32> to vector<128x3xf32>
    %div3A_380 = arith.divf %sub3A_370, %div3A_379 : vector<128x3xf32>
    %dot_general3A_381 = arith.constant dense<0.000000e+00> : vector<128x3xf32>
    %dot_general3A_382 = tpu.matmul %convert_element_type3A_139, %get3A_3, %dot_general3A_381 {dimension_numbers = #tpu.dot_dimension_numbers<[1], [0], [0], [1], [0, 0, 1, 1], [], []>, precision = #tpu.contract_precision<fp32>, transpose_lhs_hint = false} : vector<128x128xf32>, vector<128x3xf32>, vector<128x3xf32> -> vector<128x3xf32>
    %sub3A_383 = arith.subf %dot_general3A_382, %get3A_3 : vector<128x3xf32>
    %mul3A_384 = arith.mulf %sub3A_383, %sub3A_383 : vector<128x3xf32>
    %reduce_sum3A_385 = arith.constant dense<0.000000e+00> : vector<128xf32>
    %reduce_sum3A_386 = vector.multi_reduction <add>, %mul3A_384, %reduce_sum3A_385 [1] : vector<128x3xf32> to vector<128xf32>
    %broadcast_in_dim3A_387 = vector.shape_cast %reduce_sum3A_386 : vector<128xf32> to vector<128x1xf32>
    %sqrt3A_388 = math.sqrt %broadcast_in_dim3A_387 : vector<128x1xf32>
    %max3A_389 = arith.constant 9.99999996E-13 : f32
    %max3A_390 = vector.broadcast %max3A_389 : f32 to vector<128x1xf32>
    %max3A_391 = arith.maximumf %sqrt3A_388, %max3A_390 : vector<128x1xf32>
    %div3A_392 = vector.broadcast %max3A_391 : vector<128x1xf32> to vector<128x3xf32>
    %div3A_393 = arith.divf %sub3A_383, %div3A_392 : vector<128x3xf32>
    %dot_general3A_394 = arith.constant dense<0.000000e+00> : vector<128x3xf32>
    %dot_general3A_395 = tpu.matmul %convert_element_type3A_157, %get3A_3, %dot_general3A_394 {dimension_numbers = #tpu.dot_dimension_numbers<[1], [0], [0], [1], [0, 0, 1, 1], [], []>, precision = #tpu.contract_precision<fp32>, transpose_lhs_hint = false} : vector<128x128xf32>, vector<128x3xf32>, vector<128x3xf32> -> vector<128x3xf32>
    %sub3A_396 = arith.subf %dot_general3A_395, %get3A_3 : vector<128x3xf32>
    %mul3A_397 = arith.mulf %sub3A_396, %sub3A_396 : vector<128x3xf32>
    %reduce_sum3A_398 = arith.constant dense<0.000000e+00> : vector<128xf32>
    %reduce_sum3A_399 = vector.multi_reduction <add>, %mul3A_397, %reduce_sum3A_398 [1] : vector<128x3xf32> to vector<128xf32>
    %broadcast_in_dim3A_400 = vector.shape_cast %reduce_sum3A_399 : vector<128xf32> to vector<128x1xf32>
    %sqrt3A_401 = math.sqrt %broadcast_in_dim3A_400 : vector<128x1xf32>
    %max3A_402 = arith.constant 9.99999996E-13 : f32
    %max3A_403 = vector.broadcast %max3A_402 : f32 to vector<128x1xf32>
    %max3A_404 = arith.maximumf %sqrt3A_401, %max3A_403 : vector<128x1xf32>
    %div3A_405 = vector.broadcast %max3A_404 : vector<128x1xf32> to vector<128x3xf32>
    %div3A_406 = arith.divf %sub3A_396, %div3A_405 : vector<128x3xf32>
    %dot_general3A_407 = arith.constant dense<0.000000e+00> : vector<128x3xf32>
    %dot_general3A_408 = tpu.matmul %convert_element_type3A_175, %get3A_3, %dot_general3A_407 {dimension_numbers = #tpu.dot_dimension_numbers<[1], [0], [0], [1], [0, 0, 1, 1], [], []>, precision = #tpu.contract_precision<fp32>, transpose_lhs_hint = false} : vector<128x128xf32>, vector<128x3xf32>, vector<128x3xf32> -> vector<128x3xf32>
    %sub3A_409 = arith.subf %dot_general3A_408, %get3A_3 : vector<128x3xf32>
    %mul3A_410 = arith.mulf %sub3A_409, %sub3A_409 : vector<128x3xf32>
    %reduce_sum3A_411 = arith.constant dense<0.000000e+00> : vector<128xf32>
    %reduce_sum3A_412 = vector.multi_reduction <add>, %mul3A_410, %reduce_sum3A_411 [1] : vector<128x3xf32> to vector<128xf32>
    %broadcast_in_dim3A_413 = vector.shape_cast %reduce_sum3A_412 : vector<128xf32> to vector<128x1xf32>
    %sqrt3A_414 = math.sqrt %broadcast_in_dim3A_413 : vector<128x1xf32>
    %max3A_415 = arith.constant 9.99999996E-13 : f32
    %max3A_416 = vector.broadcast %max3A_415 : f32 to vector<128x1xf32>
    %max3A_417 = arith.maximumf %sqrt3A_414, %max3A_416 : vector<128x1xf32>
    %div3A_418 = vector.broadcast %max3A_417 : vector<128x1xf32> to vector<128x3xf32>
    %div3A_419 = arith.divf %sub3A_409, %div3A_418 : vector<128x3xf32>
    %dot_general3A_420 = arith.constant dense<0.000000e+00> : vector<128x3xf32>
    %dot_general3A_421 = tpu.matmul %convert_element_type3A_193, %get3A_3, %dot_general3A_420 {dimension_numbers = #tpu.dot_dimension_numbers<[1], [0], [0], [1], [0, 0, 1, 1], [], []>, precision = #tpu.contract_precision<fp32>, transpose_lhs_hint = false} : vector<128x128xf32>, vector<128x3xf32>, vector<128x3xf32> -> vector<128x3xf32>
    %sub3A_422 = arith.subf %dot_general3A_421, %get3A_3 : vector<128x3xf32>
    %mul3A_423 = arith.mulf %sub3A_422, %sub3A_422 : vector<128x3xf32>
    %reduce_sum3A_424 = arith.constant dense<0.000000e+00> : vector<128xf32>
    %reduce_sum3A_425 = vector.multi_reduction <add>, %mul3A_423, %reduce_sum3A_424 [1] : vector<128x3xf32> to vector<128xf32>
    %broadcast_in_dim3A_426 = vector.shape_cast %reduce_sum3A_425 : vector<128xf32> to vector<128x1xf32>
    %sqrt3A_427 = math.sqrt %broadcast_in_dim3A_426 : vector<128x1xf32>
    %max3A_428 = arith.constant 9.99999996E-13 : f32
    %max3A_429 = vector.broadcast %max3A_428 : f32 to vector<128x1xf32>
    %max3A_430 = arith.maximumf %sqrt3A_427, %max3A_429 : vector<128x1xf32>
    %div3A_431 = vector.broadcast %max3A_430 : vector<128x1xf32> to vector<128x3xf32>
    %div3A_432 = arith.divf %sub3A_422, %div3A_431 : vector<128x3xf32>
    %dot_general3A_433 = arith.constant dense<0.000000e+00> : vector<128x3xf32>
    %dot_general3A_434 = tpu.matmul %convert_element_type3A_211, %get3A_3, %dot_general3A_433 {dimension_numbers = #tpu.dot_dimension_numbers<[1], [0], [0], [1], [0, 0, 1, 1], [], []>, precision = #tpu.contract_precision<fp32>, transpose_lhs_hint = false} : vector<128x128xf32>, vector<128x3xf32>, vector<128x3xf32> -> vector<128x3xf32>
    %sub3A_435 = arith.subf %dot_general3A_434, %get3A_3 : vector<128x3xf32>
    %mul3A_436 = arith.mulf %sub3A_435, %sub3A_435 : vector<128x3xf32>
    %reduce_sum3A_437 = arith.constant dense<0.000000e+00> : vector<128xf32>
    %reduce_sum3A_438 = vector.multi_reduction <add>, %mul3A_436, %reduce_sum3A_437 [1] : vector<128x3xf32> to vector<128xf32>
    %broadcast_in_dim3A_439 = vector.shape_cast %reduce_sum3A_438 : vector<128xf32> to vector<128x1xf32>
    %sqrt3A_440 = math.sqrt %broadcast_in_dim3A_439 : vector<128x1xf32>
    %max3A_441 = arith.constant 9.99999996E-13 : f32
    %max3A_442 = vector.broadcast %max3A_441 : f32 to vector<128x1xf32>
    %max3A_443 = arith.maximumf %sqrt3A_440, %max3A_442 : vector<128x1xf32>
    %div3A_444 = vector.broadcast %max3A_443 : vector<128x1xf32> to vector<128x3xf32>
    %div3A_445 = arith.divf %sub3A_435, %div3A_444 : vector<128x3xf32>
    %dot_general3A_446 = arith.constant dense<0.000000e+00> : vector<128x3xf32>
    %dot_general3A_447 = tpu.matmul %convert_element_type3A_229, %get3A_3, %dot_general3A_446 {dimension_numbers = #tpu.dot_dimension_numbers<[1], [0], [0], [1], [0, 0, 1, 1], [], []>, precision = #tpu.contract_precision<fp32>, transpose_lhs_hint = false} : vector<128x128xf32>, vector<128x3xf32>, vector<128x3xf32> -> vector<128x3xf32>
    %sub3A_448 = arith.subf %dot_general3A_447, %get3A_3 : vector<128x3xf32>
    %mul3A_449 = arith.mulf %sub3A_448, %sub3A_448 : vector<128x3xf32>
    %reduce_sum3A_450 = arith.constant dense<0.000000e+00> : vector<128xf32>
    %reduce_sum3A_451 = vector.multi_reduction <add>, %mul3A_449, %reduce_sum3A_450 [1] : vector<128x3xf32> to vector<128xf32>
    %broadcast_in_dim3A_452 = vector.shape_cast %reduce_sum3A_451 : vector<128xf32> to vector<128x1xf32>
    %sqrt3A_453 = math.sqrt %broadcast_in_dim3A_452 : vector<128x1xf32>
    %max3A_454 = arith.constant 9.99999996E-13 : f32
    %max3A_455 = vector.broadcast %max3A_454 : f32 to vector<128x1xf32>
    %max3A_456 = arith.maximumf %sqrt3A_453, %max3A_455 : vector<128x1xf32>
    %div3A_457 = vector.broadcast %max3A_456 : vector<128x1xf32> to vector<128x3xf32>
    %div3A_458 = arith.divf %sub3A_448, %div3A_457 : vector<128x3xf32>
    %dot_general3A_459 = arith.constant dense<0.000000e+00> : vector<128x3xf32>
    %dot_general3A_460 = tpu.matmul %convert_element_type3A_247, %get3A_3, %dot_general3A_459 {dimension_numbers = #tpu.dot_dimension_numbers<[1], [0], [0], [1], [0, 0, 1, 1], [], []>, precision = #tpu.contract_precision<fp32>, transpose_lhs_hint = false} : vector<128x128xf32>, vector<128x3xf32>, vector<128x3xf32> -> vector<128x3xf32>
    %sub3A_461 = arith.subf %dot_general3A_460, %get3A_3 : vector<128x3xf32>
    %mul3A_462 = arith.mulf %sub3A_461, %sub3A_461 : vector<128x3xf32>
    %reduce_sum3A_463 = arith.constant dense<0.000000e+00> : vector<128xf32>
    %reduce_sum3A_464 = vector.multi_reduction <add>, %mul3A_462, %reduce_sum3A_463 [1] : vector<128x3xf32> to vector<128xf32>
    %broadcast_in_dim3A_465 = vector.shape_cast %reduce_sum3A_464 : vector<128xf32> to vector<128x1xf32>
    %sqrt3A_466 = math.sqrt %broadcast_in_dim3A_465 : vector<128x1xf32>
    %max3A_467 = arith.constant 9.99999996E-13 : f32
    %max3A_468 = vector.broadcast %max3A_467 : f32 to vector<128x1xf32>
    %max3A_469 = arith.maximumf %sqrt3A_466, %max3A_468 : vector<128x1xf32>
    %div3A_470 = vector.broadcast %max3A_469 : vector<128x1xf32> to vector<128x3xf32>
    %div3A_471 = arith.divf %sub3A_461, %div3A_470 : vector<128x3xf32>
    %dot_general3A_472 = arith.constant dense<0.000000e+00> : vector<128x3xf32>
    %dot_general3A_473 = tpu.matmul %convert_element_type3A_265, %get3A_3, %dot_general3A_472 {dimension_numbers = #tpu.dot_dimension_numbers<[1], [0], [0], [1], [0, 0, 1, 1], [], []>, precision = #tpu.contract_precision<fp32>, transpose_lhs_hint = false} : vector<128x128xf32>, vector<128x3xf32>, vector<128x3xf32> -> vector<128x3xf32>
    %sub3A_474 = arith.subf %dot_general3A_473, %get3A_3 : vector<128x3xf32>
    %mul3A_475 = arith.mulf %sub3A_474, %sub3A_474 : vector<128x3xf32>
    %reduce_sum3A_476 = arith.constant dense<0.000000e+00> : vector<128xf32>
    %reduce_sum3A_477 = vector.multi_reduction <add>, %mul3A_475, %reduce_sum3A_476 [1] : vector<128x3xf32> to vector<128xf32>
    %broadcast_in_dim3A_478 = vector.shape_cast %reduce_sum3A_477 : vector<128xf32> to vector<128x1xf32>
    %sqrt3A_479 = math.sqrt %broadcast_in_dim3A_478 : vector<128x1xf32>
    %max3A_480 = arith.constant 9.99999996E-13 : f32
    %max3A_481 = vector.broadcast %max3A_480 : f32 to vector<128x1xf32>
    %max3A_482 = arith.maximumf %sqrt3A_479, %max3A_481 : vector<128x1xf32>
    %div3A_483 = vector.broadcast %max3A_482 : vector<128x1xf32> to vector<128x3xf32>
    %div3A_484 = arith.divf %sub3A_474, %div3A_483 : vector<128x3xf32>
    %dot_general3A_485 = arith.constant dense<0.000000e+00> : vector<128x3xf32>
    %dot_general3A_486 = tpu.matmul %convert_element_type3A_283, %get3A_3, %dot_general3A_485 {dimension_numbers = #tpu.dot_dimension_numbers<[1], [0], [0], [1], [0, 0, 1, 1], [], []>, precision = #tpu.contract_precision<fp32>, transpose_lhs_hint = false} : vector<128x128xf32>, vector<128x3xf32>, vector<128x3xf32> -> vector<128x3xf32>
    %sub3A_487 = arith.subf %dot_general3A_486, %get3A_3 : vector<128x3xf32>
    %mul3A_488 = arith.mulf %sub3A_487, %sub3A_487 : vector<128x3xf32>
    %reduce_sum3A_489 = arith.constant dense<0.000000e+00> : vector<128xf32>
    %reduce_sum3A_490 = vector.multi_reduction <add>, %mul3A_488, %reduce_sum3A_489 [1] : vector<128x3xf32> to vector<128xf32>
    %broadcast_in_dim3A_491 = vector.shape_cast %reduce_sum3A_490 : vector<128xf32> to vector<128x1xf32>
    %sqrt3A_492 = math.sqrt %broadcast_in_dim3A_491 : vector<128x1xf32>
    %max3A_493 = arith.constant 9.99999996E-13 : f32
    %max3A_494 = vector.broadcast %max3A_493 : f32 to vector<128x1xf32>
    %max3A_495 = arith.maximumf %sqrt3A_492, %max3A_494 : vector<128x1xf32>
    %div3A_496 = vector.broadcast %max3A_495 : vector<128x1xf32> to vector<128x3xf32>
    %div3A_497 = arith.divf %sub3A_487, %div3A_496 : vector<128x3xf32>
    %dot_general3A_498 = arith.constant dense<0.000000e+00> : vector<128x3xf32>
    %dot_general3A_499 = tpu.matmul %convert_element_type3A_301, %get3A_3, %dot_general3A_498 {dimension_numbers = #tpu.dot_dimension_numbers<[1], [0], [0], [1], [0, 0, 1, 1], [], []>, precision = #tpu.contract_precision<fp32>, transpose_lhs_hint = false} : vector<128x128xf32>, vector<128x3xf32>, vector<128x3xf32> -> vector<128x3xf32>
    %sub3A_500 = arith.subf %dot_general3A_499, %get3A_3 : vector<128x3xf32>
    %mul3A_501 = arith.mulf %sub3A_500, %sub3A_500 : vector<128x3xf32>
    %reduce_sum3A_502 = arith.constant dense<0.000000e+00> : vector<128xf32>
    %reduce_sum3A_503 = vector.multi_reduction <add>, %mul3A_501, %reduce_sum3A_502 [1] : vector<128x3xf32> to vector<128xf32>
    %broadcast_in_dim3A_504 = vector.shape_cast %reduce_sum3A_503 : vector<128xf32> to vector<128x1xf32>
    %sqrt3A_505 = math.sqrt %broadcast_in_dim3A_504 : vector<128x1xf32>
    %max3A_506 = arith.constant 9.99999996E-13 : f32
    %max3A_507 = vector.broadcast %max3A_506 : f32 to vector<128x1xf32>
    %max3A_508 = arith.maximumf %sqrt3A_505, %max3A_507 : vector<128x1xf32>
    %div3A_509 = vector.broadcast %max3A_508 : vector<128x1xf32> to vector<128x3xf32>
    %div3A_510 = arith.divf %sub3A_500, %div3A_509 : vector<128x3xf32>
    %dot_general3A_511 = arith.constant dense<0.000000e+00> : vector<128x3xf32>
    %dot_general3A_512 = tpu.matmul %convert_element_type3A_319, %get3A_3, %dot_general3A_511 {dimension_numbers = #tpu.dot_dimension_numbers<[1], [0], [0], [1], [0, 0, 1, 1], [], []>, precision = #tpu.contract_precision<fp32>, transpose_lhs_hint = false} : vector<128x128xf32>, vector<128x3xf32>, vector<128x3xf32> -> vector<128x3xf32>
    %sub3A_513 = arith.subf %dot_general3A_512, %get3A_3 : vector<128x3xf32>
    %mul3A_514 = arith.mulf %sub3A_513, %sub3A_513 : vector<128x3xf32>
    %reduce_sum3A_515 = arith.constant dense<0.000000e+00> : vector<128xf32>
    %reduce_sum3A_516 = vector.multi_reduction <add>, %mul3A_514, %reduce_sum3A_515 [1] : vector<128x3xf32> to vector<128xf32>
    %broadcast_in_dim3A_517 = vector.shape_cast %reduce_sum3A_516 : vector<128xf32> to vector<128x1xf32>
    %sqrt3A_518 = math.sqrt %broadcast_in_dim3A_517 : vector<128x1xf32>
    %max3A_519 = arith.constant 9.99999996E-13 : f32
    %max3A_520 = vector.broadcast %max3A_519 : f32 to vector<128x1xf32>
    %max3A_521 = arith.maximumf %sqrt3A_518, %max3A_520 : vector<128x1xf32>
    %div3A_522 = vector.broadcast %max3A_521 : vector<128x1xf32> to vector<128x3xf32>
    %div3A_523 = arith.divf %sub3A_513, %div3A_522 : vector<128x3xf32>
    %get3A_524 = arith.constant 0 : index
    %get3A_525 = arith.constant 0 : index
    %get3A_526 = vector.load %arg3[%get3A_524, %get3A_525] : memref<3x320xf32, #tpu.memory_space<vmem>>, vector<3x320xf32>
    %mul3A_527 = arith.mulf %get3A_526, %get3A_526 : vector<3x320xf32>
    %reduce_sum3A_528 = arith.constant dense<0.000000e+00> : vector<320xf32>
    %reduce_sum3A_529 = vector.multi_reduction <add>, %mul3A_527, %reduce_sum3A_528 [0] : vector<3x320xf32> to vector<320xf32>
    %broadcast_in_dim3A_530 = vector.shape_cast %reduce_sum3A_529 : vector<320xf32> to vector<1x320xf32>
    %sqrt3A_531 = math.sqrt %broadcast_in_dim3A_530 : vector<1x320xf32>
    %max3A_532 = arith.constant 9.99999996E-13 : f32
    %max3A_533 = vector.broadcast %max3A_532 : f32 to vector<1x320xf32>
    %max3A_534 = arith.maximumf %sqrt3A_531, %max3A_533 : vector<1x320xf32>
    %div3A_535 = vector.broadcast %max3A_534 : vector<1x320xf32> to vector<3x320xf32>
    %div3A_536 = arith.divf %get3A_526, %div3A_535 : vector<3x320xf32>
    %convert_element_type3A_537 = arith.truncf %div3A_328 : vector<128x3xf32> to vector<128x3xbf16>
    %convert_element_type3A_538 = arith.truncf %div3A_536 : vector<3x320xf32> to vector<3x320xbf16>
    %dot_general3A_539 = arith.constant dense<0.000000e+00> : vector<128x320xf32>
    %dot_general3A_540 = tpu.matmul %convert_element_type3A_537, %convert_element_type3A_538, %dot_general3A_539 {dimension_numbers = #tpu.dot_dimension_numbers<[1], [0], [0], [1], [0, 0, 1, 1], [], []>, transpose_lhs_hint = false} : vector<128x3xbf16>, vector<3x320xbf16>, vector<128x320xf32> -> vector<128x320xf32>
    %max3A_541 = arith.constant 0.000000e+00 : f32
    %max3A_542 = vector.broadcast %max3A_541 : f32 to vector<128x320xf32>
    %max3A_543 = arith.maximumf %dot_general3A_540, %max3A_542 : vector<128x320xf32>
    %convert_element_type3A_544 = arith.truncf %div3A_341 : vector<128x3xf32> to vector<128x3xbf16>
    %convert_element_type3A_545 = arith.truncf %div3A_536 : vector<3x320xf32> to vector<3x320xbf16>
    %dot_general3A_546 = arith.constant dense<0.000000e+00> : vector<128x320xf32>
    %dot_general3A_547 = tpu.matmul %convert_element_type3A_544, %convert_element_type3A_545, %dot_general3A_546 {dimension_numbers = #tpu.dot_dimension_numbers<[1], [0], [0], [1], [0, 0, 1, 1], [], []>, transpose_lhs_hint = false} : vector<128x3xbf16>, vector<3x320xbf16>, vector<128x320xf32> -> vector<128x320xf32>
    %max3A_548 = arith.constant 0.000000e+00 : f32
    %max3A_549 = vector.broadcast %max3A_548 : f32 to vector<128x320xf32>
    %max3A_550 = arith.maximumf %dot_general3A_547, %max3A_549 : vector<128x320xf32>
    %max3A_551 = arith.maximumf %max3A_543, %max3A_550 : vector<128x320xf32>
    %convert_element_type3A_552 = arith.truncf %div3A_354 : vector<128x3xf32> to vector<128x3xbf16>
    %convert_element_type3A_553 = arith.truncf %div3A_536 : vector<3x320xf32> to vector<3x320xbf16>
    %dot_general3A_554 = arith.constant dense<0.000000e+00> : vector<128x320xf32>
    %dot_general3A_555 = tpu.matmul %convert_element_type3A_552, %convert_element_type3A_553, %dot_general3A_554 {dimension_numbers = #tpu.dot_dimension_numbers<[1], [0], [0], [1], [0, 0, 1, 1], [], []>, transpose_lhs_hint = false} : vector<128x3xbf16>, vector<3x320xbf16>, vector<128x320xf32> -> vector<128x320xf32>
    %max3A_556 = arith.constant 0.000000e+00 : f32
    %max3A_557 = vector.broadcast %max3A_556 : f32 to vector<128x320xf32>
    %max3A_558 = arith.maximumf %dot_general3A_555, %max3A_557 : vector<128x320xf32>
    %max3A_559 = arith.maximumf %max3A_551, %max3A_558 : vector<128x320xf32>
    %convert_element_type3A_560 = arith.truncf %div3A_367 : vector<128x3xf32> to vector<128x3xbf16>
    %convert_element_type3A_561 = arith.truncf %div3A_536 : vector<3x320xf32> to vector<3x320xbf16>
    %dot_general3A_562 = arith.constant dense<0.000000e+00> : vector<128x320xf32>
    %dot_general3A_563 = tpu.matmul %convert_element_type3A_560, %convert_element_type3A_561, %dot_general3A_562 {dimension_numbers = #tpu.dot_dimension_numbers<[1], [0], [0], [1], [0, 0, 1, 1], [], []>, transpose_lhs_hint = false} : vector<128x3xbf16>, vector<3x320xbf16>, vector<128x320xf32> -> vector<128x320xf32>
    %max3A_564 = arith.constant 0.000000e+00 : f32
    %max3A_565 = vector.broadcast %max3A_564 : f32 to vector<128x320xf32>
    %max3A_566 = arith.maximumf %dot_general3A_563, %max3A_565 : vector<128x320xf32>
    %max3A_567 = arith.maximumf %max3A_559, %max3A_566 : vector<128x320xf32>
    %convert_element_type3A_568 = arith.truncf %div3A_380 : vector<128x3xf32> to vector<128x3xbf16>
    %convert_element_type3A_569 = arith.truncf %div3A_536 : vector<3x320xf32> to vector<3x320xbf16>
    %dot_general3A_570 = arith.constant dense<0.000000e+00> : vector<128x320xf32>
    %dot_general3A_571 = tpu.matmul %convert_element_type3A_568, %convert_element_type3A_569, %dot_general3A_570 {dimension_numbers = #tpu.dot_dimension_numbers<[1], [0], [0], [1], [0, 0, 1, 1], [], []>, transpose_lhs_hint = false} : vector<128x3xbf16>, vector<3x320xbf16>, vector<128x320xf32> -> vector<128x320xf32>
    %max3A_572 = arith.constant 0.000000e+00 : f32
    %max3A_573 = vector.broadcast %max3A_572 : f32 to vector<128x320xf32>
    %max3A_574 = arith.maximumf %dot_general3A_571, %max3A_573 : vector<128x320xf32>
    %max3A_575 = arith.maximumf %max3A_567, %max3A_574 : vector<128x320xf32>
    %convert_element_type3A_576 = arith.truncf %div3A_393 : vector<128x3xf32> to vector<128x3xbf16>
    %convert_element_type3A_577 = arith.truncf %div3A_536 : vector<3x320xf32> to vector<3x320xbf16>
    %dot_general3A_578 = arith.constant dense<0.000000e+00> : vector<128x320xf32>
    %dot_general3A_579 = tpu.matmul %convert_element_type3A_576, %convert_element_type3A_577, %dot_general3A_578 {dimension_numbers = #tpu.dot_dimension_numbers<[1], [0], [0], [1], [0, 0, 1, 1], [], []>, transpose_lhs_hint = false} : vector<128x3xbf16>, vector<3x320xbf16>, vector<128x320xf32> -> vector<128x320xf32>
    %max3A_580 = arith.constant 0.000000e+00 : f32
    %max3A_581 = vector.broadcast %max3A_580 : f32 to vector<128x320xf32>
    %max3A_582 = arith.maximumf %dot_general3A_579, %max3A_581 : vector<128x320xf32>
    %max3A_583 = arith.maximumf %max3A_575, %max3A_582 : vector<128x320xf32>
    %convert_element_type3A_584 = arith.truncf %div3A_406 : vector<128x3xf32> to vector<128x3xbf16>
    %convert_element_type3A_585 = arith.truncf %div3A_536 : vector<3x320xf32> to vector<3x320xbf16>
    %dot_general3A_586 = arith.constant dense<0.000000e+00> : vector<128x320xf32>
    %dot_general3A_587 = tpu.matmul %convert_element_type3A_584, %convert_element_type3A_585, %dot_general3A_586 {dimension_numbers = #tpu.dot_dimension_numbers<[1], [0], [0], [1], [0, 0, 1, 1], [], []>, transpose_lhs_hint = false} : vector<128x3xbf16>, vector<3x320xbf16>, vector<128x320xf32> -> vector<128x320xf32>
    %max3A_588 = arith.constant 0.000000e+00 : f32
    %max3A_589 = vector.broadcast %max3A_588 : f32 to vector<128x320xf32>
    %max3A_590 = arith.maximumf %dot_general3A_587, %max3A_589 : vector<128x320xf32>
    %max3A_591 = arith.maximumf %max3A_583, %max3A_590 : vector<128x320xf32>
    %convert_element_type3A_592 = arith.truncf %div3A_419 : vector<128x3xf32> to vector<128x3xbf16>
    %convert_element_type3A_593 = arith.truncf %div3A_536 : vector<3x320xf32> to vector<3x320xbf16>
    %dot_general3A_594 = arith.constant dense<0.000000e+00> : vector<128x320xf32>
    %dot_general3A_595 = tpu.matmul %convert_element_type3A_592, %convert_element_type3A_593, %dot_general3A_594 {dimension_numbers = #tpu.dot_dimension_numbers<[1], [0], [0], [1], [0, 0, 1, 1], [], []>, transpose_lhs_hint = false} : vector<128x3xbf16>, vector<3x320xbf16>, vector<128x320xf32> -> vector<128x320xf32>
    %max3A_596 = arith.constant 0.000000e+00 : f32
    %max3A_597 = vector.broadcast %max3A_596 : f32 to vector<128x320xf32>
    %max3A_598 = arith.maximumf %dot_general3A_595, %max3A_597 : vector<128x320xf32>
    %max3A_599 = arith.maximumf %max3A_591, %max3A_598 : vector<128x320xf32>
    %convert_element_type3A_600 = arith.truncf %div3A_432 : vector<128x3xf32> to vector<128x3xbf16>
    %convert_element_type3A_601 = arith.truncf %div3A_536 : vector<3x320xf32> to vector<3x320xbf16>
    %dot_general3A_602 = arith.constant dense<0.000000e+00> : vector<128x320xf32>
    %dot_general3A_603 = tpu.matmul %convert_element_type3A_600, %convert_element_type3A_601, %dot_general3A_602 {dimension_numbers = #tpu.dot_dimension_numbers<[1], [0], [0], [1], [0, 0, 1, 1], [], []>, transpose_lhs_hint = false} : vector<128x3xbf16>, vector<3x320xbf16>, vector<128x320xf32> -> vector<128x320xf32>
    %max3A_604 = arith.constant 0.000000e+00 : f32
    %max3A_605 = vector.broadcast %max3A_604 : f32 to vector<128x320xf32>
    %max3A_606 = arith.maximumf %dot_general3A_603, %max3A_605 : vector<128x320xf32>
    %max3A_607 = arith.maximumf %max3A_599, %max3A_606 : vector<128x320xf32>
    %convert_element_type3A_608 = arith.truncf %div3A_445 : vector<128x3xf32> to vector<128x3xbf16>
    %convert_element_type3A_609 = arith.truncf %div3A_536 : vector<3x320xf32> to vector<3x320xbf16>
    %dot_general3A_610 = arith.constant dense<0.000000e+00> : vector<128x320xf32>
    %dot_general3A_611 = tpu.matmul %convert_element_type3A_608, %convert_element_type3A_609, %dot_general3A_610 {dimension_numbers = #tpu.dot_dimension_numbers<[1], [0], [0], [1], [0, 0, 1, 1], [], []>, transpose_lhs_hint = false} : vector<128x3xbf16>, vector<3x320xbf16>, vector<128x320xf32> -> vector<128x320xf32>
    %max3A_612 = arith.constant 0.000000e+00 : f32
    %max3A_613 = vector.broadcast %max3A_612 : f32 to vector<128x320xf32>
    %max3A_614 = arith.maximumf %dot_general3A_611, %max3A_613 : vector<128x320xf32>
    %max3A_615 = arith.maximumf %max3A_607, %max3A_614 : vector<128x320xf32>
    %convert_element_type3A_616 = arith.truncf %div3A_458 : vector<128x3xf32> to vector<128x3xbf16>
    %convert_element_type3A_617 = arith.truncf %div3A_536 : vector<3x320xf32> to vector<3x320xbf16>
    %dot_general3A_618 = arith.constant dense<0.000000e+00> : vector<128x320xf32>
    %dot_general3A_619 = tpu.matmul %convert_element_type3A_616, %convert_element_type3A_617, %dot_general3A_618 {dimension_numbers = #tpu.dot_dimension_numbers<[1], [0], [0], [1], [0, 0, 1, 1], [], []>, transpose_lhs_hint = false} : vector<128x3xbf16>, vector<3x320xbf16>, vector<128x320xf32> -> vector<128x320xf32>
    %max3A_620 = arith.constant 0.000000e+00 : f32
    %max3A_621 = vector.broadcast %max3A_620 : f32 to vector<128x320xf32>
    %max3A_622 = arith.maximumf %dot_general3A_619, %max3A_621 : vector<128x320xf32>
    %max3A_623 = arith.maximumf %max3A_615, %max3A_622 : vector<128x320xf32>
    %convert_element_type3A_624 = arith.truncf %div3A_471 : vector<128x3xf32> to vector<128x3xbf16>
    %convert_element_type3A_625 = arith.truncf %div3A_536 : vector<3x320xf32> to vector<3x320xbf16>
    %dot_general3A_626 = arith.constant dense<0.000000e+00> : vector<128x320xf32>
    %dot_general3A_627 = tpu.matmul %convert_element_type3A_624, %convert_element_type3A_625, %dot_general3A_626 {dimension_numbers = #tpu.dot_dimension_numbers<[1], [0], [0], [1], [0, 0, 1, 1], [], []>, transpose_lhs_hint = false} : vector<128x3xbf16>, vector<3x320xbf16>, vector<128x320xf32> -> vector<128x320xf32>
    %max3A_628 = arith.constant 0.000000e+00 : f32
    %max3A_629 = vector.broadcast %max3A_628 : f32 to vector<128x320xf32>
    %max3A_630 = arith.maximumf %dot_general3A_627, %max3A_629 : vector<128x320xf32>
    %max3A_631 = arith.maximumf %max3A_623, %max3A_630 : vector<128x320xf32>
    %convert_element_type3A_632 = arith.truncf %div3A_484 : vector<128x3xf32> to vector<128x3xbf16>
    %convert_element_type3A_633 = arith.truncf %div3A_536 : vector<3x320xf32> to vector<3x320xbf16>
    %dot_general3A_634 = arith.constant dense<0.000000e+00> : vector<128x320xf32>
    %dot_general3A_635 = tpu.matmul %convert_element_type3A_632, %convert_element_type3A_633, %dot_general3A_634 {dimension_numbers = #tpu.dot_dimension_numbers<[1], [0], [0], [1], [0, 0, 1, 1], [], []>, transpose_lhs_hint = false} : vector<128x3xbf16>, vector<3x320xbf16>, vector<128x320xf32> -> vector<128x320xf32>
    %max3A_636 = arith.constant 0.000000e+00 : f32
    %max3A_637 = vector.broadcast %max3A_636 : f32 to vector<128x320xf32>
    %max3A_638 = arith.maximumf %dot_general3A_635, %max3A_637 : vector<128x320xf32>
    %max3A_639 = arith.maximumf %max3A_631, %max3A_638 : vector<128x320xf32>
    %convert_element_type3A_640 = arith.truncf %div3A_497 : vector<128x3xf32> to vector<128x3xbf16>
    %convert_element_type3A_641 = arith.truncf %div3A_536 : vector<3x320xf32> to vector<3x320xbf16>
    %dot_general3A_642 = arith.constant dense<0.000000e+00> : vector<128x320xf32>
    %dot_general3A_643 = tpu.matmul %convert_element_type3A_640, %convert_element_type3A_641, %dot_general3A_642 {dimension_numbers = #tpu.dot_dimension_numbers<[1], [0], [0], [1], [0, 0, 1, 1], [], []>, transpose_lhs_hint = false} : vector<128x3xbf16>, vector<3x320xbf16>, vector<128x320xf32> -> vector<128x320xf32>
    %max3A_644 = arith.constant 0.000000e+00 : f32
    %max3A_645 = vector.broadcast %max3A_644 : f32 to vector<128x320xf32>
    %max3A_646 = arith.maximumf %dot_general3A_643, %max3A_645 : vector<128x320xf32>
    %max3A_647 = arith.maximumf %max3A_639, %max3A_646 : vector<128x320xf32>
    %convert_element_type3A_648 = arith.truncf %div3A_510 : vector<128x3xf32> to vector<128x3xbf16>
    %convert_element_type3A_649 = arith.truncf %div3A_536 : vector<3x320xf32> to vector<3x320xbf16>
    %dot_general3A_650 = arith.constant dense<0.000000e+00> : vector<128x320xf32>
    %dot_general3A_651 = tpu.matmul %convert_element_type3A_648, %convert_element_type3A_649, %dot_general3A_650 {dimension_numbers = #tpu.dot_dimension_numbers<[1], [0], [0], [1], [0, 0, 1, 1], [], []>, transpose_lhs_hint = false} : vector<128x3xbf16>, vector<3x320xbf16>, vector<128x320xf32> -> vector<128x320xf32>
    %max3A_652 = arith.constant 0.000000e+00 : f32
    %max3A_653 = vector.broadcast %max3A_652 : f32 to vector<128x320xf32>
    %max3A_654 = arith.maximumf %dot_general3A_651, %max3A_653 : vector<128x320xf32>
    %max3A_655 = arith.maximumf %max3A_647, %max3A_654 : vector<128x320xf32>
    %convert_element_type3A_656 = arith.truncf %div3A_523 : vector<128x3xf32> to vector<128x3xbf16>
    %convert_element_type3A_657 = arith.truncf %div3A_536 : vector<3x320xf32> to vector<3x320xbf16>
    %dot_general3A_658 = arith.constant dense<0.000000e+00> : vector<128x320xf32>
    %dot_general3A_659 = tpu.matmul %convert_element_type3A_656, %convert_element_type3A_657, %dot_general3A_658 {dimension_numbers = #tpu.dot_dimension_numbers<[1], [0], [0], [1], [0, 0, 1, 1], [], []>, transpose_lhs_hint = false} : vector<128x3xbf16>, vector<3x320xbf16>, vector<128x320xf32> -> vector<128x320xf32>
    %max3A_660 = arith.constant 0.000000e+00 : f32
    %max3A_661 = vector.broadcast %max3A_660 : f32 to vector<128x320xf32>
    %max3A_662 = arith.maximumf %dot_general3A_659, %max3A_661 : vector<128x320xf32>
    %max3A_663 = arith.maximumf %max3A_655, %max3A_662 : vector<128x320xf32>
    %slice3A = vector.extract_strided_slice %max3A_663 {offsets = [0, 0], sizes = [128, 32], strides = [1, 1]} : vector<128x320xf32> to vector<128x32xf32>
    %slice3A_664 = vector.extract_strided_slice %max3A_663 {offsets = [0, 32], sizes = [128, 32], strides = [1, 1]} : vector<128x320xf32> to vector<128x32xf32>
    %add3A_665 = arith.addf %slice3A, %slice3A_664 : vector<128x32xf32>
    %slice3A_666 = vector.extract_strided_slice %max3A_663 {offsets = [0, 64], sizes = [128, 32], strides = [1, 1]} : vector<128x320xf32> to vector<128x32xf32>
    %add3A_667 = arith.addf %add3A_665, %slice3A_666 : vector<128x32xf32>
    %slice3A_668 = vector.extract_strided_slice %max3A_663 {offsets = [0, 96], sizes = [128, 32], strides = [1, 1]} : vector<128x320xf32> to vector<128x32xf32>
    %add3A_669 = arith.addf %add3A_667, %slice3A_668 : vector<128x32xf32>
    %slice3A_670 = vector.extract_strided_slice %max3A_663 {offsets = [0, 128], sizes = [128, 32], strides = [1, 1]} : vector<128x320xf32> to vector<128x32xf32>
    %add3A_671 = arith.addf %add3A_669, %slice3A_670 : vector<128x32xf32>
    %slice3A_672 = vector.extract_strided_slice %max3A_663 {offsets = [0, 160], sizes = [128, 32], strides = [1, 1]} : vector<128x320xf32> to vector<128x32xf32>
    %add3A_673 = arith.addf %add3A_671, %slice3A_672 : vector<128x32xf32>
    %slice3A_674 = vector.extract_strided_slice %max3A_663 {offsets = [0, 192], sizes = [128, 32], strides = [1, 1]} : vector<128x320xf32> to vector<128x32xf32>
    %add3A_675 = arith.addf %add3A_673, %slice3A_674 : vector<128x32xf32>
    %slice3A_676 = vector.extract_strided_slice %max3A_663 {offsets = [0, 224], sizes = [128, 32], strides = [1, 1]} : vector<128x320xf32> to vector<128x32xf32>
    %add3A_677 = arith.addf %add3A_675, %slice3A_676 : vector<128x32xf32>
    %slice3A_678 = vector.extract_strided_slice %max3A_663 {offsets = [0, 256], sizes = [128, 32], strides = [1, 1]} : vector<128x320xf32> to vector<128x32xf32>
    %add3A_679 = arith.addf %add3A_677, %slice3A_678 : vector<128x32xf32>
    %slice3A_680 = vector.extract_strided_slice %max3A_663 {offsets = [0, 288], sizes = [128, 32], strides = [1, 1]} : vector<128x320xf32> to vector<128x32xf32>
    %add3A_681 = arith.addf %add3A_679, %slice3A_680 : vector<128x32xf32>
    %max3A_682 = arith.constant 0.000000e+00 : f32
    %max3A_683 = vector.broadcast %max3A_682 : f32 to vector<128x32xf32>
    %max3A_684 = arith.maximumf %add3A_681, %max3A_683 : vector<128x32xf32>
    %get3A_685 = arith.constant 0 : index
    %get3A_686 = arith.constant 0 : index
    %get3A_687 = vector.load %arg4[%get3A_685, %get3A_686] : memref<32x704xf32, #tpu.memory_space<vmem>>, vector<32x704xf32>
    %convert_element_type3A_688 = arith.truncf %max3A_684 : vector<128x32xf32> to vector<128x32xbf16>
    %convert_element_type3A_689 = arith.truncf %get3A_687 : vector<32x704xf32> to vector<32x704xbf16>
    %dot_general3A_690 = arith.constant dense<0.000000e+00> : vector<128x704xf32>
    %dot_general3A_691 = tpu.matmul %convert_element_type3A_688, %convert_element_type3A_689, %dot_general3A_690 {dimension_numbers = #tpu.dot_dimension_numbers<[1], [0], [0], [1], [0, 0, 1, 1], [], []>, transpose_lhs_hint = false} : vector<128x32xbf16>, vector<32x704xbf16>, vector<128x704xf32> -> vector<128x704xf32>
    %get3A_692 = arith.constant 0 : index
    %get3A_693 = arith.constant 0 : index
    %get3A_694 = vector.load %arg5[%get3A_692, %get3A_693] : memref<1x704xf32, #tpu.memory_space<vmem>>, vector<1x704xf32>
    %add3A_695 = vector.broadcast %get3A_694 : vector<1x704xf32> to vector<128x704xf32>
    %add3A_696 = arith.addf %dot_general3A_691, %add3A_695 : vector<128x704xf32>
    %get3A_697 = arith.constant 0 : index
    %get3A_698 = arith.constant 0 : index
    %get3A_699 = vector.load %arg6[%get3A_697, %get3A_698] : memref<3x640xf32, #tpu.memory_space<vmem>>, vector<3x640xf32>
    %mul3A_700 = arith.mulf %get3A_699, %get3A_699 : vector<3x640xf32>
    %reduce_sum3A_701 = arith.constant dense<0.000000e+00> : vector<640xf32>
    %reduce_sum3A_702 = vector.multi_reduction <add>, %mul3A_700, %reduce_sum3A_701 [0] : vector<3x640xf32> to vector<640xf32>
    %broadcast_in_dim3A_703 = vector.shape_cast %reduce_sum3A_702 : vector<640xf32> to vector<1x640xf32>
    %sqrt3A_704 = math.sqrt %broadcast_in_dim3A_703 : vector<1x640xf32>
    %max3A_705 = arith.constant 9.99999996E-13 : f32
    %max3A_706 = vector.broadcast %max3A_705 : f32 to vector<1x640xf32>
    %max3A_707 = arith.maximumf %sqrt3A_704, %max3A_706 : vector<1x640xf32>
    %div3A_708 = vector.broadcast %max3A_707 : vector<1x640xf32> to vector<3x640xf32>
    %div3A_709 = arith.divf %get3A_699, %div3A_708 : vector<3x640xf32>
    %slice3A_710 = vector.extract_strided_slice %add3A_696 {offsets = [0, 0], sizes = [128, 64], strides = [1, 1]} : vector<128x704xf32> to vector<128x64xf32>
    %slice3A_711 = vector.extract_strided_slice %add3A_696 {offsets = [0, 64], sizes = [128, 640], strides = [1, 1]} : vector<128x704xf32> to vector<128x640xf32>
    %convert_element_type3A_712 = arith.truncf %div3A_328 : vector<128x3xf32> to vector<128x3xbf16>
    %convert_element_type3A_713 = arith.truncf %div3A_709 : vector<3x640xf32> to vector<3x640xbf16>
    %dot_general3A_714 = arith.constant dense<0.000000e+00> : vector<128x640xf32>
    %dot_general3A_715 = tpu.matmul %convert_element_type3A_712, %convert_element_type3A_713, %dot_general3A_714 {dimension_numbers = #tpu.dot_dimension_numbers<[1], [0], [0], [1], [0, 0, 1, 1], [], []>, transpose_lhs_hint = false} : vector<128x3xbf16>, vector<3x640xbf16>, vector<128x640xf32> -> vector<128x640xf32>
    %max3A_716 = arith.constant 0.000000e+00 : f32
    %max3A_717 = vector.broadcast %max3A_716 : f32 to vector<128x640xf32>
    %max3A_718 = arith.maximumf %dot_general3A_715, %max3A_717 : vector<128x640xf32>
    %dot_general3A_719 = arith.constant dense<0.000000e+00> : vector<128x640xf32>
    %dot_general3A_720 = tpu.matmul %convert_element_type3A_49, %slice3A_711, %dot_general3A_719 {dimension_numbers = #tpu.dot_dimension_numbers<[1], [0], [0], [1], [0, 0, 1, 1], [], []>, precision = #tpu.contract_precision<fp32>, transpose_lhs_hint = false} : vector<128x128xf32>, vector<128x640xf32>, vector<128x640xf32> -> vector<128x640xf32>
    %mul3A_721 = arith.mulf %max3A_718, %dot_general3A_720 : vector<128x640xf32>
    %convert_element_type3A_722 = arith.truncf %div3A_341 : vector<128x3xf32> to vector<128x3xbf16>
    %convert_element_type3A_723 = arith.truncf %div3A_709 : vector<3x640xf32> to vector<3x640xbf16>
    %dot_general3A_724 = arith.constant dense<0.000000e+00> : vector<128x640xf32>
    %dot_general3A_725 = tpu.matmul %convert_element_type3A_722, %convert_element_type3A_723, %dot_general3A_724 {dimension_numbers = #tpu.dot_dimension_numbers<[1], [0], [0], [1], [0, 0, 1, 1], [], []>, transpose_lhs_hint = false} : vector<128x3xbf16>, vector<3x640xbf16>, vector<128x640xf32> -> vector<128x640xf32>
    %max3A_726 = arith.constant 0.000000e+00 : f32
    %max3A_727 = vector.broadcast %max3A_726 : f32 to vector<128x640xf32>
    %max3A_728 = arith.maximumf %dot_general3A_725, %max3A_727 : vector<128x640xf32>
    %dot_general3A_729 = arith.constant dense<0.000000e+00> : vector<128x640xf32>
    %dot_general3A_730 = tpu.matmul %convert_element_type3A_67, %slice3A_711, %dot_general3A_729 {dimension_numbers = #tpu.dot_dimension_numbers<[1], [0], [0], [1], [0, 0, 1, 1], [], []>, precision = #tpu.contract_precision<fp32>, transpose_lhs_hint = false} : vector<128x128xf32>, vector<128x640xf32>, vector<128x640xf32> -> vector<128x640xf32>
    %mul3A_731 = arith.mulf %max3A_728, %dot_general3A_730 : vector<128x640xf32>
    %max3A_732 = arith.maximumf %mul3A_721, %mul3A_731 : vector<128x640xf32>
    %convert_element_type3A_733 = arith.truncf %div3A_354 : vector<128x3xf32> to vector<128x3xbf16>
    %convert_element_type3A_734 = arith.truncf %div3A_709 : vector<3x640xf32> to vector<3x640xbf16>
    %dot_general3A_735 = arith.constant dense<0.000000e+00> : vector<128x640xf32>
    %dot_general3A_736 = tpu.matmul %convert_element_type3A_733, %convert_element_type3A_734, %dot_general3A_735 {dimension_numbers = #tpu.dot_dimension_numbers<[1], [0], [0], [1], [0, 0, 1, 1], [], []>, transpose_lhs_hint = false} : vector<128x3xbf16>, vector<3x640xbf16>, vector<128x640xf32> -> vector<128x640xf32>
    %max3A_737 = arith.constant 0.000000e+00 : f32
    %max3A_738 = vector.broadcast %max3A_737 : f32 to vector<128x640xf32>
    %max3A_739 = arith.maximumf %dot_general3A_736, %max3A_738 : vector<128x640xf32>
    %dot_general3A_740 = arith.constant dense<0.000000e+00> : vector<128x640xf32>
    %dot_general3A_741 = tpu.matmul %convert_element_type3A_85, %slice3A_711, %dot_general3A_740 {dimension_numbers = #tpu.dot_dimension_numbers<[1], [0], [0], [1], [0, 0, 1, 1], [], []>, precision = #tpu.contract_precision<fp32>, transpose_lhs_hint = false} : vector<128x128xf32>, vector<128x640xf32>, vector<128x640xf32> -> vector<128x640xf32>
    %mul3A_742 = arith.mulf %max3A_739, %dot_general3A_741 : vector<128x640xf32>
    %max3A_743 = arith.maximumf %max3A_732, %mul3A_742 : vector<128x640xf32>
    %convert_element_type3A_744 = arith.truncf %div3A_367 : vector<128x3xf32> to vector<128x3xbf16>
    %convert_element_type3A_745 = arith.truncf %div3A_709 : vector<3x640xf32> to vector<3x640xbf16>
    %dot_general3A_746 = arith.constant dense<0.000000e+00> : vector<128x640xf32>
    %dot_general3A_747 = tpu.matmul %convert_element_type3A_744, %convert_element_type3A_745, %dot_general3A_746 {dimension_numbers = #tpu.dot_dimension_numbers<[1], [0], [0], [1], [0, 0, 1, 1], [], []>, transpose_lhs_hint = false} : vector<128x3xbf16>, vector<3x640xbf16>, vector<128x640xf32> -> vector<128x640xf32>
    %max3A_748 = arith.constant 0.000000e+00 : f32
    %max3A_749 = vector.broadcast %max3A_748 : f32 to vector<128x640xf32>
    %max3A_750 = arith.maximumf %dot_general3A_747, %max3A_749 : vector<128x640xf32>
    %dot_general3A_751 = arith.constant dense<0.000000e+00> : vector<128x640xf32>
    %dot_general3A_752 = tpu.matmul %convert_element_type3A_103, %slice3A_711, %dot_general3A_751 {dimension_numbers = #tpu.dot_dimension_numbers<[1], [0], [0], [1], [0, 0, 1, 1], [], []>, precision = #tpu.contract_precision<fp32>, transpose_lhs_hint = false} : vector<128x128xf32>, vector<128x640xf32>, vector<128x640xf32> -> vector<128x640xf32>
    %mul3A_753 = arith.mulf %max3A_750, %dot_general3A_752 : vector<128x640xf32>
    %max3A_754 = arith.maximumf %max3A_743, %mul3A_753 : vector<128x640xf32>
    %convert_element_type3A_755 = arith.truncf %div3A_380 : vector<128x3xf32> to vector<128x3xbf16>
    %convert_element_type3A_756 = arith.truncf %div3A_709 : vector<3x640xf32> to vector<3x640xbf16>
    %dot_general3A_757 = arith.constant dense<0.000000e+00> : vector<128x640xf32>
    %dot_general3A_758 = tpu.matmul %convert_element_type3A_755, %convert_element_type3A_756, %dot_general3A_757 {dimension_numbers = #tpu.dot_dimension_numbers<[1], [0], [0], [1], [0, 0, 1, 1], [], []>, transpose_lhs_hint = false} : vector<128x3xbf16>, vector<3x640xbf16>, vector<128x640xf32> -> vector<128x640xf32>
    %max3A_759 = arith.constant 0.000000e+00 : f32
    %max3A_760 = vector.broadcast %max3A_759 : f32 to vector<128x640xf32>
    %max3A_761 = arith.maximumf %dot_general3A_758, %max3A_760 : vector<128x640xf32>
    %dot_general3A_762 = arith.constant dense<0.000000e+00> : vector<128x640xf32>
    %dot_general3A_763 = tpu.matmul %convert_element_type3A_121, %slice3A_711, %dot_general3A_762 {dimension_numbers = #tpu.dot_dimension_numbers<[1], [0], [0], [1], [0, 0, 1, 1], [], []>, precision = #tpu.contract_precision<fp32>, transpose_lhs_hint = false} : vector<128x128xf32>, vector<128x640xf32>, vector<128x640xf32> -> vector<128x640xf32>
    %mul3A_764 = arith.mulf %max3A_761, %dot_general3A_763 : vector<128x640xf32>
    %max3A_765 = arith.maximumf %max3A_754, %mul3A_764 : vector<128x640xf32>
    %convert_element_type3A_766 = arith.truncf %div3A_393 : vector<128x3xf32> to vector<128x3xbf16>
    %convert_element_type3A_767 = arith.truncf %div3A_709 : vector<3x640xf32> to vector<3x640xbf16>
    %dot_general3A_768 = arith.constant dense<0.000000e+00> : vector<128x640xf32>
    %dot_general3A_769 = tpu.matmul %convert_element_type3A_766, %convert_element_type3A_767, %dot_general3A_768 {dimension_numbers = #tpu.dot_dimension_numbers<[1], [0], [0], [1], [0, 0, 1, 1], [], []>, transpose_lhs_hint = false} : vector<128x3xbf16>, vector<3x640xbf16>, vector<128x640xf32> -> vector<128x640xf32>
    %max3A_770 = arith.constant 0.000000e+00 : f32
    %max3A_771 = vector.broadcast %max3A_770 : f32 to vector<128x640xf32>
    %max3A_772 = arith.maximumf %dot_general3A_769, %max3A_771 : vector<128x640xf32>
    %dot_general3A_773 = arith.constant dense<0.000000e+00> : vector<128x640xf32>
    %dot_general3A_774 = tpu.matmul %convert_element_type3A_139, %slice3A_711, %dot_general3A_773 {dimension_numbers = #tpu.dot_dimension_numbers<[1], [0], [0], [1], [0, 0, 1, 1], [], []>, precision = #tpu.contract_precision<fp32>, transpose_lhs_hint = false} : vector<128x128xf32>, vector<128x640xf32>, vector<128x640xf32> -> vector<128x640xf32>
    %mul3A_775 = arith.mulf %max3A_772, %dot_general3A_774 : vector<128x640xf32>
    %max3A_776 = arith.maximumf %max3A_765, %mul3A_775 : vector<128x640xf32>
    %convert_element_type3A_777 = arith.truncf %div3A_406 : vector<128x3xf32> to vector<128x3xbf16>
    %convert_element_type3A_778 = arith.truncf %div3A_709 : vector<3x640xf32> to vector<3x640xbf16>
    %dot_general3A_779 = arith.constant dense<0.000000e+00> : vector<128x640xf32>
    %dot_general3A_780 = tpu.matmul %convert_element_type3A_777, %convert_element_type3A_778, %dot_general3A_779 {dimension_numbers = #tpu.dot_dimension_numbers<[1], [0], [0], [1], [0, 0, 1, 1], [], []>, transpose_lhs_hint = false} : vector<128x3xbf16>, vector<3x640xbf16>, vector<128x640xf32> -> vector<128x640xf32>
    %max3A_781 = arith.constant 0.000000e+00 : f32
    %max3A_782 = vector.broadcast %max3A_781 : f32 to vector<128x640xf32>
    %max3A_783 = arith.maximumf %dot_general3A_780, %max3A_782 : vector<128x640xf32>
    %dot_general3A_784 = arith.constant dense<0.000000e+00> : vector<128x640xf32>
    %dot_general3A_785 = tpu.matmul %convert_element_type3A_157, %slice3A_711, %dot_general3A_784 {dimension_numbers = #tpu.dot_dimension_numbers<[1], [0], [0], [1], [0, 0, 1, 1], [], []>, precision = #tpu.contract_precision<fp32>, transpose_lhs_hint = false} : vector<128x128xf32>, vector<128x640xf32>, vector<128x640xf32> -> vector<128x640xf32>
    %mul3A_786 = arith.mulf %max3A_783, %dot_general3A_785 : vector<128x640xf32>
    %max3A_787 = arith.maximumf %max3A_776, %mul3A_786 : vector<128x640xf32>
    %convert_element_type3A_788 = arith.truncf %div3A_419 : vector<128x3xf32> to vector<128x3xbf16>
    %convert_element_type3A_789 = arith.truncf %div3A_709 : vector<3x640xf32> to vector<3x640xbf16>
    %dot_general3A_790 = arith.constant dense<0.000000e+00> : vector<128x640xf32>
    %dot_general3A_791 = tpu.matmul %convert_element_type3A_788, %convert_element_type3A_789, %dot_general3A_790 {dimension_numbers = #tpu.dot_dimension_numbers<[1], [0], [0], [1], [0, 0, 1, 1], [], []>, transpose_lhs_hint = false} : vector<128x3xbf16>, vector<3x640xbf16>, vector<128x640xf32> -> vector<128x640xf32>
    %max3A_792 = arith.constant 0.000000e+00 : f32
    %max3A_793 = vector.broadcast %max3A_792 : f32 to vector<128x640xf32>
    %max3A_794 = arith.maximumf %dot_general3A_791, %max3A_793 : vector<128x640xf32>
    %dot_general3A_795 = arith.constant dense<0.000000e+00> : vector<128x640xf32>
    %dot_general3A_796 = tpu.matmul %convert_element_type3A_175, %slice3A_711, %dot_general3A_795 {dimension_numbers = #tpu.dot_dimension_numbers<[1], [0], [0], [1], [0, 0, 1, 1], [], []>, precision = #tpu.contract_precision<fp32>, transpose_lhs_hint = false} : vector<128x128xf32>, vector<128x640xf32>, vector<128x640xf32> -> vector<128x640xf32>
    %mul3A_797 = arith.mulf %max3A_794, %dot_general3A_796 : vector<128x640xf32>
    %max3A_798 = arith.maximumf %max3A_787, %mul3A_797 : vector<128x640xf32>
    %convert_element_type3A_799 = arith.truncf %div3A_432 : vector<128x3xf32> to vector<128x3xbf16>
    %convert_element_type3A_800 = arith.truncf %div3A_709 : vector<3x640xf32> to vector<3x640xbf16>
    %dot_general3A_801 = arith.constant dense<0.000000e+00> : vector<128x640xf32>
    %dot_general3A_802 = tpu.matmul %convert_element_type3A_799, %convert_element_type3A_800, %dot_general3A_801 {dimension_numbers = #tpu.dot_dimension_numbers<[1], [0], [0], [1], [0, 0, 1, 1], [], []>, transpose_lhs_hint = false} : vector<128x3xbf16>, vector<3x640xbf16>, vector<128x640xf32> -> vector<128x640xf32>
    %max3A_803 = arith.constant 0.000000e+00 : f32
    %max3A_804 = vector.broadcast %max3A_803 : f32 to vector<128x640xf32>
    %max3A_805 = arith.maximumf %dot_general3A_802, %max3A_804 : vector<128x640xf32>
    %dot_general3A_806 = arith.constant dense<0.000000e+00> : vector<128x640xf32>
    %dot_general3A_807 = tpu.matmul %convert_element_type3A_193, %slice3A_711, %dot_general3A_806 {dimension_numbers = #tpu.dot_dimension_numbers<[1], [0], [0], [1], [0, 0, 1, 1], [], []>, precision = #tpu.contract_precision<fp32>, transpose_lhs_hint = false} : vector<128x128xf32>, vector<128x640xf32>, vector<128x640xf32> -> vector<128x640xf32>
    %mul3A_808 = arith.mulf %max3A_805, %dot_general3A_807 : vector<128x640xf32>
    %max3A_809 = arith.maximumf %max3A_798, %mul3A_808 : vector<128x640xf32>
    %convert_element_type3A_810 = arith.truncf %div3A_445 : vector<128x3xf32> to vector<128x3xbf16>
    %convert_element_type3A_811 = arith.truncf %div3A_709 : vector<3x640xf32> to vector<3x640xbf16>
    %dot_general3A_812 = arith.constant dense<0.000000e+00> : vector<128x640xf32>
    %dot_general3A_813 = tpu.matmul %convert_element_type3A_810, %convert_element_type3A_811, %dot_general3A_812 {dimension_numbers = #tpu.dot_dimension_numbers<[1], [0], [0], [1], [0, 0, 1, 1], [], []>, transpose_lhs_hint = false} : vector<128x3xbf16>, vector<3x640xbf16>, vector<128x640xf32> -> vector<128x640xf32>
    %max3A_814 = arith.constant 0.000000e+00 : f32
    %max3A_815 = vector.broadcast %max3A_814 : f32 to vector<128x640xf32>
    %max3A_816 = arith.maximumf %dot_general3A_813, %max3A_815 : vector<128x640xf32>
    %dot_general3A_817 = arith.constant dense<0.000000e+00> : vector<128x640xf32>
    %dot_general3A_818 = tpu.matmul %convert_element_type3A_211, %slice3A_711, %dot_general3A_817 {dimension_numbers = #tpu.dot_dimension_numbers<[1], [0], [0], [1], [0, 0, 1, 1], [], []>, precision = #tpu.contract_precision<fp32>, transpose_lhs_hint = false} : vector<128x128xf32>, vector<128x640xf32>, vector<128x640xf32> -> vector<128x640xf32>
    %mul3A_819 = arith.mulf %max3A_816, %dot_general3A_818 : vector<128x640xf32>
    %max3A_820 = arith.maximumf %max3A_809, %mul3A_819 : vector<128x640xf32>
    %convert_element_type3A_821 = arith.truncf %div3A_458 : vector<128x3xf32> to vector<128x3xbf16>
    %convert_element_type3A_822 = arith.truncf %div3A_709 : vector<3x640xf32> to vector<3x640xbf16>
    %dot_general3A_823 = arith.constant dense<0.000000e+00> : vector<128x640xf32>
    %dot_general3A_824 = tpu.matmul %convert_element_type3A_821, %convert_element_type3A_822, %dot_general3A_823 {dimension_numbers = #tpu.dot_dimension_numbers<[1], [0], [0], [1], [0, 0, 1, 1], [], []>, transpose_lhs_hint = false} : vector<128x3xbf16>, vector<3x640xbf16>, vector<128x640xf32> -> vector<128x640xf32>
    %max3A_825 = arith.constant 0.000000e+00 : f32
    %max3A_826 = vector.broadcast %max3A_825 : f32 to vector<128x640xf32>
    %max3A_827 = arith.maximumf %dot_general3A_824, %max3A_826 : vector<128x640xf32>
    %dot_general3A_828 = arith.constant dense<0.000000e+00> : vector<128x640xf32>
    %dot_general3A_829 = tpu.matmul %convert_element_type3A_229, %slice3A_711, %dot_general3A_828 {dimension_numbers = #tpu.dot_dimension_numbers<[1], [0], [0], [1], [0, 0, 1, 1], [], []>, precision = #tpu.contract_precision<fp32>, transpose_lhs_hint = false} : vector<128x128xf32>, vector<128x640xf32>, vector<128x640xf32> -> vector<128x640xf32>
    %mul3A_830 = arith.mulf %max3A_827, %dot_general3A_829 : vector<128x640xf32>
    %max3A_831 = arith.maximumf %max3A_820, %mul3A_830 : vector<128x640xf32>
    %convert_element_type3A_832 = arith.truncf %div3A_471 : vector<128x3xf32> to vector<128x3xbf16>
    %convert_element_type3A_833 = arith.truncf %div3A_709 : vector<3x640xf32> to vector<3x640xbf16>
    %dot_general3A_834 = arith.constant dense<0.000000e+00> : vector<128x640xf32>
    %dot_general3A_835 = tpu.matmul %convert_element_type3A_832, %convert_element_type3A_833, %dot_general3A_834 {dimension_numbers = #tpu.dot_dimension_numbers<[1], [0], [0], [1], [0, 0, 1, 1], [], []>, transpose_lhs_hint = false} : vector<128x3xbf16>, vector<3x640xbf16>, vector<128x640xf32> -> vector<128x640xf32>
    %max3A_836 = arith.constant 0.000000e+00 : f32
    %max3A_837 = vector.broadcast %max3A_836 : f32 to vector<128x640xf32>
    %max3A_838 = arith.maximumf %dot_general3A_835, %max3A_837 : vector<128x640xf32>
    %dot_general3A_839 = arith.constant dense<0.000000e+00> : vector<128x640xf32>
    %dot_general3A_840 = tpu.matmul %convert_element_type3A_247, %slice3A_711, %dot_general3A_839 {dimension_numbers = #tpu.dot_dimension_numbers<[1], [0], [0], [1], [0, 0, 1, 1], [], []>, precision = #tpu.contract_precision<fp32>, transpose_lhs_hint = false} : vector<128x128xf32>, vector<128x640xf32>, vector<128x640xf32> -> vector<128x640xf32>
    %mul3A_841 = arith.mulf %max3A_838, %dot_general3A_840 : vector<128x640xf32>
    %max3A_842 = arith.maximumf %max3A_831, %mul3A_841 : vector<128x640xf32>
    %convert_element_type3A_843 = arith.truncf %div3A_484 : vector<128x3xf32> to vector<128x3xbf16>
    %convert_element_type3A_844 = arith.truncf %div3A_709 : vector<3x640xf32> to vector<3x640xbf16>
    %dot_general3A_845 = arith.constant dense<0.000000e+00> : vector<128x640xf32>
    %dot_general3A_846 = tpu.matmul %convert_element_type3A_843, %convert_element_type3A_844, %dot_general3A_845 {dimension_numbers = #tpu.dot_dimension_numbers<[1], [0], [0], [1], [0, 0, 1, 1], [], []>, transpose_lhs_hint = false} : vector<128x3xbf16>, vector<3x640xbf16>, vector<128x640xf32> -> vector<128x640xf32>
    %max3A_847 = arith.constant 0.000000e+00 : f32
    %max3A_848 = vector.broadcast %max3A_847 : f32 to vector<128x640xf32>
    %max3A_849 = arith.maximumf %dot_general3A_846, %max3A_848 : vector<128x640xf32>
    %dot_general3A_850 = arith.constant dense<0.000000e+00> : vector<128x640xf32>
    %dot_general3A_851 = tpu.matmul %convert_element_type3A_265, %slice3A_711, %dot_general3A_850 {dimension_numbers = #tpu.dot_dimension_numbers<[1], [0], [0], [1], [0, 0, 1, 1], [], []>, precision = #tpu.contract_precision<fp32>, transpose_lhs_hint = false} : vector<128x128xf32>, vector<128x640xf32>, vector<128x640xf32> -> vector<128x640xf32>
    %mul3A_852 = arith.mulf %max3A_849, %dot_general3A_851 : vector<128x640xf32>
    %max3A_853 = arith.maximumf %max3A_842, %mul3A_852 : vector<128x640xf32>
    %convert_element_type3A_854 = arith.truncf %div3A_497 : vector<128x3xf32> to vector<128x3xbf16>
    %convert_element_type3A_855 = arith.truncf %div3A_709 : vector<3x640xf32> to vector<3x640xbf16>
    %dot_general3A_856 = arith.constant dense<0.000000e+00> : vector<128x640xf32>
    %dot_general3A_857 = tpu.matmul %convert_element_type3A_854, %convert_element_type3A_855, %dot_general3A_856 {dimension_numbers = #tpu.dot_dimension_numbers<[1], [0], [0], [1], [0, 0, 1, 1], [], []>, transpose_lhs_hint = false} : vector<128x3xbf16>, vector<3x640xbf16>, vector<128x640xf32> -> vector<128x640xf32>
    %max3A_858 = arith.constant 0.000000e+00 : f32
    %max3A_859 = vector.broadcast %max3A_858 : f32 to vector<128x640xf32>
    %max3A_860 = arith.maximumf %dot_general3A_857, %max3A_859 : vector<128x640xf32>
    %dot_general3A_861 = arith.constant dense<0.000000e+00> : vector<128x640xf32>
    %dot_general3A_862 = tpu.matmul %convert_element_type3A_283, %slice3A_711, %dot_general3A_861 {dimension_numbers = #tpu.dot_dimension_numbers<[1], [0], [0], [1], [0, 0, 1, 1], [], []>, precision = #tpu.contract_precision<fp32>, transpose_lhs_hint = false} : vector<128x128xf32>, vector<128x640xf32>, vector<128x640xf32> -> vector<128x640xf32>
    %mul3A_863 = arith.mulf %max3A_860, %dot_general3A_862 : vector<128x640xf32>
    %max3A_864 = arith.maximumf %max3A_853, %mul3A_863 : vector<128x640xf32>
    %convert_element_type3A_865 = arith.truncf %div3A_510 : vector<128x3xf32> to vector<128x3xbf16>
    %convert_element_type3A_866 = arith.truncf %div3A_709 : vector<3x640xf32> to vector<3x640xbf16>
    %dot_general3A_867 = arith.constant dense<0.000000e+00> : vector<128x640xf32>
    %dot_general3A_868 = tpu.matmul %convert_element_type3A_865, %convert_element_type3A_866, %dot_general3A_867 {dimension_numbers = #tpu.dot_dimension_numbers<[1], [0], [0], [1], [0, 0, 1, 1], [], []>, transpose_lhs_hint = false} : vector<128x3xbf16>, vector<3x640xbf16>, vector<128x640xf32> -> vector<128x640xf32>
    %max3A_869 = arith.constant 0.000000e+00 : f32
    %max3A_870 = vector.broadcast %max3A_869 : f32 to vector<128x640xf32>
    %max3A_871 = arith.maximumf %dot_general3A_868, %max3A_870 : vector<128x640xf32>
    %dot_general3A_872 = arith.constant dense<0.000000e+00> : vector<128x640xf32>
    %dot_general3A_873 = tpu.matmul %convert_element_type3A_301, %slice3A_711, %dot_general3A_872 {dimension_numbers = #tpu.dot_dimension_numbers<[1], [0], [0], [1], [0, 0, 1, 1], [], []>, precision = #tpu.contract_precision<fp32>, transpose_lhs_hint = false} : vector<128x128xf32>, vector<128x640xf32>, vector<128x640xf32> -> vector<128x640xf32>
    %mul3A_874 = arith.mulf %max3A_871, %dot_general3A_873 : vector<128x640xf32>
    %max3A_875 = arith.maximumf %max3A_864, %mul3A_874 : vector<128x640xf32>
    %convert_element_type3A_876 = arith.truncf %div3A_523 : vector<128x3xf32> to vector<128x3xbf16>
    %convert_element_type3A_877 = arith.truncf %div3A_709 : vector<3x640xf32> to vector<3x640xbf16>
    %dot_general3A_878 = arith.constant dense<0.000000e+00> : vector<128x640xf32>
    %dot_general3A_879 = tpu.matmul %convert_element_type3A_876, %convert_element_type3A_877, %dot_general3A_878 {dimension_numbers = #tpu.dot_dimension_numbers<[1], [0], [0], [1], [0, 0, 1, 1], [], []>, transpose_lhs_hint = false} : vector<128x3xbf16>, vector<3x640xbf16>, vector<128x640xf32> -> vector<128x640xf32>
    %max3A_880 = arith.constant 0.000000e+00 : f32
    %max3A_881 = vector.broadcast %max3A_880 : f32 to vector<128x640xf32>
    %max3A_882 = arith.maximumf %dot_general3A_879, %max3A_881 : vector<128x640xf32>
    %dot_general3A_883 = arith.constant dense<0.000000e+00> : vector<128x640xf32>
    %dot_general3A_884 = tpu.matmul %convert_element_type3A_319, %slice3A_711, %dot_general3A_883 {dimension_numbers = #tpu.dot_dimension_numbers<[1], [0], [0], [1], [0, 0, 1, 1], [], []>, precision = #tpu.contract_precision<fp32>, transpose_lhs_hint = false} : vector<128x128xf32>, vector<128x640xf32>, vector<128x640xf32> -> vector<128x640xf32>
    %mul3A_885 = arith.mulf %max3A_882, %dot_general3A_884 : vector<128x640xf32>
    %max3A_886 = arith.maximumf %max3A_875, %mul3A_885 : vector<128x640xf32>
    %slice3A_887 = vector.extract_strided_slice %max3A_886 {offsets = [0, 0], sizes = [128, 64], strides = [1, 1]} : vector<128x640xf32> to vector<128x64xf32>
    %slice3A_888 = vector.extract_strided_slice %max3A_886 {offsets = [0, 64], sizes = [128, 64], strides = [1, 1]} : vector<128x640xf32> to vector<128x64xf32>
    %add3A_889 = arith.addf %slice3A_887, %slice3A_888 : vector<128x64xf32>
    %slice3A_890 = vector.extract_strided_slice %max3A_886 {offsets = [0, 128], sizes = [128, 64], strides = [1, 1]} : vector<128x640xf32> to vector<128x64xf32>
    %add3A_891 = arith.addf %add3A_889, %slice3A_890 : vector<128x64xf32>
    %slice3A_892 = vector.extract_strided_slice %max3A_886 {offsets = [0, 192], sizes = [128, 64], strides = [1, 1]} : vector<128x640xf32> to vector<128x64xf32>
    %add3A_893 = arith.addf %add3A_891, %slice3A_892 : vector<128x64xf32>
    %slice3A_894 = vector.extract_strided_slice %max3A_886 {offsets = [0, 256], sizes = [128, 64], strides = [1, 1]} : vector<128x640xf32> to vector<128x64xf32>
    %add3A_895 = arith.addf %add3A_893, %slice3A_894 : vector<128x64xf32>
    %slice3A_896 = vector.extract_strided_slice %max3A_886 {offsets = [0, 320], sizes = [128, 64], strides = [1, 1]} : vector<128x640xf32> to vector<128x64xf32>
    %add3A_897 = arith.addf %add3A_895, %slice3A_896 : vector<128x64xf32>
    %slice3A_898 = vector.extract_strided_slice %max3A_886 {offsets = [0, 384], sizes = [128, 64], strides = [1, 1]} : vector<128x640xf32> to vector<128x64xf32>
    %add3A_899 = arith.addf %add3A_897, %slice3A_898 : vector<128x64xf32>
    %slice3A_900 = vector.extract_strided_slice %max3A_886 {offsets = [0, 448], sizes = [128, 64], strides = [1, 1]} : vector<128x640xf32> to vector<128x64xf32>
    %add3A_901 = arith.addf %add3A_899, %slice3A_900 : vector<128x64xf32>
    %slice3A_902 = vector.extract_strided_slice %max3A_886 {offsets = [0, 512], sizes = [128, 64], strides = [1, 1]} : vector<128x640xf32> to vector<128x64xf32>
    %add3A_903 = arith.addf %add3A_901, %slice3A_902 : vector<128x64xf32>
    %slice3A_904 = vector.extract_strided_slice %max3A_886 {offsets = [0, 576], sizes = [128, 64], strides = [1, 1]} : vector<128x640xf32> to vector<128x64xf32>
    %add3A_905 = arith.addf %add3A_903, %slice3A_904 : vector<128x64xf32>
    %add3A_906 = arith.addf %slice3A_710, %add3A_905 : vector<128x64xf32>
    %max3A_907 = arith.constant 0.000000e+00 : f32
    %max3A_908 = vector.broadcast %max3A_907 : f32 to vector<128x64xf32>
    %max3A_909 = arith.maximumf %add3A_906, %max3A_908 : vector<128x64xf32>
    %get3A_910 = arith.constant 0 : index
    %get3A_911 = arith.constant 0 : index
    %get3A_912 = vector.load %arg7[%get3A_910, %get3A_911] : memref<64x3xf32, #tpu.memory_space<vmem>>, vector<64x3xf32>
    %convert_element_type3A_913 = arith.truncf %max3A_909 : vector<128x64xf32> to vector<128x64xbf16>
    %convert_element_type3A_914 = arith.truncf %get3A_912 : vector<64x3xf32> to vector<64x3xbf16>
    %dot_general3A_915 = arith.constant dense<0.000000e+00> : vector<128x3xf32>
    %dot_general3A_916 = tpu.matmul %convert_element_type3A_913, %convert_element_type3A_914, %dot_general3A_915 {dimension_numbers = #tpu.dot_dimension_numbers<[1], [0], [0], [1], [0, 0, 1, 1], [], []>, transpose_lhs_hint = false} : vector<128x64xbf16>, vector<64x3xbf16>, vector<128x3xf32> -> vector<128x3xf32>
    %convert_element_type3A_917 = arith.truncf %max3A_909 : vector<128x64xf32> to vector<128x64xbf16>
    %convert_element_type3A_918 = arith.extf %convert_element_type3A_917 : vector<128x64xbf16> to vector<128x64xf32>
    %get3A_919 = arith.constant 0 : index
    %get3A_920 = arith.constant 0 : index
    %get3A_921 = arith.constant 0 : index
    %get3A_922 = vector.load %arg8[%get3A_919, %get3A_920, %get3A_921] : memref<128x64x512xf32, #tpu.memory_space<vmem>>, vector<128x1x512xf32>
    %get3A_923 = vector.shape_cast %get3A_922 : vector<128x1x512xf32> to vector<128x512xf32>
    %convert_element_type3A_924 = arith.truncf %get3A_923 : vector<128x512xf32> to vector<128x512xbf16>
    %convert_element_type3A_925 = arith.extf %convert_element_type3A_924 : vector<128x512xbf16> to vector<128x512xf32>
    %slice3A_926 = vector.extract_strided_slice %convert_element_type3A_918 {offsets = [0, 0], sizes = [128, 1], strides = [1, 1]} : vector<128x64xf32> to vector<128x1xf32>
    %mul3A_927 = vector.broadcast %slice3A_926 : vector<128x1xf32> to vector<128x512xf32>
    %mul3A_928 = arith.mulf %mul3A_927, %convert_element_type3A_925 : vector<128x512xf32>
    %get3A_929 = arith.constant 0 : index
    %get3A_930 = arith.constant 1 : index
    %get3A_931 = arith.constant 0 : index
    %get3A_932 = vector.load %arg8[%get3A_929, %get3A_930, %get3A_931] : memref<128x64x512xf32, #tpu.memory_space<vmem>>, vector<128x1x512xf32>
    %get3A_933 = vector.shape_cast %get3A_932 : vector<128x1x512xf32> to vector<128x512xf32>
    %convert_element_type3A_934 = arith.truncf %get3A_933 : vector<128x512xf32> to vector<128x512xbf16>
    %convert_element_type3A_935 = arith.extf %convert_element_type3A_934 : vector<128x512xbf16> to vector<128x512xf32>
    %slice3A_936 = vector.extract_strided_slice %convert_element_type3A_918 {offsets = [0, 1], sizes = [128, 1], strides = [1, 1]} : vector<128x64xf32> to vector<128x1xf32>
    %mul3A_937 = vector.broadcast %slice3A_936 : vector<128x1xf32> to vector<128x512xf32>
    %mul3A_938 = arith.mulf %mul3A_937, %convert_element_type3A_935 : vector<128x512xf32>
    %add3A_939 = arith.addf %mul3A_928, %mul3A_938 : vector<128x512xf32>
    %get3A_940 = arith.constant 0 : index
    %get3A_941 = arith.constant 2 : index
    %get3A_942 = arith.constant 0 : index
    %get3A_943 = vector.load %arg8[%get3A_940, %get3A_941, %get3A_942] : memref<128x64x512xf32, #tpu.memory_space<vmem>>, vector<128x1x512xf32>
    %get3A_944 = vector.shape_cast %get3A_943 : vector<128x1x512xf32> to vector<128x512xf32>
    %convert_element_type3A_945 = arith.truncf %get3A_944 : vector<128x512xf32> to vector<128x512xbf16>
    %convert_element_type3A_946 = arith.extf %convert_element_type3A_945 : vector<128x512xbf16> to vector<128x512xf32>
    %slice3A_947 = vector.extract_strided_slice %convert_element_type3A_918 {offsets = [0, 2], sizes = [128, 1], strides = [1, 1]} : vector<128x64xf32> to vector<128x1xf32>
    %mul3A_948 = vector.broadcast %slice3A_947 : vector<128x1xf32> to vector<128x512xf32>
    %mul3A_949 = arith.mulf %mul3A_948, %convert_element_type3A_946 : vector<128x512xf32>
    %add3A_950 = arith.addf %add3A_939, %mul3A_949 : vector<128x512xf32>
    %get3A_951 = arith.constant 0 : index
    %get3A_952 = arith.constant 3 : index
    %get3A_953 = arith.constant 0 : index
    %get3A_954 = vector.load %arg8[%get3A_951, %get3A_952, %get3A_953] : memref<128x64x512xf32, #tpu.memory_space<vmem>>, vector<128x1x512xf32>
    %get3A_955 = vector.shape_cast %get3A_954 : vector<128x1x512xf32> to vector<128x512xf32>
    %convert_element_type3A_956 = arith.truncf %get3A_955 : vector<128x512xf32> to vector<128x512xbf16>
    %convert_element_type3A_957 = arith.extf %convert_element_type3A_956 : vector<128x512xbf16> to vector<128x512xf32>
    %slice3A_958 = vector.extract_strided_slice %convert_element_type3A_918 {offsets = [0, 3], sizes = [128, 1], strides = [1, 1]} : vector<128x64xf32> to vector<128x1xf32>
    %mul3A_959 = vector.broadcast %slice3A_958 : vector<128x1xf32> to vector<128x512xf32>
    %mul3A_960 = arith.mulf %mul3A_959, %convert_element_type3A_957 : vector<128x512xf32>
    %add3A_961 = arith.addf %add3A_950, %mul3A_960 : vector<128x512xf32>
    %get3A_962 = arith.constant 0 : index
    %get3A_963 = arith.constant 4 : index
    %get3A_964 = arith.constant 0 : index
    %get3A_965 = vector.load %arg8[%get3A_962, %get3A_963, %get3A_964] : memref<128x64x512xf32, #tpu.memory_space<vmem>>, vector<128x1x512xf32>
    %get3A_966 = vector.shape_cast %get3A_965 : vector<128x1x512xf32> to vector<128x512xf32>
    %convert_element_type3A_967 = arith.truncf %get3A_966 : vector<128x512xf32> to vector<128x512xbf16>
    %convert_element_type3A_968 = arith.extf %convert_element_type3A_967 : vector<128x512xbf16> to vector<128x512xf32>
    %slice3A_969 = vector.extract_strided_slice %convert_element_type3A_918 {offsets = [0, 4], sizes = [128, 1], strides = [1, 1]} : vector<128x64xf32> to vector<128x1xf32>
    %mul3A_970 = vector.broadcast %slice3A_969 : vector<128x1xf32> to vector<128x512xf32>
    %mul3A_971 = arith.mulf %mul3A_970, %convert_element_type3A_968 : vector<128x512xf32>
    %add3A_972 = arith.addf %add3A_961, %mul3A_971 : vector<128x512xf32>
    %get3A_973 = arith.constant 0 : index
    %get3A_974 = arith.constant 5 : index
    %get3A_975 = arith.constant 0 : index
    %get3A_976 = vector.load %arg8[%get3A_973, %get3A_974, %get3A_975] : memref<128x64x512xf32, #tpu.memory_space<vmem>>, vector<128x1x512xf32>
    %get3A_977 = vector.shape_cast %get3A_976 : vector<128x1x512xf32> to vector<128x512xf32>
    %convert_element_type3A_978 = arith.truncf %get3A_977 : vector<128x512xf32> to vector<128x512xbf16>
    %convert_element_type3A_979 = arith.extf %convert_element_type3A_978 : vector<128x512xbf16> to vector<128x512xf32>
    %slice3A_980 = vector.extract_strided_slice %convert_element_type3A_918 {offsets = [0, 5], sizes = [128, 1], strides = [1, 1]} : vector<128x64xf32> to vector<128x1xf32>
    %mul3A_981 = vector.broadcast %slice3A_980 : vector<128x1xf32> to vector<128x512xf32>
    %mul3A_982 = arith.mulf %mul3A_981, %convert_element_type3A_979 : vector<128x512xf32>
    %add3A_983 = arith.addf %add3A_972, %mul3A_982 : vector<128x512xf32>
    %get3A_984 = arith.constant 0 : index
    %get3A_985 = arith.constant 6 : index
    %get3A_986 = arith.constant 0 : index
    %get3A_987 = vector.load %arg8[%get3A_984, %get3A_985, %get3A_986] : memref<128x64x512xf32, #tpu.memory_space<vmem>>, vector<128x1x512xf32>
    %get3A_988 = vector.shape_cast %get3A_987 : vector<128x1x512xf32> to vector<128x512xf32>
    %convert_element_type3A_989 = arith.truncf %get3A_988 : vector<128x512xf32> to vector<128x512xbf16>
    %convert_element_type3A_990 = arith.extf %convert_element_type3A_989 : vector<128x512xbf16> to vector<128x512xf32>
    %slice3A_991 = vector.extract_strided_slice %convert_element_type3A_918 {offsets = [0, 6], sizes = [128, 1], strides = [1, 1]} : vector<128x64xf32> to vector<128x1xf32>
    %mul3A_992 = vector.broadcast %slice3A_991 : vector<128x1xf32> to vector<128x512xf32>
    %mul3A_993 = arith.mulf %mul3A_992, %convert_element_type3A_990 : vector<128x512xf32>
    %add3A_994 = arith.addf %add3A_983, %mul3A_993 : vector<128x512xf32>
    %get3A_995 = arith.constant 0 : index
    %get3A_996 = arith.constant 7 : index
    %get3A_997 = arith.constant 0 : index
    %get3A_998 = vector.load %arg8[%get3A_995, %get3A_996, %get3A_997] : memref<128x64x512xf32, #tpu.memory_space<vmem>>, vector<128x1x512xf32>
    %get3A_999 = vector.shape_cast %get3A_998 : vector<128x1x512xf32> to vector<128x512xf32>
    %convert_element_type3A_1000 = arith.truncf %get3A_999 : vector<128x512xf32> to vector<128x512xbf16>
    %convert_element_type3A_1001 = arith.extf %convert_element_type3A_1000 : vector<128x512xbf16> to vector<128x512xf32>
    %slice3A_1002 = vector.extract_strided_slice %convert_element_type3A_918 {offsets = [0, 7], sizes = [128, 1], strides = [1, 1]} : vector<128x64xf32> to vector<128x1xf32>
    %mul3A_1003 = vector.broadcast %slice3A_1002 : vector<128x1xf32> to vector<128x512xf32>
    %mul3A_1004 = arith.mulf %mul3A_1003, %convert_element_type3A_1001 : vector<128x512xf32>
    %add3A_1005 = arith.addf %add3A_994, %mul3A_1004 : vector<128x512xf32>
    %get3A_1006 = arith.constant 0 : index
    %get3A_1007 = arith.constant 8 : index
    %get3A_1008 = arith.constant 0 : index
    %get3A_1009 = vector.load %arg8[%get3A_1006, %get3A_1007, %get3A_1008] : memref<128x64x512xf32, #tpu.memory_space<vmem>>, vector<128x1x512xf32>
    %get3A_1010 = vector.shape_cast %get3A_1009 : vector<128x1x512xf32> to vector<128x512xf32>
    %convert_element_type3A_1011 = arith.truncf %get3A_1010 : vector<128x512xf32> to vector<128x512xbf16>
    %convert_element_type3A_1012 = arith.extf %convert_element_type3A_1011 : vector<128x512xbf16> to vector<128x512xf32>
    %slice3A_1013 = vector.extract_strided_slice %convert_element_type3A_918 {offsets = [0, 8], sizes = [128, 1], strides = [1, 1]} : vector<128x64xf32> to vector<128x1xf32>
    %mul3A_1014 = vector.broadcast %slice3A_1013 : vector<128x1xf32> to vector<128x512xf32>
    %mul3A_1015 = arith.mulf %mul3A_1014, %convert_element_type3A_1012 : vector<128x512xf32>
    %add3A_1016 = arith.addf %add3A_1005, %mul3A_1015 : vector<128x512xf32>
    %get3A_1017 = arith.constant 0 : index
    %get3A_1018 = arith.constant 9 : index
    %get3A_1019 = arith.constant 0 : index
    %get3A_1020 = vector.load %arg8[%get3A_1017, %get3A_1018, %get3A_1019] : memref<128x64x512xf32, #tpu.memory_space<vmem>>, vector<128x1x512xf32>
    %get3A_1021 = vector.shape_cast %get3A_1020 : vector<128x1x512xf32> to vector<128x512xf32>
    %convert_element_type3A_1022 = arith.truncf %get3A_1021 : vector<128x512xf32> to vector<128x512xbf16>
    %convert_element_type3A_1023 = arith.extf %convert_element_type3A_1022 : vector<128x512xbf16> to vector<128x512xf32>
    %slice3A_1024 = vector.extract_strided_slice %convert_element_type3A_918 {offsets = [0, 9], sizes = [128, 1], strides = [1, 1]} : vector<128x64xf32> to vector<128x1xf32>
    %mul3A_1025 = vector.broadcast %slice3A_1024 : vector<128x1xf32> to vector<128x512xf32>
    %mul3A_1026 = arith.mulf %mul3A_1025, %convert_element_type3A_1023 : vector<128x512xf32>
    %add3A_1027 = arith.addf %add3A_1016, %mul3A_1026 : vector<128x512xf32>
    %get3A_1028 = arith.constant 0 : index
    %get3A_1029 = arith.constant 10 : index
    %get3A_1030 = arith.constant 0 : index
    %get3A_1031 = vector.load %arg8[%get3A_1028, %get3A_1029, %get3A_1030] : memref<128x64x512xf32, #tpu.memory_space<vmem>>, vector<128x1x512xf32>
    %get3A_1032 = vector.shape_cast %get3A_1031 : vector<128x1x512xf32> to vector<128x512xf32>
    %convert_element_type3A_1033 = arith.truncf %get3A_1032 : vector<128x512xf32> to vector<128x512xbf16>
    %convert_element_type3A_1034 = arith.extf %convert_element_type3A_1033 : vector<128x512xbf16> to vector<128x512xf32>
    %slice3A_1035 = vector.extract_strided_slice %convert_element_type3A_918 {offsets = [0, 10], sizes = [128, 1], strides = [1, 1]} : vector<128x64xf32> to vector<128x1xf32>
    %mul3A_1036 = vector.broadcast %slice3A_1035 : vector<128x1xf32> to vector<128x512xf32>
    %mul3A_1037 = arith.mulf %mul3A_1036, %convert_element_type3A_1034 : vector<128x512xf32>
    %add3A_1038 = arith.addf %add3A_1027, %mul3A_1037 : vector<128x512xf32>
    %get3A_1039 = arith.constant 0 : index
    %get3A_1040 = arith.constant 11 : index
    %get3A_1041 = arith.constant 0 : index
    %get3A_1042 = vector.load %arg8[%get3A_1039, %get3A_1040, %get3A_1041] : memref<128x64x512xf32, #tpu.memory_space<vmem>>, vector<128x1x512xf32>
    %get3A_1043 = vector.shape_cast %get3A_1042 : vector<128x1x512xf32> to vector<128x512xf32>
    %convert_element_type3A_1044 = arith.truncf %get3A_1043 : vector<128x512xf32> to vector<128x512xbf16>
    %convert_element_type3A_1045 = arith.extf %convert_element_type3A_1044 : vector<128x512xbf16> to vector<128x512xf32>
    %slice3A_1046 = vector.extract_strided_slice %convert_element_type3A_918 {offsets = [0, 11], sizes = [128, 1], strides = [1, 1]} : vector<128x64xf32> to vector<128x1xf32>
    %mul3A_1047 = vector.broadcast %slice3A_1046 : vector<128x1xf32> to vector<128x512xf32>
    %mul3A_1048 = arith.mulf %mul3A_1047, %convert_element_type3A_1045 : vector<128x512xf32>
    %add3A_1049 = arith.addf %add3A_1038, %mul3A_1048 : vector<128x512xf32>
    %get3A_1050 = arith.constant 0 : index
    %get3A_1051 = arith.constant 12 : index
    %get3A_1052 = arith.constant 0 : index
    %get3A_1053 = vector.load %arg8[%get3A_1050, %get3A_1051, %get3A_1052] : memref<128x64x512xf32, #tpu.memory_space<vmem>>, vector<128x1x512xf32>
    %get3A_1054 = vector.shape_cast %get3A_1053 : vector<128x1x512xf32> to vector<128x512xf32>
    %convert_element_type3A_1055 = arith.truncf %get3A_1054 : vector<128x512xf32> to vector<128x512xbf16>
    %convert_element_type3A_1056 = arith.extf %convert_element_type3A_1055 : vector<128x512xbf16> to vector<128x512xf32>
    %slice3A_1057 = vector.extract_strided_slice %convert_element_type3A_918 {offsets = [0, 12], sizes = [128, 1], strides = [1, 1]} : vector<128x64xf32> to vector<128x1xf32>
    %mul3A_1058 = vector.broadcast %slice3A_1057 : vector<128x1xf32> to vector<128x512xf32>
    %mul3A_1059 = arith.mulf %mul3A_1058, %convert_element_type3A_1056 : vector<128x512xf32>
    %add3A_1060 = arith.addf %add3A_1049, %mul3A_1059 : vector<128x512xf32>
    %get3A_1061 = arith.constant 0 : index
    %get3A_1062 = arith.constant 13 : index
    %get3A_1063 = arith.constant 0 : index
    %get3A_1064 = vector.load %arg8[%get3A_1061, %get3A_1062, %get3A_1063] : memref<128x64x512xf32, #tpu.memory_space<vmem>>, vector<128x1x512xf32>
    %get3A_1065 = vector.shape_cast %get3A_1064 : vector<128x1x512xf32> to vector<128x512xf32>
    %convert_element_type3A_1066 = arith.truncf %get3A_1065 : vector<128x512xf32> to vector<128x512xbf16>
    %convert_element_type3A_1067 = arith.extf %convert_element_type3A_1066 : vector<128x512xbf16> to vector<128x512xf32>
    %slice3A_1068 = vector.extract_strided_slice %convert_element_type3A_918 {offsets = [0, 13], sizes = [128, 1], strides = [1, 1]} : vector<128x64xf32> to vector<128x1xf32>
    %mul3A_1069 = vector.broadcast %slice3A_1068 : vector<128x1xf32> to vector<128x512xf32>
    %mul3A_1070 = arith.mulf %mul3A_1069, %convert_element_type3A_1067 : vector<128x512xf32>
    %add3A_1071 = arith.addf %add3A_1060, %mul3A_1070 : vector<128x512xf32>
    %get3A_1072 = arith.constant 0 : index
    %get3A_1073 = arith.constant 14 : index
    %get3A_1074 = arith.constant 0 : index
    %get3A_1075 = vector.load %arg8[%get3A_1072, %get3A_1073, %get3A_1074] : memref<128x64x512xf32, #tpu.memory_space<vmem>>, vector<128x1x512xf32>
    %get3A_1076 = vector.shape_cast %get3A_1075 : vector<128x1x512xf32> to vector<128x512xf32>
    %convert_element_type3A_1077 = arith.truncf %get3A_1076 : vector<128x512xf32> to vector<128x512xbf16>
    %convert_element_type3A_1078 = arith.extf %convert_element_type3A_1077 : vector<128x512xbf16> to vector<128x512xf32>
    %slice3A_1079 = vector.extract_strided_slice %convert_element_type3A_918 {offsets = [0, 14], sizes = [128, 1], strides = [1, 1]} : vector<128x64xf32> to vector<128x1xf32>
    %mul3A_1080 = vector.broadcast %slice3A_1079 : vector<128x1xf32> to vector<128x512xf32>
    %mul3A_1081 = arith.mulf %mul3A_1080, %convert_element_type3A_1078 : vector<128x512xf32>
    %add3A_1082 = arith.addf %add3A_1071, %mul3A_1081 : vector<128x512xf32>
    %get3A_1083 = arith.constant 0 : index
    %get3A_1084 = arith.constant 15 : index
    %get3A_1085 = arith.constant 0 : index
    %get3A_1086 = vector.load %arg8[%get3A_1083, %get3A_1084, %get3A_1085] : memref<128x64x512xf32, #tpu.memory_space<vmem>>, vector<128x1x512xf32>
    %get3A_1087 = vector.shape_cast %get3A_1086 : vector<128x1x512xf32> to vector<128x512xf32>
    %convert_element_type3A_1088 = arith.truncf %get3A_1087 : vector<128x512xf32> to vector<128x512xbf16>
    %convert_element_type3A_1089 = arith.extf %convert_element_type3A_1088 : vector<128x512xbf16> to vector<128x512xf32>
    %slice3A_1090 = vector.extract_strided_slice %convert_element_type3A_918 {offsets = [0, 15], sizes = [128, 1], strides = [1, 1]} : vector<128x64xf32> to vector<128x1xf32>
    %mul3A_1091 = vector.broadcast %slice3A_1090 : vector<128x1xf32> to vector<128x512xf32>
    %mul3A_1092 = arith.mulf %mul3A_1091, %convert_element_type3A_1089 : vector<128x512xf32>
    %add3A_1093 = arith.addf %add3A_1082, %mul3A_1092 : vector<128x512xf32>
    %get3A_1094 = arith.constant 0 : index
    %get3A_1095 = arith.constant 16 : index
    %get3A_1096 = arith.constant 0 : index
    %get3A_1097 = vector.load %arg8[%get3A_1094, %get3A_1095, %get3A_1096] : memref<128x64x512xf32, #tpu.memory_space<vmem>>, vector<128x1x512xf32>
    %get3A_1098 = vector.shape_cast %get3A_1097 : vector<128x1x512xf32> to vector<128x512xf32>
    %convert_element_type3A_1099 = arith.truncf %get3A_1098 : vector<128x512xf32> to vector<128x512xbf16>
    %convert_element_type3A_1100 = arith.extf %convert_element_type3A_1099 : vector<128x512xbf16> to vector<128x512xf32>
    %slice3A_1101 = vector.extract_strided_slice %convert_element_type3A_918 {offsets = [0, 16], sizes = [128, 1], strides = [1, 1]} : vector<128x64xf32> to vector<128x1xf32>
    %mul3A_1102 = vector.broadcast %slice3A_1101 : vector<128x1xf32> to vector<128x512xf32>
    %mul3A_1103 = arith.mulf %mul3A_1102, %convert_element_type3A_1100 : vector<128x512xf32>
    %add3A_1104 = arith.addf %add3A_1093, %mul3A_1103 : vector<128x512xf32>
    %get3A_1105 = arith.constant 0 : index
    %get3A_1106 = arith.constant 17 : index
    %get3A_1107 = arith.constant 0 : index
    %get3A_1108 = vector.load %arg8[%get3A_1105, %get3A_1106, %get3A_1107] : memref<128x64x512xf32, #tpu.memory_space<vmem>>, vector<128x1x512xf32>
    %get3A_1109 = vector.shape_cast %get3A_1108 : vector<128x1x512xf32> to vector<128x512xf32>
    %convert_element_type3A_1110 = arith.truncf %get3A_1109 : vector<128x512xf32> to vector<128x512xbf16>
    %convert_element_type3A_1111 = arith.extf %convert_element_type3A_1110 : vector<128x512xbf16> to vector<128x512xf32>
    %slice3A_1112 = vector.extract_strided_slice %convert_element_type3A_918 {offsets = [0, 17], sizes = [128, 1], strides = [1, 1]} : vector<128x64xf32> to vector<128x1xf32>
    %mul3A_1113 = vector.broadcast %slice3A_1112 : vector<128x1xf32> to vector<128x512xf32>
    %mul3A_1114 = arith.mulf %mul3A_1113, %convert_element_type3A_1111 : vector<128x512xf32>
    %add3A_1115 = arith.addf %add3A_1104, %mul3A_1114 : vector<128x512xf32>
    %get3A_1116 = arith.constant 0 : index
    %get3A_1117 = arith.constant 18 : index
    %get3A_1118 = arith.constant 0 : index
    %get3A_1119 = vector.load %arg8[%get3A_1116, %get3A_1117, %get3A_1118] : memref<128x64x512xf32, #tpu.memory_space<vmem>>, vector<128x1x512xf32>
    %get3A_1120 = vector.shape_cast %get3A_1119 : vector<128x1x512xf32> to vector<128x512xf32>
    %convert_element_type3A_1121 = arith.truncf %get3A_1120 : vector<128x512xf32> to vector<128x512xbf16>
    %convert_element_type3A_1122 = arith.extf %convert_element_type3A_1121 : vector<128x512xbf16> to vector<128x512xf32>
    %slice3A_1123 = vector.extract_strided_slice %convert_element_type3A_918 {offsets = [0, 18], sizes = [128, 1], strides = [1, 1]} : vector<128x64xf32> to vector<128x1xf32>
    %mul3A_1124 = vector.broadcast %slice3A_1123 : vector<128x1xf32> to vector<128x512xf32>
    %mul3A_1125 = arith.mulf %mul3A_1124, %convert_element_type3A_1122 : vector<128x512xf32>
    %add3A_1126 = arith.addf %add3A_1115, %mul3A_1125 : vector<128x512xf32>
    %get3A_1127 = arith.constant 0 : index
    %get3A_1128 = arith.constant 19 : index
    %get3A_1129 = arith.constant 0 : index
    %get3A_1130 = vector.load %arg8[%get3A_1127, %get3A_1128, %get3A_1129] : memref<128x64x512xf32, #tpu.memory_space<vmem>>, vector<128x1x512xf32>
    %get3A_1131 = vector.shape_cast %get3A_1130 : vector<128x1x512xf32> to vector<128x512xf32>
    %convert_element_type3A_1132 = arith.truncf %get3A_1131 : vector<128x512xf32> to vector<128x512xbf16>
    %convert_element_type3A_1133 = arith.extf %convert_element_type3A_1132 : vector<128x512xbf16> to vector<128x512xf32>
    %slice3A_1134 = vector.extract_strided_slice %convert_element_type3A_918 {offsets = [0, 19], sizes = [128, 1], strides = [1, 1]} : vector<128x64xf32> to vector<128x1xf32>
    %mul3A_1135 = vector.broadcast %slice3A_1134 : vector<128x1xf32> to vector<128x512xf32>
    %mul3A_1136 = arith.mulf %mul3A_1135, %convert_element_type3A_1133 : vector<128x512xf32>
    %add3A_1137 = arith.addf %add3A_1126, %mul3A_1136 : vector<128x512xf32>
    %get3A_1138 = arith.constant 0 : index
    %get3A_1139 = arith.constant 20 : index
    %get3A_1140 = arith.constant 0 : index
    %get3A_1141 = vector.load %arg8[%get3A_1138, %get3A_1139, %get3A_1140] : memref<128x64x512xf32, #tpu.memory_space<vmem>>, vector<128x1x512xf32>
    %get3A_1142 = vector.shape_cast %get3A_1141 : vector<128x1x512xf32> to vector<128x512xf32>
    %convert_element_type3A_1143 = arith.truncf %get3A_1142 : vector<128x512xf32> to vector<128x512xbf16>
    %convert_element_type3A_1144 = arith.extf %convert_element_type3A_1143 : vector<128x512xbf16> to vector<128x512xf32>
    %slice3A_1145 = vector.extract_strided_slice %convert_element_type3A_918 {offsets = [0, 20], sizes = [128, 1], strides = [1, 1]} : vector<128x64xf32> to vector<128x1xf32>
    %mul3A_1146 = vector.broadcast %slice3A_1145 : vector<128x1xf32> to vector<128x512xf32>
    %mul3A_1147 = arith.mulf %mul3A_1146, %convert_element_type3A_1144 : vector<128x512xf32>
    %add3A_1148 = arith.addf %add3A_1137, %mul3A_1147 : vector<128x512xf32>
    %get3A_1149 = arith.constant 0 : index
    %get3A_1150 = arith.constant 21 : index
    %get3A_1151 = arith.constant 0 : index
    %get3A_1152 = vector.load %arg8[%get3A_1149, %get3A_1150, %get3A_1151] : memref<128x64x512xf32, #tpu.memory_space<vmem>>, vector<128x1x512xf32>
    %get3A_1153 = vector.shape_cast %get3A_1152 : vector<128x1x512xf32> to vector<128x512xf32>
    %convert_element_type3A_1154 = arith.truncf %get3A_1153 : vector<128x512xf32> to vector<128x512xbf16>
    %convert_element_type3A_1155 = arith.extf %convert_element_type3A_1154 : vector<128x512xbf16> to vector<128x512xf32>
    %slice3A_1156 = vector.extract_strided_slice %convert_element_type3A_918 {offsets = [0, 21], sizes = [128, 1], strides = [1, 1]} : vector<128x64xf32> to vector<128x1xf32>
    %mul3A_1157 = vector.broadcast %slice3A_1156 : vector<128x1xf32> to vector<128x512xf32>
    %mul3A_1158 = arith.mulf %mul3A_1157, %convert_element_type3A_1155 : vector<128x512xf32>
    %add3A_1159 = arith.addf %add3A_1148, %mul3A_1158 : vector<128x512xf32>
    %get3A_1160 = arith.constant 0 : index
    %get3A_1161 = arith.constant 22 : index
    %get3A_1162 = arith.constant 0 : index
    %get3A_1163 = vector.load %arg8[%get3A_1160, %get3A_1161, %get3A_1162] : memref<128x64x512xf32, #tpu.memory_space<vmem>>, vector<128x1x512xf32>
    %get3A_1164 = vector.shape_cast %get3A_1163 : vector<128x1x512xf32> to vector<128x512xf32>
    %convert_element_type3A_1165 = arith.truncf %get3A_1164 : vector<128x512xf32> to vector<128x512xbf16>
    %convert_element_type3A_1166 = arith.extf %convert_element_type3A_1165 : vector<128x512xbf16> to vector<128x512xf32>
    %slice3A_1167 = vector.extract_strided_slice %convert_element_type3A_918 {offsets = [0, 22], sizes = [128, 1], strides = [1, 1]} : vector<128x64xf32> to vector<128x1xf32>
    %mul3A_1168 = vector.broadcast %slice3A_1167 : vector<128x1xf32> to vector<128x512xf32>
    %mul3A_1169 = arith.mulf %mul3A_1168, %convert_element_type3A_1166 : vector<128x512xf32>
    %add3A_1170 = arith.addf %add3A_1159, %mul3A_1169 : vector<128x512xf32>
    %get3A_1171 = arith.constant 0 : index
    %get3A_1172 = arith.constant 23 : index
    %get3A_1173 = arith.constant 0 : index
    %get3A_1174 = vector.load %arg8[%get3A_1171, %get3A_1172, %get3A_1173] : memref<128x64x512xf32, #tpu.memory_space<vmem>>, vector<128x1x512xf32>
    %get3A_1175 = vector.shape_cast %get3A_1174 : vector<128x1x512xf32> to vector<128x512xf32>
    %convert_element_type3A_1176 = arith.truncf %get3A_1175 : vector<128x512xf32> to vector<128x512xbf16>
    %convert_element_type3A_1177 = arith.extf %convert_element_type3A_1176 : vector<128x512xbf16> to vector<128x512xf32>
    %slice3A_1178 = vector.extract_strided_slice %convert_element_type3A_918 {offsets = [0, 23], sizes = [128, 1], strides = [1, 1]} : vector<128x64xf32> to vector<128x1xf32>
    %mul3A_1179 = vector.broadcast %slice3A_1178 : vector<128x1xf32> to vector<128x512xf32>
    %mul3A_1180 = arith.mulf %mul3A_1179, %convert_element_type3A_1177 : vector<128x512xf32>
    %add3A_1181 = arith.addf %add3A_1170, %mul3A_1180 : vector<128x512xf32>
    %get3A_1182 = arith.constant 0 : index
    %get3A_1183 = arith.constant 24 : index
    %get3A_1184 = arith.constant 0 : index
    %get3A_1185 = vector.load %arg8[%get3A_1182, %get3A_1183, %get3A_1184] : memref<128x64x512xf32, #tpu.memory_space<vmem>>, vector<128x1x512xf32>
    %get3A_1186 = vector.shape_cast %get3A_1185 : vector<128x1x512xf32> to vector<128x512xf32>
    %convert_element_type3A_1187 = arith.truncf %get3A_1186 : vector<128x512xf32> to vector<128x512xbf16>
    %convert_element_type3A_1188 = arith.extf %convert_element_type3A_1187 : vector<128x512xbf16> to vector<128x512xf32>
    %slice3A_1189 = vector.extract_strided_slice %convert_element_type3A_918 {offsets = [0, 24], sizes = [128, 1], strides = [1, 1]} : vector<128x64xf32> to vector<128x1xf32>
    %mul3A_1190 = vector.broadcast %slice3A_1189 : vector<128x1xf32> to vector<128x512xf32>
    %mul3A_1191 = arith.mulf %mul3A_1190, %convert_element_type3A_1188 : vector<128x512xf32>
    %add3A_1192 = arith.addf %add3A_1181, %mul3A_1191 : vector<128x512xf32>
    %get3A_1193 = arith.constant 0 : index
    %get3A_1194 = arith.constant 25 : index
    %get3A_1195 = arith.constant 0 : index
    %get3A_1196 = vector.load %arg8[%get3A_1193, %get3A_1194, %get3A_1195] : memref<128x64x512xf32, #tpu.memory_space<vmem>>, vector<128x1x512xf32>
    %get3A_1197 = vector.shape_cast %get3A_1196 : vector<128x1x512xf32> to vector<128x512xf32>
    %convert_element_type3A_1198 = arith.truncf %get3A_1197 : vector<128x512xf32> to vector<128x512xbf16>
    %convert_element_type3A_1199 = arith.extf %convert_element_type3A_1198 : vector<128x512xbf16> to vector<128x512xf32>
    %slice3A_1200 = vector.extract_strided_slice %convert_element_type3A_918 {offsets = [0, 25], sizes = [128, 1], strides = [1, 1]} : vector<128x64xf32> to vector<128x1xf32>
    %mul3A_1201 = vector.broadcast %slice3A_1200 : vector<128x1xf32> to vector<128x512xf32>
    %mul3A_1202 = arith.mulf %mul3A_1201, %convert_element_type3A_1199 : vector<128x512xf32>
    %add3A_1203 = arith.addf %add3A_1192, %mul3A_1202 : vector<128x512xf32>
    %get3A_1204 = arith.constant 0 : index
    %get3A_1205 = arith.constant 26 : index
    %get3A_1206 = arith.constant 0 : index
    %get3A_1207 = vector.load %arg8[%get3A_1204, %get3A_1205, %get3A_1206] : memref<128x64x512xf32, #tpu.memory_space<vmem>>, vector<128x1x512xf32>
    %get3A_1208 = vector.shape_cast %get3A_1207 : vector<128x1x512xf32> to vector<128x512xf32>
    %convert_element_type3A_1209 = arith.truncf %get3A_1208 : vector<128x512xf32> to vector<128x512xbf16>
    %convert_element_type3A_1210 = arith.extf %convert_element_type3A_1209 : vector<128x512xbf16> to vector<128x512xf32>
    %slice3A_1211 = vector.extract_strided_slice %convert_element_type3A_918 {offsets = [0, 26], sizes = [128, 1], strides = [1, 1]} : vector<128x64xf32> to vector<128x1xf32>
    %mul3A_1212 = vector.broadcast %slice3A_1211 : vector<128x1xf32> to vector<128x512xf32>
    %mul3A_1213 = arith.mulf %mul3A_1212, %convert_element_type3A_1210 : vector<128x512xf32>
    %add3A_1214 = arith.addf %add3A_1203, %mul3A_1213 : vector<128x512xf32>
    %get3A_1215 = arith.constant 0 : index
    %get3A_1216 = arith.constant 27 : index
    %get3A_1217 = arith.constant 0 : index
    %get3A_1218 = vector.load %arg8[%get3A_1215, %get3A_1216, %get3A_1217] : memref<128x64x512xf32, #tpu.memory_space<vmem>>, vector<128x1x512xf32>
    %get3A_1219 = vector.shape_cast %get3A_1218 : vector<128x1x512xf32> to vector<128x512xf32>
    %convert_element_type3A_1220 = arith.truncf %get3A_1219 : vector<128x512xf32> to vector<128x512xbf16>
    %convert_element_type3A_1221 = arith.extf %convert_element_type3A_1220 : vector<128x512xbf16> to vector<128x512xf32>
    %slice3A_1222 = vector.extract_strided_slice %convert_element_type3A_918 {offsets = [0, 27], sizes = [128, 1], strides = [1, 1]} : vector<128x64xf32> to vector<128x1xf32>
    %mul3A_1223 = vector.broadcast %slice3A_1222 : vector<128x1xf32> to vector<128x512xf32>
    %mul3A_1224 = arith.mulf %mul3A_1223, %convert_element_type3A_1221 : vector<128x512xf32>
    %add3A_1225 = arith.addf %add3A_1214, %mul3A_1224 : vector<128x512xf32>
    %get3A_1226 = arith.constant 0 : index
    %get3A_1227 = arith.constant 28 : index
    %get3A_1228 = arith.constant 0 : index
    %get3A_1229 = vector.load %arg8[%get3A_1226, %get3A_1227, %get3A_1228] : memref<128x64x512xf32, #tpu.memory_space<vmem>>, vector<128x1x512xf32>
    %get3A_1230 = vector.shape_cast %get3A_1229 : vector<128x1x512xf32> to vector<128x512xf32>
    %convert_element_type3A_1231 = arith.truncf %get3A_1230 : vector<128x512xf32> to vector<128x512xbf16>
    %convert_element_type3A_1232 = arith.extf %convert_element_type3A_1231 : vector<128x512xbf16> to vector<128x512xf32>
    %slice3A_1233 = vector.extract_strided_slice %convert_element_type3A_918 {offsets = [0, 28], sizes = [128, 1], strides = [1, 1]} : vector<128x64xf32> to vector<128x1xf32>
    %mul3A_1234 = vector.broadcast %slice3A_1233 : vector<128x1xf32> to vector<128x512xf32>
    %mul3A_1235 = arith.mulf %mul3A_1234, %convert_element_type3A_1232 : vector<128x512xf32>
    %add3A_1236 = arith.addf %add3A_1225, %mul3A_1235 : vector<128x512xf32>
    %get3A_1237 = arith.constant 0 : index
    %get3A_1238 = arith.constant 29 : index
    %get3A_1239 = arith.constant 0 : index
    %get3A_1240 = vector.load %arg8[%get3A_1237, %get3A_1238, %get3A_1239] : memref<128x64x512xf32, #tpu.memory_space<vmem>>, vector<128x1x512xf32>
    %get3A_1241 = vector.shape_cast %get3A_1240 : vector<128x1x512xf32> to vector<128x512xf32>
    %convert_element_type3A_1242 = arith.truncf %get3A_1241 : vector<128x512xf32> to vector<128x512xbf16>
    %convert_element_type3A_1243 = arith.extf %convert_element_type3A_1242 : vector<128x512xbf16> to vector<128x512xf32>
    %slice3A_1244 = vector.extract_strided_slice %convert_element_type3A_918 {offsets = [0, 29], sizes = [128, 1], strides = [1, 1]} : vector<128x64xf32> to vector<128x1xf32>
    %mul3A_1245 = vector.broadcast %slice3A_1244 : vector<128x1xf32> to vector<128x512xf32>
    %mul3A_1246 = arith.mulf %mul3A_1245, %convert_element_type3A_1243 : vector<128x512xf32>
    %add3A_1247 = arith.addf %add3A_1236, %mul3A_1246 : vector<128x512xf32>
    %get3A_1248 = arith.constant 0 : index
    %get3A_1249 = arith.constant 30 : index
    %get3A_1250 = arith.constant 0 : index
    %get3A_1251 = vector.load %arg8[%get3A_1248, %get3A_1249, %get3A_1250] : memref<128x64x512xf32, #tpu.memory_space<vmem>>, vector<128x1x512xf32>
    %get3A_1252 = vector.shape_cast %get3A_1251 : vector<128x1x512xf32> to vector<128x512xf32>
    %convert_element_type3A_1253 = arith.truncf %get3A_1252 : vector<128x512xf32> to vector<128x512xbf16>
    %convert_element_type3A_1254 = arith.extf %convert_element_type3A_1253 : vector<128x512xbf16> to vector<128x512xf32>
    %slice3A_1255 = vector.extract_strided_slice %convert_element_type3A_918 {offsets = [0, 30], sizes = [128, 1], strides = [1, 1]} : vector<128x64xf32> to vector<128x1xf32>
    %mul3A_1256 = vector.broadcast %slice3A_1255 : vector<128x1xf32> to vector<128x512xf32>
    %mul3A_1257 = arith.mulf %mul3A_1256, %convert_element_type3A_1254 : vector<128x512xf32>
    %add3A_1258 = arith.addf %add3A_1247, %mul3A_1257 : vector<128x512xf32>
    %get3A_1259 = arith.constant 0 : index
    %get3A_1260 = arith.constant 31 : index
    %get3A_1261 = arith.constant 0 : index
    %get3A_1262 = vector.load %arg8[%get3A_1259, %get3A_1260, %get3A_1261] : memref<128x64x512xf32, #tpu.memory_space<vmem>>, vector<128x1x512xf32>
    %get3A_1263 = vector.shape_cast %get3A_1262 : vector<128x1x512xf32> to vector<128x512xf32>
    %convert_element_type3A_1264 = arith.truncf %get3A_1263 : vector<128x512xf32> to vector<128x512xbf16>
    %convert_element_type3A_1265 = arith.extf %convert_element_type3A_1264 : vector<128x512xbf16> to vector<128x512xf32>
    %slice3A_1266 = vector.extract_strided_slice %convert_element_type3A_918 {offsets = [0, 31], sizes = [128, 1], strides = [1, 1]} : vector<128x64xf32> to vector<128x1xf32>
    %mul3A_1267 = vector.broadcast %slice3A_1266 : vector<128x1xf32> to vector<128x512xf32>
    %mul3A_1268 = arith.mulf %mul3A_1267, %convert_element_type3A_1265 : vector<128x512xf32>
    %add3A_1269 = arith.addf %add3A_1258, %mul3A_1268 : vector<128x512xf32>
    %get3A_1270 = arith.constant 0 : index
    %get3A_1271 = arith.constant 32 : index
    %get3A_1272 = arith.constant 0 : index
    %get3A_1273 = vector.load %arg8[%get3A_1270, %get3A_1271, %get3A_1272] : memref<128x64x512xf32, #tpu.memory_space<vmem>>, vector<128x1x512xf32>
    %get3A_1274 = vector.shape_cast %get3A_1273 : vector<128x1x512xf32> to vector<128x512xf32>
    %convert_element_type3A_1275 = arith.truncf %get3A_1274 : vector<128x512xf32> to vector<128x512xbf16>
    %convert_element_type3A_1276 = arith.extf %convert_element_type3A_1275 : vector<128x512xbf16> to vector<128x512xf32>
    %slice3A_1277 = vector.extract_strided_slice %convert_element_type3A_918 {offsets = [0, 32], sizes = [128, 1], strides = [1, 1]} : vector<128x64xf32> to vector<128x1xf32>
    %mul3A_1278 = vector.broadcast %slice3A_1277 : vector<128x1xf32> to vector<128x512xf32>
    %mul3A_1279 = arith.mulf %mul3A_1278, %convert_element_type3A_1276 : vector<128x512xf32>
    %add3A_1280 = arith.addf %add3A_1269, %mul3A_1279 : vector<128x512xf32>
    %get3A_1281 = arith.constant 0 : index
    %get3A_1282 = arith.constant 33 : index
    %get3A_1283 = arith.constant 0 : index
    %get3A_1284 = vector.load %arg8[%get3A_1281, %get3A_1282, %get3A_1283] : memref<128x64x512xf32, #tpu.memory_space<vmem>>, vector<128x1x512xf32>
    %get3A_1285 = vector.shape_cast %get3A_1284 : vector<128x1x512xf32> to vector<128x512xf32>
    %convert_element_type3A_1286 = arith.truncf %get3A_1285 : vector<128x512xf32> to vector<128x512xbf16>
    %convert_element_type3A_1287 = arith.extf %convert_element_type3A_1286 : vector<128x512xbf16> to vector<128x512xf32>
    %slice3A_1288 = vector.extract_strided_slice %convert_element_type3A_918 {offsets = [0, 33], sizes = [128, 1], strides = [1, 1]} : vector<128x64xf32> to vector<128x1xf32>
    %mul3A_1289 = vector.broadcast %slice3A_1288 : vector<128x1xf32> to vector<128x512xf32>
    %mul3A_1290 = arith.mulf %mul3A_1289, %convert_element_type3A_1287 : vector<128x512xf32>
    %add3A_1291 = arith.addf %add3A_1280, %mul3A_1290 : vector<128x512xf32>
    %get3A_1292 = arith.constant 0 : index
    %get3A_1293 = arith.constant 34 : index
    %get3A_1294 = arith.constant 0 : index
    %get3A_1295 = vector.load %arg8[%get3A_1292, %get3A_1293, %get3A_1294] : memref<128x64x512xf32, #tpu.memory_space<vmem>>, vector<128x1x512xf32>
    %get3A_1296 = vector.shape_cast %get3A_1295 : vector<128x1x512xf32> to vector<128x512xf32>
    %convert_element_type3A_1297 = arith.truncf %get3A_1296 : vector<128x512xf32> to vector<128x512xbf16>
    %convert_element_type3A_1298 = arith.extf %convert_element_type3A_1297 : vector<128x512xbf16> to vector<128x512xf32>
    %slice3A_1299 = vector.extract_strided_slice %convert_element_type3A_918 {offsets = [0, 34], sizes = [128, 1], strides = [1, 1]} : vector<128x64xf32> to vector<128x1xf32>
    %mul3A_1300 = vector.broadcast %slice3A_1299 : vector<128x1xf32> to vector<128x512xf32>
    %mul3A_1301 = arith.mulf %mul3A_1300, %convert_element_type3A_1298 : vector<128x512xf32>
    %add3A_1302 = arith.addf %add3A_1291, %mul3A_1301 : vector<128x512xf32>
    %get3A_1303 = arith.constant 0 : index
    %get3A_1304 = arith.constant 35 : index
    %get3A_1305 = arith.constant 0 : index
    %get3A_1306 = vector.load %arg8[%get3A_1303, %get3A_1304, %get3A_1305] : memref<128x64x512xf32, #tpu.memory_space<vmem>>, vector<128x1x512xf32>
    %get3A_1307 = vector.shape_cast %get3A_1306 : vector<128x1x512xf32> to vector<128x512xf32>
    %convert_element_type3A_1308 = arith.truncf %get3A_1307 : vector<128x512xf32> to vector<128x512xbf16>
    %convert_element_type3A_1309 = arith.extf %convert_element_type3A_1308 : vector<128x512xbf16> to vector<128x512xf32>
    %slice3A_1310 = vector.extract_strided_slice %convert_element_type3A_918 {offsets = [0, 35], sizes = [128, 1], strides = [1, 1]} : vector<128x64xf32> to vector<128x1xf32>
    %mul3A_1311 = vector.broadcast %slice3A_1310 : vector<128x1xf32> to vector<128x512xf32>
    %mul3A_1312 = arith.mulf %mul3A_1311, %convert_element_type3A_1309 : vector<128x512xf32>
    %add3A_1313 = arith.addf %add3A_1302, %mul3A_1312 : vector<128x512xf32>
    %get3A_1314 = arith.constant 0 : index
    %get3A_1315 = arith.constant 36 : index
    %get3A_1316 = arith.constant 0 : index
    %get3A_1317 = vector.load %arg8[%get3A_1314, %get3A_1315, %get3A_1316] : memref<128x64x512xf32, #tpu.memory_space<vmem>>, vector<128x1x512xf32>
    %get3A_1318 = vector.shape_cast %get3A_1317 : vector<128x1x512xf32> to vector<128x512xf32>
    %convert_element_type3A_1319 = arith.truncf %get3A_1318 : vector<128x512xf32> to vector<128x512xbf16>
    %convert_element_type3A_1320 = arith.extf %convert_element_type3A_1319 : vector<128x512xbf16> to vector<128x512xf32>
    %slice3A_1321 = vector.extract_strided_slice %convert_element_type3A_918 {offsets = [0, 36], sizes = [128, 1], strides = [1, 1]} : vector<128x64xf32> to vector<128x1xf32>
    %mul3A_1322 = vector.broadcast %slice3A_1321 : vector<128x1xf32> to vector<128x512xf32>
    %mul3A_1323 = arith.mulf %mul3A_1322, %convert_element_type3A_1320 : vector<128x512xf32>
    %add3A_1324 = arith.addf %add3A_1313, %mul3A_1323 : vector<128x512xf32>
    %get3A_1325 = arith.constant 0 : index
    %get3A_1326 = arith.constant 37 : index
    %get3A_1327 = arith.constant 0 : index
    %get3A_1328 = vector.load %arg8[%get3A_1325, %get3A_1326, %get3A_1327] : memref<128x64x512xf32, #tpu.memory_space<vmem>>, vector<128x1x512xf32>
    %get3A_1329 = vector.shape_cast %get3A_1328 : vector<128x1x512xf32> to vector<128x512xf32>
    %convert_element_type3A_1330 = arith.truncf %get3A_1329 : vector<128x512xf32> to vector<128x512xbf16>
    %convert_element_type3A_1331 = arith.extf %convert_element_type3A_1330 : vector<128x512xbf16> to vector<128x512xf32>
    %slice3A_1332 = vector.extract_strided_slice %convert_element_type3A_918 {offsets = [0, 37], sizes = [128, 1], strides = [1, 1]} : vector<128x64xf32> to vector<128x1xf32>
    %mul3A_1333 = vector.broadcast %slice3A_1332 : vector<128x1xf32> to vector<128x512xf32>
    %mul3A_1334 = arith.mulf %mul3A_1333, %convert_element_type3A_1331 : vector<128x512xf32>
    %add3A_1335 = arith.addf %add3A_1324, %mul3A_1334 : vector<128x512xf32>
    %get3A_1336 = arith.constant 0 : index
    %get3A_1337 = arith.constant 38 : index
    %get3A_1338 = arith.constant 0 : index
    %get3A_1339 = vector.load %arg8[%get3A_1336, %get3A_1337, %get3A_1338] : memref<128x64x512xf32, #tpu.memory_space<vmem>>, vector<128x1x512xf32>
    %get3A_1340 = vector.shape_cast %get3A_1339 : vector<128x1x512xf32> to vector<128x512xf32>
    %convert_element_type3A_1341 = arith.truncf %get3A_1340 : vector<128x512xf32> to vector<128x512xbf16>
    %convert_element_type3A_1342 = arith.extf %convert_element_type3A_1341 : vector<128x512xbf16> to vector<128x512xf32>
    %slice3A_1343 = vector.extract_strided_slice %convert_element_type3A_918 {offsets = [0, 38], sizes = [128, 1], strides = [1, 1]} : vector<128x64xf32> to vector<128x1xf32>
    %mul3A_1344 = vector.broadcast %slice3A_1343 : vector<128x1xf32> to vector<128x512xf32>
    %mul3A_1345 = arith.mulf %mul3A_1344, %convert_element_type3A_1342 : vector<128x512xf32>
    %add3A_1346 = arith.addf %add3A_1335, %mul3A_1345 : vector<128x512xf32>
    %get3A_1347 = arith.constant 0 : index
    %get3A_1348 = arith.constant 39 : index
    %get3A_1349 = arith.constant 0 : index
    %get3A_1350 = vector.load %arg8[%get3A_1347, %get3A_1348, %get3A_1349] : memref<128x64x512xf32, #tpu.memory_space<vmem>>, vector<128x1x512xf32>
    %get3A_1351 = vector.shape_cast %get3A_1350 : vector<128x1x512xf32> to vector<128x512xf32>
    %convert_element_type3A_1352 = arith.truncf %get3A_1351 : vector<128x512xf32> to vector<128x512xbf16>
    %convert_element_type3A_1353 = arith.extf %convert_element_type3A_1352 : vector<128x512xbf16> to vector<128x512xf32>
    %slice3A_1354 = vector.extract_strided_slice %convert_element_type3A_918 {offsets = [0, 39], sizes = [128, 1], strides = [1, 1]} : vector<128x64xf32> to vector<128x1xf32>
    %mul3A_1355 = vector.broadcast %slice3A_1354 : vector<128x1xf32> to vector<128x512xf32>
    %mul3A_1356 = arith.mulf %mul3A_1355, %convert_element_type3A_1353 : vector<128x512xf32>
    %add3A_1357 = arith.addf %add3A_1346, %mul3A_1356 : vector<128x512xf32>
    %get3A_1358 = arith.constant 0 : index
    %get3A_1359 = arith.constant 40 : index
    %get3A_1360 = arith.constant 0 : index
    %get3A_1361 = vector.load %arg8[%get3A_1358, %get3A_1359, %get3A_1360] : memref<128x64x512xf32, #tpu.memory_space<vmem>>, vector<128x1x512xf32>
    %get3A_1362 = vector.shape_cast %get3A_1361 : vector<128x1x512xf32> to vector<128x512xf32>
    %convert_element_type3A_1363 = arith.truncf %get3A_1362 : vector<128x512xf32> to vector<128x512xbf16>
    %convert_element_type3A_1364 = arith.extf %convert_element_type3A_1363 : vector<128x512xbf16> to vector<128x512xf32>
    %slice3A_1365 = vector.extract_strided_slice %convert_element_type3A_918 {offsets = [0, 40], sizes = [128, 1], strides = [1, 1]} : vector<128x64xf32> to vector<128x1xf32>
    %mul3A_1366 = vector.broadcast %slice3A_1365 : vector<128x1xf32> to vector<128x512xf32>
    %mul3A_1367 = arith.mulf %mul3A_1366, %convert_element_type3A_1364 : vector<128x512xf32>
    %add3A_1368 = arith.addf %add3A_1357, %mul3A_1367 : vector<128x512xf32>
    %get3A_1369 = arith.constant 0 : index
    %get3A_1370 = arith.constant 41 : index
    %get3A_1371 = arith.constant 0 : index
    %get3A_1372 = vector.load %arg8[%get3A_1369, %get3A_1370, %get3A_1371] : memref<128x64x512xf32, #tpu.memory_space<vmem>>, vector<128x1x512xf32>
    %get3A_1373 = vector.shape_cast %get3A_1372 : vector<128x1x512xf32> to vector<128x512xf32>
    %convert_element_type3A_1374 = arith.truncf %get3A_1373 : vector<128x512xf32> to vector<128x512xbf16>
    %convert_element_type3A_1375 = arith.extf %convert_element_type3A_1374 : vector<128x512xbf16> to vector<128x512xf32>
    %slice3A_1376 = vector.extract_strided_slice %convert_element_type3A_918 {offsets = [0, 41], sizes = [128, 1], strides = [1, 1]} : vector<128x64xf32> to vector<128x1xf32>
    %mul3A_1377 = vector.broadcast %slice3A_1376 : vector<128x1xf32> to vector<128x512xf32>
    %mul3A_1378 = arith.mulf %mul3A_1377, %convert_element_type3A_1375 : vector<128x512xf32>
    %add3A_1379 = arith.addf %add3A_1368, %mul3A_1378 : vector<128x512xf32>
    %get3A_1380 = arith.constant 0 : index
    %get3A_1381 = arith.constant 42 : index
    %get3A_1382 = arith.constant 0 : index
    %get3A_1383 = vector.load %arg8[%get3A_1380, %get3A_1381, %get3A_1382] : memref<128x64x512xf32, #tpu.memory_space<vmem>>, vector<128x1x512xf32>
    %get3A_1384 = vector.shape_cast %get3A_1383 : vector<128x1x512xf32> to vector<128x512xf32>
    %convert_element_type3A_1385 = arith.truncf %get3A_1384 : vector<128x512xf32> to vector<128x512xbf16>
    %convert_element_type3A_1386 = arith.extf %convert_element_type3A_1385 : vector<128x512xbf16> to vector<128x512xf32>
    %slice3A_1387 = vector.extract_strided_slice %convert_element_type3A_918 {offsets = [0, 42], sizes = [128, 1], strides = [1, 1]} : vector<128x64xf32> to vector<128x1xf32>
    %mul3A_1388 = vector.broadcast %slice3A_1387 : vector<128x1xf32> to vector<128x512xf32>
    %mul3A_1389 = arith.mulf %mul3A_1388, %convert_element_type3A_1386 : vector<128x512xf32>
    %add3A_1390 = arith.addf %add3A_1379, %mul3A_1389 : vector<128x512xf32>
    %get3A_1391 = arith.constant 0 : index
    %get3A_1392 = arith.constant 43 : index
    %get3A_1393 = arith.constant 0 : index
    %get3A_1394 = vector.load %arg8[%get3A_1391, %get3A_1392, %get3A_1393] : memref<128x64x512xf32, #tpu.memory_space<vmem>>, vector<128x1x512xf32>
    %get3A_1395 = vector.shape_cast %get3A_1394 : vector<128x1x512xf32> to vector<128x512xf32>
    %convert_element_type3A_1396 = arith.truncf %get3A_1395 : vector<128x512xf32> to vector<128x512xbf16>
    %convert_element_type3A_1397 = arith.extf %convert_element_type3A_1396 : vector<128x512xbf16> to vector<128x512xf32>
    %slice3A_1398 = vector.extract_strided_slice %convert_element_type3A_918 {offsets = [0, 43], sizes = [128, 1], strides = [1, 1]} : vector<128x64xf32> to vector<128x1xf32>
    %mul3A_1399 = vector.broadcast %slice3A_1398 : vector<128x1xf32> to vector<128x512xf32>
    %mul3A_1400 = arith.mulf %mul3A_1399, %convert_element_type3A_1397 : vector<128x512xf32>
    %add3A_1401 = arith.addf %add3A_1390, %mul3A_1400 : vector<128x512xf32>
    %get3A_1402 = arith.constant 0 : index
    %get3A_1403 = arith.constant 44 : index
    %get3A_1404 = arith.constant 0 : index
    %get3A_1405 = vector.load %arg8[%get3A_1402, %get3A_1403, %get3A_1404] : memref<128x64x512xf32, #tpu.memory_space<vmem>>, vector<128x1x512xf32>
    %get3A_1406 = vector.shape_cast %get3A_1405 : vector<128x1x512xf32> to vector<128x512xf32>
    %convert_element_type3A_1407 = arith.truncf %get3A_1406 : vector<128x512xf32> to vector<128x512xbf16>
    %convert_element_type3A_1408 = arith.extf %convert_element_type3A_1407 : vector<128x512xbf16> to vector<128x512xf32>
    %slice3A_1409 = vector.extract_strided_slice %convert_element_type3A_918 {offsets = [0, 44], sizes = [128, 1], strides = [1, 1]} : vector<128x64xf32> to vector<128x1xf32>
    %mul3A_1410 = vector.broadcast %slice3A_1409 : vector<128x1xf32> to vector<128x512xf32>
    %mul3A_1411 = arith.mulf %mul3A_1410, %convert_element_type3A_1408 : vector<128x512xf32>
    %add3A_1412 = arith.addf %add3A_1401, %mul3A_1411 : vector<128x512xf32>
    %get3A_1413 = arith.constant 0 : index
    %get3A_1414 = arith.constant 45 : index
    %get3A_1415 = arith.constant 0 : index
    %get3A_1416 = vector.load %arg8[%get3A_1413, %get3A_1414, %get3A_1415] : memref<128x64x512xf32, #tpu.memory_space<vmem>>, vector<128x1x512xf32>
    %get3A_1417 = vector.shape_cast %get3A_1416 : vector<128x1x512xf32> to vector<128x512xf32>
    %convert_element_type3A_1418 = arith.truncf %get3A_1417 : vector<128x512xf32> to vector<128x512xbf16>
    %convert_element_type3A_1419 = arith.extf %convert_element_type3A_1418 : vector<128x512xbf16> to vector<128x512xf32>
    %slice3A_1420 = vector.extract_strided_slice %convert_element_type3A_918 {offsets = [0, 45], sizes = [128, 1], strides = [1, 1]} : vector<128x64xf32> to vector<128x1xf32>
    %mul3A_1421 = vector.broadcast %slice3A_1420 : vector<128x1xf32> to vector<128x512xf32>
    %mul3A_1422 = arith.mulf %mul3A_1421, %convert_element_type3A_1419 : vector<128x512xf32>
    %add3A_1423 = arith.addf %add3A_1412, %mul3A_1422 : vector<128x512xf32>
    %get3A_1424 = arith.constant 0 : index
    %get3A_1425 = arith.constant 46 : index
    %get3A_1426 = arith.constant 0 : index
    %get3A_1427 = vector.load %arg8[%get3A_1424, %get3A_1425, %get3A_1426] : memref<128x64x512xf32, #tpu.memory_space<vmem>>, vector<128x1x512xf32>
    %get3A_1428 = vector.shape_cast %get3A_1427 : vector<128x1x512xf32> to vector<128x512xf32>
    %convert_element_type3A_1429 = arith.truncf %get3A_1428 : vector<128x512xf32> to vector<128x512xbf16>
    %convert_element_type3A_1430 = arith.extf %convert_element_type3A_1429 : vector<128x512xbf16> to vector<128x512xf32>
    %slice3A_1431 = vector.extract_strided_slice %convert_element_type3A_918 {offsets = [0, 46], sizes = [128, 1], strides = [1, 1]} : vector<128x64xf32> to vector<128x1xf32>
    %mul3A_1432 = vector.broadcast %slice3A_1431 : vector<128x1xf32> to vector<128x512xf32>
    %mul3A_1433 = arith.mulf %mul3A_1432, %convert_element_type3A_1430 : vector<128x512xf32>
    %add3A_1434 = arith.addf %add3A_1423, %mul3A_1433 : vector<128x512xf32>
    %get3A_1435 = arith.constant 0 : index
    %get3A_1436 = arith.constant 47 : index
    %get3A_1437 = arith.constant 0 : index
    %get3A_1438 = vector.load %arg8[%get3A_1435, %get3A_1436, %get3A_1437] : memref<128x64x512xf32, #tpu.memory_space<vmem>>, vector<128x1x512xf32>
    %get3A_1439 = vector.shape_cast %get3A_1438 : vector<128x1x512xf32> to vector<128x512xf32>
    %convert_element_type3A_1440 = arith.truncf %get3A_1439 : vector<128x512xf32> to vector<128x512xbf16>
    %convert_element_type3A_1441 = arith.extf %convert_element_type3A_1440 : vector<128x512xbf16> to vector<128x512xf32>
    %slice3A_1442 = vector.extract_strided_slice %convert_element_type3A_918 {offsets = [0, 47], sizes = [128, 1], strides = [1, 1]} : vector<128x64xf32> to vector<128x1xf32>
    %mul3A_1443 = vector.broadcast %slice3A_1442 : vector<128x1xf32> to vector<128x512xf32>
    %mul3A_1444 = arith.mulf %mul3A_1443, %convert_element_type3A_1441 : vector<128x512xf32>
    %add3A_1445 = arith.addf %add3A_1434, %mul3A_1444 : vector<128x512xf32>
    %get3A_1446 = arith.constant 0 : index
    %get3A_1447 = arith.constant 48 : index
    %get3A_1448 = arith.constant 0 : index
    %get3A_1449 = vector.load %arg8[%get3A_1446, %get3A_1447, %get3A_1448] : memref<128x64x512xf32, #tpu.memory_space<vmem>>, vector<128x1x512xf32>
    %get3A_1450 = vector.shape_cast %get3A_1449 : vector<128x1x512xf32> to vector<128x512xf32>
    %convert_element_type3A_1451 = arith.truncf %get3A_1450 : vector<128x512xf32> to vector<128x512xbf16>
    %convert_element_type3A_1452 = arith.extf %convert_element_type3A_1451 : vector<128x512xbf16> to vector<128x512xf32>
    %slice3A_1453 = vector.extract_strided_slice %convert_element_type3A_918 {offsets = [0, 48], sizes = [128, 1], strides = [1, 1]} : vector<128x64xf32> to vector<128x1xf32>
    %mul3A_1454 = vector.broadcast %slice3A_1453 : vector<128x1xf32> to vector<128x512xf32>
    %mul3A_1455 = arith.mulf %mul3A_1454, %convert_element_type3A_1452 : vector<128x512xf32>
    %add3A_1456 = arith.addf %add3A_1445, %mul3A_1455 : vector<128x512xf32>
    %get3A_1457 = arith.constant 0 : index
    %get3A_1458 = arith.constant 49 : index
    %get3A_1459 = arith.constant 0 : index
    %get3A_1460 = vector.load %arg8[%get3A_1457, %get3A_1458, %get3A_1459] : memref<128x64x512xf32, #tpu.memory_space<vmem>>, vector<128x1x512xf32>
    %get3A_1461 = vector.shape_cast %get3A_1460 : vector<128x1x512xf32> to vector<128x512xf32>
    %convert_element_type3A_1462 = arith.truncf %get3A_1461 : vector<128x512xf32> to vector<128x512xbf16>
    %convert_element_type3A_1463 = arith.extf %convert_element_type3A_1462 : vector<128x512xbf16> to vector<128x512xf32>
    %slice3A_1464 = vector.extract_strided_slice %convert_element_type3A_918 {offsets = [0, 49], sizes = [128, 1], strides = [1, 1]} : vector<128x64xf32> to vector<128x1xf32>
    %mul3A_1465 = vector.broadcast %slice3A_1464 : vector<128x1xf32> to vector<128x512xf32>
    %mul3A_1466 = arith.mulf %mul3A_1465, %convert_element_type3A_1463 : vector<128x512xf32>
    %add3A_1467 = arith.addf %add3A_1456, %mul3A_1466 : vector<128x512xf32>
    %get3A_1468 = arith.constant 0 : index
    %get3A_1469 = arith.constant 50 : index
    %get3A_1470 = arith.constant 0 : index
    %get3A_1471 = vector.load %arg8[%get3A_1468, %get3A_1469, %get3A_1470] : memref<128x64x512xf32, #tpu.memory_space<vmem>>, vector<128x1x512xf32>
    %get3A_1472 = vector.shape_cast %get3A_1471 : vector<128x1x512xf32> to vector<128x512xf32>
    %convert_element_type3A_1473 = arith.truncf %get3A_1472 : vector<128x512xf32> to vector<128x512xbf16>
    %convert_element_type3A_1474 = arith.extf %convert_element_type3A_1473 : vector<128x512xbf16> to vector<128x512xf32>
    %slice3A_1475 = vector.extract_strided_slice %convert_element_type3A_918 {offsets = [0, 50], sizes = [128, 1], strides = [1, 1]} : vector<128x64xf32> to vector<128x1xf32>
    %mul3A_1476 = vector.broadcast %slice3A_1475 : vector<128x1xf32> to vector<128x512xf32>
    %mul3A_1477 = arith.mulf %mul3A_1476, %convert_element_type3A_1474 : vector<128x512xf32>
    %add3A_1478 = arith.addf %add3A_1467, %mul3A_1477 : vector<128x512xf32>
    %get3A_1479 = arith.constant 0 : index
    %get3A_1480 = arith.constant 51 : index
    %get3A_1481 = arith.constant 0 : index
    %get3A_1482 = vector.load %arg8[%get3A_1479, %get3A_1480, %get3A_1481] : memref<128x64x512xf32, #tpu.memory_space<vmem>>, vector<128x1x512xf32>
    %get3A_1483 = vector.shape_cast %get3A_1482 : vector<128x1x512xf32> to vector<128x512xf32>
    %convert_element_type3A_1484 = arith.truncf %get3A_1483 : vector<128x512xf32> to vector<128x512xbf16>
    %convert_element_type3A_1485 = arith.extf %convert_element_type3A_1484 : vector<128x512xbf16> to vector<128x512xf32>
    %slice3A_1486 = vector.extract_strided_slice %convert_element_type3A_918 {offsets = [0, 51], sizes = [128, 1], strides = [1, 1]} : vector<128x64xf32> to vector<128x1xf32>
    %mul3A_1487 = vector.broadcast %slice3A_1486 : vector<128x1xf32> to vector<128x512xf32>
    %mul3A_1488 = arith.mulf %mul3A_1487, %convert_element_type3A_1485 : vector<128x512xf32>
    %add3A_1489 = arith.addf %add3A_1478, %mul3A_1488 : vector<128x512xf32>
    %get3A_1490 = arith.constant 0 : index
    %get3A_1491 = arith.constant 52 : index
    %get3A_1492 = arith.constant 0 : index
    %get3A_1493 = vector.load %arg8[%get3A_1490, %get3A_1491, %get3A_1492] : memref<128x64x512xf32, #tpu.memory_space<vmem>>, vector<128x1x512xf32>
    %get3A_1494 = vector.shape_cast %get3A_1493 : vector<128x1x512xf32> to vector<128x512xf32>
    %convert_element_type3A_1495 = arith.truncf %get3A_1494 : vector<128x512xf32> to vector<128x512xbf16>
    %convert_element_type3A_1496 = arith.extf %convert_element_type3A_1495 : vector<128x512xbf16> to vector<128x512xf32>
    %slice3A_1497 = vector.extract_strided_slice %convert_element_type3A_918 {offsets = [0, 52], sizes = [128, 1], strides = [1, 1]} : vector<128x64xf32> to vector<128x1xf32>
    %mul3A_1498 = vector.broadcast %slice3A_1497 : vector<128x1xf32> to vector<128x512xf32>
    %mul3A_1499 = arith.mulf %mul3A_1498, %convert_element_type3A_1496 : vector<128x512xf32>
    %add3A_1500 = arith.addf %add3A_1489, %mul3A_1499 : vector<128x512xf32>
    %get3A_1501 = arith.constant 0 : index
    %get3A_1502 = arith.constant 53 : index
    %get3A_1503 = arith.constant 0 : index
    %get3A_1504 = vector.load %arg8[%get3A_1501, %get3A_1502, %get3A_1503] : memref<128x64x512xf32, #tpu.memory_space<vmem>>, vector<128x1x512xf32>
    %get3A_1505 = vector.shape_cast %get3A_1504 : vector<128x1x512xf32> to vector<128x512xf32>
    %convert_element_type3A_1506 = arith.truncf %get3A_1505 : vector<128x512xf32> to vector<128x512xbf16>
    %convert_element_type3A_1507 = arith.extf %convert_element_type3A_1506 : vector<128x512xbf16> to vector<128x512xf32>
    %slice3A_1508 = vector.extract_strided_slice %convert_element_type3A_918 {offsets = [0, 53], sizes = [128, 1], strides = [1, 1]} : vector<128x64xf32> to vector<128x1xf32>
    %mul3A_1509 = vector.broadcast %slice3A_1508 : vector<128x1xf32> to vector<128x512xf32>
    %mul3A_1510 = arith.mulf %mul3A_1509, %convert_element_type3A_1507 : vector<128x512xf32>
    %add3A_1511 = arith.addf %add3A_1500, %mul3A_1510 : vector<128x512xf32>
    %get3A_1512 = arith.constant 0 : index
    %get3A_1513 = arith.constant 54 : index
    %get3A_1514 = arith.constant 0 : index
    %get3A_1515 = vector.load %arg8[%get3A_1512, %get3A_1513, %get3A_1514] : memref<128x64x512xf32, #tpu.memory_space<vmem>>, vector<128x1x512xf32>
    %get3A_1516 = vector.shape_cast %get3A_1515 : vector<128x1x512xf32> to vector<128x512xf32>
    %convert_element_type3A_1517 = arith.truncf %get3A_1516 : vector<128x512xf32> to vector<128x512xbf16>
    %convert_element_type3A_1518 = arith.extf %convert_element_type3A_1517 : vector<128x512xbf16> to vector<128x512xf32>
    %slice3A_1519 = vector.extract_strided_slice %convert_element_type3A_918 {offsets = [0, 54], sizes = [128, 1], strides = [1, 1]} : vector<128x64xf32> to vector<128x1xf32>
    %mul3A_1520 = vector.broadcast %slice3A_1519 : vector<128x1xf32> to vector<128x512xf32>
    %mul3A_1521 = arith.mulf %mul3A_1520, %convert_element_type3A_1518 : vector<128x512xf32>
    %add3A_1522 = arith.addf %add3A_1511, %mul3A_1521 : vector<128x512xf32>
    %get3A_1523 = arith.constant 0 : index
    %get3A_1524 = arith.constant 55 : index
    %get3A_1525 = arith.constant 0 : index
    %get3A_1526 = vector.load %arg8[%get3A_1523, %get3A_1524, %get3A_1525] : memref<128x64x512xf32, #tpu.memory_space<vmem>>, vector<128x1x512xf32>
    %get3A_1527 = vector.shape_cast %get3A_1526 : vector<128x1x512xf32> to vector<128x512xf32>
    %convert_element_type3A_1528 = arith.truncf %get3A_1527 : vector<128x512xf32> to vector<128x512xbf16>
    %convert_element_type3A_1529 = arith.extf %convert_element_type3A_1528 : vector<128x512xbf16> to vector<128x512xf32>
    %slice3A_1530 = vector.extract_strided_slice %convert_element_type3A_918 {offsets = [0, 55], sizes = [128, 1], strides = [1, 1]} : vector<128x64xf32> to vector<128x1xf32>
    %mul3A_1531 = vector.broadcast %slice3A_1530 : vector<128x1xf32> to vector<128x512xf32>
    %mul3A_1532 = arith.mulf %mul3A_1531, %convert_element_type3A_1529 : vector<128x512xf32>
    %add3A_1533 = arith.addf %add3A_1522, %mul3A_1532 : vector<128x512xf32>
    %get3A_1534 = arith.constant 0 : index
    %get3A_1535 = arith.constant 56 : index
    %get3A_1536 = arith.constant 0 : index
    %get3A_1537 = vector.load %arg8[%get3A_1534, %get3A_1535, %get3A_1536] : memref<128x64x512xf32, #tpu.memory_space<vmem>>, vector<128x1x512xf32>
    %get3A_1538 = vector.shape_cast %get3A_1537 : vector<128x1x512xf32> to vector<128x512xf32>
    %convert_element_type3A_1539 = arith.truncf %get3A_1538 : vector<128x512xf32> to vector<128x512xbf16>
    %convert_element_type3A_1540 = arith.extf %convert_element_type3A_1539 : vector<128x512xbf16> to vector<128x512xf32>
    %slice3A_1541 = vector.extract_strided_slice %convert_element_type3A_918 {offsets = [0, 56], sizes = [128, 1], strides = [1, 1]} : vector<128x64xf32> to vector<128x1xf32>
    %mul3A_1542 = vector.broadcast %slice3A_1541 : vector<128x1xf32> to vector<128x512xf32>
    %mul3A_1543 = arith.mulf %mul3A_1542, %convert_element_type3A_1540 : vector<128x512xf32>
    %add3A_1544 = arith.addf %add3A_1533, %mul3A_1543 : vector<128x512xf32>
    %get3A_1545 = arith.constant 0 : index
    %get3A_1546 = arith.constant 57 : index
    %get3A_1547 = arith.constant 0 : index
    %get3A_1548 = vector.load %arg8[%get3A_1545, %get3A_1546, %get3A_1547] : memref<128x64x512xf32, #tpu.memory_space<vmem>>, vector<128x1x512xf32>
    %get3A_1549 = vector.shape_cast %get3A_1548 : vector<128x1x512xf32> to vector<128x512xf32>
    %convert_element_type3A_1550 = arith.truncf %get3A_1549 : vector<128x512xf32> to vector<128x512xbf16>
    %convert_element_type3A_1551 = arith.extf %convert_element_type3A_1550 : vector<128x512xbf16> to vector<128x512xf32>
    %slice3A_1552 = vector.extract_strided_slice %convert_element_type3A_918 {offsets = [0, 57], sizes = [128, 1], strides = [1, 1]} : vector<128x64xf32> to vector<128x1xf32>
    %mul3A_1553 = vector.broadcast %slice3A_1552 : vector<128x1xf32> to vector<128x512xf32>
    %mul3A_1554 = arith.mulf %mul3A_1553, %convert_element_type3A_1551 : vector<128x512xf32>
    %add3A_1555 = arith.addf %add3A_1544, %mul3A_1554 : vector<128x512xf32>
    %get3A_1556 = arith.constant 0 : index
    %get3A_1557 = arith.constant 58 : index
    %get3A_1558 = arith.constant 0 : index
    %get3A_1559 = vector.load %arg8[%get3A_1556, %get3A_1557, %get3A_1558] : memref<128x64x512xf32, #tpu.memory_space<vmem>>, vector<128x1x512xf32>
    %get3A_1560 = vector.shape_cast %get3A_1559 : vector<128x1x512xf32> to vector<128x512xf32>
    %convert_element_type3A_1561 = arith.truncf %get3A_1560 : vector<128x512xf32> to vector<128x512xbf16>
    %convert_element_type3A_1562 = arith.extf %convert_element_type3A_1561 : vector<128x512xbf16> to vector<128x512xf32>
    %slice3A_1563 = vector.extract_strided_slice %convert_element_type3A_918 {offsets = [0, 58], sizes = [128, 1], strides = [1, 1]} : vector<128x64xf32> to vector<128x1xf32>
    %mul3A_1564 = vector.broadcast %slice3A_1563 : vector<128x1xf32> to vector<128x512xf32>
    %mul3A_1565 = arith.mulf %mul3A_1564, %convert_element_type3A_1562 : vector<128x512xf32>
    %add3A_1566 = arith.addf %add3A_1555, %mul3A_1565 : vector<128x512xf32>
    %get3A_1567 = arith.constant 0 : index
    %get3A_1568 = arith.constant 59 : index
    %get3A_1569 = arith.constant 0 : index
    %get3A_1570 = vector.load %arg8[%get3A_1567, %get3A_1568, %get3A_1569] : memref<128x64x512xf32, #tpu.memory_space<vmem>>, vector<128x1x512xf32>
    %get3A_1571 = vector.shape_cast %get3A_1570 : vector<128x1x512xf32> to vector<128x512xf32>
    %convert_element_type3A_1572 = arith.truncf %get3A_1571 : vector<128x512xf32> to vector<128x512xbf16>
    %convert_element_type3A_1573 = arith.extf %convert_element_type3A_1572 : vector<128x512xbf16> to vector<128x512xf32>
    %slice3A_1574 = vector.extract_strided_slice %convert_element_type3A_918 {offsets = [0, 59], sizes = [128, 1], strides = [1, 1]} : vector<128x64xf32> to vector<128x1xf32>
    %mul3A_1575 = vector.broadcast %slice3A_1574 : vector<128x1xf32> to vector<128x512xf32>
    %mul3A_1576 = arith.mulf %mul3A_1575, %convert_element_type3A_1573 : vector<128x512xf32>
    %add3A_1577 = arith.addf %add3A_1566, %mul3A_1576 : vector<128x512xf32>
    %get3A_1578 = arith.constant 0 : index
    %get3A_1579 = arith.constant 60 : index
    %get3A_1580 = arith.constant 0 : index
    %get3A_1581 = vector.load %arg8[%get3A_1578, %get3A_1579, %get3A_1580] : memref<128x64x512xf32, #tpu.memory_space<vmem>>, vector<128x1x512xf32>
    %get3A_1582 = vector.shape_cast %get3A_1581 : vector<128x1x512xf32> to vector<128x512xf32>
    %convert_element_type3A_1583 = arith.truncf %get3A_1582 : vector<128x512xf32> to vector<128x512xbf16>
    %convert_element_type3A_1584 = arith.extf %convert_element_type3A_1583 : vector<128x512xbf16> to vector<128x512xf32>
    %slice3A_1585 = vector.extract_strided_slice %convert_element_type3A_918 {offsets = [0, 60], sizes = [128, 1], strides = [1, 1]} : vector<128x64xf32> to vector<128x1xf32>
    %mul3A_1586 = vector.broadcast %slice3A_1585 : vector<128x1xf32> to vector<128x512xf32>
    %mul3A_1587 = arith.mulf %mul3A_1586, %convert_element_type3A_1584 : vector<128x512xf32>
    %add3A_1588 = arith.addf %add3A_1577, %mul3A_1587 : vector<128x512xf32>
    %get3A_1589 = arith.constant 0 : index
    %get3A_1590 = arith.constant 61 : index
    %get3A_1591 = arith.constant 0 : index
    %get3A_1592 = vector.load %arg8[%get3A_1589, %get3A_1590, %get3A_1591] : memref<128x64x512xf32, #tpu.memory_space<vmem>>, vector<128x1x512xf32>
    %get3A_1593 = vector.shape_cast %get3A_1592 : vector<128x1x512xf32> to vector<128x512xf32>
    %convert_element_type3A_1594 = arith.truncf %get3A_1593 : vector<128x512xf32> to vector<128x512xbf16>
    %convert_element_type3A_1595 = arith.extf %convert_element_type3A_1594 : vector<128x512xbf16> to vector<128x512xf32>
    %slice3A_1596 = vector.extract_strided_slice %convert_element_type3A_918 {offsets = [0, 61], sizes = [128, 1], strides = [1, 1]} : vector<128x64xf32> to vector<128x1xf32>
    %mul3A_1597 = vector.broadcast %slice3A_1596 : vector<128x1xf32> to vector<128x512xf32>
    %mul3A_1598 = arith.mulf %mul3A_1597, %convert_element_type3A_1595 : vector<128x512xf32>
    %add3A_1599 = arith.addf %add3A_1588, %mul3A_1598 : vector<128x512xf32>
    %get3A_1600 = arith.constant 0 : index
    %get3A_1601 = arith.constant 62 : index
    %get3A_1602 = arith.constant 0 : index
    %get3A_1603 = vector.load %arg8[%get3A_1600, %get3A_1601, %get3A_1602] : memref<128x64x512xf32, #tpu.memory_space<vmem>>, vector<128x1x512xf32>
    %get3A_1604 = vector.shape_cast %get3A_1603 : vector<128x1x512xf32> to vector<128x512xf32>
    %convert_element_type3A_1605 = arith.truncf %get3A_1604 : vector<128x512xf32> to vector<128x512xbf16>
    %convert_element_type3A_1606 = arith.extf %convert_element_type3A_1605 : vector<128x512xbf16> to vector<128x512xf32>
    %slice3A_1607 = vector.extract_strided_slice %convert_element_type3A_918 {offsets = [0, 62], sizes = [128, 1], strides = [1, 1]} : vector<128x64xf32> to vector<128x1xf32>
    %mul3A_1608 = vector.broadcast %slice3A_1607 : vector<128x1xf32> to vector<128x512xf32>
    %mul3A_1609 = arith.mulf %mul3A_1608, %convert_element_type3A_1606 : vector<128x512xf32>
    %add3A_1610 = arith.addf %add3A_1599, %mul3A_1609 : vector<128x512xf32>
    %get3A_1611 = arith.constant 0 : index
    %get3A_1612 = arith.constant 63 : index
    %get3A_1613 = arith.constant 0 : index
    %get3A_1614 = vector.load %arg8[%get3A_1611, %get3A_1612, %get3A_1613] : memref<128x64x512xf32, #tpu.memory_space<vmem>>, vector<128x1x512xf32>
    %get3A_1615 = vector.shape_cast %get3A_1614 : vector<128x1x512xf32> to vector<128x512xf32>
    %convert_element_type3A_1616 = arith.truncf %get3A_1615 : vector<128x512xf32> to vector<128x512xbf16>
    %convert_element_type3A_1617 = arith.extf %convert_element_type3A_1616 : vector<128x512xbf16> to vector<128x512xf32>
    %slice3A_1618 = vector.extract_strided_slice %convert_element_type3A_918 {offsets = [0, 63], sizes = [128, 1], strides = [1, 1]} : vector<128x64xf32> to vector<128x1xf32>
    %mul3A_1619 = vector.broadcast %slice3A_1618 : vector<128x1xf32> to vector<128x512xf32>
    %mul3A_1620 = arith.mulf %mul3A_1619, %convert_element_type3A_1617 : vector<128x512xf32>
    %add3A_1621 = arith.addf %add3A_1610, %mul3A_1620 : vector<128x512xf32>
    %ge3A = arith.constant 0.000000e+00 : f32
    %ge3A_1622 = vector.broadcast %ge3A : f32 to vector<128x512xf32>
    %ge3A_1623 = arith.cmpf oge, %add3A_1621, %ge3A_1622 : vector<128x512xf32>
    %mul3A_1624 = arith.constant 2.000000e-01 : f32
    %mul3A_1625 = vector.broadcast %mul3A_1624 : f32 to vector<128x512xf32>
    %mul3A_1626 = arith.mulf %mul3A_1625, %add3A_1621 : vector<128x512xf32>
    %select_n3A_1627 = arith.select %ge3A_1623, %add3A_1621, %mul3A_1626 : vector<128x512xi1>, vector<128x512xf32>
    %slice3A_1628 = vector.extract_strided_slice %select_n3A_1627 {offsets = [0, 0], sizes = [128, 64], strides = [1, 1]} : vector<128x512xf32> to vector<128x64xf32>
    %get3A_1629 = arith.constant 0 : index
    %get3A_1630 = arith.constant 0 : index
    %get3A_1631 = vector.load %arg9[%get3A_1629, %get3A_1630] : memref<64x640xf32, #tpu.memory_space<vmem>>, vector<64x640xf32>
    %convert_element_type3A_1632 = arith.truncf %slice3A_1628 : vector<128x64xf32> to vector<128x64xbf16>
    %convert_element_type3A_1633 = arith.truncf %get3A_1631 : vector<64x640xf32> to vector<64x640xbf16>
    %dot_general3A_1634 = arith.constant dense<0.000000e+00> : vector<128x640xf32>
    %dot_general3A_1635 = tpu.matmul %convert_element_type3A_1632, %convert_element_type3A_1633, %dot_general3A_1634 {dimension_numbers = #tpu.dot_dimension_numbers<[1], [0], [0], [1], [0, 0, 1, 1], [], []>, transpose_lhs_hint = false} : vector<128x64xbf16>, vector<64x640xbf16>, vector<128x640xf32> -> vector<128x640xf32>
    %get3A_1636 = arith.constant 0 : index
    %get3A_1637 = arith.constant 0 : index
    %get3A_1638 = vector.load %arg10[%get3A_1636, %get3A_1637] : memref<640x3xf32, #tpu.memory_space<vmem>>, vector<640x3xf32>
    %convert_element_type3A_1639 = arith.truncf %dot_general3A_1635 : vector<128x640xf32> to vector<128x640xbf16>
    %convert_element_type3A_1640 = arith.truncf %get3A_1638 : vector<640x3xf32> to vector<640x3xbf16>
    %dot_general3A_1641 = arith.constant dense<0.000000e+00> : vector<128x3xf32>
    %dot_general3A_1642 = tpu.matmul %convert_element_type3A_1639, %convert_element_type3A_1640, %dot_general3A_1641 {dimension_numbers = #tpu.dot_dimension_numbers<[1], [0], [0], [1], [0, 0, 1, 1], [], []>, transpose_lhs_hint = false} : vector<128x640xbf16>, vector<640x3xbf16>, vector<128x3xf32> -> vector<128x3xf32>
    %add3A_1643 = arith.addf %dot_general3A_1642, %dot_general3A_916 : vector<128x3xf32>
    %get3A_1644 = arith.constant 0 : index
    %get3A_1645 = arith.constant 0 : index
    %get3A_1646 = vector.load %arg11[%get3A_1644, %get3A_1645] : memref<8x3xf32, #tpu.memory_space<vmem>>, vector<1x3xf32>
    %add3A_1647 = vector.broadcast %get3A_1646 : vector<1x3xf32> to vector<128x3xf32>
    %add3A_1648 = arith.addf %add3A_1643, %add3A_1647 : vector<128x3xf32>
    %ge3A_1649 = arith.constant 0.000000e+00 : f32
    %ge3A_1650 = vector.broadcast %ge3A_1649 : f32 to vector<128x3xf32>
    %ge3A_1651 = arith.cmpf oge, %add3A_1648, %ge3A_1650 : vector<128x3xf32>
    %mul3A_1652 = arith.constant 2.000000e-01 : f32
    %mul3A_1653 = vector.broadcast %mul3A_1652 : f32 to vector<128x3xf32>
    %mul3A_1654 = arith.mulf %mul3A_1653, %add3A_1648 : vector<128x3xf32>
    %select_n3A_1655 = arith.select %ge3A_1651, %add3A_1648, %mul3A_1654 : vector<128x3xi1>, vector<128x3xf32>
    %swap3A = arith.constant 0 : index
    %swap3A_1656 = arith.constant 0 : index
    %swap3A_1657 = arith.constant 0 : index
    %swap3A_1658 = arith.constant 0 : index
    %swap3A_1659 = vector.load %arg12[%swap3A, %swap3A_1656, %swap3A_1657, %swap3A_1658] : memref<1x128x8x3xf32, #tpu.memory_space<vmem>>, vector<1x128x1x3xf32>
    %swap3A_1660 = vector.shape_cast %swap3A_1659 : vector<1x128x1x3xf32> to vector<128x3xf32>
    %swap3A_1661 = vector.shape_cast %select_n3A_1655 : vector<128x3xf32> to vector<1x128x1x3xf32>
    tpu.vector_store %arg12[%swap3A, %swap3A_1656, %swap3A_1657, %swap3A_1658], %swap3A_1661 {strides = array<i32>} : memref<1x128x8x3xf32, #tpu.memory_space<vmem>>, vector<1x128x1x3xf32>,
    %slice3A_1662 = vector.extract_strided_slice %select_n3A_1627 {offsets = [0, 64], sizes = [128, 64], strides = [1, 1]} : vector<128x512xf32> to vector<128x64xf32>
    %get3A_1663 = arith.constant 0 : index
    %get3A_1664 = arith.constant 0 : index
    %get3A_1665 = vector.load %arg9[%get3A_1663, %get3A_1664] : memref<64x640xf32, #tpu.memory_space<vmem>>, vector<64x640xf32>
    %convert_element_type3A_1666 = arith.truncf %slice3A_1662 : vector<128x64xf32> to vector<128x64xbf16>
    %convert_element_type3A_1667 = arith.truncf %get3A_1665 : vector<64x640xf32> to vector<64x640xbf16>
    %dot_general3A_1668 = arith.constant dense<0.000000e+00> : vector<128x640xf32>
    %dot_general3A_1669 = tpu.matmul %convert_element_type3A_1666, %convert_element_type3A_1667, %dot_general3A_1668 {dimension_numbers = #tpu.dot_dimension_numbers<[1], [0], [0], [1], [0, 0, 1, 1], [], []>, transpose_lhs_hint = false} : vector<128x64xbf16>, vector<64x640xbf16>, vector<128x640xf32> -> vector<128x640xf32>
    %get3A_1670 = arith.constant 0 : index
    %get3A_1671 = arith.constant 0 : index
    %get3A_1672 = vector.load %arg10[%get3A_1670, %get3A_1671] : memref<640x3xf32, #tpu.memory_space<vmem>>, vector<640x3xf32>
    %convert_element_type3A_1673 = arith.truncf %dot_general3A_1669 : vector<128x640xf32> to vector<128x640xbf16>
    %convert_element_type3A_1674 = arith.truncf %get3A_1672 : vector<640x3xf32> to vector<640x3xbf16>
    %dot_general3A_1675 = arith.constant dense<0.000000e+00> : vector<128x3xf32>
    %dot_general3A_1676 = tpu.matmul %convert_element_type3A_1673, %convert_element_type3A_1674, %dot_general3A_1675 {dimension_numbers = #tpu.dot_dimension_numbers<[1], [0], [0], [1], [0, 0, 1, 1], [], []>, transpose_lhs_hint = false} : vector<128x640xbf16>, vector<640x3xbf16>, vector<128x3xf32> -> vector<128x3xf32>
    %add3A_1677 = arith.addf %dot_general3A_1676, %dot_general3A_916 : vector<128x3xf32>
    %get3A_1678 = arith.constant 1 : index
    %get3A_1679 = arith.constant 0 : index
    %get3A_1680 = vector.load %arg11[%get3A_1678, %get3A_1679] : memref<8x3xf32, #tpu.memory_space<vmem>>, vector<1x3xf32>
    %add3A_1681 = vector.broadcast %get3A_1680 : vector<1x3xf32> to vector<128x3xf32>
    %add3A_1682 = arith.addf %add3A_1677, %add3A_1681 : vector<128x3xf32>
    %ge3A_1683 = arith.constant 0.000000e+00 : f32
    %ge3A_1684 = vector.broadcast %ge3A_1683 : f32 to vector<128x3xf32>
    %ge3A_1685 = arith.cmpf oge, %add3A_1682, %ge3A_1684 : vector<128x3xf32>
    %mul3A_1686 = arith.constant 2.000000e-01 : f32
    %mul3A_1687 = vector.broadcast %mul3A_1686 : f32 to vector<128x3xf32>
    %mul3A_1688 = arith.mulf %mul3A_1687, %add3A_1682 : vector<128x3xf32>
    %select_n3A_1689 = arith.select %ge3A_1685, %add3A_1682, %mul3A_1688 : vector<128x3xi1>, vector<128x3xf32>
    %swap3A_1690 = arith.constant 0 : index
    %swap3A_1691 = arith.constant 0 : index
    %swap3A_1692 = arith.constant 1 : index
    %swap3A_1693 = arith.constant 0 : index
    %swap3A_1694 = vector.load %arg12[%swap3A_1690, %swap3A_1691, %swap3A_1692, %swap3A_1693] : memref<1x128x8x3xf32, #tpu.memory_space<vmem>>, vector<1x128x1x3xf32>
    %swap3A_1695 = vector.shape_cast %swap3A_1694 : vector<1x128x1x3xf32> to vector<128x3xf32>
    %swap3A_1696 = vector.shape_cast %select_n3A_1689 : vector<128x3xf32> to vector<1x128x1x3xf32>
    tpu.vector_store %arg12[%swap3A_1690, %swap3A_1691, %swap3A_1692, %swap3A_1693], %swap3A_1696 {strides = array<i32>} : memref<1x128x8x3xf32, #tpu.memory_space<vmem>>, vector<1x128x1x3xf32>,
    %slice3A_1697 = vector.extract_strided_slice %select_n3A_1627 {offsets = [0, 128], sizes = [128, 64], strides = [1, 1]} : vector<128x512xf32> to vector<128x64xf32>
    %get3A_1698 = arith.constant 0 : index
    %get3A_1699 = arith.constant 0 : index
    %get3A_1700 = vector.load %arg9[%get3A_1698, %get3A_1699] : memref<64x640xf32, #tpu.memory_space<vmem>>, vector<64x640xf32>
    %convert_element_type3A_1701 = arith.truncf %slice3A_1697 : vector<128x64xf32> to vector<128x64xbf16>
    %convert_element_type3A_1702 = arith.truncf %get3A_1700 : vector<64x640xf32> to vector<64x640xbf16>
    %dot_general3A_1703 = arith.constant dense<0.000000e+00> : vector<128x640xf32>
    %dot_general3A_1704 = tpu.matmul %convert_element_type3A_1701, %convert_element_type3A_1702, %dot_general3A_1703 {dimension_numbers = #tpu.dot_dimension_numbers<[1], [0], [0], [1], [0, 0, 1, 1], [], []>, transpose_lhs_hint = false} : vector<128x64xbf16>, vector<64x640xbf16>, vector<128x640xf32> -> vector<128x640xf32>
    %get3A_1705 = arith.constant 0 : index
    %get3A_1706 = arith.constant 0 : index
    %get3A_1707 = vector.load %arg10[%get3A_1705, %get3A_1706] : memref<640x3xf32, #tpu.memory_space<vmem>>, vector<640x3xf32>
    %convert_element_type3A_1708 = arith.truncf %dot_general3A_1704 : vector<128x640xf32> to vector<128x640xbf16>
    %convert_element_type3A_1709 = arith.truncf %get3A_1707 : vector<640x3xf32> to vector<640x3xbf16>
    %dot_general3A_1710 = arith.constant dense<0.000000e+00> : vector<128x3xf32>
    %dot_general3A_1711 = tpu.matmul %convert_element_type3A_1708, %convert_element_type3A_1709, %dot_general3A_1710 {dimension_numbers = #tpu.dot_dimension_numbers<[1], [0], [0], [1], [0, 0, 1, 1], [], []>, transpose_lhs_hint = false} : vector<128x640xbf16>, vector<640x3xbf16>, vector<128x3xf32> -> vector<128x3xf32>
    %add3A_1712 = arith.addf %dot_general3A_1711, %dot_general3A_916 : vector<128x3xf32>
    %get3A_1713 = arith.constant 2 : index
    %get3A_1714 = arith.constant 0 : index
    %get3A_1715 = vector.load %arg11[%get3A_1713, %get3A_1714] : memref<8x3xf32, #tpu.memory_space<vmem>>, vector<1x3xf32>
    %add3A_1716 = vector.broadcast %get3A_1715 : vector<1x3xf32> to vector<128x3xf32>
    %add3A_1717 = arith.addf %add3A_1712, %add3A_1716 : vector<128x3xf32>
    %ge3A_1718 = arith.constant 0.000000e+00 : f32
    %ge3A_1719 = vector.broadcast %ge3A_1718 : f32 to vector<128x3xf32>
    %ge3A_1720 = arith.cmpf oge, %add3A_1717, %ge3A_1719 : vector<128x3xf32>
    %mul3A_1721 = arith.constant 2.000000e-01 : f32
    %mul3A_1722 = vector.broadcast %mul3A_1721 : f32 to vector<128x3xf32>
    %mul3A_1723 = arith.mulf %mul3A_1722, %add3A_1717 : vector<128x3xf32>
    %select_n3A_1724 = arith.select %ge3A_1720, %add3A_1717, %mul3A_1723 : vector<128x3xi1>, vector<128x3xf32>
    %swap3A_1725 = arith.constant 0 : index
    %swap3A_1726 = arith.constant 0 : index
    %swap3A_1727 = arith.constant 2 : index
    %swap3A_1728 = arith.constant 0 : index
    %swap3A_1729 = vector.load %arg12[%swap3A_1725, %swap3A_1726, %swap3A_1727, %swap3A_1728] : memref<1x128x8x3xf32, #tpu.memory_space<vmem>>, vector<1x128x1x3xf32>
    %swap3A_1730 = vector.shape_cast %swap3A_1729 : vector<1x128x1x3xf32> to vector<128x3xf32>
    %swap3A_1731 = vector.shape_cast %select_n3A_1724 : vector<128x3xf32> to vector<1x128x1x3xf32>
    tpu.vector_store %arg12[%swap3A_1725, %swap3A_1726, %swap3A_1727, %swap3A_1728], %swap3A_1731 {strides = array<i32>} : memref<1x128x8x3xf32, #tpu.memory_space<vmem>>, vector<1x128x1x3xf32>,
    %slice3A_1732 = vector.extract_strided_slice %select_n3A_1627 {offsets = [0, 192], sizes = [128, 64], strides = [1, 1]} : vector<128x512xf32> to vector<128x64xf32>
    %get3A_1733 = arith.constant 0 : index
    %get3A_1734 = arith.constant 0 : index
    %get3A_1735 = vector.load %arg9[%get3A_1733, %get3A_1734] : memref<64x640xf32, #tpu.memory_space<vmem>>, vector<64x640xf32>
    %convert_element_type3A_1736 = arith.truncf %slice3A_1732 : vector<128x64xf32> to vector<128x64xbf16>
    %convert_element_type3A_1737 = arith.truncf %get3A_1735 : vector<64x640xf32> to vector<64x640xbf16>
    %dot_general3A_1738 = arith.constant dense<0.000000e+00> : vector<128x640xf32>
    %dot_general3A_1739 = tpu.matmul %convert_element_type3A_1736, %convert_element_type3A_1737, %dot_general3A_1738 {dimension_numbers = #tpu.dot_dimension_numbers<[1], [0], [0], [1], [0, 0, 1, 1], [], []>, transpose_lhs_hint = false} : vector<128x64xbf16>, vector<64x640xbf16>, vector<128x640xf32> -> vector<128x640xf32>
    %get3A_1740 = arith.constant 0 : index
    %get3A_1741 = arith.constant 0 : index
    %get3A_1742 = vector.load %arg10[%get3A_1740, %get3A_1741] : memref<640x3xf32, #tpu.memory_space<vmem>>, vector<640x3xf32>
    %convert_element_type3A_1743 = arith.truncf %dot_general3A_1739 : vector<128x640xf32> to vector<128x640xbf16>
    %convert_element_type3A_1744 = arith.truncf %get3A_1742 : vector<640x3xf32> to vector<640x3xbf16>
    %dot_general3A_1745 = arith.constant dense<0.000000e+00> : vector<128x3xf32>
    %dot_general3A_1746 = tpu.matmul %convert_element_type3A_1743, %convert_element_type3A_1744, %dot_general3A_1745 {dimension_numbers = #tpu.dot_dimension_numbers<[1], [0], [0], [1], [0, 0, 1, 1], [], []>, transpose_lhs_hint = false} : vector<128x640xbf16>, vector<640x3xbf16>, vector<128x3xf32> -> vector<128x3xf32>
    %add3A_1747 = arith.addf %dot_general3A_1746, %dot_general3A_916 : vector<128x3xf32>
    %get3A_1748 = arith.constant 3 : index
    %get3A_1749 = arith.constant 0 : index
    %get3A_1750 = vector.load %arg11[%get3A_1748, %get3A_1749] : memref<8x3xf32, #tpu.memory_space<vmem>>, vector<1x3xf32>
    %add3A_1751 = vector.broadcast %get3A_1750 : vector<1x3xf32> to vector<128x3xf32>
    %add3A_1752 = arith.addf %add3A_1747, %add3A_1751 : vector<128x3xf32>
    %ge3A_1753 = arith.constant 0.000000e+00 : f32
    %ge3A_1754 = vector.broadcast %ge3A_1753 : f32 to vector<128x3xf32>
    %ge3A_1755 = arith.cmpf oge, %add3A_1752, %ge3A_1754 : vector<128x3xf32>
    %mul3A_1756 = arith.constant 2.000000e-01 : f32
    %mul3A_1757 = vector.broadcast %mul3A_1756 : f32 to vector<128x3xf32>
    %mul3A_1758 = arith.mulf %mul3A_1757, %add3A_1752 : vector<128x3xf32>
    %select_n3A_1759 = arith.select %ge3A_1755, %add3A_1752, %mul3A_1758 : vector<128x3xi1>, vector<128x3xf32>
    %swap3A_1760 = arith.constant 0 : index
    %swap3A_1761 = arith.constant 0 : index
    %swap3A_1762 = arith.constant 3 : index
    %swap3A_1763 = arith.constant 0 : index
    %swap3A_1764 = vector.load %arg12[%swap3A_1760, %swap3A_1761, %swap3A_1762, %swap3A_1763] : memref<1x128x8x3xf32, #tpu.memory_space<vmem>>, vector<1x128x1x3xf32>
    %swap3A_1765 = vector.shape_cast %swap3A_1764 : vector<1x128x1x3xf32> to vector<128x3xf32>
    %swap3A_1766 = vector.shape_cast %select_n3A_1759 : vector<128x3xf32> to vector<1x128x1x3xf32>
    tpu.vector_store %arg12[%swap3A_1760, %swap3A_1761, %swap3A_1762, %swap3A_1763], %swap3A_1766 {strides = array<i32>} : memref<1x128x8x3xf32, #tpu.memory_space<vmem>>, vector<1x128x1x3xf32>,
    %slice3A_1767 = vector.extract_strided_slice %select_n3A_1627 {offsets = [0, 256], sizes = [128, 64], strides = [1, 1]} : vector<128x512xf32> to vector<128x64xf32>
    %get3A_1768 = arith.constant 0 : index
    %get3A_1769 = arith.constant 0 : index
    %get3A_1770 = vector.load %arg9[%get3A_1768, %get3A_1769] : memref<64x640xf32, #tpu.memory_space<vmem>>, vector<64x640xf32>
    %convert_element_type3A_1771 = arith.truncf %slice3A_1767 : vector<128x64xf32> to vector<128x64xbf16>
    %convert_element_type3A_1772 = arith.truncf %get3A_1770 : vector<64x640xf32> to vector<64x640xbf16>
    %dot_general3A_1773 = arith.constant dense<0.000000e+00> : vector<128x640xf32>
    %dot_general3A_1774 = tpu.matmul %convert_element_type3A_1771, %convert_element_type3A_1772, %dot_general3A_1773 {dimension_numbers = #tpu.dot_dimension_numbers<[1], [0], [0], [1], [0, 0, 1, 1], [], []>, transpose_lhs_hint = false} : vector<128x64xbf16>, vector<64x640xbf16>, vector<128x640xf32> -> vector<128x640xf32>
    %get3A_1775 = arith.constant 0 : index
    %get3A_1776 = arith.constant 0 : index
    %get3A_1777 = vector.load %arg10[%get3A_1775, %get3A_1776] : memref<640x3xf32, #tpu.memory_space<vmem>>, vector<640x3xf32>
    %convert_element_type3A_1778 = arith.truncf %dot_general3A_1774 : vector<128x640xf32> to vector<128x640xbf16>
    %convert_element_type3A_1779 = arith.truncf %get3A_1777 : vector<640x3xf32> to vector<640x3xbf16>
    %dot_general3A_1780 = arith.constant dense<0.000000e+00> : vector<128x3xf32>
    %dot_general3A_1781 = tpu.matmul %convert_element_type3A_1778, %convert_element_type3A_1779, %dot_general3A_1780 {dimension_numbers = #tpu.dot_dimension_numbers<[1], [0], [0], [1], [0, 0, 1, 1], [], []>, transpose_lhs_hint = false} : vector<128x640xbf16>, vector<640x3xbf16>, vector<128x3xf32> -> vector<128x3xf32>
    %add3A_1782 = arith.addf %dot_general3A_1781, %dot_general3A_916 : vector<128x3xf32>
    %get3A_1783 = arith.constant 4 : index
    %get3A_1784 = arith.constant 0 : index
    %get3A_1785 = vector.load %arg11[%get3A_1783, %get3A_1784] : memref<8x3xf32, #tpu.memory_space<vmem>>, vector<1x3xf32>
    %add3A_1786 = vector.broadcast %get3A_1785 : vector<1x3xf32> to vector<128x3xf32>
    %add3A_1787 = arith.addf %add3A_1782, %add3A_1786 : vector<128x3xf32>
    %ge3A_1788 = arith.constant 0.000000e+00 : f32
    %ge3A_1789 = vector.broadcast %ge3A_1788 : f32 to vector<128x3xf32>
    %ge3A_1790 = arith.cmpf oge, %add3A_1787, %ge3A_1789 : vector<128x3xf32>
    %mul3A_1791 = arith.constant 2.000000e-01 : f32
    %mul3A_1792 = vector.broadcast %mul3A_1791 : f32 to vector<128x3xf32>
    %mul3A_1793 = arith.mulf %mul3A_1792, %add3A_1787 : vector<128x3xf32>
    %select_n3A_1794 = arith.select %ge3A_1790, %add3A_1787, %mul3A_1793 : vector<128x3xi1>, vector<128x3xf32>
    %swap3A_1795 = arith.constant 0 : index
    %swap3A_1796 = arith.constant 0 : index
    %swap3A_1797 = arith.constant 4 : index
    %swap3A_1798 = arith.constant 0 : index
    %swap3A_1799 = vector.load %arg12[%swap3A_1795, %swap3A_1796, %swap3A_1797, %swap3A_1798] : memref<1x128x8x3xf32, #tpu.memory_space<vmem>>, vector<1x128x1x3xf32>
    %swap3A_1800 = vector.shape_cast %swap3A_1799 : vector<1x128x1x3xf32> to vector<128x3xf32>
    %swap3A_1801 = vector.shape_cast %select_n3A_1794 : vector<128x3xf32> to vector<1x128x1x3xf32>
    tpu.vector_store %arg12[%swap3A_1795, %swap3A_1796, %swap3A_1797, %swap3A_1798], %swap3A_1801 {strides = array<i32>} : memref<1x128x8x3xf32, #tpu.memory_space<vmem>>, vector<1x128x1x3xf32>,
    %slice3A_1802 = vector.extract_strided_slice %select_n3A_1627 {offsets = [0, 320], sizes = [128, 64], strides = [1, 1]} : vector<128x512xf32> to vector<128x64xf32>
    %get3A_1803 = arith.constant 0 : index
    %get3A_1804 = arith.constant 0 : index
    %get3A_1805 = vector.load %arg9[%get3A_1803, %get3A_1804] : memref<64x640xf32, #tpu.memory_space<vmem>>, vector<64x640xf32>
    %convert_element_type3A_1806 = arith.truncf %slice3A_1802 : vector<128x64xf32> to vector<128x64xbf16>
    %convert_element_type3A_1807 = arith.truncf %get3A_1805 : vector<64x640xf32> to vector<64x640xbf16>
    %dot_general3A_1808 = arith.constant dense<0.000000e+00> : vector<128x640xf32>
    %dot_general3A_1809 = tpu.matmul %convert_element_type3A_1806, %convert_element_type3A_1807, %dot_general3A_1808 {dimension_numbers = #tpu.dot_dimension_numbers<[1], [0], [0], [1], [0, 0, 1, 1], [], []>, transpose_lhs_hint = false} : vector<128x64xbf16>, vector<64x640xbf16>, vector<128x640xf32> -> vector<128x640xf32>
    %get3A_1810 = arith.constant 0 : index
    %get3A_1811 = arith.constant 0 : index
    %get3A_1812 = vector.load %arg10[%get3A_1810, %get3A_1811] : memref<640x3xf32, #tpu.memory_space<vmem>>, vector<640x3xf32>
    %convert_element_type3A_1813 = arith.truncf %dot_general3A_1809 : vector<128x640xf32> to vector<128x640xbf16>
    %convert_element_type3A_1814 = arith.truncf %get3A_1812 : vector<640x3xf32> to vector<640x3xbf16>
    %dot_general3A_1815 = arith.constant dense<0.000000e+00> : vector<128x3xf32>
    %dot_general3A_1816 = tpu.matmul %convert_element_type3A_1813, %convert_element_type3A_1814, %dot_general3A_1815 {dimension_numbers = #tpu.dot_dimension_numbers<[1], [0], [0], [1], [0, 0, 1, 1], [], []>, transpose_lhs_hint = false} : vector<128x640xbf16>, vector<640x3xbf16>, vector<128x3xf32> -> vector<128x3xf32>
    %add3A_1817 = arith.addf %dot_general3A_1816, %dot_general3A_916 : vector<128x3xf32>
    %get3A_1818 = arith.constant 5 : index
    %get3A_1819 = arith.constant 0 : index
    %get3A_1820 = vector.load %arg11[%get3A_1818, %get3A_1819] : memref<8x3xf32, #tpu.memory_space<vmem>>, vector<1x3xf32>
    %add3A_1821 = vector.broadcast %get3A_1820 : vector<1x3xf32> to vector<128x3xf32>
    %add3A_1822 = arith.addf %add3A_1817, %add3A_1821 : vector<128x3xf32>
    %ge3A_1823 = arith.constant 0.000000e+00 : f32
    %ge3A_1824 = vector.broadcast %ge3A_1823 : f32 to vector<128x3xf32>
    %ge3A_1825 = arith.cmpf oge, %add3A_1822, %ge3A_1824 : vector<128x3xf32>
    %mul3A_1826 = arith.constant 2.000000e-01 : f32
    %mul3A_1827 = vector.broadcast %mul3A_1826 : f32 to vector<128x3xf32>
    %mul3A_1828 = arith.mulf %mul3A_1827, %add3A_1822 : vector<128x3xf32>
    %select_n3A_1829 = arith.select %ge3A_1825, %add3A_1822, %mul3A_1828 : vector<128x3xi1>, vector<128x3xf32>
    %swap3A_1830 = arith.constant 0 : index
    %swap3A_1831 = arith.constant 0 : index
    %swap3A_1832 = arith.constant 5 : index
    %swap3A_1833 = arith.constant 0 : index
    %swap3A_1834 = vector.load %arg12[%swap3A_1830, %swap3A_1831, %swap3A_1832, %swap3A_1833] : memref<1x128x8x3xf32, #tpu.memory_space<vmem>>, vector<1x128x1x3xf32>
    %swap3A_1835 = vector.shape_cast %swap3A_1834 : vector<1x128x1x3xf32> to vector<128x3xf32>
    %swap3A_1836 = vector.shape_cast %select_n3A_1829 : vector<128x3xf32> to vector<1x128x1x3xf32>
    tpu.vector_store %arg12[%swap3A_1830, %swap3A_1831, %swap3A_1832, %swap3A_1833], %swap3A_1836 {strides = array<i32>} : memref<1x128x8x3xf32, #tpu.memory_space<vmem>>, vector<1x128x1x3xf32>,
    %slice3A_1837 = vector.extract_strided_slice %select_n3A_1627 {offsets = [0, 384], sizes = [128, 64], strides = [1, 1]} : vector<128x512xf32> to vector<128x64xf32>
    %get3A_1838 = arith.constant 0 : index
    %get3A_1839 = arith.constant 0 : index
    %get3A_1840 = vector.load %arg9[%get3A_1838, %get3A_1839] : memref<64x640xf32, #tpu.memory_space<vmem>>, vector<64x640xf32>
    %convert_element_type3A_1841 = arith.truncf %slice3A_1837 : vector<128x64xf32> to vector<128x64xbf16>
    %convert_element_type3A_1842 = arith.truncf %get3A_1840 : vector<64x640xf32> to vector<64x640xbf16>
    %dot_general3A_1843 = arith.constant dense<0.000000e+00> : vector<128x640xf32>
    %dot_general3A_1844 = tpu.matmul %convert_element_type3A_1841, %convert_element_type3A_1842, %dot_general3A_1843 {dimension_numbers = #tpu.dot_dimension_numbers<[1], [0], [0], [1], [0, 0, 1, 1], [], []>, transpose_lhs_hint = false} : vector<128x64xbf16>, vector<64x640xbf16>, vector<128x640xf32> -> vector<128x640xf32>
    %get3A_1845 = arith.constant 0 : index
    %get3A_1846 = arith.constant 0 : index
    %get3A_1847 = vector.load %arg10[%get3A_1845, %get3A_1846] : memref<640x3xf32, #tpu.memory_space<vmem>>, vector<640x3xf32>
    %convert_element_type3A_1848 = arith.truncf %dot_general3A_1844 : vector<128x640xf32> to vector<128x640xbf16>
    %convert_element_type3A_1849 = arith.truncf %get3A_1847 : vector<640x3xf32> to vector<640x3xbf16>
    %dot_general3A_1850 = arith.constant dense<0.000000e+00> : vector<128x3xf32>
    %dot_general3A_1851 = tpu.matmul %convert_element_type3A_1848, %convert_element_type3A_1849, %dot_general3A_1850 {dimension_numbers = #tpu.dot_dimension_numbers<[1], [0], [0], [1], [0, 0, 1, 1], [], []>, transpose_lhs_hint = false} : vector<128x640xbf16>, vector<640x3xbf16>, vector<128x3xf32> -> vector<128x3xf32>
    %add3A_1852 = arith.addf %dot_general3A_1851, %dot_general3A_916 : vector<128x3xf32>
    %get3A_1853 = arith.constant 6 : index
    %get3A_1854 = arith.constant 0 : index
    %get3A_1855 = vector.load %arg11[%get3A_1853, %get3A_1854] : memref<8x3xf32, #tpu.memory_space<vmem>>, vector<1x3xf32>
    %add3A_1856 = vector.broadcast %get3A_1855 : vector<1x3xf32> to vector<128x3xf32>
    %add3A_1857 = arith.addf %add3A_1852, %add3A_1856 : vector<128x3xf32>
    %ge3A_1858 = arith.constant 0.000000e+00 : f32
    %ge3A_1859 = vector.broadcast %ge3A_1858 : f32 to vector<128x3xf32>
    %ge3A_1860 = arith.cmpf oge, %add3A_1857, %ge3A_1859 : vector<128x3xf32>
    %mul3A_1861 = arith.constant 2.000000e-01 : f32
    %mul3A_1862 = vector.broadcast %mul3A_1861 : f32 to vector<128x3xf32>
    %mul3A_1863 = arith.mulf %mul3A_1862, %add3A_1857 : vector<128x3xf32>
    %select_n3A_1864 = arith.select %ge3A_1860, %add3A_1857, %mul3A_1863 : vector<128x3xi1>, vector<128x3xf32>
    %swap3A_1865 = arith.constant 0 : index
    %swap3A_1866 = arith.constant 0 : index
    %swap3A_1867 = arith.constant 6 : index
    %swap3A_1868 = arith.constant 0 : index
    %swap3A_1869 = vector.load %arg12[%swap3A_1865, %swap3A_1866, %swap3A_1867, %swap3A_1868] : memref<1x128x8x3xf32, #tpu.memory_space<vmem>>, vector<1x128x1x3xf32>
    %swap3A_1870 = vector.shape_cast %swap3A_1869 : vector<1x128x1x3xf32> to vector<128x3xf32>
    %swap3A_1871 = vector.shape_cast %select_n3A_1864 : vector<128x3xf32> to vector<1x128x1x3xf32>
    tpu.vector_store %arg12[%swap3A_1865, %swap3A_1866, %swap3A_1867, %swap3A_1868], %swap3A_1871 {strides = array<i32>} : memref<1x128x8x3xf32, #tpu.memory_space<vmem>>, vector<1x128x1x3xf32>,
    %slice3A_1872 = vector.extract_strided_slice %select_n3A_1627 {offsets = [0, 448], sizes = [128, 64], strides = [1, 1]} : vector<128x512xf32> to vector<128x64xf32>
    %get3A_1873 = arith.constant 0 : index
    %get3A_1874 = arith.constant 0 : index
    %get3A_1875 = vector.load %arg9[%get3A_1873, %get3A_1874] : memref<64x640xf32, #tpu.memory_space<vmem>>, vector<64x640xf32>
    %convert_element_type3A_1876 = arith.truncf %slice3A_1872 : vector<128x64xf32> to vector<128x64xbf16>
    %convert_element_type3A_1877 = arith.truncf %get3A_1875 : vector<64x640xf32> to vector<64x640xbf16>
    %dot_general3A_1878 = arith.constant dense<0.000000e+00> : vector<128x640xf32>
    %dot_general3A_1879 = tpu.matmul %convert_element_type3A_1876, %convert_element_type3A_1877, %dot_general3A_1878 {dimension_numbers = #tpu.dot_dimension_numbers<[1], [0], [0], [1], [0, 0, 1, 1], [], []>, transpose_lhs_hint = false} : vector<128x64xbf16>, vector<64x640xbf16>, vector<128x640xf32> -> vector<128x640xf32>
    %get3A_1880 = arith.constant 0 : index
    %get3A_1881 = arith.constant 0 : index
    %get3A_1882 = vector.load %arg10[%get3A_1880, %get3A_1881] : memref<640x3xf32, #tpu.memory_space<vmem>>, vector<640x3xf32>
    %convert_element_type3A_1883 = arith.truncf %dot_general3A_1879 : vector<128x640xf32> to vector<128x640xbf16>
    %convert_element_type3A_1884 = arith.truncf %get3A_1882 : vector<640x3xf32> to vector<640x3xbf16>
    %dot_general3A_1885 = arith.constant dense<0.000000e+00> : vector<128x3xf32>
    %dot_general3A_1886 = tpu.matmul %convert_element_type3A_1883, %convert_element_type3A_1884, %dot_general3A_1885 {dimension_numbers = #tpu.dot_dimension_numbers<[1], [0], [0], [1], [0, 0, 1, 1], [], []>, transpose_lhs_hint = false} : vector<128x640xbf16>, vector<640x3xbf16>, vector<128x3xf32> -> vector<128x3xf32>
    %add3A_1887 = arith.addf %dot_general3A_1886, %dot_general3A_916 : vector<128x3xf32>
    %get3A_1888 = arith.constant 7 : index
    %get3A_1889 = arith.constant 0 : index
    %get3A_1890 = vector.load %arg11[%get3A_1888, %get3A_1889] : memref<8x3xf32, #tpu.memory_space<vmem>>, vector<1x3xf32>
    %add3A_1891 = vector.broadcast %get3A_1890 : vector<1x3xf32> to vector<128x3xf32>
    %add3A_1892 = arith.addf %add3A_1887, %add3A_1891 : vector<128x3xf32>
    %ge3A_1893 = arith.constant 0.000000e+00 : f32
    %ge3A_1894 = vector.broadcast %ge3A_1893 : f32 to vector<128x3xf32>
    %ge3A_1895 = arith.cmpf oge, %add3A_1892, %ge3A_1894 : vector<128x3xf32>
    %mul3A_1896 = arith.constant 2.000000e-01 : f32
    %mul3A_1897 = vector.broadcast %mul3A_1896 : f32 to vector<128x3xf32>
    %mul3A_1898 = arith.mulf %mul3A_1897, %add3A_1892 : vector<128x3xf32>
    %select_n3A_1899 = arith.select %ge3A_1895, %add3A_1892, %mul3A_1898 : vector<128x3xi1>, vector<128x3xf32>
    %swap3A_1900 = arith.constant 0 : index
    %swap3A_1901 = arith.constant 0 : index
    %swap3A_1902 = arith.constant 7 : index
    %swap3A_1903 = arith.constant 0 : index
    %swap3A_1904 = vector.load %arg12[%swap3A_1900, %swap3A_1901, %swap3A_1902, %swap3A_1903] : memref<1x128x8x3xf32, #tpu.memory_space<vmem>>, vector<1x128x1x3xf32>
    %swap3A_1905 = vector.shape_cast %swap3A_1904 : vector<1x128x1x3xf32> to vector<128x3xf32>
    %swap3A_1906 = vector.shape_cast %select_n3A_1899 : vector<128x3xf32> to vector<1x128x1x3xf32>
    tpu.vector_store %arg12[%swap3A_1900, %swap3A_1901, %swap3A_1902, %swap3A_1903], %swap3A_1906 {strides = array<i32>} : memref<1x128x8x3xf32, #tpu.memory_space<vmem>>, vector<1x128x1x3xf32>,
    return
  }
  func.func @transform_0(%arg0: i32) -> (i32, i32, i32) {
    %c0_i32 = arith.constant 0 : i32
    %c0_i32_0 = arith.constant 0 : i32
    %c0_i32_1 = arith.constant 0 : i32
    return %arg0, %c0_i32, %c0_i32_0 : i32, i32, i32
  }
  func.func @transform_1(%arg0: i32) -> (i32, i32, i32) {
    %c0_i32 = arith.constant 0 : i32
    %c0_i32_0 = arith.constant 0 : i32
    %c0_i32_1 = arith.constant 0 : i32
    return %arg0, %c0_i32, %c0_i32_0 : i32, i32, i32
  }
  func.func @transform_2(%arg0: i32) -> (i32, i32) {
    %c0_i32 = arith.constant 0 : i32
    %c0_i32_0 = arith.constant 0 : i32
    %c0_i32_1 = arith.constant 0 : i32
    return %c0_i32, %c0_i32_0 : i32, i32
  }
  func.func @transform_3(%arg0: i32) -> (i32, i32) {
    %c0_i32 = arith.constant 0 : i32
    %c0_i32_0 = arith.constant 0 : i32
    %c0_i32_1 = arith.constant 0 : i32
    return %c0_i32, %c0_i32_0 : i32, i32
  }
  func.func @transform_4(%arg0: i32) -> (i32, i32) {
    %c0_i32 = arith.constant 0 : i32
    %c0_i32_0 = arith.constant 0 : i32
    %c0_i32_1 = arith.constant 0 : i32
    return %c0_i32, %c0_i32_0 : i32, i32
  }
  func.func @transform_5(%arg0: i32) -> (i32, i32) {
    %c0_i32 = arith.constant 0 : i32
    %c0_i32_0 = arith.constant 0 : i32
    %c0_i32_1 = arith.constant 0 : i32
    return %c0_i32, %c0_i32_0 : i32, i32
  }
  func.func @transform_6(%arg0: i32) -> (i32, i32) {
    %c0_i32 = arith.constant 0 : i32
    %c0_i32_0 = arith.constant 0 : i32
    %c0_i32_1 = arith.constant 0 : i32
    return %c0_i32, %c0_i32_0 : i32, i32
  }
  func.func @transform_7(%arg0: i32) -> (i32, i32, i32) {
    %c0_i32 = arith.constant 0 : i32
    %c0_i32_0 = arith.constant 0 : i32
    %c0_i32_1 = arith.constant 0 : i32
    %c0_i32_2 = arith.constant 0 : i32
    return %c0_i32, %c0_i32_0, %c0_i32_1 : i32, i32, i32
  }
  func.func @transform_8(%arg0: i32) -> (i32, i32) {
    %c0_i32 = arith.constant 0 : i32
    %c0_i32_0 = arith.constant 0 : i32
    %c0_i32_1 = arith.constant 0 : i32
    return %c0_i32, %c0_i32_0 : i32, i32
  }
  func.func @transform_9(%arg0: i32) -> (i32, i32) {
    %c0_i32 = arith.constant 0 : i32
    %c0_i32_0 = arith.constant 0 : i32
    %c0_i32_1 = arith.constant 0 : i32
    return %c0_i32, %c0_i32_0 : i32, i32
  }
  func.func @transform_10(%arg0: i32) -> (i32, i32) {
    %c0_i32 = arith.constant 0 : i32
    %c0_i32_0 = arith.constant 0 : i32
    %c0_i32_1 = arith.constant 0 : i32
    return %c0_i32, %c0_i32_0 : i32, i32
  }
  func.func @transform_11(%arg0: i32) -> (i32, i32, i32, i32) {
    %c0_i32 = arith.constant 0 : i32
    %c0_i32_0 = arith.constant 0 : i32
    %c0_i32_1 = arith.constant 0 : i32
    %c0_i32_2 = arith.constant 0 : i32
    return %arg0, %c0_i32, %c0_i32_0, %c0_i32_1 : i32, i32, i32, i32
  }
}

module attributes {stable_mosaic.version = 14 : i64} {
  func.func @_conv2_body(%arg0: i32, %arg1: memref<1x1024x128xf32, #tpu.memory_space<vmem>>, %arg2: memref<1x16x1024x128xf32, #tpu.memory_space<vmem>>, %arg3: memref<1x16x1024x3xf32, #tpu.memory_space<vmem>>, %arg4: memref<32x704xf32, #tpu.memory_space<vmem>>, %arg5: memref<1x704xf32, #tpu.memory_space<vmem>>, %arg6: memref<3x640xf32, #tpu.memory_space<vmem>>, %arg7: memref<1x1024x128xf32, #tpu.memory_space<vmem>>, %arg8: memref<1024x640xf32, #tpu.memory_space<vmem>>) attributes {dimension_semantics = [#tpu.dimension_semantics<arbitrary>], iteration_bounds = array<i64: 2>, scalar_prefetch = 0 : i64, scratch_operands = 1 : i64, tpu.core_type = #tpu.core_type<tc>, window_params = [{transform_indices = @transform_0, window_bounds = array<i64: 1, 1024, 128>}, {transform_indices = @transform_1, window_bounds = array<i64: 1, 16, 1024, 128>}, {transform_indices = @transform_2, window_bounds = array<i64: 1, 16, 1024, 3>}, {pipeline_mode = #tpu.pipeline_mode<synchronous>, transform_indices = @transform_3, window_bounds = array<i64: 32, 704>}, {pipeline_mode = #tpu.pipeline_mode<synchronous>, transform_indices = @transform_4, window_bounds = array<i64: 1, 704>}, {pipeline_mode = #tpu.pipeline_mode<synchronous>, transform_indices = @transform_5, window_bounds = array<i64: 3, 640>}, {transform_indices = @transform_6, window_bounds = array<i64: 1, 1024, 128>}]} {
    %get3A = arith.constant 0 : index
    %get3A_0 = arith.constant 0 : index
    %get3A_1 = vector.load %arg4[%get3A, %get3A_0] : memref<32x704xf32, #tpu.memory_space<vmem>>, vector<32x704xf32>
    %get3A_2 = arith.constant 0 : index
    %get3A_3 = arith.constant 0 : index
    %get3A_4 = vector.load %arg5[%get3A_2, %get3A_3] : memref<1x704xf32, #tpu.memory_space<vmem>>, vector<1x704xf32>
    %get3A_5 = arith.constant 0 : index
    %get3A_6 = arith.constant 0 : index
    %get3A_7 = vector.load %arg6[%get3A_5, %get3A_6] : memref<3x640xf32, #tpu.memory_space<vmem>>, vector<3x640xf32>
    %mul3A = arith.mulf %get3A_7, %get3A_7 : vector<3x640xf32>
    %reduce_sum3A = arith.constant dense<0.000000e+00> : vector<640xf32>
    %reduce_sum3A_8 = vector.multi_reduction <add>, %mul3A, %reduce_sum3A [0] : vector<3x640xf32> to vector<640xf32>
    %broadcast_in_dim3A = vector.shape_cast %reduce_sum3A_8 : vector<640xf32> to vector<1x640xf32>
    %sqrt3A = math.sqrt %broadcast_in_dim3A : vector<1x640xf32>
    %max3A = arith.constant 9.99999996E-13 : f32
    %max3A_9 = vector.broadcast %max3A : f32 to vector<1x640xf32>
    %max3A_10 = arith.maximumf %sqrt3A, %max3A_9 : vector<1x640xf32>
    %div3A = vector.broadcast %max3A_10 : vector<1x640xf32> to vector<3x640xf32>
    %div3A_11 = arith.divf %get3A_7, %div3A : vector<3x640xf32>
    %get3A_12 = arith.constant 0 : index
    %get3A_13 = arith.constant 0 : index
    %get3A_14 = arith.constant 0 : index
    %get3A_15 = vector.load %arg1[%get3A_12, %get3A_13, %get3A_14] : memref<1x1024x128xf32, #tpu.memory_space<vmem>>, vector<1x1024x128xf32>
    %get3A_16 = vector.shape_cast %get3A_15 : vector<1x1024x128xf32> to vector<1024x128xf32>
    %slice3A = vector.extract_strided_slice %get3A_16 {offsets = [0, 0], sizes = [1024, 32], strides = [1, 1]} : vector<1024x128xf32> to vector<1024x32xf32>
    %slice3A_17 = vector.extract_strided_slice %get3A_1 {offsets = [0, 0], sizes = [32, 64], strides = [1, 1]} : vector<32x704xf32> to vector<32x64xf32>
    %dot_general3A = arith.constant dense<0.000000e+00> : vector<1024x64xf32>
    %dot_general3A_18 = tpu.matmul %slice3A, %slice3A_17, %dot_general3A {dimension_numbers = #tpu.dot_dimension_numbers<[1], [0], [0], [1], [0, 0, 1, 1], [], []>, transpose_lhs_hint = false} : vector<1024x32xf32>, vector<32x64xf32>, vector<1024x64xf32> -> vector<1024x64xf32>
    %slice3A_19 = vector.extract_strided_slice %get3A_4 {offsets = [0, 0], sizes = [1, 64], strides = [1, 1]} : vector<1x704xf32> to vector<1x64xf32>
    %add3A = vector.broadcast %slice3A_19 : vector<1x64xf32> to vector<1024x64xf32>
    %add3A_20 = arith.addf %dot_general3A_18, %add3A : vector<1024x64xf32>
    %slice3A_21 = vector.extract_strided_slice %get3A_1 {offsets = [0, 64], sizes = [32, 640], strides = [1, 1]} : vector<32x704xf32> to vector<32x640xf32>
    %slice3A_22 = vector.extract_strided_slice %get3A_4 {offsets = [0, 64], sizes = [1, 640], strides = [1, 1]} : vector<1x704xf32> to vector<1x640xf32>
    %broadcast_in_dim3A_23 = arith.constant 0xFF800000 : f32
    %broadcast_in_dim3A_24 = vector.broadcast %broadcast_in_dim3A_23 : f32 to vector<1024x640xf32>
    %swap3A = arith.constant 0 : index
    %swap3A_25 = arith.constant 0 : index
    %swap3A_26 = vector.load %arg8[%swap3A, %swap3A_25] : memref<1024x640xf32, #tpu.memory_space<vmem>>, vector<1024x640xf32>
    tpu.vector_store %arg8[%swap3A, %swap3A_25], %broadcast_in_dim3A_24 {strides = array<i32>} : memref<1024x640xf32, #tpu.memory_space<vmem>>, vector<1024x640xf32>,
    %scan3A = arith.constant 0 : i32
    %scan3A_27 = arith.constant 16 : i32
    %scan3A_28 = arith.addi %scan3A, %scan3A_27 : i32
    %scan3A_29 = arith.constant 1 : i32
    scf.for %scan3A_65 = %scan3A to %scan3A_28 step %scan3A_29  : i32 {
      %get3A_66 = arith.constant 0 : index
      %get3A_67 = arith.index_cast %scan3A_65 : i32 to index
      %get3A_68 = arith.constant 0 : index
      %get3A_69 = arith.constant 0 : index
      %get3A_70 = vector.load %arg3[%get3A_66, %get3A_67, %get3A_68, %get3A_69] : memref<1x16x1024x3xf32, #tpu.memory_space<vmem>>, vector<1x1x1024x3xf32>
      %get3A_71 = vector.shape_cast %get3A_70 : vector<1x1x1024x3xf32> to vector<1024x3xf32>
      %dot_general3A_72 = arith.constant dense<0.000000e+00> : vector<1024x640xf32>
      %dot_general3A_73 = tpu.matmul %get3A_71, %div3A_11, %dot_general3A_72 {dimension_numbers = #tpu.dot_dimension_numbers<[1], [0], [0], [1], [0, 0, 1, 1], [], []>, transpose_lhs_hint = false} : vector<1024x3xf32>, vector<3x640xf32>, vector<1024x640xf32> -> vector<1024x640xf32>
      %max3A_74 = arith.constant 0.000000e+00 : f32
      %max3A_75 = vector.broadcast %max3A_74 : f32 to vector<1024x640xf32>
      %max3A_76 = arith.maximumf %dot_general3A_73, %max3A_75 : vector<1024x640xf32>
      %get3A_77 = arith.constant 0 : index
      %get3A_78 = arith.index_cast %scan3A_65 : i32 to index
      %get3A_79 = arith.constant 0 : index
      %get3A_80 = arith.constant 0 : index
      %get3A_81 = vector.load %arg2[%get3A_77, %get3A_78, %get3A_79, %get3A_80] : memref<1x16x1024x128xf32, #tpu.memory_space<vmem>>, vector<1x1x1024x128xf32>
      %get3A_82 = vector.shape_cast %get3A_81 : vector<1x1x1024x128xf32> to vector<1024x128xf32>
      %slice3A_83 = vector.extract_strided_slice %get3A_82 {offsets = [0, 0], sizes = [1024, 32], strides = [1, 1]} : vector<1024x128xf32> to vector<1024x32xf32>
      %dot_general3A_84 = arith.constant dense<0.000000e+00> : vector<1024x640xf32>
      %dot_general3A_85 = tpu.matmul %slice3A_83, %slice3A_21, %dot_general3A_84 {dimension_numbers = #tpu.dot_dimension_numbers<[1], [0], [0], [1], [0, 0, 1, 1], [], []>, transpose_lhs_hint = false} : vector<1024x32xf32>, vector<32x640xf32>, vector<1024x640xf32> -> vector<1024x640xf32>
      %add3A_86 = vector.broadcast %slice3A_22 : vector<1x640xf32> to vector<1024x640xf32>
      %add3A_87 = arith.addf %dot_general3A_85, %add3A_86 : vector<1024x640xf32>
      %get3A_88 = arith.constant 0 : index
      %get3A_89 = arith.constant 0 : index
      %get3A_90 = vector.load %arg8[%get3A_88, %get3A_89] : memref<1024x640xf32, #tpu.memory_space<vmem>>, vector<1024x640xf32>
      %mul3A_91 = arith.mulf %max3A_76, %add3A_87 : vector<1024x640xf32>
      %max3A_92 = arith.maximumf %get3A_90, %mul3A_91 : vector<1024x640xf32>
      %swap3A_93 = arith.constant 0 : index
      %swap3A_94 = arith.constant 0 : index
      %swap3A_95 = vector.load %arg8[%swap3A_93, %swap3A_94] : memref<1024x640xf32, #tpu.memory_space<vmem>>, vector<1024x640xf32>
      tpu.vector_store %arg8[%swap3A_93, %swap3A_94], %max3A_92 {strides = array<i32>} : memref<1024x640xf32, #tpu.memory_space<vmem>>, vector<1024x640xf32>,
    }
    %scan3A_30 = arith.constant 16 : i32
    %get3A_31 = arith.constant 0 : index
    %get3A_32 = arith.constant 0 : index
    %get3A_33 = vector.load %arg8[%get3A_31, %get3A_32] : memref<1024x640xf32, #tpu.memory_space<vmem>>, vector<1024x640xf32>
    %slice3A_34 = vector.extract_strided_slice %get3A_33 {offsets = [0, 0], sizes = [1024, 64], strides = [1, 1]} : vector<1024x640xf32> to vector<1024x64xf32>
    %slice3A_35 = vector.extract_strided_slice %get3A_33 {offsets = [0, 64], sizes = [1024, 64], strides = [1, 1]} : vector<1024x640xf32> to vector<1024x64xf32>
    %add3A_36 = arith.addf %slice3A_34, %slice3A_35 : vector<1024x64xf32>
    %slice3A_37 = vector.extract_strided_slice %get3A_33 {offsets = [0, 128], sizes = [1024, 64], strides = [1, 1]} : vector<1024x640xf32> to vector<1024x64xf32>
    %add3A_38 = arith.addf %add3A_36, %slice3A_37 : vector<1024x64xf32>
    %slice3A_39 = vector.extract_strided_slice %get3A_33 {offsets = [0, 192], sizes = [1024, 64], strides = [1, 1]} : vector<1024x640xf32> to vector<1024x64xf32>
    %add3A_40 = arith.addf %add3A_38, %slice3A_39 : vector<1024x64xf32>
    %slice3A_41 = vector.extract_strided_slice %get3A_33 {offsets = [0, 256], sizes = [1024, 64], strides = [1, 1]} : vector<1024x640xf32> to vector<1024x64xf32>
    %add3A_42 = arith.addf %add3A_40, %slice3A_41 : vector<1024x64xf32>
    %slice3A_43 = vector.extract_strided_slice %get3A_33 {offsets = [0, 320], sizes = [1024, 64], strides = [1, 1]} : vector<1024x640xf32> to vector<1024x64xf32>
    %add3A_44 = arith.addf %add3A_42, %slice3A_43 : vector<1024x64xf32>
    %slice3A_45 = vector.extract_strided_slice %get3A_33 {offsets = [0, 384], sizes = [1024, 64], strides = [1, 1]} : vector<1024x640xf32> to vector<1024x64xf32>
    %add3A_46 = arith.addf %add3A_44, %slice3A_45 : vector<1024x64xf32>
    %slice3A_47 = vector.extract_strided_slice %get3A_33 {offsets = [0, 448], sizes = [1024, 64], strides = [1, 1]} : vector<1024x640xf32> to vector<1024x64xf32>
    %add3A_48 = arith.addf %add3A_46, %slice3A_47 : vector<1024x64xf32>
    %slice3A_49 = vector.extract_strided_slice %get3A_33 {offsets = [0, 512], sizes = [1024, 64], strides = [1, 1]} : vector<1024x640xf32> to vector<1024x64xf32>
    %add3A_50 = arith.addf %add3A_48, %slice3A_49 : vector<1024x64xf32>
    %slice3A_51 = vector.extract_strided_slice %get3A_33 {offsets = [0, 576], sizes = [1024, 64], strides = [1, 1]} : vector<1024x640xf32> to vector<1024x64xf32>
    %add3A_52 = arith.addf %add3A_50, %slice3A_51 : vector<1024x64xf32>
    %add3A_53 = arith.addf %add3A_20, %add3A_52 : vector<1024x64xf32>
    %max3A_54 = arith.constant 0.000000e+00 : f32
    %max3A_55 = vector.broadcast %max3A_54 : f32 to vector<1024x64xf32>
    %max3A_56 = arith.maximumf %add3A_53, %max3A_55 : vector<1024x64xf32>
    %broadcast_in_dim3A_57 = arith.constant 0.000000e+00 : f32
    %broadcast_in_dim3A_58 = vector.broadcast %broadcast_in_dim3A_57 : f32 to vector<1024x64xf32>
    %concatenate3A = tpu.concatenate %max3A_56, %broadcast_in_dim3A_58 in 1 : vector<1024x64xf32>, vector<1024x64xf32> -> vector<1024x128xf32>
    %swap3A_59 = arith.constant 0 : index
    %swap3A_60 = arith.constant 0 : index
    %swap3A_61 = arith.constant 0 : index
    %swap3A_62 = vector.load %arg7[%swap3A_59, %swap3A_60, %swap3A_61] : memref<1x1024x128xf32, #tpu.memory_space<vmem>>, vector<1x1024x128xf32>
    %swap3A_63 = vector.shape_cast %swap3A_62 : vector<1x1024x128xf32> to vector<1024x128xf32>
    %swap3A_64 = vector.shape_cast %concatenate3A : vector<1024x128xf32> to vector<1x1024x128xf32>
    tpu.vector_store %arg7[%swap3A_59, %swap3A_60, %swap3A_61], %swap3A_64 {strides = array<i32>} : memref<1x1024x128xf32, #tpu.memory_space<vmem>>, vector<1x1024x128xf32>,
    return
  }
  func.func @transform_0(%arg0: i32) -> (i32, i32, i32) {
    %c0_i32 = arith.constant 0 : i32
    %c0_i32_0 = arith.constant 0 : i32
    %c0_i32_1 = arith.constant 0 : i32
    return %arg0, %c0_i32, %c0_i32_0 : i32, i32, i32
  }
  func.func @transform_1(%arg0: i32) -> (i32, i32, i32, i32) {
    %c0_i32 = arith.constant 0 : i32
    %c0_i32_0 = arith.constant 0 : i32
    %c0_i32_1 = arith.constant 0 : i32
    %c0_i32_2 = arith.constant 0 : i32
    return %arg0, %c0_i32, %c0_i32_0, %c0_i32_1 : i32, i32, i32, i32
  }
  func.func @transform_2(%arg0: i32) -> (i32, i32, i32, i32) {
    %c0_i32 = arith.constant 0 : i32
    %c0_i32_0 = arith.constant 0 : i32
    %c0_i32_1 = arith.constant 0 : i32
    %c0_i32_2 = arith.constant 0 : i32
    return %arg0, %c0_i32, %c0_i32_0, %c0_i32_1 : i32, i32, i32, i32
  }
  func.func @transform_3(%arg0: i32) -> (i32, i32) {
    %c0_i32 = arith.constant 0 : i32
    %c0_i32_0 = arith.constant 0 : i32
    %c0_i32_1 = arith.constant 0 : i32
    return %c0_i32, %c0_i32_0 : i32, i32
  }
  func.func @transform_4(%arg0: i32) -> (i32, i32) {
    %c0_i32 = arith.constant 0 : i32
    %c0_i32_0 = arith.constant 0 : i32
    %c0_i32_1 = arith.constant 0 : i32
    return %c0_i32, %c0_i32_0 : i32, i32
  }
  func.func @transform_5(%arg0: i32) -> (i32, i32) {
    %c0_i32 = arith.constant 0 : i32
    %c0_i32_0 = arith.constant 0 : i32
    %c0_i32_1 = arith.constant 0 : i32
    return %c0_i32, %c0_i32_0 : i32, i32
  }
  func.func @transform_6(%arg0: i32) -> (i32, i32, i32) {
    %c0_i32 = arith.constant 0 : i32
    %c0_i32_0 = arith.constant 0 : i32
    %c0_i32_1 = arith.constant 0 : i32
    return %arg0, %c0_i32, %c0_i32_0 : i32, i32, i32
  }
}

module attributes {stable_mosaic.version = 14 : i64} {
  func.func @_conv2_body(%arg0: i32, %arg1: memref<1x1024x128xf32, #tpu.memory_space<vmem>>, %arg2: memref<1x16x1024x128xf32, #tpu.memory_space<vmem>>, %arg3: memref<1x16x1024x3xf32, #tpu.memory_space<vmem>>, %arg4: memref<64x704xf32, #tpu.memory_space<vmem>>, %arg5: memref<1x704xf32, #tpu.memory_space<vmem>>, %arg6: memref<3x640xf32, #tpu.memory_space<vmem>>, %arg7: memref<1x1024x128xf32, #tpu.memory_space<vmem>>, %arg8: memref<1024x640xf32, #tpu.memory_space<vmem>>) attributes {dimension_semantics = [#tpu.dimension_semantics<arbitrary>], iteration_bounds = array<i64: 2>, scalar_prefetch = 0 : i64, scratch_operands = 1 : i64, tpu.core_type = #tpu.core_type<tc>, window_params = [{transform_indices = @transform_0, window_bounds = array<i64: 1, 1024, 128>}, {transform_indices = @transform_1, window_bounds = array<i64: 1, 16, 1024, 128>}, {transform_indices = @transform_2, window_bounds = array<i64: 1, 16, 1024, 3>}, {pipeline_mode = #tpu.pipeline_mode<synchronous>, transform_indices = @transform_3, window_bounds = array<i64: 64, 704>}, {pipeline_mode = #tpu.pipeline_mode<synchronous>, transform_indices = @transform_4, window_bounds = array<i64: 1, 704>}, {pipeline_mode = #tpu.pipeline_mode<synchronous>, transform_indices = @transform_5, window_bounds = array<i64: 3, 640>}, {transform_indices = @transform_6, window_bounds = array<i64: 1, 1024, 128>}]} {
    %get3A = arith.constant 0 : index
    %get3A_0 = arith.constant 0 : index
    %get3A_1 = vector.load %arg4[%get3A, %get3A_0] : memref<64x704xf32, #tpu.memory_space<vmem>>, vector<64x704xf32>
    %get3A_2 = arith.constant 0 : index
    %get3A_3 = arith.constant 0 : index
    %get3A_4 = vector.load %arg5[%get3A_2, %get3A_3] : memref<1x704xf32, #tpu.memory_space<vmem>>, vector<1x704xf32>
    %get3A_5 = arith.constant 0 : index
    %get3A_6 = arith.constant 0 : index
    %get3A_7 = vector.load %arg6[%get3A_5, %get3A_6] : memref<3x640xf32, #tpu.memory_space<vmem>>, vector<3x640xf32>
    %mul3A = arith.mulf %get3A_7, %get3A_7 : vector<3x640xf32>
    %reduce_sum3A = arith.constant dense<0.000000e+00> : vector<640xf32>
    %reduce_sum3A_8 = vector.multi_reduction <add>, %mul3A, %reduce_sum3A [0] : vector<3x640xf32> to vector<640xf32>
    %broadcast_in_dim3A = vector.shape_cast %reduce_sum3A_8 : vector<640xf32> to vector<1x640xf32>
    %sqrt3A = math.sqrt %broadcast_in_dim3A : vector<1x640xf32>
    %max3A = arith.constant 9.99999996E-13 : f32
    %max3A_9 = vector.broadcast %max3A : f32 to vector<1x640xf32>
    %max3A_10 = arith.maximumf %sqrt3A, %max3A_9 : vector<1x640xf32>
    %div3A = vector.broadcast %max3A_10 : vector<1x640xf32> to vector<3x640xf32>
    %div3A_11 = arith.divf %get3A_7, %div3A : vector<3x640xf32>
    %get3A_12 = arith.constant 0 : index
    %get3A_13 = arith.constant 0 : index
    %get3A_14 = arith.constant 0 : index
    %get3A_15 = vector.load %arg1[%get3A_12, %get3A_13, %get3A_14] : memref<1x1024x128xf32, #tpu.memory_space<vmem>>, vector<1x1024x128xf32>
    %get3A_16 = vector.shape_cast %get3A_15 : vector<1x1024x128xf32> to vector<1024x128xf32>
    %slice3A = vector.extract_strided_slice %get3A_16 {offsets = [0, 0], sizes = [1024, 64], strides = [1, 1]} : vector<1024x128xf32> to vector<1024x64xf32>
    %slice3A_17 = vector.extract_strided_slice %get3A_1 {offsets = [0, 0], sizes = [64, 64], strides = [1, 1]} : vector<64x704xf32> to vector<64x64xf32>
    %dot_general3A = arith.constant dense<0.000000e+00> : vector<1024x64xf32>
    %dot_general3A_18 = tpu.matmul %slice3A, %slice3A_17, %dot_general3A {dimension_numbers = #tpu.dot_dimension_numbers<[1], [0], [0], [1], [0, 0, 1, 1], [], []>, transpose_lhs_hint = false} : vector<1024x64xf32>, vector<64x64xf32>, vector<1024x64xf32> -> vector<1024x64xf32>
    %slice3A_19 = vector.extract_strided_slice %get3A_4 {offsets = [0, 0], sizes = [1, 64], strides = [1, 1]} : vector<1x704xf32> to vector<1x64xf32>
    %add3A = vector.broadcast %slice3A_19 : vector<1x64xf32> to vector<1024x64xf32>
    %add3A_20 = arith.addf %dot_general3A_18, %add3A : vector<1024x64xf32>
    %slice3A_21 = vector.extract_strided_slice %get3A_1 {offsets = [0, 64], sizes = [64, 640], strides = [1, 1]} : vector<64x704xf32> to vector<64x640xf32>
    %slice3A_22 = vector.extract_strided_slice %get3A_4 {offsets = [0, 64], sizes = [1, 640], strides = [1, 1]} : vector<1x704xf32> to vector<1x640xf32>
    %broadcast_in_dim3A_23 = arith.constant 0xFF800000 : f32
    %broadcast_in_dim3A_24 = vector.broadcast %broadcast_in_dim3A_23 : f32 to vector<1024x640xf32>
    %swap3A = arith.constant 0 : index
    %swap3A_25 = arith.constant 0 : index
    %swap3A_26 = vector.load %arg8[%swap3A, %swap3A_25] : memref<1024x640xf32, #tpu.memory_space<vmem>>, vector<1024x640xf32>
    tpu.vector_store %arg8[%swap3A, %swap3A_25], %broadcast_in_dim3A_24 {strides = array<i32>} : memref<1024x640xf32, #tpu.memory_space<vmem>>, vector<1024x640xf32>,
    %scan3A = arith.constant 0 : i32
    %scan3A_27 = arith.constant 16 : i32
    %scan3A_28 = arith.addi %scan3A, %scan3A_27 : i32
    %scan3A_29 = arith.constant 1 : i32
    scf.for %scan3A_65 = %scan3A to %scan3A_28 step %scan3A_29  : i32 {
      %get3A_66 = arith.constant 0 : index
      %get3A_67 = arith.index_cast %scan3A_65 : i32 to index
      %get3A_68 = arith.constant 0 : index
      %get3A_69 = arith.constant 0 : index
      %get3A_70 = vector.load %arg3[%get3A_66, %get3A_67, %get3A_68, %get3A_69] : memref<1x16x1024x3xf32, #tpu.memory_space<vmem>>, vector<1x1x1024x3xf32>
      %get3A_71 = vector.shape_cast %get3A_70 : vector<1x1x1024x3xf32> to vector<1024x3xf32>
      %dot_general3A_72 = arith.constant dense<0.000000e+00> : vector<1024x640xf32>
      %dot_general3A_73 = tpu.matmul %get3A_71, %div3A_11, %dot_general3A_72 {dimension_numbers = #tpu.dot_dimension_numbers<[1], [0], [0], [1], [0, 0, 1, 1], [], []>, transpose_lhs_hint = false} : vector<1024x3xf32>, vector<3x640xf32>, vector<1024x640xf32> -> vector<1024x640xf32>
      %max3A_74 = arith.constant 0.000000e+00 : f32
      %max3A_75 = vector.broadcast %max3A_74 : f32 to vector<1024x640xf32>
      %max3A_76 = arith.maximumf %dot_general3A_73, %max3A_75 : vector<1024x640xf32>
      %get3A_77 = arith.constant 0 : index
      %get3A_78 = arith.index_cast %scan3A_65 : i32 to index
      %get3A_79 = arith.constant 0 : index
      %get3A_80 = arith.constant 0 : index
      %get3A_81 = vector.load %arg2[%get3A_77, %get3A_78, %get3A_79, %get3A_80] : memref<1x16x1024x128xf32, #tpu.memory_space<vmem>>, vector<1x1x1024x128xf32>
      %get3A_82 = vector.shape_cast %get3A_81 : vector<1x1x1024x128xf32> to vector<1024x128xf32>
      %slice3A_83 = vector.extract_strided_slice %get3A_82 {offsets = [0, 0], sizes = [1024, 64], strides = [1, 1]} : vector<1024x128xf32> to vector<1024x64xf32>
      %dot_general3A_84 = arith.constant dense<0.000000e+00> : vector<1024x640xf32>
      %dot_general3A_85 = tpu.matmul %slice3A_83, %slice3A_21, %dot_general3A_84 {dimension_numbers = #tpu.dot_dimension_numbers<[1], [0], [0], [1], [0, 0, 1, 1], [], []>, transpose_lhs_hint = false} : vector<1024x64xf32>, vector<64x640xf32>, vector<1024x640xf32> -> vector<1024x640xf32>
      %add3A_86 = vector.broadcast %slice3A_22 : vector<1x640xf32> to vector<1024x640xf32>
      %add3A_87 = arith.addf %dot_general3A_85, %add3A_86 : vector<1024x640xf32>
      %get3A_88 = arith.constant 0 : index
      %get3A_89 = arith.constant 0 : index
      %get3A_90 = vector.load %arg8[%get3A_88, %get3A_89] : memref<1024x640xf32, #tpu.memory_space<vmem>>, vector<1024x640xf32>
      %mul3A_91 = arith.mulf %max3A_76, %add3A_87 : vector<1024x640xf32>
      %max3A_92 = arith.maximumf %get3A_90, %mul3A_91 : vector<1024x640xf32>
      %swap3A_93 = arith.constant 0 : index
      %swap3A_94 = arith.constant 0 : index
      %swap3A_95 = vector.load %arg8[%swap3A_93, %swap3A_94] : memref<1024x640xf32, #tpu.memory_space<vmem>>, vector<1024x640xf32>
      tpu.vector_store %arg8[%swap3A_93, %swap3A_94], %max3A_92 {strides = array<i32>} : memref<1024x640xf32, #tpu.memory_space<vmem>>, vector<1024x640xf32>,
    }
    %scan3A_30 = arith.constant 16 : i32
    %get3A_31 = arith.constant 0 : index
    %get3A_32 = arith.constant 0 : index
    %get3A_33 = vector.load %arg8[%get3A_31, %get3A_32] : memref<1024x640xf32, #tpu.memory_space<vmem>>, vector<1024x640xf32>
    %slice3A_34 = vector.extract_strided_slice %get3A_33 {offsets = [0, 0], sizes = [1024, 64], strides = [1, 1]} : vector<1024x640xf32> to vector<1024x64xf32>
    %slice3A_35 = vector.extract_strided_slice %get3A_33 {offsets = [0, 64], sizes = [1024, 64], strides = [1, 1]} : vector<1024x640xf32> to vector<1024x64xf32>
    %add3A_36 = arith.addf %slice3A_34, %slice3A_35 : vector<1024x64xf32>
    %slice3A_37 = vector.extract_strided_slice %get3A_33 {offsets = [0, 128], sizes = [1024, 64], strides = [1, 1]} : vector<1024x640xf32> to vector<1024x64xf32>
    %add3A_38 = arith.addf %add3A_36, %slice3A_37 : vector<1024x64xf32>
    %slice3A_39 = vector.extract_strided_slice %get3A_33 {offsets = [0, 192], sizes = [1024, 64], strides = [1, 1]} : vector<1024x640xf32> to vector<1024x64xf32>
    %add3A_40 = arith.addf %add3A_38, %slice3A_39 : vector<1024x64xf32>
    %slice3A_41 = vector.extract_strided_slice %get3A_33 {offsets = [0, 256], sizes = [1024, 64], strides = [1, 1]} : vector<1024x640xf32> to vector<1024x64xf32>
    %add3A_42 = arith.addf %add3A_40, %slice3A_41 : vector<1024x64xf32>
    %slice3A_43 = vector.extract_strided_slice %get3A_33 {offsets = [0, 320], sizes = [1024, 64], strides = [1, 1]} : vector<1024x640xf32> to vector<1024x64xf32>
    %add3A_44 = arith.addf %add3A_42, %slice3A_43 : vector<1024x64xf32>
    %slice3A_45 = vector.extract_strided_slice %get3A_33 {offsets = [0, 384], sizes = [1024, 64], strides = [1, 1]} : vector<1024x640xf32> to vector<1024x64xf32>
    %add3A_46 = arith.addf %add3A_44, %slice3A_45 : vector<1024x64xf32>
    %slice3A_47 = vector.extract_strided_slice %get3A_33 {offsets = [0, 448], sizes = [1024, 64], strides = [1, 1]} : vector<1024x640xf32> to vector<1024x64xf32>
    %add3A_48 = arith.addf %add3A_46, %slice3A_47 : vector<1024x64xf32>
    %slice3A_49 = vector.extract_strided_slice %get3A_33 {offsets = [0, 512], sizes = [1024, 64], strides = [1, 1]} : vector<1024x640xf32> to vector<1024x64xf32>
    %add3A_50 = arith.addf %add3A_48, %slice3A_49 : vector<1024x64xf32>
    %slice3A_51 = vector.extract_strided_slice %get3A_33 {offsets = [0, 576], sizes = [1024, 64], strides = [1, 1]} : vector<1024x640xf32> to vector<1024x64xf32>
    %add3A_52 = arith.addf %add3A_50, %slice3A_51 : vector<1024x64xf32>
    %add3A_53 = arith.addf %add3A_20, %add3A_52 : vector<1024x64xf32>
    %max3A_54 = arith.constant 0.000000e+00 : f32
    %max3A_55 = vector.broadcast %max3A_54 : f32 to vector<1024x64xf32>
    %max3A_56 = arith.maximumf %add3A_53, %max3A_55 : vector<1024x64xf32>
    %broadcast_in_dim3A_57 = arith.constant 0.000000e+00 : f32
    %broadcast_in_dim3A_58 = vector.broadcast %broadcast_in_dim3A_57 : f32 to vector<1024x64xf32>
    %concatenate3A = tpu.concatenate %max3A_56, %broadcast_in_dim3A_58 in 1 : vector<1024x64xf32>, vector<1024x64xf32> -> vector<1024x128xf32>
    %swap3A_59 = arith.constant 0 : index
    %swap3A_60 = arith.constant 0 : index
    %swap3A_61 = arith.constant 0 : index
    %swap3A_62 = vector.load %arg7[%swap3A_59, %swap3A_60, %swap3A_61] : memref<1x1024x128xf32, #tpu.memory_space<vmem>>, vector<1x1024x128xf32>
    %swap3A_63 = vector.shape_cast %swap3A_62 : vector<1x1024x128xf32> to vector<1024x128xf32>
    %swap3A_64 = vector.shape_cast %concatenate3A : vector<1024x128xf32> to vector<1x1024x128xf32>
    tpu.vector_store %arg7[%swap3A_59, %swap3A_60, %swap3A_61], %swap3A_64 {strides = array<i32>} : memref<1x1024x128xf32, #tpu.memory_space<vmem>>, vector<1x1024x128xf32>,
    return
  }
  func.func @transform_0(%arg0: i32) -> (i32, i32, i32) {
    %c0_i32 = arith.constant 0 : i32
    %c0_i32_0 = arith.constant 0 : i32
    %c0_i32_1 = arith.constant 0 : i32
    return %arg0, %c0_i32, %c0_i32_0 : i32, i32, i32
  }
  func.func @transform_1(%arg0: i32) -> (i32, i32, i32, i32) {
    %c0_i32 = arith.constant 0 : i32
    %c0_i32_0 = arith.constant 0 : i32
    %c0_i32_1 = arith.constant 0 : i32
    %c0_i32_2 = arith.constant 0 : i32
    return %arg0, %c0_i32, %c0_i32_0, %c0_i32_1 : i32, i32, i32, i32
  }
  func.func @transform_2(%arg0: i32) -> (i32, i32, i32, i32) {
    %c0_i32 = arith.constant 0 : i32
    %c0_i32_0 = arith.constant 0 : i32
    %c0_i32_1 = arith.constant 0 : i32
    %c0_i32_2 = arith.constant 0 : i32
    return %arg0, %c0_i32, %c0_i32_0, %c0_i32_1 : i32, i32, i32, i32
  }
  func.func @transform_3(%arg0: i32) -> (i32, i32) {
    %c0_i32 = arith.constant 0 : i32
    %c0_i32_0 = arith.constant 0 : i32
    %c0_i32_1 = arith.constant 0 : i32
    return %c0_i32, %c0_i32_0 : i32, i32
  }
  func.func @transform_4(%arg0: i32) -> (i32, i32) {
    %c0_i32 = arith.constant 0 : i32
    %c0_i32_0 = arith.constant 0 : i32
    %c0_i32_1 = arith.constant 0 : i32
    return %c0_i32, %c0_i32_0 : i32, i32
  }
  func.func @transform_5(%arg0: i32) -> (i32, i32) {
    %c0_i32 = arith.constant 0 : i32
    %c0_i32_0 = arith.constant 0 : i32
    %c0_i32_1 = arith.constant 0 : i32
    return %c0_i32, %c0_i32_0 : i32, i32
  }
  func.func @transform_6(%arg0: i32) -> (i32, i32, i32) {
    %c0_i32 = arith.constant 0 : i32
    %c0_i32_0 = arith.constant 0 : i32
    %c0_i32_1 = arith.constant 0 : i32
    return %arg0, %c0_i32, %c0_i32_0 : i32, i32, i32
  }
}

module attributes {stable_mosaic.version = 14 : i64} {
  func.func @_tgcn2_body(%arg0: i32, %arg1: memref<2x64x128xf32, #tpu.memory_space<vmem>>, %arg2: memref<64x64x512xf32, #tpu.memory_space<vmem>>, %arg3: memref<64x3xf32, #tpu.memory_space<vmem>>, %arg4: memref<64x640xf32, #tpu.memory_space<vmem>>, %arg5: memref<640x3xf32, #tpu.memory_space<vmem>>, %arg6: memref<2x64x8x3xf32, #tpu.memory_space<vmem>>) attributes {dimension_semantics = [#tpu.dimension_semantics<arbitrary>], iteration_bounds = array<i64: 16>, scalar_prefetch = 0 : i64, scratch_operands = 0 : i64, tpu.core_type = #tpu.core_type<tc>, window_params = [{transform_indices = @transform_0, window_bounds = array<i64: 2, 64, 128>}, {transform_indices = @transform_1, window_bounds = array<i64: 64, 64, 512>}, {pipeline_mode = #tpu.pipeline_mode<synchronous>, transform_indices = @transform_2, window_bounds = array<i64: 64, 3>}, {pipeline_mode = #tpu.pipeline_mode<synchronous>, transform_indices = @transform_3, window_bounds = array<i64: 64, 640>}, {pipeline_mode = #tpu.pipeline_mode<synchronous>, transform_indices = @transform_4, window_bounds = array<i64: 640, 3>}, {transform_indices = @transform_5, window_bounds = array<i64: 2, 64, 8, 3>}]} {
    %get3A = arith.constant 0 : index
    %get3A_0 = arith.constant 0 : index
    %get3A_1 = vector.load %arg4[%get3A, %get3A_0] : memref<64x640xf32, #tpu.memory_space<vmem>>, vector<64x640xf32>
    %get3A_2 = arith.constant 0 : index
    %get3A_3 = arith.constant 0 : index
    %get3A_4 = vector.load %arg5[%get3A_2, %get3A_3] : memref<640x3xf32, #tpu.memory_space<vmem>>, vector<640x3xf32>
    %dot_general3A = arith.constant dense<0.000000e+00> : vector<64x3xf32>
    %dot_general3A_5 = tpu.matmul %get3A_1, %get3A_4, %dot_general3A {dimension_numbers = #tpu.dot_dimension_numbers<[1], [0], [0], [1], [0, 0, 1, 1], [], []>, transpose_lhs_hint = false} : vector<64x640xf32>, vector<640x3xf32>, vector<64x3xf32> -> vector<64x3xf32>
    %get3A_6 = arith.constant 0 : index
    %get3A_7 = arith.constant 0 : index
    %get3A_8 = vector.load %arg3[%get3A_6, %get3A_7] : memref<64x3xf32, #tpu.memory_space<vmem>>, vector<64x3xf32>
    %get3A_9 = arith.constant 0 : index
    %get3A_10 = arith.constant 0 : index
    %get3A_11 = arith.constant 0 : index
    %get3A_12 = vector.load %arg1[%get3A_9, %get3A_10, %get3A_11] : memref<2x64x128xf32, #tpu.memory_space<vmem>>, vector<1x64x128xf32>
    %get3A_13 = vector.shape_cast %get3A_12 : vector<1x64x128xf32> to vector<64x128xf32>
    %slice3A = vector.extract_strided_slice %get3A_13 {offsets = [0, 0], sizes = [64, 64], strides = [1, 1]} : vector<64x128xf32> to vector<64x64xf32>
    %slice3A_14 = vector.extract_strided_slice %slice3A {offsets = [0, 0], sizes = [64, 1], strides = [1, 1]} : vector<64x64xf32> to vector<64x1xf32>
    %get3A_15 = arith.constant 0 : index
    %get3A_16 = arith.constant 0 : index
    %get3A_17 = arith.constant 0 : index
    %get3A_18 = vector.load %arg2[%get3A_15, %get3A_16, %get3A_17] : memref<64x64x512xf32, #tpu.memory_space<vmem>>, vector<64x1x512xf32>
    %get3A_19 = vector.shape_cast %get3A_18 : vector<64x1x512xf32> to vector<64x512xf32>
    %mul3A = vector.broadcast %slice3A_14 : vector<64x1xf32> to vector<64x512xf32>
    %mul3A_20 = arith.mulf %mul3A, %get3A_19 : vector<64x512xf32>
    %slice3A_21 = vector.extract_strided_slice %slice3A {offsets = [0, 1], sizes = [64, 1], strides = [1, 1]} : vector<64x64xf32> to vector<64x1xf32>
    %get3A_22 = arith.constant 0 : index
    %get3A_23 = arith.constant 1 : index
    %get3A_24 = arith.constant 0 : index
    %get3A_25 = vector.load %arg2[%get3A_22, %get3A_23, %get3A_24] : memref<64x64x512xf32, #tpu.memory_space<vmem>>, vector<64x1x512xf32>
    %get3A_26 = vector.shape_cast %get3A_25 : vector<64x1x512xf32> to vector<64x512xf32>
    %mul3A_27 = vector.broadcast %slice3A_21 : vector<64x1xf32> to vector<64x512xf32>
    %mul3A_28 = arith.mulf %mul3A_27, %get3A_26 : vector<64x512xf32>
    %add3A = arith.addf %mul3A_20, %mul3A_28 : vector<64x512xf32>
    %slice3A_29 = vector.extract_strided_slice %slice3A {offsets = [0, 2], sizes = [64, 1], strides = [1, 1]} : vector<64x64xf32> to vector<64x1xf32>
    %get3A_30 = arith.constant 0 : index
    %get3A_31 = arith.constant 2 : index
    %get3A_32 = arith.constant 0 : index
    %get3A_33 = vector.load %arg2[%get3A_30, %get3A_31, %get3A_32] : memref<64x64x512xf32, #tpu.memory_space<vmem>>, vector<64x1x512xf32>
    %get3A_34 = vector.shape_cast %get3A_33 : vector<64x1x512xf32> to vector<64x512xf32>
    %mul3A_35 = vector.broadcast %slice3A_29 : vector<64x1xf32> to vector<64x512xf32>
    %mul3A_36 = arith.mulf %mul3A_35, %get3A_34 : vector<64x512xf32>
    %add3A_37 = arith.addf %add3A, %mul3A_36 : vector<64x512xf32>
    %slice3A_38 = vector.extract_strided_slice %slice3A {offsets = [0, 3], sizes = [64, 1], strides = [1, 1]} : vector<64x64xf32> to vector<64x1xf32>
    %get3A_39 = arith.constant 0 : index
    %get3A_40 = arith.constant 3 : index
    %get3A_41 = arith.constant 0 : index
    %get3A_42 = vector.load %arg2[%get3A_39, %get3A_40, %get3A_41] : memref<64x64x512xf32, #tpu.memory_space<vmem>>, vector<64x1x512xf32>
    %get3A_43 = vector.shape_cast %get3A_42 : vector<64x1x512xf32> to vector<64x512xf32>
    %mul3A_44 = vector.broadcast %slice3A_38 : vector<64x1xf32> to vector<64x512xf32>
    %mul3A_45 = arith.mulf %mul3A_44, %get3A_43 : vector<64x512xf32>
    %add3A_46 = arith.addf %add3A_37, %mul3A_45 : vector<64x512xf32>
    %slice3A_47 = vector.extract_strided_slice %slice3A {offsets = [0, 4], sizes = [64, 1], strides = [1, 1]} : vector<64x64xf32> to vector<64x1xf32>
    %get3A_48 = arith.constant 0 : index
    %get3A_49 = arith.constant 4 : index
    %get3A_50 = arith.constant 0 : index
    %get3A_51 = vector.load %arg2[%get3A_48, %get3A_49, %get3A_50] : memref<64x64x512xf32, #tpu.memory_space<vmem>>, vector<64x1x512xf32>
    %get3A_52 = vector.shape_cast %get3A_51 : vector<64x1x512xf32> to vector<64x512xf32>
    %mul3A_53 = vector.broadcast %slice3A_47 : vector<64x1xf32> to vector<64x512xf32>
    %mul3A_54 = arith.mulf %mul3A_53, %get3A_52 : vector<64x512xf32>
    %add3A_55 = arith.addf %add3A_46, %mul3A_54 : vector<64x512xf32>
    %slice3A_56 = vector.extract_strided_slice %slice3A {offsets = [0, 5], sizes = [64, 1], strides = [1, 1]} : vector<64x64xf32> to vector<64x1xf32>
    %get3A_57 = arith.constant 0 : index
    %get3A_58 = arith.constant 5 : index
    %get3A_59 = arith.constant 0 : index
    %get3A_60 = vector.load %arg2[%get3A_57, %get3A_58, %get3A_59] : memref<64x64x512xf32, #tpu.memory_space<vmem>>, vector<64x1x512xf32>
    %get3A_61 = vector.shape_cast %get3A_60 : vector<64x1x512xf32> to vector<64x512xf32>
    %mul3A_62 = vector.broadcast %slice3A_56 : vector<64x1xf32> to vector<64x512xf32>
    %mul3A_63 = arith.mulf %mul3A_62, %get3A_61 : vector<64x512xf32>
    %add3A_64 = arith.addf %add3A_55, %mul3A_63 : vector<64x512xf32>
    %slice3A_65 = vector.extract_strided_slice %slice3A {offsets = [0, 6], sizes = [64, 1], strides = [1, 1]} : vector<64x64xf32> to vector<64x1xf32>
    %get3A_66 = arith.constant 0 : index
    %get3A_67 = arith.constant 6 : index
    %get3A_68 = arith.constant 0 : index
    %get3A_69 = vector.load %arg2[%get3A_66, %get3A_67, %get3A_68] : memref<64x64x512xf32, #tpu.memory_space<vmem>>, vector<64x1x512xf32>
    %get3A_70 = vector.shape_cast %get3A_69 : vector<64x1x512xf32> to vector<64x512xf32>
    %mul3A_71 = vector.broadcast %slice3A_65 : vector<64x1xf32> to vector<64x512xf32>
    %mul3A_72 = arith.mulf %mul3A_71, %get3A_70 : vector<64x512xf32>
    %add3A_73 = arith.addf %add3A_64, %mul3A_72 : vector<64x512xf32>
    %slice3A_74 = vector.extract_strided_slice %slice3A {offsets = [0, 7], sizes = [64, 1], strides = [1, 1]} : vector<64x64xf32> to vector<64x1xf32>
    %get3A_75 = arith.constant 0 : index
    %get3A_76 = arith.constant 7 : index
    %get3A_77 = arith.constant 0 : index
    %get3A_78 = vector.load %arg2[%get3A_75, %get3A_76, %get3A_77] : memref<64x64x512xf32, #tpu.memory_space<vmem>>, vector<64x1x512xf32>
    %get3A_79 = vector.shape_cast %get3A_78 : vector<64x1x512xf32> to vector<64x512xf32>
    %mul3A_80 = vector.broadcast %slice3A_74 : vector<64x1xf32> to vector<64x512xf32>
    %mul3A_81 = arith.mulf %mul3A_80, %get3A_79 : vector<64x512xf32>
    %add3A_82 = arith.addf %add3A_73, %mul3A_81 : vector<64x512xf32>
    %slice3A_83 = vector.extract_strided_slice %slice3A {offsets = [0, 8], sizes = [64, 1], strides = [1, 1]} : vector<64x64xf32> to vector<64x1xf32>
    %get3A_84 = arith.constant 0 : index
    %get3A_85 = arith.constant 8 : index
    %get3A_86 = arith.constant 0 : index
    %get3A_87 = vector.load %arg2[%get3A_84, %get3A_85, %get3A_86] : memref<64x64x512xf32, #tpu.memory_space<vmem>>, vector<64x1x512xf32>
    %get3A_88 = vector.shape_cast %get3A_87 : vector<64x1x512xf32> to vector<64x512xf32>
    %mul3A_89 = vector.broadcast %slice3A_83 : vector<64x1xf32> to vector<64x512xf32>
    %mul3A_90 = arith.mulf %mul3A_89, %get3A_88 : vector<64x512xf32>
    %add3A_91 = arith.addf %add3A_82, %mul3A_90 : vector<64x512xf32>
    %slice3A_92 = vector.extract_strided_slice %slice3A {offsets = [0, 9], sizes = [64, 1], strides = [1, 1]} : vector<64x64xf32> to vector<64x1xf32>
    %get3A_93 = arith.constant 0 : index
    %get3A_94 = arith.constant 9 : index
    %get3A_95 = arith.constant 0 : index
    %get3A_96 = vector.load %arg2[%get3A_93, %get3A_94, %get3A_95] : memref<64x64x512xf32, #tpu.memory_space<vmem>>, vector<64x1x512xf32>
    %get3A_97 = vector.shape_cast %get3A_96 : vector<64x1x512xf32> to vector<64x512xf32>
    %mul3A_98 = vector.broadcast %slice3A_92 : vector<64x1xf32> to vector<64x512xf32>
    %mul3A_99 = arith.mulf %mul3A_98, %get3A_97 : vector<64x512xf32>
    %add3A_100 = arith.addf %add3A_91, %mul3A_99 : vector<64x512xf32>
    %slice3A_101 = vector.extract_strided_slice %slice3A {offsets = [0, 10], sizes = [64, 1], strides = [1, 1]} : vector<64x64xf32> to vector<64x1xf32>
    %get3A_102 = arith.constant 0 : index
    %get3A_103 = arith.constant 10 : index
    %get3A_104 = arith.constant 0 : index
    %get3A_105 = vector.load %arg2[%get3A_102, %get3A_103, %get3A_104] : memref<64x64x512xf32, #tpu.memory_space<vmem>>, vector<64x1x512xf32>
    %get3A_106 = vector.shape_cast %get3A_105 : vector<64x1x512xf32> to vector<64x512xf32>
    %mul3A_107 = vector.broadcast %slice3A_101 : vector<64x1xf32> to vector<64x512xf32>
    %mul3A_108 = arith.mulf %mul3A_107, %get3A_106 : vector<64x512xf32>
    %add3A_109 = arith.addf %add3A_100, %mul3A_108 : vector<64x512xf32>
    %slice3A_110 = vector.extract_strided_slice %slice3A {offsets = [0, 11], sizes = [64, 1], strides = [1, 1]} : vector<64x64xf32> to vector<64x1xf32>
    %get3A_111 = arith.constant 0 : index
    %get3A_112 = arith.constant 11 : index
    %get3A_113 = arith.constant 0 : index
    %get3A_114 = vector.load %arg2[%get3A_111, %get3A_112, %get3A_113] : memref<64x64x512xf32, #tpu.memory_space<vmem>>, vector<64x1x512xf32>
    %get3A_115 = vector.shape_cast %get3A_114 : vector<64x1x512xf32> to vector<64x512xf32>
    %mul3A_116 = vector.broadcast %slice3A_110 : vector<64x1xf32> to vector<64x512xf32>
    %mul3A_117 = arith.mulf %mul3A_116, %get3A_115 : vector<64x512xf32>
    %add3A_118 = arith.addf %add3A_109, %mul3A_117 : vector<64x512xf32>
    %slice3A_119 = vector.extract_strided_slice %slice3A {offsets = [0, 12], sizes = [64, 1], strides = [1, 1]} : vector<64x64xf32> to vector<64x1xf32>
    %get3A_120 = arith.constant 0 : index
    %get3A_121 = arith.constant 12 : index
    %get3A_122 = arith.constant 0 : index
    %get3A_123 = vector.load %arg2[%get3A_120, %get3A_121, %get3A_122] : memref<64x64x512xf32, #tpu.memory_space<vmem>>, vector<64x1x512xf32>
    %get3A_124 = vector.shape_cast %get3A_123 : vector<64x1x512xf32> to vector<64x512xf32>
    %mul3A_125 = vector.broadcast %slice3A_119 : vector<64x1xf32> to vector<64x512xf32>
    %mul3A_126 = arith.mulf %mul3A_125, %get3A_124 : vector<64x512xf32>
    %add3A_127 = arith.addf %add3A_118, %mul3A_126 : vector<64x512xf32>
    %slice3A_128 = vector.extract_strided_slice %slice3A {offsets = [0, 13], sizes = [64, 1], strides = [1, 1]} : vector<64x64xf32> to vector<64x1xf32>
    %get3A_129 = arith.constant 0 : index
    %get3A_130 = arith.constant 13 : index
    %get3A_131 = arith.constant 0 : index
    %get3A_132 = vector.load %arg2[%get3A_129, %get3A_130, %get3A_131] : memref<64x64x512xf32, #tpu.memory_space<vmem>>, vector<64x1x512xf32>
    %get3A_133 = vector.shape_cast %get3A_132 : vector<64x1x512xf32> to vector<64x512xf32>
    %mul3A_134 = vector.broadcast %slice3A_128 : vector<64x1xf32> to vector<64x512xf32>
    %mul3A_135 = arith.mulf %mul3A_134, %get3A_133 : vector<64x512xf32>
    %add3A_136 = arith.addf %add3A_127, %mul3A_135 : vector<64x512xf32>
    %slice3A_137 = vector.extract_strided_slice %slice3A {offsets = [0, 14], sizes = [64, 1], strides = [1, 1]} : vector<64x64xf32> to vector<64x1xf32>
    %get3A_138 = arith.constant 0 : index
    %get3A_139 = arith.constant 14 : index
    %get3A_140 = arith.constant 0 : index
    %get3A_141 = vector.load %arg2[%get3A_138, %get3A_139, %get3A_140] : memref<64x64x512xf32, #tpu.memory_space<vmem>>, vector<64x1x512xf32>
    %get3A_142 = vector.shape_cast %get3A_141 : vector<64x1x512xf32> to vector<64x512xf32>
    %mul3A_143 = vector.broadcast %slice3A_137 : vector<64x1xf32> to vector<64x512xf32>
    %mul3A_144 = arith.mulf %mul3A_143, %get3A_142 : vector<64x512xf32>
    %add3A_145 = arith.addf %add3A_136, %mul3A_144 : vector<64x512xf32>
    %slice3A_146 = vector.extract_strided_slice %slice3A {offsets = [0, 15], sizes = [64, 1], strides = [1, 1]} : vector<64x64xf32> to vector<64x1xf32>
    %get3A_147 = arith.constant 0 : index
    %get3A_148 = arith.constant 15 : index
    %get3A_149 = arith.constant 0 : index
    %get3A_150 = vector.load %arg2[%get3A_147, %get3A_148, %get3A_149] : memref<64x64x512xf32, #tpu.memory_space<vmem>>, vector<64x1x512xf32>
    %get3A_151 = vector.shape_cast %get3A_150 : vector<64x1x512xf32> to vector<64x512xf32>
    %mul3A_152 = vector.broadcast %slice3A_146 : vector<64x1xf32> to vector<64x512xf32>
    %mul3A_153 = arith.mulf %mul3A_152, %get3A_151 : vector<64x512xf32>
    %add3A_154 = arith.addf %add3A_145, %mul3A_153 : vector<64x512xf32>
    %slice3A_155 = vector.extract_strided_slice %slice3A {offsets = [0, 16], sizes = [64, 1], strides = [1, 1]} : vector<64x64xf32> to vector<64x1xf32>
    %get3A_156 = arith.constant 0 : index
    %get3A_157 = arith.constant 16 : index
    %get3A_158 = arith.constant 0 : index
    %get3A_159 = vector.load %arg2[%get3A_156, %get3A_157, %get3A_158] : memref<64x64x512xf32, #tpu.memory_space<vmem>>, vector<64x1x512xf32>
    %get3A_160 = vector.shape_cast %get3A_159 : vector<64x1x512xf32> to vector<64x512xf32>
    %mul3A_161 = vector.broadcast %slice3A_155 : vector<64x1xf32> to vector<64x512xf32>
    %mul3A_162 = arith.mulf %mul3A_161, %get3A_160 : vector<64x512xf32>
    %add3A_163 = arith.addf %add3A_154, %mul3A_162 : vector<64x512xf32>
    %slice3A_164 = vector.extract_strided_slice %slice3A {offsets = [0, 17], sizes = [64, 1], strides = [1, 1]} : vector<64x64xf32> to vector<64x1xf32>
    %get3A_165 = arith.constant 0 : index
    %get3A_166 = arith.constant 17 : index
    %get3A_167 = arith.constant 0 : index
    %get3A_168 = vector.load %arg2[%get3A_165, %get3A_166, %get3A_167] : memref<64x64x512xf32, #tpu.memory_space<vmem>>, vector<64x1x512xf32>
    %get3A_169 = vector.shape_cast %get3A_168 : vector<64x1x512xf32> to vector<64x512xf32>
    %mul3A_170 = vector.broadcast %slice3A_164 : vector<64x1xf32> to vector<64x512xf32>
    %mul3A_171 = arith.mulf %mul3A_170, %get3A_169 : vector<64x512xf32>
    %add3A_172 = arith.addf %add3A_163, %mul3A_171 : vector<64x512xf32>
    %slice3A_173 = vector.extract_strided_slice %slice3A {offsets = [0, 18], sizes = [64, 1], strides = [1, 1]} : vector<64x64xf32> to vector<64x1xf32>
    %get3A_174 = arith.constant 0 : index
    %get3A_175 = arith.constant 18 : index
    %get3A_176 = arith.constant 0 : index
    %get3A_177 = vector.load %arg2[%get3A_174, %get3A_175, %get3A_176] : memref<64x64x512xf32, #tpu.memory_space<vmem>>, vector<64x1x512xf32>
    %get3A_178 = vector.shape_cast %get3A_177 : vector<64x1x512xf32> to vector<64x512xf32>
    %mul3A_179 = vector.broadcast %slice3A_173 : vector<64x1xf32> to vector<64x512xf32>
    %mul3A_180 = arith.mulf %mul3A_179, %get3A_178 : vector<64x512xf32>
    %add3A_181 = arith.addf %add3A_172, %mul3A_180 : vector<64x512xf32>
    %slice3A_182 = vector.extract_strided_slice %slice3A {offsets = [0, 19], sizes = [64, 1], strides = [1, 1]} : vector<64x64xf32> to vector<64x1xf32>
    %get3A_183 = arith.constant 0 : index
    %get3A_184 = arith.constant 19 : index
    %get3A_185 = arith.constant 0 : index
    %get3A_186 = vector.load %arg2[%get3A_183, %get3A_184, %get3A_185] : memref<64x64x512xf32, #tpu.memory_space<vmem>>, vector<64x1x512xf32>
    %get3A_187 = vector.shape_cast %get3A_186 : vector<64x1x512xf32> to vector<64x512xf32>
    %mul3A_188 = vector.broadcast %slice3A_182 : vector<64x1xf32> to vector<64x512xf32>
    %mul3A_189 = arith.mulf %mul3A_188, %get3A_187 : vector<64x512xf32>
    %add3A_190 = arith.addf %add3A_181, %mul3A_189 : vector<64x512xf32>
    %slice3A_191 = vector.extract_strided_slice %slice3A {offsets = [0, 20], sizes = [64, 1], strides = [1, 1]} : vector<64x64xf32> to vector<64x1xf32>
    %get3A_192 = arith.constant 0 : index
    %get3A_193 = arith.constant 20 : index
    %get3A_194 = arith.constant 0 : index
    %get3A_195 = vector.load %arg2[%get3A_192, %get3A_193, %get3A_194] : memref<64x64x512xf32, #tpu.memory_space<vmem>>, vector<64x1x512xf32>
    %get3A_196 = vector.shape_cast %get3A_195 : vector<64x1x512xf32> to vector<64x512xf32>
    %mul3A_197 = vector.broadcast %slice3A_191 : vector<64x1xf32> to vector<64x512xf32>
    %mul3A_198 = arith.mulf %mul3A_197, %get3A_196 : vector<64x512xf32>
    %add3A_199 = arith.addf %add3A_190, %mul3A_198 : vector<64x512xf32>
    %slice3A_200 = vector.extract_strided_slice %slice3A {offsets = [0, 21], sizes = [64, 1], strides = [1, 1]} : vector<64x64xf32> to vector<64x1xf32>
    %get3A_201 = arith.constant 0 : index
    %get3A_202 = arith.constant 21 : index
    %get3A_203 = arith.constant 0 : index
    %get3A_204 = vector.load %arg2[%get3A_201, %get3A_202, %get3A_203] : memref<64x64x512xf32, #tpu.memory_space<vmem>>, vector<64x1x512xf32>
    %get3A_205 = vector.shape_cast %get3A_204 : vector<64x1x512xf32> to vector<64x512xf32>
    %mul3A_206 = vector.broadcast %slice3A_200 : vector<64x1xf32> to vector<64x512xf32>
    %mul3A_207 = arith.mulf %mul3A_206, %get3A_205 : vector<64x512xf32>
    %add3A_208 = arith.addf %add3A_199, %mul3A_207 : vector<64x512xf32>
    %slice3A_209 = vector.extract_strided_slice %slice3A {offsets = [0, 22], sizes = [64, 1], strides = [1, 1]} : vector<64x64xf32> to vector<64x1xf32>
    %get3A_210 = arith.constant 0 : index
    %get3A_211 = arith.constant 22 : index
    %get3A_212 = arith.constant 0 : index
    %get3A_213 = vector.load %arg2[%get3A_210, %get3A_211, %get3A_212] : memref<64x64x512xf32, #tpu.memory_space<vmem>>, vector<64x1x512xf32>
    %get3A_214 = vector.shape_cast %get3A_213 : vector<64x1x512xf32> to vector<64x512xf32>
    %mul3A_215 = vector.broadcast %slice3A_209 : vector<64x1xf32> to vector<64x512xf32>
    %mul3A_216 = arith.mulf %mul3A_215, %get3A_214 : vector<64x512xf32>
    %add3A_217 = arith.addf %add3A_208, %mul3A_216 : vector<64x512xf32>
    %slice3A_218 = vector.extract_strided_slice %slice3A {offsets = [0, 23], sizes = [64, 1], strides = [1, 1]} : vector<64x64xf32> to vector<64x1xf32>
    %get3A_219 = arith.constant 0 : index
    %get3A_220 = arith.constant 23 : index
    %get3A_221 = arith.constant 0 : index
    %get3A_222 = vector.load %arg2[%get3A_219, %get3A_220, %get3A_221] : memref<64x64x512xf32, #tpu.memory_space<vmem>>, vector<64x1x512xf32>
    %get3A_223 = vector.shape_cast %get3A_222 : vector<64x1x512xf32> to vector<64x512xf32>
    %mul3A_224 = vector.broadcast %slice3A_218 : vector<64x1xf32> to vector<64x512xf32>
    %mul3A_225 = arith.mulf %mul3A_224, %get3A_223 : vector<64x512xf32>
    %add3A_226 = arith.addf %add3A_217, %mul3A_225 : vector<64x512xf32>
    %slice3A_227 = vector.extract_strided_slice %slice3A {offsets = [0, 24], sizes = [64, 1], strides = [1, 1]} : vector<64x64xf32> to vector<64x1xf32>
    %get3A_228 = arith.constant 0 : index
    %get3A_229 = arith.constant 24 : index
    %get3A_230 = arith.constant 0 : index
    %get3A_231 = vector.load %arg2[%get3A_228, %get3A_229, %get3A_230] : memref<64x64x512xf32, #tpu.memory_space<vmem>>, vector<64x1x512xf32>
    %get3A_232 = vector.shape_cast %get3A_231 : vector<64x1x512xf32> to vector<64x512xf32>
    %mul3A_233 = vector.broadcast %slice3A_227 : vector<64x1xf32> to vector<64x512xf32>
    %mul3A_234 = arith.mulf %mul3A_233, %get3A_232 : vector<64x512xf32>
    %add3A_235 = arith.addf %add3A_226, %mul3A_234 : vector<64x512xf32>
    %slice3A_236 = vector.extract_strided_slice %slice3A {offsets = [0, 25], sizes = [64, 1], strides = [1, 1]} : vector<64x64xf32> to vector<64x1xf32>
    %get3A_237 = arith.constant 0 : index
    %get3A_238 = arith.constant 25 : index
    %get3A_239 = arith.constant 0 : index
    %get3A_240 = vector.load %arg2[%get3A_237, %get3A_238, %get3A_239] : memref<64x64x512xf32, #tpu.memory_space<vmem>>, vector<64x1x512xf32>
    %get3A_241 = vector.shape_cast %get3A_240 : vector<64x1x512xf32> to vector<64x512xf32>
    %mul3A_242 = vector.broadcast %slice3A_236 : vector<64x1xf32> to vector<64x512xf32>
    %mul3A_243 = arith.mulf %mul3A_242, %get3A_241 : vector<64x512xf32>
    %add3A_244 = arith.addf %add3A_235, %mul3A_243 : vector<64x512xf32>
    %slice3A_245 = vector.extract_strided_slice %slice3A {offsets = [0, 26], sizes = [64, 1], strides = [1, 1]} : vector<64x64xf32> to vector<64x1xf32>
    %get3A_246 = arith.constant 0 : index
    %get3A_247 = arith.constant 26 : index
    %get3A_248 = arith.constant 0 : index
    %get3A_249 = vector.load %arg2[%get3A_246, %get3A_247, %get3A_248] : memref<64x64x512xf32, #tpu.memory_space<vmem>>, vector<64x1x512xf32>
    %get3A_250 = vector.shape_cast %get3A_249 : vector<64x1x512xf32> to vector<64x512xf32>
    %mul3A_251 = vector.broadcast %slice3A_245 : vector<64x1xf32> to vector<64x512xf32>
    %mul3A_252 = arith.mulf %mul3A_251, %get3A_250 : vector<64x512xf32>
    %add3A_253 = arith.addf %add3A_244, %mul3A_252 : vector<64x512xf32>
    %slice3A_254 = vector.extract_strided_slice %slice3A {offsets = [0, 27], sizes = [64, 1], strides = [1, 1]} : vector<64x64xf32> to vector<64x1xf32>
    %get3A_255 = arith.constant 0 : index
    %get3A_256 = arith.constant 27 : index
    %get3A_257 = arith.constant 0 : index
    %get3A_258 = vector.load %arg2[%get3A_255, %get3A_256, %get3A_257] : memref<64x64x512xf32, #tpu.memory_space<vmem>>, vector<64x1x512xf32>
    %get3A_259 = vector.shape_cast %get3A_258 : vector<64x1x512xf32> to vector<64x512xf32>
    %mul3A_260 = vector.broadcast %slice3A_254 : vector<64x1xf32> to vector<64x512xf32>
    %mul3A_261 = arith.mulf %mul3A_260, %get3A_259 : vector<64x512xf32>
    %add3A_262 = arith.addf %add3A_253, %mul3A_261 : vector<64x512xf32>
    %slice3A_263 = vector.extract_strided_slice %slice3A {offsets = [0, 28], sizes = [64, 1], strides = [1, 1]} : vector<64x64xf32> to vector<64x1xf32>
    %get3A_264 = arith.constant 0 : index
    %get3A_265 = arith.constant 28 : index
    %get3A_266 = arith.constant 0 : index
    %get3A_267 = vector.load %arg2[%get3A_264, %get3A_265, %get3A_266] : memref<64x64x512xf32, #tpu.memory_space<vmem>>, vector<64x1x512xf32>
    %get3A_268 = vector.shape_cast %get3A_267 : vector<64x1x512xf32> to vector<64x512xf32>
    %mul3A_269 = vector.broadcast %slice3A_263 : vector<64x1xf32> to vector<64x512xf32>
    %mul3A_270 = arith.mulf %mul3A_269, %get3A_268 : vector<64x512xf32>
    %add3A_271 = arith.addf %add3A_262, %mul3A_270 : vector<64x512xf32>
    %slice3A_272 = vector.extract_strided_slice %slice3A {offsets = [0, 29], sizes = [64, 1], strides = [1, 1]} : vector<64x64xf32> to vector<64x1xf32>
    %get3A_273 = arith.constant 0 : index
    %get3A_274 = arith.constant 29 : index
    %get3A_275 = arith.constant 0 : index
    %get3A_276 = vector.load %arg2[%get3A_273, %get3A_274, %get3A_275] : memref<64x64x512xf32, #tpu.memory_space<vmem>>, vector<64x1x512xf32>
    %get3A_277 = vector.shape_cast %get3A_276 : vector<64x1x512xf32> to vector<64x512xf32>
    %mul3A_278 = vector.broadcast %slice3A_272 : vector<64x1xf32> to vector<64x512xf32>
    %mul3A_279 = arith.mulf %mul3A_278, %get3A_277 : vector<64x512xf32>
    %add3A_280 = arith.addf %add3A_271, %mul3A_279 : vector<64x512xf32>
    %slice3A_281 = vector.extract_strided_slice %slice3A {offsets = [0, 30], sizes = [64, 1], strides = [1, 1]} : vector<64x64xf32> to vector<64x1xf32>
    %get3A_282 = arith.constant 0 : index
    %get3A_283 = arith.constant 30 : index
    %get3A_284 = arith.constant 0 : index
    %get3A_285 = vector.load %arg2[%get3A_282, %get3A_283, %get3A_284] : memref<64x64x512xf32, #tpu.memory_space<vmem>>, vector<64x1x512xf32>
    %get3A_286 = vector.shape_cast %get3A_285 : vector<64x1x512xf32> to vector<64x512xf32>
    %mul3A_287 = vector.broadcast %slice3A_281 : vector<64x1xf32> to vector<64x512xf32>
    %mul3A_288 = arith.mulf %mul3A_287, %get3A_286 : vector<64x512xf32>
    %add3A_289 = arith.addf %add3A_280, %mul3A_288 : vector<64x512xf32>
    %slice3A_290 = vector.extract_strided_slice %slice3A {offsets = [0, 31], sizes = [64, 1], strides = [1, 1]} : vector<64x64xf32> to vector<64x1xf32>
    %get3A_291 = arith.constant 0 : index
    %get3A_292 = arith.constant 31 : index
    %get3A_293 = arith.constant 0 : index
    %get3A_294 = vector.load %arg2[%get3A_291, %get3A_292, %get3A_293] : memref<64x64x512xf32, #tpu.memory_space<vmem>>, vector<64x1x512xf32>
    %get3A_295 = vector.shape_cast %get3A_294 : vector<64x1x512xf32> to vector<64x512xf32>
    %mul3A_296 = vector.broadcast %slice3A_290 : vector<64x1xf32> to vector<64x512xf32>
    %mul3A_297 = arith.mulf %mul3A_296, %get3A_295 : vector<64x512xf32>
    %add3A_298 = arith.addf %add3A_289, %mul3A_297 : vector<64x512xf32>
    %slice3A_299 = vector.extract_strided_slice %slice3A {offsets = [0, 32], sizes = [64, 1], strides = [1, 1]} : vector<64x64xf32> to vector<64x1xf32>
    %get3A_300 = arith.constant 0 : index
    %get3A_301 = arith.constant 32 : index
    %get3A_302 = arith.constant 0 : index
    %get3A_303 = vector.load %arg2[%get3A_300, %get3A_301, %get3A_302] : memref<64x64x512xf32, #tpu.memory_space<vmem>>, vector<64x1x512xf32>
    %get3A_304 = vector.shape_cast %get3A_303 : vector<64x1x512xf32> to vector<64x512xf32>
    %mul3A_305 = vector.broadcast %slice3A_299 : vector<64x1xf32> to vector<64x512xf32>
    %mul3A_306 = arith.mulf %mul3A_305, %get3A_304 : vector<64x512xf32>
    %add3A_307 = arith.addf %add3A_298, %mul3A_306 : vector<64x512xf32>
    %slice3A_308 = vector.extract_strided_slice %slice3A {offsets = [0, 33], sizes = [64, 1], strides = [1, 1]} : vector<64x64xf32> to vector<64x1xf32>
    %get3A_309 = arith.constant 0 : index
    %get3A_310 = arith.constant 33 : index
    %get3A_311 = arith.constant 0 : index
    %get3A_312 = vector.load %arg2[%get3A_309, %get3A_310, %get3A_311] : memref<64x64x512xf32, #tpu.memory_space<vmem>>, vector<64x1x512xf32>
    %get3A_313 = vector.shape_cast %get3A_312 : vector<64x1x512xf32> to vector<64x512xf32>
    %mul3A_314 = vector.broadcast %slice3A_308 : vector<64x1xf32> to vector<64x512xf32>
    %mul3A_315 = arith.mulf %mul3A_314, %get3A_313 : vector<64x512xf32>
    %add3A_316 = arith.addf %add3A_307, %mul3A_315 : vector<64x512xf32>
    %slice3A_317 = vector.extract_strided_slice %slice3A {offsets = [0, 34], sizes = [64, 1], strides = [1, 1]} : vector<64x64xf32> to vector<64x1xf32>
    %get3A_318 = arith.constant 0 : index
    %get3A_319 = arith.constant 34 : index
    %get3A_320 = arith.constant 0 : index
    %get3A_321 = vector.load %arg2[%get3A_318, %get3A_319, %get3A_320] : memref<64x64x512xf32, #tpu.memory_space<vmem>>, vector<64x1x512xf32>
    %get3A_322 = vector.shape_cast %get3A_321 : vector<64x1x512xf32> to vector<64x512xf32>
    %mul3A_323 = vector.broadcast %slice3A_317 : vector<64x1xf32> to vector<64x512xf32>
    %mul3A_324 = arith.mulf %mul3A_323, %get3A_322 : vector<64x512xf32>
    %add3A_325 = arith.addf %add3A_316, %mul3A_324 : vector<64x512xf32>
    %slice3A_326 = vector.extract_strided_slice %slice3A {offsets = [0, 35], sizes = [64, 1], strides = [1, 1]} : vector<64x64xf32> to vector<64x1xf32>
    %get3A_327 = arith.constant 0 : index
    %get3A_328 = arith.constant 35 : index
    %get3A_329 = arith.constant 0 : index
    %get3A_330 = vector.load %arg2[%get3A_327, %get3A_328, %get3A_329] : memref<64x64x512xf32, #tpu.memory_space<vmem>>, vector<64x1x512xf32>
    %get3A_331 = vector.shape_cast %get3A_330 : vector<64x1x512xf32> to vector<64x512xf32>
    %mul3A_332 = vector.broadcast %slice3A_326 : vector<64x1xf32> to vector<64x512xf32>
    %mul3A_333 = arith.mulf %mul3A_332, %get3A_331 : vector<64x512xf32>
    %add3A_334 = arith.addf %add3A_325, %mul3A_333 : vector<64x512xf32>
    %slice3A_335 = vector.extract_strided_slice %slice3A {offsets = [0, 36], sizes = [64, 1], strides = [1, 1]} : vector<64x64xf32> to vector<64x1xf32>
    %get3A_336 = arith.constant 0 : index
    %get3A_337 = arith.constant 36 : index
    %get3A_338 = arith.constant 0 : index
    %get3A_339 = vector.load %arg2[%get3A_336, %get3A_337, %get3A_338] : memref<64x64x512xf32, #tpu.memory_space<vmem>>, vector<64x1x512xf32>
    %get3A_340 = vector.shape_cast %get3A_339 : vector<64x1x512xf32> to vector<64x512xf32>
    %mul3A_341 = vector.broadcast %slice3A_335 : vector<64x1xf32> to vector<64x512xf32>
    %mul3A_342 = arith.mulf %mul3A_341, %get3A_340 : vector<64x512xf32>
    %add3A_343 = arith.addf %add3A_334, %mul3A_342 : vector<64x512xf32>
    %slice3A_344 = vector.extract_strided_slice %slice3A {offsets = [0, 37], sizes = [64, 1], strides = [1, 1]} : vector<64x64xf32> to vector<64x1xf32>
    %get3A_345 = arith.constant 0 : index
    %get3A_346 = arith.constant 37 : index
    %get3A_347 = arith.constant 0 : index
    %get3A_348 = vector.load %arg2[%get3A_345, %get3A_346, %get3A_347] : memref<64x64x512xf32, #tpu.memory_space<vmem>>, vector<64x1x512xf32>
    %get3A_349 = vector.shape_cast %get3A_348 : vector<64x1x512xf32> to vector<64x512xf32>
    %mul3A_350 = vector.broadcast %slice3A_344 : vector<64x1xf32> to vector<64x512xf32>
    %mul3A_351 = arith.mulf %mul3A_350, %get3A_349 : vector<64x512xf32>
    %add3A_352 = arith.addf %add3A_343, %mul3A_351 : vector<64x512xf32>
    %slice3A_353 = vector.extract_strided_slice %slice3A {offsets = [0, 38], sizes = [64, 1], strides = [1, 1]} : vector<64x64xf32> to vector<64x1xf32>
    %get3A_354 = arith.constant 0 : index
    %get3A_355 = arith.constant 38 : index
    %get3A_356 = arith.constant 0 : index
    %get3A_357 = vector.load %arg2[%get3A_354, %get3A_355, %get3A_356] : memref<64x64x512xf32, #tpu.memory_space<vmem>>, vector<64x1x512xf32>
    %get3A_358 = vector.shape_cast %get3A_357 : vector<64x1x512xf32> to vector<64x512xf32>
    %mul3A_359 = vector.broadcast %slice3A_353 : vector<64x1xf32> to vector<64x512xf32>
    %mul3A_360 = arith.mulf %mul3A_359, %get3A_358 : vector<64x512xf32>
    %add3A_361 = arith.addf %add3A_352, %mul3A_360 : vector<64x512xf32>
    %slice3A_362 = vector.extract_strided_slice %slice3A {offsets = [0, 39], sizes = [64, 1], strides = [1, 1]} : vector<64x64xf32> to vector<64x1xf32>
    %get3A_363 = arith.constant 0 : index
    %get3A_364 = arith.constant 39 : index
    %get3A_365 = arith.constant 0 : index
    %get3A_366 = vector.load %arg2[%get3A_363, %get3A_364, %get3A_365] : memref<64x64x512xf32, #tpu.memory_space<vmem>>, vector<64x1x512xf32>
    %get3A_367 = vector.shape_cast %get3A_366 : vector<64x1x512xf32> to vector<64x512xf32>
    %mul3A_368 = vector.broadcast %slice3A_362 : vector<64x1xf32> to vector<64x512xf32>
    %mul3A_369 = arith.mulf %mul3A_368, %get3A_367 : vector<64x512xf32>
    %add3A_370 = arith.addf %add3A_361, %mul3A_369 : vector<64x512xf32>
    %slice3A_371 = vector.extract_strided_slice %slice3A {offsets = [0, 40], sizes = [64, 1], strides = [1, 1]} : vector<64x64xf32> to vector<64x1xf32>
    %get3A_372 = arith.constant 0 : index
    %get3A_373 = arith.constant 40 : index
    %get3A_374 = arith.constant 0 : index
    %get3A_375 = vector.load %arg2[%get3A_372, %get3A_373, %get3A_374] : memref<64x64x512xf32, #tpu.memory_space<vmem>>, vector<64x1x512xf32>
    %get3A_376 = vector.shape_cast %get3A_375 : vector<64x1x512xf32> to vector<64x512xf32>
    %mul3A_377 = vector.broadcast %slice3A_371 : vector<64x1xf32> to vector<64x512xf32>
    %mul3A_378 = arith.mulf %mul3A_377, %get3A_376 : vector<64x512xf32>
    %add3A_379 = arith.addf %add3A_370, %mul3A_378 : vector<64x512xf32>
    %slice3A_380 = vector.extract_strided_slice %slice3A {offsets = [0, 41], sizes = [64, 1], strides = [1, 1]} : vector<64x64xf32> to vector<64x1xf32>
    %get3A_381 = arith.constant 0 : index
    %get3A_382 = arith.constant 41 : index
    %get3A_383 = arith.constant 0 : index
    %get3A_384 = vector.load %arg2[%get3A_381, %get3A_382, %get3A_383] : memref<64x64x512xf32, #tpu.memory_space<vmem>>, vector<64x1x512xf32>
    %get3A_385 = vector.shape_cast %get3A_384 : vector<64x1x512xf32> to vector<64x512xf32>
    %mul3A_386 = vector.broadcast %slice3A_380 : vector<64x1xf32> to vector<64x512xf32>
    %mul3A_387 = arith.mulf %mul3A_386, %get3A_385 : vector<64x512xf32>
    %add3A_388 = arith.addf %add3A_379, %mul3A_387 : vector<64x512xf32>
    %slice3A_389 = vector.extract_strided_slice %slice3A {offsets = [0, 42], sizes = [64, 1], strides = [1, 1]} : vector<64x64xf32> to vector<64x1xf32>
    %get3A_390 = arith.constant 0 : index
    %get3A_391 = arith.constant 42 : index
    %get3A_392 = arith.constant 0 : index
    %get3A_393 = vector.load %arg2[%get3A_390, %get3A_391, %get3A_392] : memref<64x64x512xf32, #tpu.memory_space<vmem>>, vector<64x1x512xf32>
    %get3A_394 = vector.shape_cast %get3A_393 : vector<64x1x512xf32> to vector<64x512xf32>
    %mul3A_395 = vector.broadcast %slice3A_389 : vector<64x1xf32> to vector<64x512xf32>
    %mul3A_396 = arith.mulf %mul3A_395, %get3A_394 : vector<64x512xf32>
    %add3A_397 = arith.addf %add3A_388, %mul3A_396 : vector<64x512xf32>
    %slice3A_398 = vector.extract_strided_slice %slice3A {offsets = [0, 43], sizes = [64, 1], strides = [1, 1]} : vector<64x64xf32> to vector<64x1xf32>
    %get3A_399 = arith.constant 0 : index
    %get3A_400 = arith.constant 43 : index
    %get3A_401 = arith.constant 0 : index
    %get3A_402 = vector.load %arg2[%get3A_399, %get3A_400, %get3A_401] : memref<64x64x512xf32, #tpu.memory_space<vmem>>, vector<64x1x512xf32>
    %get3A_403 = vector.shape_cast %get3A_402 : vector<64x1x512xf32> to vector<64x512xf32>
    %mul3A_404 = vector.broadcast %slice3A_398 : vector<64x1xf32> to vector<64x512xf32>
    %mul3A_405 = arith.mulf %mul3A_404, %get3A_403 : vector<64x512xf32>
    %add3A_406 = arith.addf %add3A_397, %mul3A_405 : vector<64x512xf32>
    %slice3A_407 = vector.extract_strided_slice %slice3A {offsets = [0, 44], sizes = [64, 1], strides = [1, 1]} : vector<64x64xf32> to vector<64x1xf32>
    %get3A_408 = arith.constant 0 : index
    %get3A_409 = arith.constant 44 : index
    %get3A_410 = arith.constant 0 : index
    %get3A_411 = vector.load %arg2[%get3A_408, %get3A_409, %get3A_410] : memref<64x64x512xf32, #tpu.memory_space<vmem>>, vector<64x1x512xf32>
    %get3A_412 = vector.shape_cast %get3A_411 : vector<64x1x512xf32> to vector<64x512xf32>
    %mul3A_413 = vector.broadcast %slice3A_407 : vector<64x1xf32> to vector<64x512xf32>
    %mul3A_414 = arith.mulf %mul3A_413, %get3A_412 : vector<64x512xf32>
    %add3A_415 = arith.addf %add3A_406, %mul3A_414 : vector<64x512xf32>
    %slice3A_416 = vector.extract_strided_slice %slice3A {offsets = [0, 45], sizes = [64, 1], strides = [1, 1]} : vector<64x64xf32> to vector<64x1xf32>
    %get3A_417 = arith.constant 0 : index
    %get3A_418 = arith.constant 45 : index
    %get3A_419 = arith.constant 0 : index
    %get3A_420 = vector.load %arg2[%get3A_417, %get3A_418, %get3A_419] : memref<64x64x512xf32, #tpu.memory_space<vmem>>, vector<64x1x512xf32>
    %get3A_421 = vector.shape_cast %get3A_420 : vector<64x1x512xf32> to vector<64x512xf32>
    %mul3A_422 = vector.broadcast %slice3A_416 : vector<64x1xf32> to vector<64x512xf32>
    %mul3A_423 = arith.mulf %mul3A_422, %get3A_421 : vector<64x512xf32>
    %add3A_424 = arith.addf %add3A_415, %mul3A_423 : vector<64x512xf32>
    %slice3A_425 = vector.extract_strided_slice %slice3A {offsets = [0, 46], sizes = [64, 1], strides = [1, 1]} : vector<64x64xf32> to vector<64x1xf32>
    %get3A_426 = arith.constant 0 : index
    %get3A_427 = arith.constant 46 : index
    %get3A_428 = arith.constant 0 : index
    %get3A_429 = vector.load %arg2[%get3A_426, %get3A_427, %get3A_428] : memref<64x64x512xf32, #tpu.memory_space<vmem>>, vector<64x1x512xf32>
    %get3A_430 = vector.shape_cast %get3A_429 : vector<64x1x512xf32> to vector<64x512xf32>
    %mul3A_431 = vector.broadcast %slice3A_425 : vector<64x1xf32> to vector<64x512xf32>
    %mul3A_432 = arith.mulf %mul3A_431, %get3A_430 : vector<64x512xf32>
    %add3A_433 = arith.addf %add3A_424, %mul3A_432 : vector<64x512xf32>
    %slice3A_434 = vector.extract_strided_slice %slice3A {offsets = [0, 47], sizes = [64, 1], strides = [1, 1]} : vector<64x64xf32> to vector<64x1xf32>
    %get3A_435 = arith.constant 0 : index
    %get3A_436 = arith.constant 47 : index
    %get3A_437 = arith.constant 0 : index
    %get3A_438 = vector.load %arg2[%get3A_435, %get3A_436, %get3A_437] : memref<64x64x512xf32, #tpu.memory_space<vmem>>, vector<64x1x512xf32>
    %get3A_439 = vector.shape_cast %get3A_438 : vector<64x1x512xf32> to vector<64x512xf32>
    %mul3A_440 = vector.broadcast %slice3A_434 : vector<64x1xf32> to vector<64x512xf32>
    %mul3A_441 = arith.mulf %mul3A_440, %get3A_439 : vector<64x512xf32>
    %add3A_442 = arith.addf %add3A_433, %mul3A_441 : vector<64x512xf32>
    %slice3A_443 = vector.extract_strided_slice %slice3A {offsets = [0, 48], sizes = [64, 1], strides = [1, 1]} : vector<64x64xf32> to vector<64x1xf32>
    %get3A_444 = arith.constant 0 : index
    %get3A_445 = arith.constant 48 : index
    %get3A_446 = arith.constant 0 : index
    %get3A_447 = vector.load %arg2[%get3A_444, %get3A_445, %get3A_446] : memref<64x64x512xf32, #tpu.memory_space<vmem>>, vector<64x1x512xf32>
    %get3A_448 = vector.shape_cast %get3A_447 : vector<64x1x512xf32> to vector<64x512xf32>
    %mul3A_449 = vector.broadcast %slice3A_443 : vector<64x1xf32> to vector<64x512xf32>
    %mul3A_450 = arith.mulf %mul3A_449, %get3A_448 : vector<64x512xf32>
    %add3A_451 = arith.addf %add3A_442, %mul3A_450 : vector<64x512xf32>
    %slice3A_452 = vector.extract_strided_slice %slice3A {offsets = [0, 49], sizes = [64, 1], strides = [1, 1]} : vector<64x64xf32> to vector<64x1xf32>
    %get3A_453 = arith.constant 0 : index
    %get3A_454 = arith.constant 49 : index
    %get3A_455 = arith.constant 0 : index
    %get3A_456 = vector.load %arg2[%get3A_453, %get3A_454, %get3A_455] : memref<64x64x512xf32, #tpu.memory_space<vmem>>, vector<64x1x512xf32>
    %get3A_457 = vector.shape_cast %get3A_456 : vector<64x1x512xf32> to vector<64x512xf32>
    %mul3A_458 = vector.broadcast %slice3A_452 : vector<64x1xf32> to vector<64x512xf32>
    %mul3A_459 = arith.mulf %mul3A_458, %get3A_457 : vector<64x512xf32>
    %add3A_460 = arith.addf %add3A_451, %mul3A_459 : vector<64x512xf32>
    %slice3A_461 = vector.extract_strided_slice %slice3A {offsets = [0, 50], sizes = [64, 1], strides = [1, 1]} : vector<64x64xf32> to vector<64x1xf32>
    %get3A_462 = arith.constant 0 : index
    %get3A_463 = arith.constant 50 : index
    %get3A_464 = arith.constant 0 : index
    %get3A_465 = vector.load %arg2[%get3A_462, %get3A_463, %get3A_464] : memref<64x64x512xf32, #tpu.memory_space<vmem>>, vector<64x1x512xf32>
    %get3A_466 = vector.shape_cast %get3A_465 : vector<64x1x512xf32> to vector<64x512xf32>
    %mul3A_467 = vector.broadcast %slice3A_461 : vector<64x1xf32> to vector<64x512xf32>
    %mul3A_468 = arith.mulf %mul3A_467, %get3A_466 : vector<64x512xf32>
    %add3A_469 = arith.addf %add3A_460, %mul3A_468 : vector<64x512xf32>
    %slice3A_470 = vector.extract_strided_slice %slice3A {offsets = [0, 51], sizes = [64, 1], strides = [1, 1]} : vector<64x64xf32> to vector<64x1xf32>
    %get3A_471 = arith.constant 0 : index
    %get3A_472 = arith.constant 51 : index
    %get3A_473 = arith.constant 0 : index
    %get3A_474 = vector.load %arg2[%get3A_471, %get3A_472, %get3A_473] : memref<64x64x512xf32, #tpu.memory_space<vmem>>, vector<64x1x512xf32>
    %get3A_475 = vector.shape_cast %get3A_474 : vector<64x1x512xf32> to vector<64x512xf32>
    %mul3A_476 = vector.broadcast %slice3A_470 : vector<64x1xf32> to vector<64x512xf32>
    %mul3A_477 = arith.mulf %mul3A_476, %get3A_475 : vector<64x512xf32>
    %add3A_478 = arith.addf %add3A_469, %mul3A_477 : vector<64x512xf32>
    %slice3A_479 = vector.extract_strided_slice %slice3A {offsets = [0, 52], sizes = [64, 1], strides = [1, 1]} : vector<64x64xf32> to vector<64x1xf32>
    %get3A_480 = arith.constant 0 : index
    %get3A_481 = arith.constant 52 : index
    %get3A_482 = arith.constant 0 : index
    %get3A_483 = vector.load %arg2[%get3A_480, %get3A_481, %get3A_482] : memref<64x64x512xf32, #tpu.memory_space<vmem>>, vector<64x1x512xf32>
    %get3A_484 = vector.shape_cast %get3A_483 : vector<64x1x512xf32> to vector<64x512xf32>
    %mul3A_485 = vector.broadcast %slice3A_479 : vector<64x1xf32> to vector<64x512xf32>
    %mul3A_486 = arith.mulf %mul3A_485, %get3A_484 : vector<64x512xf32>
    %add3A_487 = arith.addf %add3A_478, %mul3A_486 : vector<64x512xf32>
    %slice3A_488 = vector.extract_strided_slice %slice3A {offsets = [0, 53], sizes = [64, 1], strides = [1, 1]} : vector<64x64xf32> to vector<64x1xf32>
    %get3A_489 = arith.constant 0 : index
    %get3A_490 = arith.constant 53 : index
    %get3A_491 = arith.constant 0 : index
    %get3A_492 = vector.load %arg2[%get3A_489, %get3A_490, %get3A_491] : memref<64x64x512xf32, #tpu.memory_space<vmem>>, vector<64x1x512xf32>
    %get3A_493 = vector.shape_cast %get3A_492 : vector<64x1x512xf32> to vector<64x512xf32>
    %mul3A_494 = vector.broadcast %slice3A_488 : vector<64x1xf32> to vector<64x512xf32>
    %mul3A_495 = arith.mulf %mul3A_494, %get3A_493 : vector<64x512xf32>
    %add3A_496 = arith.addf %add3A_487, %mul3A_495 : vector<64x512xf32>
    %slice3A_497 = vector.extract_strided_slice %slice3A {offsets = [0, 54], sizes = [64, 1], strides = [1, 1]} : vector<64x64xf32> to vector<64x1xf32>
    %get3A_498 = arith.constant 0 : index
    %get3A_499 = arith.constant 54 : index
    %get3A_500 = arith.constant 0 : index
    %get3A_501 = vector.load %arg2[%get3A_498, %get3A_499, %get3A_500] : memref<64x64x512xf32, #tpu.memory_space<vmem>>, vector<64x1x512xf32>
    %get3A_502 = vector.shape_cast %get3A_501 : vector<64x1x512xf32> to vector<64x512xf32>
    %mul3A_503 = vector.broadcast %slice3A_497 : vector<64x1xf32> to vector<64x512xf32>
    %mul3A_504 = arith.mulf %mul3A_503, %get3A_502 : vector<64x512xf32>
    %add3A_505 = arith.addf %add3A_496, %mul3A_504 : vector<64x512xf32>
    %slice3A_506 = vector.extract_strided_slice %slice3A {offsets = [0, 55], sizes = [64, 1], strides = [1, 1]} : vector<64x64xf32> to vector<64x1xf32>
    %get3A_507 = arith.constant 0 : index
    %get3A_508 = arith.constant 55 : index
    %get3A_509 = arith.constant 0 : index
    %get3A_510 = vector.load %arg2[%get3A_507, %get3A_508, %get3A_509] : memref<64x64x512xf32, #tpu.memory_space<vmem>>, vector<64x1x512xf32>
    %get3A_511 = vector.shape_cast %get3A_510 : vector<64x1x512xf32> to vector<64x512xf32>
    %mul3A_512 = vector.broadcast %slice3A_506 : vector<64x1xf32> to vector<64x512xf32>
    %mul3A_513 = arith.mulf %mul3A_512, %get3A_511 : vector<64x512xf32>
    %add3A_514 = arith.addf %add3A_505, %mul3A_513 : vector<64x512xf32>
    %slice3A_515 = vector.extract_strided_slice %slice3A {offsets = [0, 56], sizes = [64, 1], strides = [1, 1]} : vector<64x64xf32> to vector<64x1xf32>
    %get3A_516 = arith.constant 0 : index
    %get3A_517 = arith.constant 56 : index
    %get3A_518 = arith.constant 0 : index
    %get3A_519 = vector.load %arg2[%get3A_516, %get3A_517, %get3A_518] : memref<64x64x512xf32, #tpu.memory_space<vmem>>, vector<64x1x512xf32>
    %get3A_520 = vector.shape_cast %get3A_519 : vector<64x1x512xf32> to vector<64x512xf32>
    %mul3A_521 = vector.broadcast %slice3A_515 : vector<64x1xf32> to vector<64x512xf32>
    %mul3A_522 = arith.mulf %mul3A_521, %get3A_520 : vector<64x512xf32>
    %add3A_523 = arith.addf %add3A_514, %mul3A_522 : vector<64x512xf32>
    %slice3A_524 = vector.extract_strided_slice %slice3A {offsets = [0, 57], sizes = [64, 1], strides = [1, 1]} : vector<64x64xf32> to vector<64x1xf32>
    %get3A_525 = arith.constant 0 : index
    %get3A_526 = arith.constant 57 : index
    %get3A_527 = arith.constant 0 : index
    %get3A_528 = vector.load %arg2[%get3A_525, %get3A_526, %get3A_527] : memref<64x64x512xf32, #tpu.memory_space<vmem>>, vector<64x1x512xf32>
    %get3A_529 = vector.shape_cast %get3A_528 : vector<64x1x512xf32> to vector<64x512xf32>
    %mul3A_530 = vector.broadcast %slice3A_524 : vector<64x1xf32> to vector<64x512xf32>
    %mul3A_531 = arith.mulf %mul3A_530, %get3A_529 : vector<64x512xf32>
    %add3A_532 = arith.addf %add3A_523, %mul3A_531 : vector<64x512xf32>
    %slice3A_533 = vector.extract_strided_slice %slice3A {offsets = [0, 58], sizes = [64, 1], strides = [1, 1]} : vector<64x64xf32> to vector<64x1xf32>
    %get3A_534 = arith.constant 0 : index
    %get3A_535 = arith.constant 58 : index
    %get3A_536 = arith.constant 0 : index
    %get3A_537 = vector.load %arg2[%get3A_534, %get3A_535, %get3A_536] : memref<64x64x512xf32, #tpu.memory_space<vmem>>, vector<64x1x512xf32>
    %get3A_538 = vector.shape_cast %get3A_537 : vector<64x1x512xf32> to vector<64x512xf32>
    %mul3A_539 = vector.broadcast %slice3A_533 : vector<64x1xf32> to vector<64x512xf32>
    %mul3A_540 = arith.mulf %mul3A_539, %get3A_538 : vector<64x512xf32>
    %add3A_541 = arith.addf %add3A_532, %mul3A_540 : vector<64x512xf32>
    %slice3A_542 = vector.extract_strided_slice %slice3A {offsets = [0, 59], sizes = [64, 1], strides = [1, 1]} : vector<64x64xf32> to vector<64x1xf32>
    %get3A_543 = arith.constant 0 : index
    %get3A_544 = arith.constant 59 : index
    %get3A_545 = arith.constant 0 : index
    %get3A_546 = vector.load %arg2[%get3A_543, %get3A_544, %get3A_545] : memref<64x64x512xf32, #tpu.memory_space<vmem>>, vector<64x1x512xf32>
    %get3A_547 = vector.shape_cast %get3A_546 : vector<64x1x512xf32> to vector<64x512xf32>
    %mul3A_548 = vector.broadcast %slice3A_542 : vector<64x1xf32> to vector<64x512xf32>
    %mul3A_549 = arith.mulf %mul3A_548, %get3A_547 : vector<64x512xf32>
    %add3A_550 = arith.addf %add3A_541, %mul3A_549 : vector<64x512xf32>
    %slice3A_551 = vector.extract_strided_slice %slice3A {offsets = [0, 60], sizes = [64, 1], strides = [1, 1]} : vector<64x64xf32> to vector<64x1xf32>
    %get3A_552 = arith.constant 0 : index
    %get3A_553 = arith.constant 60 : index
    %get3A_554 = arith.constant 0 : index
    %get3A_555 = vector.load %arg2[%get3A_552, %get3A_553, %get3A_554] : memref<64x64x512xf32, #tpu.memory_space<vmem>>, vector<64x1x512xf32>
    %get3A_556 = vector.shape_cast %get3A_555 : vector<64x1x512xf32> to vector<64x512xf32>
    %mul3A_557 = vector.broadcast %slice3A_551 : vector<64x1xf32> to vector<64x512xf32>
    %mul3A_558 = arith.mulf %mul3A_557, %get3A_556 : vector<64x512xf32>
    %add3A_559 = arith.addf %add3A_550, %mul3A_558 : vector<64x512xf32>
    %slice3A_560 = vector.extract_strided_slice %slice3A {offsets = [0, 61], sizes = [64, 1], strides = [1, 1]} : vector<64x64xf32> to vector<64x1xf32>
    %get3A_561 = arith.constant 0 : index
    %get3A_562 = arith.constant 61 : index
    %get3A_563 = arith.constant 0 : index
    %get3A_564 = vector.load %arg2[%get3A_561, %get3A_562, %get3A_563] : memref<64x64x512xf32, #tpu.memory_space<vmem>>, vector<64x1x512xf32>
    %get3A_565 = vector.shape_cast %get3A_564 : vector<64x1x512xf32> to vector<64x512xf32>
    %mul3A_566 = vector.broadcast %slice3A_560 : vector<64x1xf32> to vector<64x512xf32>
    %mul3A_567 = arith.mulf %mul3A_566, %get3A_565 : vector<64x512xf32>
    %add3A_568 = arith.addf %add3A_559, %mul3A_567 : vector<64x512xf32>
    %slice3A_569 = vector.extract_strided_slice %slice3A {offsets = [0, 62], sizes = [64, 1], strides = [1, 1]} : vector<64x64xf32> to vector<64x1xf32>
    %get3A_570 = arith.constant 0 : index
    %get3A_571 = arith.constant 62 : index
    %get3A_572 = arith.constant 0 : index
    %get3A_573 = vector.load %arg2[%get3A_570, %get3A_571, %get3A_572] : memref<64x64x512xf32, #tpu.memory_space<vmem>>, vector<64x1x512xf32>
    %get3A_574 = vector.shape_cast %get3A_573 : vector<64x1x512xf32> to vector<64x512xf32>
    %mul3A_575 = vector.broadcast %slice3A_569 : vector<64x1xf32> to vector<64x512xf32>
    %mul3A_576 = arith.mulf %mul3A_575, %get3A_574 : vector<64x512xf32>
    %add3A_577 = arith.addf %add3A_568, %mul3A_576 : vector<64x512xf32>
    %slice3A_578 = vector.extract_strided_slice %slice3A {offsets = [0, 63], sizes = [64, 1], strides = [1, 1]} : vector<64x64xf32> to vector<64x1xf32>
    %get3A_579 = arith.constant 0 : index
    %get3A_580 = arith.constant 63 : index
    %get3A_581 = arith.constant 0 : index
    %get3A_582 = vector.load %arg2[%get3A_579, %get3A_580, %get3A_581] : memref<64x64x512xf32, #tpu.memory_space<vmem>>, vector<64x1x512xf32>
    %get3A_583 = vector.shape_cast %get3A_582 : vector<64x1x512xf32> to vector<64x512xf32>
    %mul3A_584 = vector.broadcast %slice3A_578 : vector<64x1xf32> to vector<64x512xf32>
    %mul3A_585 = arith.mulf %mul3A_584, %get3A_583 : vector<64x512xf32>
    %add3A_586 = arith.addf %add3A_577, %mul3A_585 : vector<64x512xf32>
    %ge3A = arith.constant 0.000000e+00 : f32
    %ge3A_587 = vector.broadcast %ge3A : f32 to vector<64x512xf32>
    %ge3A_588 = arith.cmpf oge, %add3A_586, %ge3A_587 : vector<64x512xf32>
    %mul3A_589 = arith.constant 2.000000e-01 : f32
    %mul3A_590 = vector.broadcast %mul3A_589 : f32 to vector<64x512xf32>
    %mul3A_591 = arith.mulf %mul3A_590, %add3A_586 : vector<64x512xf32>
    %select_n3A = arith.select %ge3A_588, %add3A_586, %mul3A_591 : vector<64x512xi1>, vector<64x512xf32>
    %dot_general3A_592 = arith.constant dense<0.000000e+00> : vector<64x3xf32>
    %dot_general3A_593 = tpu.matmul %slice3A, %get3A_8, %dot_general3A_592 {dimension_numbers = #tpu.dot_dimension_numbers<[1], [0], [0], [1], [0, 0, 1, 1], [], []>, transpose_lhs_hint = false} : vector<64x64xf32>, vector<64x3xf32>, vector<64x3xf32> -> vector<64x3xf32>
    %slice3A_594 = vector.extract_strided_slice %select_n3A {offsets = [0, 0], sizes = [64, 64], strides = [1, 1]} : vector<64x512xf32> to vector<64x64xf32>
    %dot_general3A_595 = arith.constant dense<0.000000e+00> : vector<64x3xf32>
    %dot_general3A_596 = tpu.matmul %slice3A_594, %dot_general3A_5, %dot_general3A_595 {dimension_numbers = #tpu.dot_dimension_numbers<[1], [0], [0], [1], [0, 0, 1, 1], [], []>, transpose_lhs_hint = false} : vector<64x64xf32>, vector<64x3xf32>, vector<64x3xf32> -> vector<64x3xf32>
    %add3A_597 = arith.addf %dot_general3A_596, %dot_general3A_593 : vector<64x3xf32>
    %swap3A = arith.constant 0 : index
    %swap3A_598 = arith.constant 0 : index
    %swap3A_599 = arith.constant 0 : index
    %swap3A_600 = arith.constant 0 : index
    %swap3A_601 = vector.load %arg6[%swap3A, %swap3A_598, %swap3A_599, %swap3A_600] : memref<2x64x8x3xf32, #tpu.memory_space<vmem>>, vector<1x64x1x3xf32>
    %swap3A_602 = vector.shape_cast %swap3A_601 : vector<1x64x1x3xf32> to vector<64x3xf32>
    %swap3A_603 = vector.shape_cast %add3A_597 : vector<64x3xf32> to vector<1x64x1x3xf32>
    tpu.vector_store %arg6[%swap3A, %swap3A_598, %swap3A_599, %swap3A_600], %swap3A_603 {strides = array<i32>} : memref<2x64x8x3xf32, #tpu.memory_space<vmem>>, vector<1x64x1x3xf32>,
    %slice3A_604 = vector.extract_strided_slice %select_n3A {offsets = [0, 64], sizes = [64, 64], strides = [1, 1]} : vector<64x512xf32> to vector<64x64xf32>
    %dot_general3A_605 = arith.constant dense<0.000000e+00> : vector<64x3xf32>
    %dot_general3A_606 = tpu.matmul %slice3A_604, %dot_general3A_5, %dot_general3A_605 {dimension_numbers = #tpu.dot_dimension_numbers<[1], [0], [0], [1], [0, 0, 1, 1], [], []>, transpose_lhs_hint = false} : vector<64x64xf32>, vector<64x3xf32>, vector<64x3xf32> -> vector<64x3xf32>
    %add3A_607 = arith.addf %dot_general3A_606, %dot_general3A_593 : vector<64x3xf32>
    %swap3A_608 = arith.constant 0 : index
    %swap3A_609 = arith.constant 0 : index
    %swap3A_610 = arith.constant 1 : index
    %swap3A_611 = arith.constant 0 : index
    %swap3A_612 = vector.load %arg6[%swap3A_608, %swap3A_609, %swap3A_610, %swap3A_611] : memref<2x64x8x3xf32, #tpu.memory_space<vmem>>, vector<1x64x1x3xf32>
    %swap3A_613 = vector.shape_cast %swap3A_612 : vector<1x64x1x3xf32> to vector<64x3xf32>
    %swap3A_614 = vector.shape_cast %add3A_607 : vector<64x3xf32> to vector<1x64x1x3xf32>
    tpu.vector_store %arg6[%swap3A_608, %swap3A_609, %swap3A_610, %swap3A_611], %swap3A_614 {strides = array<i32>} : memref<2x64x8x3xf32, #tpu.memory_space<vmem>>, vector<1x64x1x3xf32>,
    %slice3A_615 = vector.extract_strided_slice %select_n3A {offsets = [0, 128], sizes = [64, 64], strides = [1, 1]} : vector<64x512xf32> to vector<64x64xf32>
    %dot_general3A_616 = arith.constant dense<0.000000e+00> : vector<64x3xf32>
    %dot_general3A_617 = tpu.matmul %slice3A_615, %dot_general3A_5, %dot_general3A_616 {dimension_numbers = #tpu.dot_dimension_numbers<[1], [0], [0], [1], [0, 0, 1, 1], [], []>, transpose_lhs_hint = false} : vector<64x64xf32>, vector<64x3xf32>, vector<64x3xf32> -> vector<64x3xf32>
    %add3A_618 = arith.addf %dot_general3A_617, %dot_general3A_593 : vector<64x3xf32>
    %swap3A_619 = arith.constant 0 : index
    %swap3A_620 = arith.constant 0 : index
    %swap3A_621 = arith.constant 2 : index
    %swap3A_622 = arith.constant 0 : index
    %swap3A_623 = vector.load %arg6[%swap3A_619, %swap3A_620, %swap3A_621, %swap3A_622] : memref<2x64x8x3xf32, #tpu.memory_space<vmem>>, vector<1x64x1x3xf32>
    %swap3A_624 = vector.shape_cast %swap3A_623 : vector<1x64x1x3xf32> to vector<64x3xf32>
    %swap3A_625 = vector.shape_cast %add3A_618 : vector<64x3xf32> to vector<1x64x1x3xf32>
    tpu.vector_store %arg6[%swap3A_619, %swap3A_620, %swap3A_621, %swap3A_622], %swap3A_625 {strides = array<i32>} : memref<2x64x8x3xf32, #tpu.memory_space<vmem>>, vector<1x64x1x3xf32>,
    %slice3A_626 = vector.extract_strided_slice %select_n3A {offsets = [0, 192], sizes = [64, 64], strides = [1, 1]} : vector<64x512xf32> to vector<64x64xf32>
    %dot_general3A_627 = arith.constant dense<0.000000e+00> : vector<64x3xf32>
    %dot_general3A_628 = tpu.matmul %slice3A_626, %dot_general3A_5, %dot_general3A_627 {dimension_numbers = #tpu.dot_dimension_numbers<[1], [0], [0], [1], [0, 0, 1, 1], [], []>, transpose_lhs_hint = false} : vector<64x64xf32>, vector<64x3xf32>, vector<64x3xf32> -> vector<64x3xf32>
    %add3A_629 = arith.addf %dot_general3A_628, %dot_general3A_593 : vector<64x3xf32>
    %swap3A_630 = arith.constant 0 : index
    %swap3A_631 = arith.constant 0 : index
    %swap3A_632 = arith.constant 3 : index
    %swap3A_633 = arith.constant 0 : index
    %swap3A_634 = vector.load %arg6[%swap3A_630, %swap3A_631, %swap3A_632, %swap3A_633] : memref<2x64x8x3xf32, #tpu.memory_space<vmem>>, vector<1x64x1x3xf32>
    %swap3A_635 = vector.shape_cast %swap3A_634 : vector<1x64x1x3xf32> to vector<64x3xf32>
    %swap3A_636 = vector.shape_cast %add3A_629 : vector<64x3xf32> to vector<1x64x1x3xf32>
    tpu.vector_store %arg6[%swap3A_630, %swap3A_631, %swap3A_632, %swap3A_633], %swap3A_636 {strides = array<i32>} : memref<2x64x8x3xf32, #tpu.memory_space<vmem>>, vector<1x64x1x3xf32>,
    %slice3A_637 = vector.extract_strided_slice %select_n3A {offsets = [0, 256], sizes = [64, 64], strides = [1, 1]} : vector<64x512xf32> to vector<64x64xf32>
    %dot_general3A_638 = arith.constant dense<0.000000e+00> : vector<64x3xf32>
    %dot_general3A_639 = tpu.matmul %slice3A_637, %dot_general3A_5, %dot_general3A_638 {dimension_numbers = #tpu.dot_dimension_numbers<[1], [0], [0], [1], [0, 0, 1, 1], [], []>, transpose_lhs_hint = false} : vector<64x64xf32>, vector<64x3xf32>, vector<64x3xf32> -> vector<64x3xf32>
    %add3A_640 = arith.addf %dot_general3A_639, %dot_general3A_593 : vector<64x3xf32>
    %swap3A_641 = arith.constant 0 : index
    %swap3A_642 = arith.constant 0 : index
    %swap3A_643 = arith.constant 4 : index
    %swap3A_644 = arith.constant 0 : index
    %swap3A_645 = vector.load %arg6[%swap3A_641, %swap3A_642, %swap3A_643, %swap3A_644] : memref<2x64x8x3xf32, #tpu.memory_space<vmem>>, vector<1x64x1x3xf32>
    %swap3A_646 = vector.shape_cast %swap3A_645 : vector<1x64x1x3xf32> to vector<64x3xf32>
    %swap3A_647 = vector.shape_cast %add3A_640 : vector<64x3xf32> to vector<1x64x1x3xf32>
    tpu.vector_store %arg6[%swap3A_641, %swap3A_642, %swap3A_643, %swap3A_644], %swap3A_647 {strides = array<i32>} : memref<2x64x8x3xf32, #tpu.memory_space<vmem>>, vector<1x64x1x3xf32>,
    %slice3A_648 = vector.extract_strided_slice %select_n3A {offsets = [0, 320], sizes = [64, 64], strides = [1, 1]} : vector<64x512xf32> to vector<64x64xf32>
    %dot_general3A_649 = arith.constant dense<0.000000e+00> : vector<64x3xf32>
    %dot_general3A_650 = tpu.matmul %slice3A_648, %dot_general3A_5, %dot_general3A_649 {dimension_numbers = #tpu.dot_dimension_numbers<[1], [0], [0], [1], [0, 0, 1, 1], [], []>, transpose_lhs_hint = false} : vector<64x64xf32>, vector<64x3xf32>, vector<64x3xf32> -> vector<64x3xf32>
    %add3A_651 = arith.addf %dot_general3A_650, %dot_general3A_593 : vector<64x3xf32>
    %swap3A_652 = arith.constant 0 : index
    %swap3A_653 = arith.constant 0 : index
    %swap3A_654 = arith.constant 5 : index
    %swap3A_655 = arith.constant 0 : index
    %swap3A_656 = vector.load %arg6[%swap3A_652, %swap3A_653, %swap3A_654, %swap3A_655] : memref<2x64x8x3xf32, #tpu.memory_space<vmem>>, vector<1x64x1x3xf32>
    %swap3A_657 = vector.shape_cast %swap3A_656 : vector<1x64x1x3xf32> to vector<64x3xf32>
    %swap3A_658 = vector.shape_cast %add3A_651 : vector<64x3xf32> to vector<1x64x1x3xf32>
    tpu.vector_store %arg6[%swap3A_652, %swap3A_653, %swap3A_654, %swap3A_655], %swap3A_658 {strides = array<i32>} : memref<2x64x8x3xf32, #tpu.memory_space<vmem>>, vector<1x64x1x3xf32>,
    %slice3A_659 = vector.extract_strided_slice %select_n3A {offsets = [0, 384], sizes = [64, 64], strides = [1, 1]} : vector<64x512xf32> to vector<64x64xf32>
    %dot_general3A_660 = arith.constant dense<0.000000e+00> : vector<64x3xf32>
    %dot_general3A_661 = tpu.matmul %slice3A_659, %dot_general3A_5, %dot_general3A_660 {dimension_numbers = #tpu.dot_dimension_numbers<[1], [0], [0], [1], [0, 0, 1, 1], [], []>, transpose_lhs_hint = false} : vector<64x64xf32>, vector<64x3xf32>, vector<64x3xf32> -> vector<64x3xf32>
    %add3A_662 = arith.addf %dot_general3A_661, %dot_general3A_593 : vector<64x3xf32>
    %swap3A_663 = arith.constant 0 : index
    %swap3A_664 = arith.constant 0 : index
    %swap3A_665 = arith.constant 6 : index
    %swap3A_666 = arith.constant 0 : index
    %swap3A_667 = vector.load %arg6[%swap3A_663, %swap3A_664, %swap3A_665, %swap3A_666] : memref<2x64x8x3xf32, #tpu.memory_space<vmem>>, vector<1x64x1x3xf32>
    %swap3A_668 = vector.shape_cast %swap3A_667 : vector<1x64x1x3xf32> to vector<64x3xf32>
    %swap3A_669 = vector.shape_cast %add3A_662 : vector<64x3xf32> to vector<1x64x1x3xf32>
    tpu.vector_store %arg6[%swap3A_663, %swap3A_664, %swap3A_665, %swap3A_666], %swap3A_669 {strides = array<i32>} : memref<2x64x8x3xf32, #tpu.memory_space<vmem>>, vector<1x64x1x3xf32>,
    %slice3A_670 = vector.extract_strided_slice %select_n3A {offsets = [0, 448], sizes = [64, 64], strides = [1, 1]} : vector<64x512xf32> to vector<64x64xf32>
    %dot_general3A_671 = arith.constant dense<0.000000e+00> : vector<64x3xf32>
    %dot_general3A_672 = tpu.matmul %slice3A_670, %dot_general3A_5, %dot_general3A_671 {dimension_numbers = #tpu.dot_dimension_numbers<[1], [0], [0], [1], [0, 0, 1, 1], [], []>, transpose_lhs_hint = false} : vector<64x64xf32>, vector<64x3xf32>, vector<64x3xf32> -> vector<64x3xf32>
    %add3A_673 = arith.addf %dot_general3A_672, %dot_general3A_593 : vector<64x3xf32>
    %swap3A_674 = arith.constant 0 : index
    %swap3A_675 = arith.constant 0 : index
    %swap3A_676 = arith.constant 7 : index
    %swap3A_677 = arith.constant 0 : index
    %swap3A_678 = vector.load %arg6[%swap3A_674, %swap3A_675, %swap3A_676, %swap3A_677] : memref<2x64x8x3xf32, #tpu.memory_space<vmem>>, vector<1x64x1x3xf32>
    %swap3A_679 = vector.shape_cast %swap3A_678 : vector<1x64x1x3xf32> to vector<64x3xf32>
    %swap3A_680 = vector.shape_cast %add3A_673 : vector<64x3xf32> to vector<1x64x1x3xf32>
    tpu.vector_store %arg6[%swap3A_674, %swap3A_675, %swap3A_676, %swap3A_677], %swap3A_680 {strides = array<i32>} : memref<2x64x8x3xf32, #tpu.memory_space<vmem>>, vector<1x64x1x3xf32>,
    %get3A_681 = arith.constant 1 : index
    %get3A_682 = arith.constant 0 : index
    %get3A_683 = arith.constant 0 : index
    %get3A_684 = vector.load %arg1[%get3A_681, %get3A_682, %get3A_683] : memref<2x64x128xf32, #tpu.memory_space<vmem>>, vector<1x64x128xf32>
    %get3A_685 = vector.shape_cast %get3A_684 : vector<1x64x128xf32> to vector<64x128xf32>
    %slice3A_686 = vector.extract_strided_slice %get3A_685 {offsets = [0, 0], sizes = [64, 64], strides = [1, 1]} : vector<64x128xf32> to vector<64x64xf32>
    %slice3A_687 = vector.extract_strided_slice %slice3A_686 {offsets = [0, 0], sizes = [64, 1], strides = [1, 1]} : vector<64x64xf32> to vector<64x1xf32>
    %get3A_688 = arith.constant 0 : index
    %get3A_689 = arith.constant 0 : index
    %get3A_690 = arith.constant 0 : index
    %get3A_691 = vector.load %arg2[%get3A_688, %get3A_689, %get3A_690] : memref<64x64x512xf32, #tpu.memory_space<vmem>>, vector<64x1x512xf32>
    %get3A_692 = vector.shape_cast %get3A_691 : vector<64x1x512xf32> to vector<64x512xf32>
    %mul3A_693 = vector.broadcast %slice3A_687 : vector<64x1xf32> to vector<64x512xf32>
    %mul3A_694 = arith.mulf %mul3A_693, %get3A_692 : vector<64x512xf32>
    %slice3A_695 = vector.extract_strided_slice %slice3A_686 {offsets = [0, 1], sizes = [64, 1], strides = [1, 1]} : vector<64x64xf32> to vector<64x1xf32>
    %get3A_696 = arith.constant 0 : index
    %get3A_697 = arith.constant 1 : index
    %get3A_698 = arith.constant 0 : index
    %get3A_699 = vector.load %arg2[%get3A_696, %get3A_697, %get3A_698] : memref<64x64x512xf32, #tpu.memory_space<vmem>>, vector<64x1x512xf32>
    %get3A_700 = vector.shape_cast %get3A_699 : vector<64x1x512xf32> to vector<64x512xf32>
    %mul3A_701 = vector.broadcast %slice3A_695 : vector<64x1xf32> to vector<64x512xf32>
    %mul3A_702 = arith.mulf %mul3A_701, %get3A_700 : vector<64x512xf32>
    %add3A_703 = arith.addf %mul3A_694, %mul3A_702 : vector<64x512xf32>
    %slice3A_704 = vector.extract_strided_slice %slice3A_686 {offsets = [0, 2], sizes = [64, 1], strides = [1, 1]} : vector<64x64xf32> to vector<64x1xf32>
    %get3A_705 = arith.constant 0 : index
    %get3A_706 = arith.constant 2 : index
    %get3A_707 = arith.constant 0 : index
    %get3A_708 = vector.load %arg2[%get3A_705, %get3A_706, %get3A_707] : memref<64x64x512xf32, #tpu.memory_space<vmem>>, vector<64x1x512xf32>
    %get3A_709 = vector.shape_cast %get3A_708 : vector<64x1x512xf32> to vector<64x512xf32>
    %mul3A_710 = vector.broadcast %slice3A_704 : vector<64x1xf32> to vector<64x512xf32>
    %mul3A_711 = arith.mulf %mul3A_710, %get3A_709 : vector<64x512xf32>
    %add3A_712 = arith.addf %add3A_703, %mul3A_711 : vector<64x512xf32>
    %slice3A_713 = vector.extract_strided_slice %slice3A_686 {offsets = [0, 3], sizes = [64, 1], strides = [1, 1]} : vector<64x64xf32> to vector<64x1xf32>
    %get3A_714 = arith.constant 0 : index
    %get3A_715 = arith.constant 3 : index
    %get3A_716 = arith.constant 0 : index
    %get3A_717 = vector.load %arg2[%get3A_714, %get3A_715, %get3A_716] : memref<64x64x512xf32, #tpu.memory_space<vmem>>, vector<64x1x512xf32>
    %get3A_718 = vector.shape_cast %get3A_717 : vector<64x1x512xf32> to vector<64x512xf32>
    %mul3A_719 = vector.broadcast %slice3A_713 : vector<64x1xf32> to vector<64x512xf32>
    %mul3A_720 = arith.mulf %mul3A_719, %get3A_718 : vector<64x512xf32>
    %add3A_721 = arith.addf %add3A_712, %mul3A_720 : vector<64x512xf32>
    %slice3A_722 = vector.extract_strided_slice %slice3A_686 {offsets = [0, 4], sizes = [64, 1], strides = [1, 1]} : vector<64x64xf32> to vector<64x1xf32>
    %get3A_723 = arith.constant 0 : index
    %get3A_724 = arith.constant 4 : index
    %get3A_725 = arith.constant 0 : index
    %get3A_726 = vector.load %arg2[%get3A_723, %get3A_724, %get3A_725] : memref<64x64x512xf32, #tpu.memory_space<vmem>>, vector<64x1x512xf32>
    %get3A_727 = vector.shape_cast %get3A_726 : vector<64x1x512xf32> to vector<64x512xf32>
    %mul3A_728 = vector.broadcast %slice3A_722 : vector<64x1xf32> to vector<64x512xf32>
    %mul3A_729 = arith.mulf %mul3A_728, %get3A_727 : vector<64x512xf32>
    %add3A_730 = arith.addf %add3A_721, %mul3A_729 : vector<64x512xf32>
    %slice3A_731 = vector.extract_strided_slice %slice3A_686 {offsets = [0, 5], sizes = [64, 1], strides = [1, 1]} : vector<64x64xf32> to vector<64x1xf32>
    %get3A_732 = arith.constant 0 : index
    %get3A_733 = arith.constant 5 : index
    %get3A_734 = arith.constant 0 : index
    %get3A_735 = vector.load %arg2[%get3A_732, %get3A_733, %get3A_734] : memref<64x64x512xf32, #tpu.memory_space<vmem>>, vector<64x1x512xf32>
    %get3A_736 = vector.shape_cast %get3A_735 : vector<64x1x512xf32> to vector<64x512xf32>
    %mul3A_737 = vector.broadcast %slice3A_731 : vector<64x1xf32> to vector<64x512xf32>
    %mul3A_738 = arith.mulf %mul3A_737, %get3A_736 : vector<64x512xf32>
    %add3A_739 = arith.addf %add3A_730, %mul3A_738 : vector<64x512xf32>
    %slice3A_740 = vector.extract_strided_slice %slice3A_686 {offsets = [0, 6], sizes = [64, 1], strides = [1, 1]} : vector<64x64xf32> to vector<64x1xf32>
    %get3A_741 = arith.constant 0 : index
    %get3A_742 = arith.constant 6 : index
    %get3A_743 = arith.constant 0 : index
    %get3A_744 = vector.load %arg2[%get3A_741, %get3A_742, %get3A_743] : memref<64x64x512xf32, #tpu.memory_space<vmem>>, vector<64x1x512xf32>
    %get3A_745 = vector.shape_cast %get3A_744 : vector<64x1x512xf32> to vector<64x512xf32>
    %mul3A_746 = vector.broadcast %slice3A_740 : vector<64x1xf32> to vector<64x512xf32>
    %mul3A_747 = arith.mulf %mul3A_746, %get3A_745 : vector<64x512xf32>
    %add3A_748 = arith.addf %add3A_739, %mul3A_747 : vector<64x512xf32>
    %slice3A_749 = vector.extract_strided_slice %slice3A_686 {offsets = [0, 7], sizes = [64, 1], strides = [1, 1]} : vector<64x64xf32> to vector<64x1xf32>
    %get3A_750 = arith.constant 0 : index
    %get3A_751 = arith.constant 7 : index
    %get3A_752 = arith.constant 0 : index
    %get3A_753 = vector.load %arg2[%get3A_750, %get3A_751, %get3A_752] : memref<64x64x512xf32, #tpu.memory_space<vmem>>, vector<64x1x512xf32>
    %get3A_754 = vector.shape_cast %get3A_753 : vector<64x1x512xf32> to vector<64x512xf32>
    %mul3A_755 = vector.broadcast %slice3A_749 : vector<64x1xf32> to vector<64x512xf32>
    %mul3A_756 = arith.mulf %mul3A_755, %get3A_754 : vector<64x512xf32>
    %add3A_757 = arith.addf %add3A_748, %mul3A_756 : vector<64x512xf32>
    %slice3A_758 = vector.extract_strided_slice %slice3A_686 {offsets = [0, 8], sizes = [64, 1], strides = [1, 1]} : vector<64x64xf32> to vector<64x1xf32>
    %get3A_759 = arith.constant 0 : index
    %get3A_760 = arith.constant 8 : index
    %get3A_761 = arith.constant 0 : index
    %get3A_762 = vector.load %arg2[%get3A_759, %get3A_760, %get3A_761] : memref<64x64x512xf32, #tpu.memory_space<vmem>>, vector<64x1x512xf32>
    %get3A_763 = vector.shape_cast %get3A_762 : vector<64x1x512xf32> to vector<64x512xf32>
    %mul3A_764 = vector.broadcast %slice3A_758 : vector<64x1xf32> to vector<64x512xf32>
    %mul3A_765 = arith.mulf %mul3A_764, %get3A_763 : vector<64x512xf32>
    %add3A_766 = arith.addf %add3A_757, %mul3A_765 : vector<64x512xf32>
    %slice3A_767 = vector.extract_strided_slice %slice3A_686 {offsets = [0, 9], sizes = [64, 1], strides = [1, 1]} : vector<64x64xf32> to vector<64x1xf32>
    %get3A_768 = arith.constant 0 : index
    %get3A_769 = arith.constant 9 : index
    %get3A_770 = arith.constant 0 : index
    %get3A_771 = vector.load %arg2[%get3A_768, %get3A_769, %get3A_770] : memref<64x64x512xf32, #tpu.memory_space<vmem>>, vector<64x1x512xf32>
    %get3A_772 = vector.shape_cast %get3A_771 : vector<64x1x512xf32> to vector<64x512xf32>
    %mul3A_773 = vector.broadcast %slice3A_767 : vector<64x1xf32> to vector<64x512xf32>
    %mul3A_774 = arith.mulf %mul3A_773, %get3A_772 : vector<64x512xf32>
    %add3A_775 = arith.addf %add3A_766, %mul3A_774 : vector<64x512xf32>
    %slice3A_776 = vector.extract_strided_slice %slice3A_686 {offsets = [0, 10], sizes = [64, 1], strides = [1, 1]} : vector<64x64xf32> to vector<64x1xf32>
    %get3A_777 = arith.constant 0 : index
    %get3A_778 = arith.constant 10 : index
    %get3A_779 = arith.constant 0 : index
    %get3A_780 = vector.load %arg2[%get3A_777, %get3A_778, %get3A_779] : memref<64x64x512xf32, #tpu.memory_space<vmem>>, vector<64x1x512xf32>
    %get3A_781 = vector.shape_cast %get3A_780 : vector<64x1x512xf32> to vector<64x512xf32>
    %mul3A_782 = vector.broadcast %slice3A_776 : vector<64x1xf32> to vector<64x512xf32>
    %mul3A_783 = arith.mulf %mul3A_782, %get3A_781 : vector<64x512xf32>
    %add3A_784 = arith.addf %add3A_775, %mul3A_783 : vector<64x512xf32>
    %slice3A_785 = vector.extract_strided_slice %slice3A_686 {offsets = [0, 11], sizes = [64, 1], strides = [1, 1]} : vector<64x64xf32> to vector<64x1xf32>
    %get3A_786 = arith.constant 0 : index
    %get3A_787 = arith.constant 11 : index
    %get3A_788 = arith.constant 0 : index
    %get3A_789 = vector.load %arg2[%get3A_786, %get3A_787, %get3A_788] : memref<64x64x512xf32, #tpu.memory_space<vmem>>, vector<64x1x512xf32>
    %get3A_790 = vector.shape_cast %get3A_789 : vector<64x1x512xf32> to vector<64x512xf32>
    %mul3A_791 = vector.broadcast %slice3A_785 : vector<64x1xf32> to vector<64x512xf32>
    %mul3A_792 = arith.mulf %mul3A_791, %get3A_790 : vector<64x512xf32>
    %add3A_793 = arith.addf %add3A_784, %mul3A_792 : vector<64x512xf32>
    %slice3A_794 = vector.extract_strided_slice %slice3A_686 {offsets = [0, 12], sizes = [64, 1], strides = [1, 1]} : vector<64x64xf32> to vector<64x1xf32>
    %get3A_795 = arith.constant 0 : index
    %get3A_796 = arith.constant 12 : index
    %get3A_797 = arith.constant 0 : index
    %get3A_798 = vector.load %arg2[%get3A_795, %get3A_796, %get3A_797] : memref<64x64x512xf32, #tpu.memory_space<vmem>>, vector<64x1x512xf32>
    %get3A_799 = vector.shape_cast %get3A_798 : vector<64x1x512xf32> to vector<64x512xf32>
    %mul3A_800 = vector.broadcast %slice3A_794 : vector<64x1xf32> to vector<64x512xf32>
    %mul3A_801 = arith.mulf %mul3A_800, %get3A_799 : vector<64x512xf32>
    %add3A_802 = arith.addf %add3A_793, %mul3A_801 : vector<64x512xf32>
    %slice3A_803 = vector.extract_strided_slice %slice3A_686 {offsets = [0, 13], sizes = [64, 1], strides = [1, 1]} : vector<64x64xf32> to vector<64x1xf32>
    %get3A_804 = arith.constant 0 : index
    %get3A_805 = arith.constant 13 : index
    %get3A_806 = arith.constant 0 : index
    %get3A_807 = vector.load %arg2[%get3A_804, %get3A_805, %get3A_806] : memref<64x64x512xf32, #tpu.memory_space<vmem>>, vector<64x1x512xf32>
    %get3A_808 = vector.shape_cast %get3A_807 : vector<64x1x512xf32> to vector<64x512xf32>
    %mul3A_809 = vector.broadcast %slice3A_803 : vector<64x1xf32> to vector<64x512xf32>
    %mul3A_810 = arith.mulf %mul3A_809, %get3A_808 : vector<64x512xf32>
    %add3A_811 = arith.addf %add3A_802, %mul3A_810 : vector<64x512xf32>
    %slice3A_812 = vector.extract_strided_slice %slice3A_686 {offsets = [0, 14], sizes = [64, 1], strides = [1, 1]} : vector<64x64xf32> to vector<64x1xf32>
    %get3A_813 = arith.constant 0 : index
    %get3A_814 = arith.constant 14 : index
    %get3A_815 = arith.constant 0 : index
    %get3A_816 = vector.load %arg2[%get3A_813, %get3A_814, %get3A_815] : memref<64x64x512xf32, #tpu.memory_space<vmem>>, vector<64x1x512xf32>
    %get3A_817 = vector.shape_cast %get3A_816 : vector<64x1x512xf32> to vector<64x512xf32>
    %mul3A_818 = vector.broadcast %slice3A_812 : vector<64x1xf32> to vector<64x512xf32>
    %mul3A_819 = arith.mulf %mul3A_818, %get3A_817 : vector<64x512xf32>
    %add3A_820 = arith.addf %add3A_811, %mul3A_819 : vector<64x512xf32>
    %slice3A_821 = vector.extract_strided_slice %slice3A_686 {offsets = [0, 15], sizes = [64, 1], strides = [1, 1]} : vector<64x64xf32> to vector<64x1xf32>
    %get3A_822 = arith.constant 0 : index
    %get3A_823 = arith.constant 15 : index
    %get3A_824 = arith.constant 0 : index
    %get3A_825 = vector.load %arg2[%get3A_822, %get3A_823, %get3A_824] : memref<64x64x512xf32, #tpu.memory_space<vmem>>, vector<64x1x512xf32>
    %get3A_826 = vector.shape_cast %get3A_825 : vector<64x1x512xf32> to vector<64x512xf32>
    %mul3A_827 = vector.broadcast %slice3A_821 : vector<64x1xf32> to vector<64x512xf32>
    %mul3A_828 = arith.mulf %mul3A_827, %get3A_826 : vector<64x512xf32>
    %add3A_829 = arith.addf %add3A_820, %mul3A_828 : vector<64x512xf32>
    %slice3A_830 = vector.extract_strided_slice %slice3A_686 {offsets = [0, 16], sizes = [64, 1], strides = [1, 1]} : vector<64x64xf32> to vector<64x1xf32>
    %get3A_831 = arith.constant 0 : index
    %get3A_832 = arith.constant 16 : index
    %get3A_833 = arith.constant 0 : index
    %get3A_834 = vector.load %arg2[%get3A_831, %get3A_832, %get3A_833] : memref<64x64x512xf32, #tpu.memory_space<vmem>>, vector<64x1x512xf32>
    %get3A_835 = vector.shape_cast %get3A_834 : vector<64x1x512xf32> to vector<64x512xf32>
    %mul3A_836 = vector.broadcast %slice3A_830 : vector<64x1xf32> to vector<64x512xf32>
    %mul3A_837 = arith.mulf %mul3A_836, %get3A_835 : vector<64x512xf32>
    %add3A_838 = arith.addf %add3A_829, %mul3A_837 : vector<64x512xf32>
    %slice3A_839 = vector.extract_strided_slice %slice3A_686 {offsets = [0, 17], sizes = [64, 1], strides = [1, 1]} : vector<64x64xf32> to vector<64x1xf32>
    %get3A_840 = arith.constant 0 : index
    %get3A_841 = arith.constant 17 : index
    %get3A_842 = arith.constant 0 : index
    %get3A_843 = vector.load %arg2[%get3A_840, %get3A_841, %get3A_842] : memref<64x64x512xf32, #tpu.memory_space<vmem>>, vector<64x1x512xf32>
    %get3A_844 = vector.shape_cast %get3A_843 : vector<64x1x512xf32> to vector<64x512xf32>
    %mul3A_845 = vector.broadcast %slice3A_839 : vector<64x1xf32> to vector<64x512xf32>
    %mul3A_846 = arith.mulf %mul3A_845, %get3A_844 : vector<64x512xf32>
    %add3A_847 = arith.addf %add3A_838, %mul3A_846 : vector<64x512xf32>
    %slice3A_848 = vector.extract_strided_slice %slice3A_686 {offsets = [0, 18], sizes = [64, 1], strides = [1, 1]} : vector<64x64xf32> to vector<64x1xf32>
    %get3A_849 = arith.constant 0 : index
    %get3A_850 = arith.constant 18 : index
    %get3A_851 = arith.constant 0 : index
    %get3A_852 = vector.load %arg2[%get3A_849, %get3A_850, %get3A_851] : memref<64x64x512xf32, #tpu.memory_space<vmem>>, vector<64x1x512xf32>
    %get3A_853 = vector.shape_cast %get3A_852 : vector<64x1x512xf32> to vector<64x512xf32>
    %mul3A_854 = vector.broadcast %slice3A_848 : vector<64x1xf32> to vector<64x512xf32>
    %mul3A_855 = arith.mulf %mul3A_854, %get3A_853 : vector<64x512xf32>
    %add3A_856 = arith.addf %add3A_847, %mul3A_855 : vector<64x512xf32>
    %slice3A_857 = vector.extract_strided_slice %slice3A_686 {offsets = [0, 19], sizes = [64, 1], strides = [1, 1]} : vector<64x64xf32> to vector<64x1xf32>
    %get3A_858 = arith.constant 0 : index
    %get3A_859 = arith.constant 19 : index
    %get3A_860 = arith.constant 0 : index
    %get3A_861 = vector.load %arg2[%get3A_858, %get3A_859, %get3A_860] : memref<64x64x512xf32, #tpu.memory_space<vmem>>, vector<64x1x512xf32>
    %get3A_862 = vector.shape_cast %get3A_861 : vector<64x1x512xf32> to vector<64x512xf32>
    %mul3A_863 = vector.broadcast %slice3A_857 : vector<64x1xf32> to vector<64x512xf32>
    %mul3A_864 = arith.mulf %mul3A_863, %get3A_862 : vector<64x512xf32>
    %add3A_865 = arith.addf %add3A_856, %mul3A_864 : vector<64x512xf32>
    %slice3A_866 = vector.extract_strided_slice %slice3A_686 {offsets = [0, 20], sizes = [64, 1], strides = [1, 1]} : vector<64x64xf32> to vector<64x1xf32>
    %get3A_867 = arith.constant 0 : index
    %get3A_868 = arith.constant 20 : index
    %get3A_869 = arith.constant 0 : index
    %get3A_870 = vector.load %arg2[%get3A_867, %get3A_868, %get3A_869] : memref<64x64x512xf32, #tpu.memory_space<vmem>>, vector<64x1x512xf32>
    %get3A_871 = vector.shape_cast %get3A_870 : vector<64x1x512xf32> to vector<64x512xf32>
    %mul3A_872 = vector.broadcast %slice3A_866 : vector<64x1xf32> to vector<64x512xf32>
    %mul3A_873 = arith.mulf %mul3A_872, %get3A_871 : vector<64x512xf32>
    %add3A_874 = arith.addf %add3A_865, %mul3A_873 : vector<64x512xf32>
    %slice3A_875 = vector.extract_strided_slice %slice3A_686 {offsets = [0, 21], sizes = [64, 1], strides = [1, 1]} : vector<64x64xf32> to vector<64x1xf32>
    %get3A_876 = arith.constant 0 : index
    %get3A_877 = arith.constant 21 : index
    %get3A_878 = arith.constant 0 : index
    %get3A_879 = vector.load %arg2[%get3A_876, %get3A_877, %get3A_878] : memref<64x64x512xf32, #tpu.memory_space<vmem>>, vector<64x1x512xf32>
    %get3A_880 = vector.shape_cast %get3A_879 : vector<64x1x512xf32> to vector<64x512xf32>
    %mul3A_881 = vector.broadcast %slice3A_875 : vector<64x1xf32> to vector<64x512xf32>
    %mul3A_882 = arith.mulf %mul3A_881, %get3A_880 : vector<64x512xf32>
    %add3A_883 = arith.addf %add3A_874, %mul3A_882 : vector<64x512xf32>
    %slice3A_884 = vector.extract_strided_slice %slice3A_686 {offsets = [0, 22], sizes = [64, 1], strides = [1, 1]} : vector<64x64xf32> to vector<64x1xf32>
    %get3A_885 = arith.constant 0 : index
    %get3A_886 = arith.constant 22 : index
    %get3A_887 = arith.constant 0 : index
    %get3A_888 = vector.load %arg2[%get3A_885, %get3A_886, %get3A_887] : memref<64x64x512xf32, #tpu.memory_space<vmem>>, vector<64x1x512xf32>
    %get3A_889 = vector.shape_cast %get3A_888 : vector<64x1x512xf32> to vector<64x512xf32>
    %mul3A_890 = vector.broadcast %slice3A_884 : vector<64x1xf32> to vector<64x512xf32>
    %mul3A_891 = arith.mulf %mul3A_890, %get3A_889 : vector<64x512xf32>
    %add3A_892 = arith.addf %add3A_883, %mul3A_891 : vector<64x512xf32>
    %slice3A_893 = vector.extract_strided_slice %slice3A_686 {offsets = [0, 23], sizes = [64, 1], strides = [1, 1]} : vector<64x64xf32> to vector<64x1xf32>
    %get3A_894 = arith.constant 0 : index
    %get3A_895 = arith.constant 23 : index
    %get3A_896 = arith.constant 0 : index
    %get3A_897 = vector.load %arg2[%get3A_894, %get3A_895, %get3A_896] : memref<64x64x512xf32, #tpu.memory_space<vmem>>, vector<64x1x512xf32>
    %get3A_898 = vector.shape_cast %get3A_897 : vector<64x1x512xf32> to vector<64x512xf32>
    %mul3A_899 = vector.broadcast %slice3A_893 : vector<64x1xf32> to vector<64x512xf32>
    %mul3A_900 = arith.mulf %mul3A_899, %get3A_898 : vector<64x512xf32>
    %add3A_901 = arith.addf %add3A_892, %mul3A_900 : vector<64x512xf32>
    %slice3A_902 = vector.extract_strided_slice %slice3A_686 {offsets = [0, 24], sizes = [64, 1], strides = [1, 1]} : vector<64x64xf32> to vector<64x1xf32>
    %get3A_903 = arith.constant 0 : index
    %get3A_904 = arith.constant 24 : index
    %get3A_905 = arith.constant 0 : index
    %get3A_906 = vector.load %arg2[%get3A_903, %get3A_904, %get3A_905] : memref<64x64x512xf32, #tpu.memory_space<vmem>>, vector<64x1x512xf32>
    %get3A_907 = vector.shape_cast %get3A_906 : vector<64x1x512xf32> to vector<64x512xf32>
    %mul3A_908 = vector.broadcast %slice3A_902 : vector<64x1xf32> to vector<64x512xf32>
    %mul3A_909 = arith.mulf %mul3A_908, %get3A_907 : vector<64x512xf32>
    %add3A_910 = arith.addf %add3A_901, %mul3A_909 : vector<64x512xf32>
    %slice3A_911 = vector.extract_strided_slice %slice3A_686 {offsets = [0, 25], sizes = [64, 1], strides = [1, 1]} : vector<64x64xf32> to vector<64x1xf32>
    %get3A_912 = arith.constant 0 : index
    %get3A_913 = arith.constant 25 : index
    %get3A_914 = arith.constant 0 : index
    %get3A_915 = vector.load %arg2[%get3A_912, %get3A_913, %get3A_914] : memref<64x64x512xf32, #tpu.memory_space<vmem>>, vector<64x1x512xf32>
    %get3A_916 = vector.shape_cast %get3A_915 : vector<64x1x512xf32> to vector<64x512xf32>
    %mul3A_917 = vector.broadcast %slice3A_911 : vector<64x1xf32> to vector<64x512xf32>
    %mul3A_918 = arith.mulf %mul3A_917, %get3A_916 : vector<64x512xf32>
    %add3A_919 = arith.addf %add3A_910, %mul3A_918 : vector<64x512xf32>
    %slice3A_920 = vector.extract_strided_slice %slice3A_686 {offsets = [0, 26], sizes = [64, 1], strides = [1, 1]} : vector<64x64xf32> to vector<64x1xf32>
    %get3A_921 = arith.constant 0 : index
    %get3A_922 = arith.constant 26 : index
    %get3A_923 = arith.constant 0 : index
    %get3A_924 = vector.load %arg2[%get3A_921, %get3A_922, %get3A_923] : memref<64x64x512xf32, #tpu.memory_space<vmem>>, vector<64x1x512xf32>
    %get3A_925 = vector.shape_cast %get3A_924 : vector<64x1x512xf32> to vector<64x512xf32>
    %mul3A_926 = vector.broadcast %slice3A_920 : vector<64x1xf32> to vector<64x512xf32>
    %mul3A_927 = arith.mulf %mul3A_926, %get3A_925 : vector<64x512xf32>
    %add3A_928 = arith.addf %add3A_919, %mul3A_927 : vector<64x512xf32>
    %slice3A_929 = vector.extract_strided_slice %slice3A_686 {offsets = [0, 27], sizes = [64, 1], strides = [1, 1]} : vector<64x64xf32> to vector<64x1xf32>
    %get3A_930 = arith.constant 0 : index
    %get3A_931 = arith.constant 27 : index
    %get3A_932 = arith.constant 0 : index
    %get3A_933 = vector.load %arg2[%get3A_930, %get3A_931, %get3A_932] : memref<64x64x512xf32, #tpu.memory_space<vmem>>, vector<64x1x512xf32>
    %get3A_934 = vector.shape_cast %get3A_933 : vector<64x1x512xf32> to vector<64x512xf32>
    %mul3A_935 = vector.broadcast %slice3A_929 : vector<64x1xf32> to vector<64x512xf32>
    %mul3A_936 = arith.mulf %mul3A_935, %get3A_934 : vector<64x512xf32>
    %add3A_937 = arith.addf %add3A_928, %mul3A_936 : vector<64x512xf32>
    %slice3A_938 = vector.extract_strided_slice %slice3A_686 {offsets = [0, 28], sizes = [64, 1], strides = [1, 1]} : vector<64x64xf32> to vector<64x1xf32>
    %get3A_939 = arith.constant 0 : index
    %get3A_940 = arith.constant 28 : index
    %get3A_941 = arith.constant 0 : index
    %get3A_942 = vector.load %arg2[%get3A_939, %get3A_940, %get3A_941] : memref<64x64x512xf32, #tpu.memory_space<vmem>>, vector<64x1x512xf32>
    %get3A_943 = vector.shape_cast %get3A_942 : vector<64x1x512xf32> to vector<64x512xf32>
    %mul3A_944 = vector.broadcast %slice3A_938 : vector<64x1xf32> to vector<64x512xf32>
    %mul3A_945 = arith.mulf %mul3A_944, %get3A_943 : vector<64x512xf32>
    %add3A_946 = arith.addf %add3A_937, %mul3A_945 : vector<64x512xf32>
    %slice3A_947 = vector.extract_strided_slice %slice3A_686 {offsets = [0, 29], sizes = [64, 1], strides = [1, 1]} : vector<64x64xf32> to vector<64x1xf32>
    %get3A_948 = arith.constant 0 : index
    %get3A_949 = arith.constant 29 : index
    %get3A_950 = arith.constant 0 : index
    %get3A_951 = vector.load %arg2[%get3A_948, %get3A_949, %get3A_950] : memref<64x64x512xf32, #tpu.memory_space<vmem>>, vector<64x1x512xf32>
    %get3A_952 = vector.shape_cast %get3A_951 : vector<64x1x512xf32> to vector<64x512xf32>
    %mul3A_953 = vector.broadcast %slice3A_947 : vector<64x1xf32> to vector<64x512xf32>
    %mul3A_954 = arith.mulf %mul3A_953, %get3A_952 : vector<64x512xf32>
    %add3A_955 = arith.addf %add3A_946, %mul3A_954 : vector<64x512xf32>
    %slice3A_956 = vector.extract_strided_slice %slice3A_686 {offsets = [0, 30], sizes = [64, 1], strides = [1, 1]} : vector<64x64xf32> to vector<64x1xf32>
    %get3A_957 = arith.constant 0 : index
    %get3A_958 = arith.constant 30 : index
    %get3A_959 = arith.constant 0 : index
    %get3A_960 = vector.load %arg2[%get3A_957, %get3A_958, %get3A_959] : memref<64x64x512xf32, #tpu.memory_space<vmem>>, vector<64x1x512xf32>
    %get3A_961 = vector.shape_cast %get3A_960 : vector<64x1x512xf32> to vector<64x512xf32>
    %mul3A_962 = vector.broadcast %slice3A_956 : vector<64x1xf32> to vector<64x512xf32>
    %mul3A_963 = arith.mulf %mul3A_962, %get3A_961 : vector<64x512xf32>
    %add3A_964 = arith.addf %add3A_955, %mul3A_963 : vector<64x512xf32>
    %slice3A_965 = vector.extract_strided_slice %slice3A_686 {offsets = [0, 31], sizes = [64, 1], strides = [1, 1]} : vector<64x64xf32> to vector<64x1xf32>
    %get3A_966 = arith.constant 0 : index
    %get3A_967 = arith.constant 31 : index
    %get3A_968 = arith.constant 0 : index
    %get3A_969 = vector.load %arg2[%get3A_966, %get3A_967, %get3A_968] : memref<64x64x512xf32, #tpu.memory_space<vmem>>, vector<64x1x512xf32>
    %get3A_970 = vector.shape_cast %get3A_969 : vector<64x1x512xf32> to vector<64x512xf32>
    %mul3A_971 = vector.broadcast %slice3A_965 : vector<64x1xf32> to vector<64x512xf32>
    %mul3A_972 = arith.mulf %mul3A_971, %get3A_970 : vector<64x512xf32>
    %add3A_973 = arith.addf %add3A_964, %mul3A_972 : vector<64x512xf32>
    %slice3A_974 = vector.extract_strided_slice %slice3A_686 {offsets = [0, 32], sizes = [64, 1], strides = [1, 1]} : vector<64x64xf32> to vector<64x1xf32>
    %get3A_975 = arith.constant 0 : index
    %get3A_976 = arith.constant 32 : index
    %get3A_977 = arith.constant 0 : index
    %get3A_978 = vector.load %arg2[%get3A_975, %get3A_976, %get3A_977] : memref<64x64x512xf32, #tpu.memory_space<vmem>>, vector<64x1x512xf32>
    %get3A_979 = vector.shape_cast %get3A_978 : vector<64x1x512xf32> to vector<64x512xf32>
    %mul3A_980 = vector.broadcast %slice3A_974 : vector<64x1xf32> to vector<64x512xf32>
    %mul3A_981 = arith.mulf %mul3A_980, %get3A_979 : vector<64x512xf32>
    %add3A_982 = arith.addf %add3A_973, %mul3A_981 : vector<64x512xf32>
    %slice3A_983 = vector.extract_strided_slice %slice3A_686 {offsets = [0, 33], sizes = [64, 1], strides = [1, 1]} : vector<64x64xf32> to vector<64x1xf32>
    %get3A_984 = arith.constant 0 : index
    %get3A_985 = arith.constant 33 : index
    %get3A_986 = arith.constant 0 : index
    %get3A_987 = vector.load %arg2[%get3A_984, %get3A_985, %get3A_986] : memref<64x64x512xf32, #tpu.memory_space<vmem>>, vector<64x1x512xf32>
    %get3A_988 = vector.shape_cast %get3A_987 : vector<64x1x512xf32> to vector<64x512xf32>
    %mul3A_989 = vector.broadcast %slice3A_983 : vector<64x1xf32> to vector<64x512xf32>
    %mul3A_990 = arith.mulf %mul3A_989, %get3A_988 : vector<64x512xf32>
    %add3A_991 = arith.addf %add3A_982, %mul3A_990 : vector<64x512xf32>
    %slice3A_992 = vector.extract_strided_slice %slice3A_686 {offsets = [0, 34], sizes = [64, 1], strides = [1, 1]} : vector<64x64xf32> to vector<64x1xf32>
    %get3A_993 = arith.constant 0 : index
    %get3A_994 = arith.constant 34 : index
    %get3A_995 = arith.constant 0 : index
    %get3A_996 = vector.load %arg2[%get3A_993, %get3A_994, %get3A_995] : memref<64x64x512xf32, #tpu.memory_space<vmem>>, vector<64x1x512xf32>
    %get3A_997 = vector.shape_cast %get3A_996 : vector<64x1x512xf32> to vector<64x512xf32>
    %mul3A_998 = vector.broadcast %slice3A_992 : vector<64x1xf32> to vector<64x512xf32>
    %mul3A_999 = arith.mulf %mul3A_998, %get3A_997 : vector<64x512xf32>
    %add3A_1000 = arith.addf %add3A_991, %mul3A_999 : vector<64x512xf32>
    %slice3A_1001 = vector.extract_strided_slice %slice3A_686 {offsets = [0, 35], sizes = [64, 1], strides = [1, 1]} : vector<64x64xf32> to vector<64x1xf32>
    %get3A_1002 = arith.constant 0 : index
    %get3A_1003 = arith.constant 35 : index
    %get3A_1004 = arith.constant 0 : index
    %get3A_1005 = vector.load %arg2[%get3A_1002, %get3A_1003, %get3A_1004] : memref<64x64x512xf32, #tpu.memory_space<vmem>>, vector<64x1x512xf32>
    %get3A_1006 = vector.shape_cast %get3A_1005 : vector<64x1x512xf32> to vector<64x512xf32>
    %mul3A_1007 = vector.broadcast %slice3A_1001 : vector<64x1xf32> to vector<64x512xf32>
    %mul3A_1008 = arith.mulf %mul3A_1007, %get3A_1006 : vector<64x512xf32>
    %add3A_1009 = arith.addf %add3A_1000, %mul3A_1008 : vector<64x512xf32>
    %slice3A_1010 = vector.extract_strided_slice %slice3A_686 {offsets = [0, 36], sizes = [64, 1], strides = [1, 1]} : vector<64x64xf32> to vector<64x1xf32>
    %get3A_1011 = arith.constant 0 : index
    %get3A_1012 = arith.constant 36 : index
    %get3A_1013 = arith.constant 0 : index
    %get3A_1014 = vector.load %arg2[%get3A_1011, %get3A_1012, %get3A_1013] : memref<64x64x512xf32, #tpu.memory_space<vmem>>, vector<64x1x512xf32>
    %get3A_1015 = vector.shape_cast %get3A_1014 : vector<64x1x512xf32> to vector<64x512xf32>
    %mul3A_1016 = vector.broadcast %slice3A_1010 : vector<64x1xf32> to vector<64x512xf32>
    %mul3A_1017 = arith.mulf %mul3A_1016, %get3A_1015 : vector<64x512xf32>
    %add3A_1018 = arith.addf %add3A_1009, %mul3A_1017 : vector<64x512xf32>
    %slice3A_1019 = vector.extract_strided_slice %slice3A_686 {offsets = [0, 37], sizes = [64, 1], strides = [1, 1]} : vector<64x64xf32> to vector<64x1xf32>
    %get3A_1020 = arith.constant 0 : index
    %get3A_1021 = arith.constant 37 : index
    %get3A_1022 = arith.constant 0 : index
    %get3A_1023 = vector.load %arg2[%get3A_1020, %get3A_1021, %get3A_1022] : memref<64x64x512xf32, #tpu.memory_space<vmem>>, vector<64x1x512xf32>
    %get3A_1024 = vector.shape_cast %get3A_1023 : vector<64x1x512xf32> to vector<64x512xf32>
    %mul3A_1025 = vector.broadcast %slice3A_1019 : vector<64x1xf32> to vector<64x512xf32>
    %mul3A_1026 = arith.mulf %mul3A_1025, %get3A_1024 : vector<64x512xf32>
    %add3A_1027 = arith.addf %add3A_1018, %mul3A_1026 : vector<64x512xf32>
    %slice3A_1028 = vector.extract_strided_slice %slice3A_686 {offsets = [0, 38], sizes = [64, 1], strides = [1, 1]} : vector<64x64xf32> to vector<64x1xf32>
    %get3A_1029 = arith.constant 0 : index
    %get3A_1030 = arith.constant 38 : index
    %get3A_1031 = arith.constant 0 : index
    %get3A_1032 = vector.load %arg2[%get3A_1029, %get3A_1030, %get3A_1031] : memref<64x64x512xf32, #tpu.memory_space<vmem>>, vector<64x1x512xf32>
    %get3A_1033 = vector.shape_cast %get3A_1032 : vector<64x1x512xf32> to vector<64x512xf32>
    %mul3A_1034 = vector.broadcast %slice3A_1028 : vector<64x1xf32> to vector<64x512xf32>
    %mul3A_1035 = arith.mulf %mul3A_1034, %get3A_1033 : vector<64x512xf32>
    %add3A_1036 = arith.addf %add3A_1027, %mul3A_1035 : vector<64x512xf32>
    %slice3A_1037 = vector.extract_strided_slice %slice3A_686 {offsets = [0, 39], sizes = [64, 1], strides = [1, 1]} : vector<64x64xf32> to vector<64x1xf32>
    %get3A_1038 = arith.constant 0 : index
    %get3A_1039 = arith.constant 39 : index
    %get3A_1040 = arith.constant 0 : index
    %get3A_1041 = vector.load %arg2[%get3A_1038, %get3A_1039, %get3A_1040] : memref<64x64x512xf32, #tpu.memory_space<vmem>>, vector<64x1x512xf32>
    %get3A_1042 = vector.shape_cast %get3A_1041 : vector<64x1x512xf32> to vector<64x512xf32>
    %mul3A_1043 = vector.broadcast %slice3A_1037 : vector<64x1xf32> to vector<64x512xf32>
    %mul3A_1044 = arith.mulf %mul3A_1043, %get3A_1042 : vector<64x512xf32>
    %add3A_1045 = arith.addf %add3A_1036, %mul3A_1044 : vector<64x512xf32>
    %slice3A_1046 = vector.extract_strided_slice %slice3A_686 {offsets = [0, 40], sizes = [64, 1], strides = [1, 1]} : vector<64x64xf32> to vector<64x1xf32>
    %get3A_1047 = arith.constant 0 : index
    %get3A_1048 = arith.constant 40 : index
    %get3A_1049 = arith.constant 0 : index
    %get3A_1050 = vector.load %arg2[%get3A_1047, %get3A_1048, %get3A_1049] : memref<64x64x512xf32, #tpu.memory_space<vmem>>, vector<64x1x512xf32>
    %get3A_1051 = vector.shape_cast %get3A_1050 : vector<64x1x512xf32> to vector<64x512xf32>
    %mul3A_1052 = vector.broadcast %slice3A_1046 : vector<64x1xf32> to vector<64x512xf32>
    %mul3A_1053 = arith.mulf %mul3A_1052, %get3A_1051 : vector<64x512xf32>
    %add3A_1054 = arith.addf %add3A_1045, %mul3A_1053 : vector<64x512xf32>
    %slice3A_1055 = vector.extract_strided_slice %slice3A_686 {offsets = [0, 41], sizes = [64, 1], strides = [1, 1]} : vector<64x64xf32> to vector<64x1xf32>
    %get3A_1056 = arith.constant 0 : index
    %get3A_1057 = arith.constant 41 : index
    %get3A_1058 = arith.constant 0 : index
    %get3A_1059 = vector.load %arg2[%get3A_1056, %get3A_1057, %get3A_1058] : memref<64x64x512xf32, #tpu.memory_space<vmem>>, vector<64x1x512xf32>
    %get3A_1060 = vector.shape_cast %get3A_1059 : vector<64x1x512xf32> to vector<64x512xf32>
    %mul3A_1061 = vector.broadcast %slice3A_1055 : vector<64x1xf32> to vector<64x512xf32>
    %mul3A_1062 = arith.mulf %mul3A_1061, %get3A_1060 : vector<64x512xf32>
    %add3A_1063 = arith.addf %add3A_1054, %mul3A_1062 : vector<64x512xf32>
    %slice3A_1064 = vector.extract_strided_slice %slice3A_686 {offsets = [0, 42], sizes = [64, 1], strides = [1, 1]} : vector<64x64xf32> to vector<64x1xf32>
    %get3A_1065 = arith.constant 0 : index
    %get3A_1066 = arith.constant 42 : index
    %get3A_1067 = arith.constant 0 : index
    %get3A_1068 = vector.load %arg2[%get3A_1065, %get3A_1066, %get3A_1067] : memref<64x64x512xf32, #tpu.memory_space<vmem>>, vector<64x1x512xf32>
    %get3A_1069 = vector.shape_cast %get3A_1068 : vector<64x1x512xf32> to vector<64x512xf32>
    %mul3A_1070 = vector.broadcast %slice3A_1064 : vector<64x1xf32> to vector<64x512xf32>
    %mul3A_1071 = arith.mulf %mul3A_1070, %get3A_1069 : vector<64x512xf32>
    %add3A_1072 = arith.addf %add3A_1063, %mul3A_1071 : vector<64x512xf32>
    %slice3A_1073 = vector.extract_strided_slice %slice3A_686 {offsets = [0, 43], sizes = [64, 1], strides = [1, 1]} : vector<64x64xf32> to vector<64x1xf32>
    %get3A_1074 = arith.constant 0 : index
    %get3A_1075 = arith.constant 43 : index
    %get3A_1076 = arith.constant 0 : index
    %get3A_1077 = vector.load %arg2[%get3A_1074, %get3A_1075, %get3A_1076] : memref<64x64x512xf32, #tpu.memory_space<vmem>>, vector<64x1x512xf32>
    %get3A_1078 = vector.shape_cast %get3A_1077 : vector<64x1x512xf32> to vector<64x512xf32>
    %mul3A_1079 = vector.broadcast %slice3A_1073 : vector<64x1xf32> to vector<64x512xf32>
    %mul3A_1080 = arith.mulf %mul3A_1079, %get3A_1078 : vector<64x512xf32>
    %add3A_1081 = arith.addf %add3A_1072, %mul3A_1080 : vector<64x512xf32>
    %slice3A_1082 = vector.extract_strided_slice %slice3A_686 {offsets = [0, 44], sizes = [64, 1], strides = [1, 1]} : vector<64x64xf32> to vector<64x1xf32>
    %get3A_1083 = arith.constant 0 : index
    %get3A_1084 = arith.constant 44 : index
    %get3A_1085 = arith.constant 0 : index
    %get3A_1086 = vector.load %arg2[%get3A_1083, %get3A_1084, %get3A_1085] : memref<64x64x512xf32, #tpu.memory_space<vmem>>, vector<64x1x512xf32>
    %get3A_1087 = vector.shape_cast %get3A_1086 : vector<64x1x512xf32> to vector<64x512xf32>
    %mul3A_1088 = vector.broadcast %slice3A_1082 : vector<64x1xf32> to vector<64x512xf32>
    %mul3A_1089 = arith.mulf %mul3A_1088, %get3A_1087 : vector<64x512xf32>
    %add3A_1090 = arith.addf %add3A_1081, %mul3A_1089 : vector<64x512xf32>
    %slice3A_1091 = vector.extract_strided_slice %slice3A_686 {offsets = [0, 45], sizes = [64, 1], strides = [1, 1]} : vector<64x64xf32> to vector<64x1xf32>
    %get3A_1092 = arith.constant 0 : index
    %get3A_1093 = arith.constant 45 : index
    %get3A_1094 = arith.constant 0 : index
    %get3A_1095 = vector.load %arg2[%get3A_1092, %get3A_1093, %get3A_1094] : memref<64x64x512xf32, #tpu.memory_space<vmem>>, vector<64x1x512xf32>
    %get3A_1096 = vector.shape_cast %get3A_1095 : vector<64x1x512xf32> to vector<64x512xf32>
    %mul3A_1097 = vector.broadcast %slice3A_1091 : vector<64x1xf32> to vector<64x512xf32>
    %mul3A_1098 = arith.mulf %mul3A_1097, %get3A_1096 : vector<64x512xf32>
    %add3A_1099 = arith.addf %add3A_1090, %mul3A_1098 : vector<64x512xf32>
    %slice3A_1100 = vector.extract_strided_slice %slice3A_686 {offsets = [0, 46], sizes = [64, 1], strides = [1, 1]} : vector<64x64xf32> to vector<64x1xf32>
    %get3A_1101 = arith.constant 0 : index
    %get3A_1102 = arith.constant 46 : index
    %get3A_1103 = arith.constant 0 : index
    %get3A_1104 = vector.load %arg2[%get3A_1101, %get3A_1102, %get3A_1103] : memref<64x64x512xf32, #tpu.memory_space<vmem>>, vector<64x1x512xf32>
    %get3A_1105 = vector.shape_cast %get3A_1104 : vector<64x1x512xf32> to vector<64x512xf32>
    %mul3A_1106 = vector.broadcast %slice3A_1100 : vector<64x1xf32> to vector<64x512xf32>
    %mul3A_1107 = arith.mulf %mul3A_1106, %get3A_1105 : vector<64x512xf32>
    %add3A_1108 = arith.addf %add3A_1099, %mul3A_1107 : vector<64x512xf32>
    %slice3A_1109 = vector.extract_strided_slice %slice3A_686 {offsets = [0, 47], sizes = [64, 1], strides = [1, 1]} : vector<64x64xf32> to vector<64x1xf32>
    %get3A_1110 = arith.constant 0 : index
    %get3A_1111 = arith.constant 47 : index
    %get3A_1112 = arith.constant 0 : index
    %get3A_1113 = vector.load %arg2[%get3A_1110, %get3A_1111, %get3A_1112] : memref<64x64x512xf32, #tpu.memory_space<vmem>>, vector<64x1x512xf32>
    %get3A_1114 = vector.shape_cast %get3A_1113 : vector<64x1x512xf32> to vector<64x512xf32>
    %mul3A_1115 = vector.broadcast %slice3A_1109 : vector<64x1xf32> to vector<64x512xf32>
    %mul3A_1116 = arith.mulf %mul3A_1115, %get3A_1114 : vector<64x512xf32>
    %add3A_1117 = arith.addf %add3A_1108, %mul3A_1116 : vector<64x512xf32>
    %slice3A_1118 = vector.extract_strided_slice %slice3A_686 {offsets = [0, 48], sizes = [64, 1], strides = [1, 1]} : vector<64x64xf32> to vector<64x1xf32>
    %get3A_1119 = arith.constant 0 : index
    %get3A_1120 = arith.constant 48 : index
    %get3A_1121 = arith.constant 0 : index
    %get3A_1122 = vector.load %arg2[%get3A_1119, %get3A_1120, %get3A_1121] : memref<64x64x512xf32, #tpu.memory_space<vmem>>, vector<64x1x512xf32>
    %get3A_1123 = vector.shape_cast %get3A_1122 : vector<64x1x512xf32> to vector<64x512xf32>
    %mul3A_1124 = vector.broadcast %slice3A_1118 : vector<64x1xf32> to vector<64x512xf32>
    %mul3A_1125 = arith.mulf %mul3A_1124, %get3A_1123 : vector<64x512xf32>
    %add3A_1126 = arith.addf %add3A_1117, %mul3A_1125 : vector<64x512xf32>
    %slice3A_1127 = vector.extract_strided_slice %slice3A_686 {offsets = [0, 49], sizes = [64, 1], strides = [1, 1]} : vector<64x64xf32> to vector<64x1xf32>
    %get3A_1128 = arith.constant 0 : index
    %get3A_1129 = arith.constant 49 : index
    %get3A_1130 = arith.constant 0 : index
    %get3A_1131 = vector.load %arg2[%get3A_1128, %get3A_1129, %get3A_1130] : memref<64x64x512xf32, #tpu.memory_space<vmem>>, vector<64x1x512xf32>
    %get3A_1132 = vector.shape_cast %get3A_1131 : vector<64x1x512xf32> to vector<64x512xf32>
    %mul3A_1133 = vector.broadcast %slice3A_1127 : vector<64x1xf32> to vector<64x512xf32>
    %mul3A_1134 = arith.mulf %mul3A_1133, %get3A_1132 : vector<64x512xf32>
    %add3A_1135 = arith.addf %add3A_1126, %mul3A_1134 : vector<64x512xf32>
    %slice3A_1136 = vector.extract_strided_slice %slice3A_686 {offsets = [0, 50], sizes = [64, 1], strides = [1, 1]} : vector<64x64xf32> to vector<64x1xf32>
    %get3A_1137 = arith.constant 0 : index
    %get3A_1138 = arith.constant 50 : index
    %get3A_1139 = arith.constant 0 : index
    %get3A_1140 = vector.load %arg2[%get3A_1137, %get3A_1138, %get3A_1139] : memref<64x64x512xf32, #tpu.memory_space<vmem>>, vector<64x1x512xf32>
    %get3A_1141 = vector.shape_cast %get3A_1140 : vector<64x1x512xf32> to vector<64x512xf32>
    %mul3A_1142 = vector.broadcast %slice3A_1136 : vector<64x1xf32> to vector<64x512xf32>
    %mul3A_1143 = arith.mulf %mul3A_1142, %get3A_1141 : vector<64x512xf32>
    %add3A_1144 = arith.addf %add3A_1135, %mul3A_1143 : vector<64x512xf32>
    %slice3A_1145 = vector.extract_strided_slice %slice3A_686 {offsets = [0, 51], sizes = [64, 1], strides = [1, 1]} : vector<64x64xf32> to vector<64x1xf32>
    %get3A_1146 = arith.constant 0 : index
    %get3A_1147 = arith.constant 51 : index
    %get3A_1148 = arith.constant 0 : index
    %get3A_1149 = vector.load %arg2[%get3A_1146, %get3A_1147, %get3A_1148] : memref<64x64x512xf32, #tpu.memory_space<vmem>>, vector<64x1x512xf32>
    %get3A_1150 = vector.shape_cast %get3A_1149 : vector<64x1x512xf32> to vector<64x512xf32>
    %mul3A_1151 = vector.broadcast %slice3A_1145 : vector<64x1xf32> to vector<64x512xf32>
    %mul3A_1152 = arith.mulf %mul3A_1151, %get3A_1150 : vector<64x512xf32>
    %add3A_1153 = arith.addf %add3A_1144, %mul3A_1152 : vector<64x512xf32>
    %slice3A_1154 = vector.extract_strided_slice %slice3A_686 {offsets = [0, 52], sizes = [64, 1], strides = [1, 1]} : vector<64x64xf32> to vector<64x1xf32>
    %get3A_1155 = arith.constant 0 : index
    %get3A_1156 = arith.constant 52 : index
    %get3A_1157 = arith.constant 0 : index
    %get3A_1158 = vector.load %arg2[%get3A_1155, %get3A_1156, %get3A_1157] : memref<64x64x512xf32, #tpu.memory_space<vmem>>, vector<64x1x512xf32>
    %get3A_1159 = vector.shape_cast %get3A_1158 : vector<64x1x512xf32> to vector<64x512xf32>
    %mul3A_1160 = vector.broadcast %slice3A_1154 : vector<64x1xf32> to vector<64x512xf32>
    %mul3A_1161 = arith.mulf %mul3A_1160, %get3A_1159 : vector<64x512xf32>
    %add3A_1162 = arith.addf %add3A_1153, %mul3A_1161 : vector<64x512xf32>
    %slice3A_1163 = vector.extract_strided_slice %slice3A_686 {offsets = [0, 53], sizes = [64, 1], strides = [1, 1]} : vector<64x64xf32> to vector<64x1xf32>
    %get3A_1164 = arith.constant 0 : index
    %get3A_1165 = arith.constant 53 : index
    %get3A_1166 = arith.constant 0 : index
    %get3A_1167 = vector.load %arg2[%get3A_1164, %get3A_1165, %get3A_1166] : memref<64x64x512xf32, #tpu.memory_space<vmem>>, vector<64x1x512xf32>
    %get3A_1168 = vector.shape_cast %get3A_1167 : vector<64x1x512xf32> to vector<64x512xf32>
    %mul3A_1169 = vector.broadcast %slice3A_1163 : vector<64x1xf32> to vector<64x512xf32>
    %mul3A_1170 = arith.mulf %mul3A_1169, %get3A_1168 : vector<64x512xf32>
    %add3A_1171 = arith.addf %add3A_1162, %mul3A_1170 : vector<64x512xf32>
    %slice3A_1172 = vector.extract_strided_slice %slice3A_686 {offsets = [0, 54], sizes = [64, 1], strides = [1, 1]} : vector<64x64xf32> to vector<64x1xf32>
    %get3A_1173 = arith.constant 0 : index
    %get3A_1174 = arith.constant 54 : index
    %get3A_1175 = arith.constant 0 : index
    %get3A_1176 = vector.load %arg2[%get3A_1173, %get3A_1174, %get3A_1175] : memref<64x64x512xf32, #tpu.memory_space<vmem>>, vector<64x1x512xf32>
    %get3A_1177 = vector.shape_cast %get3A_1176 : vector<64x1x512xf32> to vector<64x512xf32>
    %mul3A_1178 = vector.broadcast %slice3A_1172 : vector<64x1xf32> to vector<64x512xf32>
    %mul3A_1179 = arith.mulf %mul3A_1178, %get3A_1177 : vector<64x512xf32>
    %add3A_1180 = arith.addf %add3A_1171, %mul3A_1179 : vector<64x512xf32>
    %slice3A_1181 = vector.extract_strided_slice %slice3A_686 {offsets = [0, 55], sizes = [64, 1], strides = [1, 1]} : vector<64x64xf32> to vector<64x1xf32>
    %get3A_1182 = arith.constant 0 : index
    %get3A_1183 = arith.constant 55 : index
    %get3A_1184 = arith.constant 0 : index
    %get3A_1185 = vector.load %arg2[%get3A_1182, %get3A_1183, %get3A_1184] : memref<64x64x512xf32, #tpu.memory_space<vmem>>, vector<64x1x512xf32>
    %get3A_1186 = vector.shape_cast %get3A_1185 : vector<64x1x512xf32> to vector<64x512xf32>
    %mul3A_1187 = vector.broadcast %slice3A_1181 : vector<64x1xf32> to vector<64x512xf32>
    %mul3A_1188 = arith.mulf %mul3A_1187, %get3A_1186 : vector<64x512xf32>
    %add3A_1189 = arith.addf %add3A_1180, %mul3A_1188 : vector<64x512xf32>
    %slice3A_1190 = vector.extract_strided_slice %slice3A_686 {offsets = [0, 56], sizes = [64, 1], strides = [1, 1]} : vector<64x64xf32> to vector<64x1xf32>
    %get3A_1191 = arith.constant 0 : index
    %get3A_1192 = arith.constant 56 : index
    %get3A_1193 = arith.constant 0 : index
    %get3A_1194 = vector.load %arg2[%get3A_1191, %get3A_1192, %get3A_1193] : memref<64x64x512xf32, #tpu.memory_space<vmem>>, vector<64x1x512xf32>
    %get3A_1195 = vector.shape_cast %get3A_1194 : vector<64x1x512xf32> to vector<64x512xf32>
    %mul3A_1196 = vector.broadcast %slice3A_1190 : vector<64x1xf32> to vector<64x512xf32>
    %mul3A_1197 = arith.mulf %mul3A_1196, %get3A_1195 : vector<64x512xf32>
    %add3A_1198 = arith.addf %add3A_1189, %mul3A_1197 : vector<64x512xf32>
    %slice3A_1199 = vector.extract_strided_slice %slice3A_686 {offsets = [0, 57], sizes = [64, 1], strides = [1, 1]} : vector<64x64xf32> to vector<64x1xf32>
    %get3A_1200 = arith.constant 0 : index
    %get3A_1201 = arith.constant 57 : index
    %get3A_1202 = arith.constant 0 : index
    %get3A_1203 = vector.load %arg2[%get3A_1200, %get3A_1201, %get3A_1202] : memref<64x64x512xf32, #tpu.memory_space<vmem>>, vector<64x1x512xf32>
    %get3A_1204 = vector.shape_cast %get3A_1203 : vector<64x1x512xf32> to vector<64x512xf32>
    %mul3A_1205 = vector.broadcast %slice3A_1199 : vector<64x1xf32> to vector<64x512xf32>
    %mul3A_1206 = arith.mulf %mul3A_1205, %get3A_1204 : vector<64x512xf32>
    %add3A_1207 = arith.addf %add3A_1198, %mul3A_1206 : vector<64x512xf32>
    %slice3A_1208 = vector.extract_strided_slice %slice3A_686 {offsets = [0, 58], sizes = [64, 1], strides = [1, 1]} : vector<64x64xf32> to vector<64x1xf32>
    %get3A_1209 = arith.constant 0 : index
    %get3A_1210 = arith.constant 58 : index
    %get3A_1211 = arith.constant 0 : index
    %get3A_1212 = vector.load %arg2[%get3A_1209, %get3A_1210, %get3A_1211] : memref<64x64x512xf32, #tpu.memory_space<vmem>>, vector<64x1x512xf32>
    %get3A_1213 = vector.shape_cast %get3A_1212 : vector<64x1x512xf32> to vector<64x512xf32>
    %mul3A_1214 = vector.broadcast %slice3A_1208 : vector<64x1xf32> to vector<64x512xf32>
    %mul3A_1215 = arith.mulf %mul3A_1214, %get3A_1213 : vector<64x512xf32>
    %add3A_1216 = arith.addf %add3A_1207, %mul3A_1215 : vector<64x512xf32>
    %slice3A_1217 = vector.extract_strided_slice %slice3A_686 {offsets = [0, 59], sizes = [64, 1], strides = [1, 1]} : vector<64x64xf32> to vector<64x1xf32>
    %get3A_1218 = arith.constant 0 : index
    %get3A_1219 = arith.constant 59 : index
    %get3A_1220 = arith.constant 0 : index
    %get3A_1221 = vector.load %arg2[%get3A_1218, %get3A_1219, %get3A_1220] : memref<64x64x512xf32, #tpu.memory_space<vmem>>, vector<64x1x512xf32>
    %get3A_1222 = vector.shape_cast %get3A_1221 : vector<64x1x512xf32> to vector<64x512xf32>
    %mul3A_1223 = vector.broadcast %slice3A_1217 : vector<64x1xf32> to vector<64x512xf32>
    %mul3A_1224 = arith.mulf %mul3A_1223, %get3A_1222 : vector<64x512xf32>
    %add3A_1225 = arith.addf %add3A_1216, %mul3A_1224 : vector<64x512xf32>
    %slice3A_1226 = vector.extract_strided_slice %slice3A_686 {offsets = [0, 60], sizes = [64, 1], strides = [1, 1]} : vector<64x64xf32> to vector<64x1xf32>
    %get3A_1227 = arith.constant 0 : index
    %get3A_1228 = arith.constant 60 : index
    %get3A_1229 = arith.constant 0 : index
    %get3A_1230 = vector.load %arg2[%get3A_1227, %get3A_1228, %get3A_1229] : memref<64x64x512xf32, #tpu.memory_space<vmem>>, vector<64x1x512xf32>
    %get3A_1231 = vector.shape_cast %get3A_1230 : vector<64x1x512xf32> to vector<64x512xf32>
    %mul3A_1232 = vector.broadcast %slice3A_1226 : vector<64x1xf32> to vector<64x512xf32>
    %mul3A_1233 = arith.mulf %mul3A_1232, %get3A_1231 : vector<64x512xf32>
    %add3A_1234 = arith.addf %add3A_1225, %mul3A_1233 : vector<64x512xf32>
    %slice3A_1235 = vector.extract_strided_slice %slice3A_686 {offsets = [0, 61], sizes = [64, 1], strides = [1, 1]} : vector<64x64xf32> to vector<64x1xf32>
    %get3A_1236 = arith.constant 0 : index
    %get3A_1237 = arith.constant 61 : index
    %get3A_1238 = arith.constant 0 : index
    %get3A_1239 = vector.load %arg2[%get3A_1236, %get3A_1237, %get3A_1238] : memref<64x64x512xf32, #tpu.memory_space<vmem>>, vector<64x1x512xf32>
    %get3A_1240 = vector.shape_cast %get3A_1239 : vector<64x1x512xf32> to vector<64x512xf32>
    %mul3A_1241 = vector.broadcast %slice3A_1235 : vector<64x1xf32> to vector<64x512xf32>
    %mul3A_1242 = arith.mulf %mul3A_1241, %get3A_1240 : vector<64x512xf32>
    %add3A_1243 = arith.addf %add3A_1234, %mul3A_1242 : vector<64x512xf32>
    %slice3A_1244 = vector.extract_strided_slice %slice3A_686 {offsets = [0, 62], sizes = [64, 1], strides = [1, 1]} : vector<64x64xf32> to vector<64x1xf32>
    %get3A_1245 = arith.constant 0 : index
    %get3A_1246 = arith.constant 62 : index
    %get3A_1247 = arith.constant 0 : index
    %get3A_1248 = vector.load %arg2[%get3A_1245, %get3A_1246, %get3A_1247] : memref<64x64x512xf32, #tpu.memory_space<vmem>>, vector<64x1x512xf32>
    %get3A_1249 = vector.shape_cast %get3A_1248 : vector<64x1x512xf32> to vector<64x512xf32>
    %mul3A_1250 = vector.broadcast %slice3A_1244 : vector<64x1xf32> to vector<64x512xf32>
    %mul3A_1251 = arith.mulf %mul3A_1250, %get3A_1249 : vector<64x512xf32>
    %add3A_1252 = arith.addf %add3A_1243, %mul3A_1251 : vector<64x512xf32>
    %slice3A_1253 = vector.extract_strided_slice %slice3A_686 {offsets = [0, 63], sizes = [64, 1], strides = [1, 1]} : vector<64x64xf32> to vector<64x1xf32>
    %get3A_1254 = arith.constant 0 : index
    %get3A_1255 = arith.constant 63 : index
    %get3A_1256 = arith.constant 0 : index
    %get3A_1257 = vector.load %arg2[%get3A_1254, %get3A_1255, %get3A_1256] : memref<64x64x512xf32, #tpu.memory_space<vmem>>, vector<64x1x512xf32>
    %get3A_1258 = vector.shape_cast %get3A_1257 : vector<64x1x512xf32> to vector<64x512xf32>
    %mul3A_1259 = vector.broadcast %slice3A_1253 : vector<64x1xf32> to vector<64x512xf32>
    %mul3A_1260 = arith.mulf %mul3A_1259, %get3A_1258 : vector<64x512xf32>
    %add3A_1261 = arith.addf %add3A_1252, %mul3A_1260 : vector<64x512xf32>
    %ge3A_1262 = arith.constant 0.000000e+00 : f32
    %ge3A_1263 = vector.broadcast %ge3A_1262 : f32 to vector<64x512xf32>
    %ge3A_1264 = arith.cmpf oge, %add3A_1261, %ge3A_1263 : vector<64x512xf32>
    %mul3A_1265 = arith.constant 2.000000e-01 : f32
    %mul3A_1266 = vector.broadcast %mul3A_1265 : f32 to vector<64x512xf32>
    %mul3A_1267 = arith.mulf %mul3A_1266, %add3A_1261 : vector<64x512xf32>
    %select_n3A_1268 = arith.select %ge3A_1264, %add3A_1261, %mul3A_1267 : vector<64x512xi1>, vector<64x512xf32>
    %dot_general3A_1269 = arith.constant dense<0.000000e+00> : vector<64x3xf32>
    %dot_general3A_1270 = tpu.matmul %slice3A_686, %get3A_8, %dot_general3A_1269 {dimension_numbers = #tpu.dot_dimension_numbers<[1], [0], [0], [1], [0, 0, 1, 1], [], []>, transpose_lhs_hint = false} : vector<64x64xf32>, vector<64x3xf32>, vector<64x3xf32> -> vector<64x3xf32>
    %slice3A_1271 = vector.extract_strided_slice %select_n3A_1268 {offsets = [0, 0], sizes = [64, 64], strides = [1, 1]} : vector<64x512xf32> to vector<64x64xf32>
    %dot_general3A_1272 = arith.constant dense<0.000000e+00> : vector<64x3xf32>
    %dot_general3A_1273 = tpu.matmul %slice3A_1271, %dot_general3A_5, %dot_general3A_1272 {dimension_numbers = #tpu.dot_dimension_numbers<[1], [0], [0], [1], [0, 0, 1, 1], [], []>, transpose_lhs_hint = false} : vector<64x64xf32>, vector<64x3xf32>, vector<64x3xf32> -> vector<64x3xf32>
    %add3A_1274 = arith.addf %dot_general3A_1273, %dot_general3A_1270 : vector<64x3xf32>
    %swap3A_1275 = arith.constant 1 : index
    %swap3A_1276 = arith.constant 0 : index
    %swap3A_1277 = arith.constant 0 : index
    %swap3A_1278 = arith.constant 0 : index
    %swap3A_1279 = vector.load %arg6[%swap3A_1275, %swap3A_1276, %swap3A_1277, %swap3A_1278] : memref<2x64x8x3xf32, #tpu.memory_space<vmem>>, vector<1x64x1x3xf32>
    %swap3A_1280 = vector.shape_cast %swap3A_1279 : vector<1x64x1x3xf32> to vector<64x3xf32>
    %swap3A_1281 = vector.shape_cast %add3A_1274 : vector<64x3xf32> to vector<1x64x1x3xf32>
    tpu.vector_store %arg6[%swap3A_1275, %swap3A_1276, %swap3A_1277, %swap3A_1278], %swap3A_1281 {strides = array<i32>} : memref<2x64x8x3xf32, #tpu.memory_space<vmem>>, vector<1x64x1x3xf32>,
    %slice3A_1282 = vector.extract_strided_slice %select_n3A_1268 {offsets = [0, 64], sizes = [64, 64], strides = [1, 1]} : vector<64x512xf32> to vector<64x64xf32>
    %dot_general3A_1283 = arith.constant dense<0.000000e+00> : vector<64x3xf32>
    %dot_general3A_1284 = tpu.matmul %slice3A_1282, %dot_general3A_5, %dot_general3A_1283 {dimension_numbers = #tpu.dot_dimension_numbers<[1], [0], [0], [1], [0, 0, 1, 1], [], []>, transpose_lhs_hint = false} : vector<64x64xf32>, vector<64x3xf32>, vector<64x3xf32> -> vector<64x3xf32>
    %add3A_1285 = arith.addf %dot_general3A_1284, %dot_general3A_1270 : vector<64x3xf32>
    %swap3A_1286 = arith.constant 1 : index
    %swap3A_1287 = arith.constant 0 : index
    %swap3A_1288 = arith.constant 1 : index
    %swap3A_1289 = arith.constant 0 : index
    %swap3A_1290 = vector.load %arg6[%swap3A_1286, %swap3A_1287, %swap3A_1288, %swap3A_1289] : memref<2x64x8x3xf32, #tpu.memory_space<vmem>>, vector<1x64x1x3xf32>
    %swap3A_1291 = vector.shape_cast %swap3A_1290 : vector<1x64x1x3xf32> to vector<64x3xf32>
    %swap3A_1292 = vector.shape_cast %add3A_1285 : vector<64x3xf32> to vector<1x64x1x3xf32>
    tpu.vector_store %arg6[%swap3A_1286, %swap3A_1287, %swap3A_1288, %swap3A_1289], %swap3A_1292 {strides = array<i32>} : memref<2x64x8x3xf32, #tpu.memory_space<vmem>>, vector<1x64x1x3xf32>,
    %slice3A_1293 = vector.extract_strided_slice %select_n3A_1268 {offsets = [0, 128], sizes = [64, 64], strides = [1, 1]} : vector<64x512xf32> to vector<64x64xf32>
    %dot_general3A_1294 = arith.constant dense<0.000000e+00> : vector<64x3xf32>
    %dot_general3A_1295 = tpu.matmul %slice3A_1293, %dot_general3A_5, %dot_general3A_1294 {dimension_numbers = #tpu.dot_dimension_numbers<[1], [0], [0], [1], [0, 0, 1, 1], [], []>, transpose_lhs_hint = false} : vector<64x64xf32>, vector<64x3xf32>, vector<64x3xf32> -> vector<64x3xf32>
    %add3A_1296 = arith.addf %dot_general3A_1295, %dot_general3A_1270 : vector<64x3xf32>
    %swap3A_1297 = arith.constant 1 : index
    %swap3A_1298 = arith.constant 0 : index
    %swap3A_1299 = arith.constant 2 : index
    %swap3A_1300 = arith.constant 0 : index
    %swap3A_1301 = vector.load %arg6[%swap3A_1297, %swap3A_1298, %swap3A_1299, %swap3A_1300] : memref<2x64x8x3xf32, #tpu.memory_space<vmem>>, vector<1x64x1x3xf32>
    %swap3A_1302 = vector.shape_cast %swap3A_1301 : vector<1x64x1x3xf32> to vector<64x3xf32>
    %swap3A_1303 = vector.shape_cast %add3A_1296 : vector<64x3xf32> to vector<1x64x1x3xf32>
    tpu.vector_store %arg6[%swap3A_1297, %swap3A_1298, %swap3A_1299, %swap3A_1300], %swap3A_1303 {strides = array<i32>} : memref<2x64x8x3xf32, #tpu.memory_space<vmem>>, vector<1x64x1x3xf32>,
    %slice3A_1304 = vector.extract_strided_slice %select_n3A_1268 {offsets = [0, 192], sizes = [64, 64], strides = [1, 1]} : vector<64x512xf32> to vector<64x64xf32>
    %dot_general3A_1305 = arith.constant dense<0.000000e+00> : vector<64x3xf32>
    %dot_general3A_1306 = tpu.matmul %slice3A_1304, %dot_general3A_5, %dot_general3A_1305 {dimension_numbers = #tpu.dot_dimension_numbers<[1], [0], [0], [1], [0, 0, 1, 1], [], []>, transpose_lhs_hint = false} : vector<64x64xf32>, vector<64x3xf32>, vector<64x3xf32> -> vector<64x3xf32>
    %add3A_1307 = arith.addf %dot_general3A_1306, %dot_general3A_1270 : vector<64x3xf32>
    %swap3A_1308 = arith.constant 1 : index
    %swap3A_1309 = arith.constant 0 : index
    %swap3A_1310 = arith.constant 3 : index
    %swap3A_1311 = arith.constant 0 : index
    %swap3A_1312 = vector.load %arg6[%swap3A_1308, %swap3A_1309, %swap3A_1310, %swap3A_1311] : memref<2x64x8x3xf32, #tpu.memory_space<vmem>>, vector<1x64x1x3xf32>
    %swap3A_1313 = vector.shape_cast %swap3A_1312 : vector<1x64x1x3xf32> to vector<64x3xf32>
    %swap3A_1314 = vector.shape_cast %add3A_1307 : vector<64x3xf32> to vector<1x64x1x3xf32>
    tpu.vector_store %arg6[%swap3A_1308, %swap3A_1309, %swap3A_1310, %swap3A_1311], %swap3A_1314 {strides = array<i32>} : memref<2x64x8x3xf32, #tpu.memory_space<vmem>>, vector<1x64x1x3xf32>,
    %slice3A_1315 = vector.extract_strided_slice %select_n3A_1268 {offsets = [0, 256], sizes = [64, 64], strides = [1, 1]} : vector<64x512xf32> to vector<64x64xf32>
    %dot_general3A_1316 = arith.constant dense<0.000000e+00> : vector<64x3xf32>
    %dot_general3A_1317 = tpu.matmul %slice3A_1315, %dot_general3A_5, %dot_general3A_1316 {dimension_numbers = #tpu.dot_dimension_numbers<[1], [0], [0], [1], [0, 0, 1, 1], [], []>, transpose_lhs_hint = false} : vector<64x64xf32>, vector<64x3xf32>, vector<64x3xf32> -> vector<64x3xf32>
    %add3A_1318 = arith.addf %dot_general3A_1317, %dot_general3A_1270 : vector<64x3xf32>
    %swap3A_1319 = arith.constant 1 : index
    %swap3A_1320 = arith.constant 0 : index
    %swap3A_1321 = arith.constant 4 : index
    %swap3A_1322 = arith.constant 0 : index
    %swap3A_1323 = vector.load %arg6[%swap3A_1319, %swap3A_1320, %swap3A_1321, %swap3A_1322] : memref<2x64x8x3xf32, #tpu.memory_space<vmem>>, vector<1x64x1x3xf32>
    %swap3A_1324 = vector.shape_cast %swap3A_1323 : vector<1x64x1x3xf32> to vector<64x3xf32>
    %swap3A_1325 = vector.shape_cast %add3A_1318 : vector<64x3xf32> to vector<1x64x1x3xf32>
    tpu.vector_store %arg6[%swap3A_1319, %swap3A_1320, %swap3A_1321, %swap3A_1322], %swap3A_1325 {strides = array<i32>} : memref<2x64x8x3xf32, #tpu.memory_space<vmem>>, vector<1x64x1x3xf32>,
    %slice3A_1326 = vector.extract_strided_slice %select_n3A_1268 {offsets = [0, 320], sizes = [64, 64], strides = [1, 1]} : vector<64x512xf32> to vector<64x64xf32>
    %dot_general3A_1327 = arith.constant dense<0.000000e+00> : vector<64x3xf32>
    %dot_general3A_1328 = tpu.matmul %slice3A_1326, %dot_general3A_5, %dot_general3A_1327 {dimension_numbers = #tpu.dot_dimension_numbers<[1], [0], [0], [1], [0, 0, 1, 1], [], []>, transpose_lhs_hint = false} : vector<64x64xf32>, vector<64x3xf32>, vector<64x3xf32> -> vector<64x3xf32>
    %add3A_1329 = arith.addf %dot_general3A_1328, %dot_general3A_1270 : vector<64x3xf32>
    %swap3A_1330 = arith.constant 1 : index
    %swap3A_1331 = arith.constant 0 : index
    %swap3A_1332 = arith.constant 5 : index
    %swap3A_1333 = arith.constant 0 : index
    %swap3A_1334 = vector.load %arg6[%swap3A_1330, %swap3A_1331, %swap3A_1332, %swap3A_1333] : memref<2x64x8x3xf32, #tpu.memory_space<vmem>>, vector<1x64x1x3xf32>
    %swap3A_1335 = vector.shape_cast %swap3A_1334 : vector<1x64x1x3xf32> to vector<64x3xf32>
    %swap3A_1336 = vector.shape_cast %add3A_1329 : vector<64x3xf32> to vector<1x64x1x3xf32>
    tpu.vector_store %arg6[%swap3A_1330, %swap3A_1331, %swap3A_1332, %swap3A_1333], %swap3A_1336 {strides = array<i32>} : memref<2x64x8x3xf32, #tpu.memory_space<vmem>>, vector<1x64x1x3xf32>,
    %slice3A_1337 = vector.extract_strided_slice %select_n3A_1268 {offsets = [0, 384], sizes = [64, 64], strides = [1, 1]} : vector<64x512xf32> to vector<64x64xf32>
    %dot_general3A_1338 = arith.constant dense<0.000000e+00> : vector<64x3xf32>
    %dot_general3A_1339 = tpu.matmul %slice3A_1337, %dot_general3A_5, %dot_general3A_1338 {dimension_numbers = #tpu.dot_dimension_numbers<[1], [0], [0], [1], [0, 0, 1, 1], [], []>, transpose_lhs_hint = false} : vector<64x64xf32>, vector<64x3xf32>, vector<64x3xf32> -> vector<64x3xf32>
    %add3A_1340 = arith.addf %dot_general3A_1339, %dot_general3A_1270 : vector<64x3xf32>
    %swap3A_1341 = arith.constant 1 : index
    %swap3A_1342 = arith.constant 0 : index
    %swap3A_1343 = arith.constant 6 : index
    %swap3A_1344 = arith.constant 0 : index
    %swap3A_1345 = vector.load %arg6[%swap3A_1341, %swap3A_1342, %swap3A_1343, %swap3A_1344] : memref<2x64x8x3xf32, #tpu.memory_space<vmem>>, vector<1x64x1x3xf32>
    %swap3A_1346 = vector.shape_cast %swap3A_1345 : vector<1x64x1x3xf32> to vector<64x3xf32>
    %swap3A_1347 = vector.shape_cast %add3A_1340 : vector<64x3xf32> to vector<1x64x1x3xf32>
    tpu.vector_store %arg6[%swap3A_1341, %swap3A_1342, %swap3A_1343, %swap3A_1344], %swap3A_1347 {strides = array<i32>} : memref<2x64x8x3xf32, #tpu.memory_space<vmem>>, vector<1x64x1x3xf32>,
    %slice3A_1348 = vector.extract_strided_slice %select_n3A_1268 {offsets = [0, 448], sizes = [64, 64], strides = [1, 1]} : vector<64x512xf32> to vector<64x64xf32>
    %dot_general3A_1349 = arith.constant dense<0.000000e+00> : vector<64x3xf32>
    %dot_general3A_1350 = tpu.matmul %slice3A_1348, %dot_general3A_5, %dot_general3A_1349 {dimension_numbers = #tpu.dot_dimension_numbers<[1], [0], [0], [1], [0, 0, 1, 1], [], []>, transpose_lhs_hint = false} : vector<64x64xf32>, vector<64x3xf32>, vector<64x3xf32> -> vector<64x3xf32>
    %add3A_1351 = arith.addf %dot_general3A_1350, %dot_general3A_1270 : vector<64x3xf32>
    %swap3A_1352 = arith.constant 1 : index
    %swap3A_1353 = arith.constant 0 : index
    %swap3A_1354 = arith.constant 7 : index
    %swap3A_1355 = arith.constant 0 : index
    %swap3A_1356 = vector.load %arg6[%swap3A_1352, %swap3A_1353, %swap3A_1354, %swap3A_1355] : memref<2x64x8x3xf32, #tpu.memory_space<vmem>>, vector<1x64x1x3xf32>
    %swap3A_1357 = vector.shape_cast %swap3A_1356 : vector<1x64x1x3xf32> to vector<64x3xf32>
    %swap3A_1358 = vector.shape_cast %add3A_1351 : vector<64x3xf32> to vector<1x64x1x3xf32>
    tpu.vector_store %arg6[%swap3A_1352, %swap3A_1353, %swap3A_1354, %swap3A_1355], %swap3A_1358 {strides = array<i32>} : memref<2x64x8x3xf32, #tpu.memory_space<vmem>>, vector<1x64x1x3xf32>,
    return
  }
  func.func @transform_0(%arg0: i32) -> (i32, i32, i32) {
    %c0_i32 = arith.constant 0 : i32
    %c0_i32_0 = arith.constant 0 : i32
    %c0_i32_1 = arith.constant 0 : i32
    return %c0_i32, %arg0, %c0_i32_0 : i32, i32, i32
  }
  func.func @transform_1(%arg0: i32) -> (i32, i32, i32) {
    %c0_i32 = arith.constant 0 : i32
    %c0_i32_0 = arith.constant 0 : i32
    %c0_i32_1 = arith.constant 0 : i32
    return %arg0, %c0_i32, %c0_i32_0 : i32, i32, i32
  }
  func.func @transform_2(%arg0: i32) -> (i32, i32) {
    %c0_i32 = arith.constant 0 : i32
    %c0_i32_0 = arith.constant 0 : i32
    %c0_i32_1 = arith.constant 0 : i32
    return %c0_i32, %c0_i32_0 : i32, i32
  }
  func.func @transform_3(%arg0: i32) -> (i32, i32) {
    %c0_i32 = arith.constant 0 : i32
    %c0_i32_0 = arith.constant 0 : i32
    %c0_i32_1 = arith.constant 0 : i32
    return %c0_i32, %c0_i32_0 : i32, i32
  }
  func.func @transform_4(%arg0: i32) -> (i32, i32) {
    %c0_i32 = arith.constant 0 : i32
    %c0_i32_0 = arith.constant 0 : i32
    %c0_i32_1 = arith.constant 0 : i32
    return %c0_i32, %c0_i32_0 : i32, i32
  }
  func.func @transform_5(%arg0: i32) -> (i32, i32, i32, i32) {
    %c0_i32 = arith.constant 0 : i32
    %c0_i32_0 = arith.constant 0 : i32
    %c0_i32_1 = arith.constant 0 : i32
    %c0_i32_2 = arith.constant 0 : i32
    return %c0_i32, %arg0, %c0_i32_0, %c0_i32_1 : i32, i32, i32, i32
  }
}

</mosaic_0001>

<sc_bundles>
// kernel: kernel.11.cloned.1.call-start
scs
__scs_entry_jumppad:
0x0: {  	(pc) =	sbr.rel $0x88, $3  }
0x1: {  	(tag) =	ssettag $0x0;
	lr =	simm.s32 $0x1  }
0x2: {  	[smem:$0x3F89] =	sst lr;
	_ =	strace $0xD0000000  }
0x3: {  	_ = 	snop  }
0x4: {  	_ = 	snop  }
0x5: {  	_ = 	snop  }
0x6: {  	_ = 	snop  }
0x7: {  	_ = 	snop  }
__scs_overlays_trampoline_lowered:
0x8: {  	[smem:$0x3F98] =	sst s0  }
0x9: {  	[smem:$0x3F99] =	sst s1  }
0xa: {  	[smem:$0x3F9A] =	sst s2  }
0xb: {  	[smem:$0x3F9B] =	sst s3  }
0xc: {  	[smem:$0x3F9C] =	sst s4  }
0xd: {  	[smem:$0x3F9D] =	sst s5  }
0xe: {  	[smem:$0x3F9E] =	sst s6  }
0xf: {  	[smem:$0x3F9F] =	sst s7  }
0x10: {  	[smem:$0x3FA0] =	sst s8  }
0x11: {  	[smem:$0x3FA1] =	sst s9;
	s0 =	simm.s32 @!p0 $0x0  }
0x12: {  	s1 =	sld [smem:$0x3F87];
	s0 =	simm.s32 @p0 $0x1  }
0x13: {  	[smem:$0x3FA2] =	sst s0;
	s0 =	simm.s32 @!p1 $0x0  }
0x14: {  	s2 =	sld [smem:$0x3F86];
	s0 =	simm.s32 @p1 $0x1  }
0x15: {  	[smem:$0x3FA3] =	sst s0;
	s0 =	simm.s32 @!p2 $0x0  }
0x16: {  	s3 =	sld [smem:$0x3FDB];
	s0 =	simm.s32 @p2 $0x1  }
0x17: {  	s4 =	simm.s32 $0x1BF5;
	[smem:$0x3FA5] =	sst s0  }
0x18: {  	s0 =	sld [smem:$0x3F88];
	_ =	swait.ge [sflag:s4], $0x0  }
0x19: {  	s7 =	sld [smem:$0x3F89]  }
0x1a: {  	s8 =	sadd.s32 $0xFFFFE003, lr  }
0x1b: {  	s9 =	sadd.s32 $0xFFFFFEF7, lr;
	s5 =	simm.s32 $0xFFFFFFFF;
	p2 =	slt.u32 s8, $0xFFFFF086  }
0x1c: {  	p1 =	slt.u32 s9, $0xF7A;
	s5 =	simm.s32 @!p2 $0x0  }
0x1d: {  	s5 =	simm.s32 @p1 $0x1;
	p0 =	seq.s32 s7, s2  }
0x1e: {  	s7 =	smul.u32 @!p0 $0xF7A, s2;
	p2 =	seq.s32 @!p0 s5, $0x0  }
0x1f: {  	s9 =	smul.u32 $0xF7A, s1;
	s8 =	simm.s32 @!p0 $0x1BF5;
	p2 =	por !p2, p0  }
0x20: {  	[sflag:s8] =	ssyncset.s32 @!p0 $0xFFFFF086;
	s6 =	sadd.s32 @!p0 s3, s7;
	s7 =	simm.s32 @!p0 $0x108  }
0x21: {  	s3 =	sadd.s32 s3, s9;
	s6 =	sadd.s32 @!p0 $0x88, s6;
	s7 =	simm.s32 @p2 $0x1082  }
0x22: {  	[simem:s7], [sflag:s8] =	dma.local @!p0 [hbm:s6], $0xF7A  }
0x23: {  	s9 =	sor.u32 $0xD0000000, s2;
	s6 =	simm.s32 $0x108;
	_ =	swait.ge @!p0 [sflag:s8], $0x0  }
0x24: {  	s3 =	sadd.s32 $0x88, s3;
	s6 =	simm.s32 @!p1 $0x1082;
	[sflag:s4] =	ssyncset.s32 $0xFFFFF086  }
0x25: {  	[simem:s6], [sflag:s4] =	dma.local [hbm:s3], $0xF7A  }
0x26: {  	[smem:$0x3F89] =	sst s1;
	(tag) =	ssettag s2;
	_ =	strace s9  }
0x27: {  	s1 =	sld [smem:$0x3F99]  }
0x28: {  	s2 =	sld [smem:$0x3F9A]  }
0x29: {  	s4 =	sld [smem:$0x3F9C]  }
0x2a: {  	p0 =	seq.s32 s5, $0x0;
	s5 =	sld [smem:$0x3F9D]  }
0x2b: {  	s6 =	sld [smem:$0x3F9E]  }
0x2c: {  	s7 =	sld [smem:$0x3F9F]  }
0x2d: {  	s3 =	simm.s32 $0x108;
	s8 =	sld [smem:$0x3FA0]  }
0x2e: {  	s3 =	simm.s32 @!p0 $0x1082;
	s9 =	sld [smem:$0x3FA1]  }
0x2f: {  	lr =	sadd.s32 s0, s3;
	s0 =	sld [smem:$0x3F98]  }
0x30: {  	s3 =	sld [smem:$0x3F9B]  }
0x31: {  	[smem:$0x3FA4] =	sst s10  }
0x32: {  	s10 =	sld [smem:$0x3FA2];
	_ =	sdelay $0x3  }
0x33: {  	p0 =	seq.s32 s10, $0x1;
	s10 =	sld [smem:$0x3FA4];
	_ =	sdelay $0x3  }
0x34: {  	[smem:$0x3FA4] =	sst s10  }
0x35: {  	s10 =	sld [smem:$0x3FA3];
	_ =	sdelay $0x3  }
0x36: {  	p1 =	seq.s32 s10, $0x1;
	s10 =	sld [smem:$0x3FA4];
	_ =	sdelay $0x3  }
0x37: {  	[smem:$0x3FA4] =	sst s10  }
0x38: {  	s10 =	sld [smem:$0x3FA5]  }
0x39: {  	_ = 	snop;
	(pc) =	sbr.ind lr, $3  }
0x3a: {  	_ = 	snop  }
0x3b: {  	_ = 	snop  }
0x3c: {  	p2 =	seq.s32 s10, $0x1;
	s10 =	sld [smem:$0x3FA4]  }
0x3d: {  	_ =	shalt  }
0x3e: {  	_ =	shalt  }
0x3f: {  	_ =	shalt  }
0x40: {  	_ =	shalt  }
0x41: {  	_ =	shalt  }
0x42: {  	_ =	shalt  }
0x43: {  	_ =	shalt  }
0x44: {  	_ =	shalt  }
0x45: {  	_ =	shalt  }
0x46: {  	_ =	shalt  }
0x47: {  	_ =	shalt  }
0x48: {  	_ =	shalt  }
0x49: {  	_ =	shalt  }
0x4a: {  	_ =	shalt  }
0x4b: {  	_ =	shalt  }
0x4c: {  	_ =	shalt  }
0x4d: {  	_ =	shalt  }
0x4e: {  	_ =	shalt  }
0x4f: {  	_ =	shalt  }
0x50: {  	_ =	shalt  }
0x51: {  	_ =	shalt  }
0x52: {  	_ =	shalt  }
0x53: {  	_ =	shalt  }
0x54: {  	_ =	shalt  }
0x55: {  	_ =	shalt  }
0x56: {  	_ =	shalt  }
0x57: {  	_ =	shalt  }
0x58: {  	_ =	shalt  }
0x59: {  	_ =	shalt  }
0x5a: {  	_ =	shalt  }
0x5b: {  	_ =	shalt  }
0x5c: {  	_ =	shalt  }
0x5d: {  	_ =	shalt  }
0x5e: {  	_ =	shalt  }
0x5f: {  	_ =	shalt  }
0x60: {  	_ =	shalt  }
0x61: {  	_ =	shalt  }
0x62: {  	_ =	shalt  }
0x63: {  	_ =	shalt  }
0x64: {  	_ =	shalt  }
0x65: {  	_ =	shalt  }
0x66: {  	_ =	shalt  }
0x67: {  	_ =	shalt  }
0x68: {  	_ =	shalt  }
0x69: {  	_ =	shalt  }
0x6a: {  	_ =	shalt  }
0x6b: {  	_ =	shalt  }
0x6c: {  	_ =	shalt  }
0x6d: {  	_ =	shalt  }
0x6e: {  	_ =	shalt  }
0x6f: {  	_ =	shalt  }
0x70: {  	_ =	shalt  }
0x71: {  	_ =	shalt  }
0x72: {  	_ =	shalt  }
0x73: {  	_ =	shalt  }
0x74: {  	_ =	shalt  }
0x75: {  	_ =	shalt  }
0x76: {  	_ =	shalt  }
0x77: {  	_ =	shalt  }
0x78: {  	_ =	shalt  }
0x79: {  	_ =	shalt  }
0x7a: {  	_ =	shalt  }
0x7b: {  	_ =	shalt  }
0x7c: {  	_ =	shalt  }
0x7d: {  	_ =	shalt  }
0x7e: {  	_ =	shalt  }
0x7f: {  	_ =	shalt  }
0x80: {  	_ =	shalt  }
0x81: {  	_ =	shalt  }
0x82: {  	_ =	shalt  }
0x83: {  	_ =	shalt  }
0x84: {  	_ =	shalt  }
0x85: {  	_ =	shalt  }
0x86: {  	_ =	shalt  }
0x87: {  	_ =	shalt  }
.Lfunc_end0:
.L_simem_size_0:
called_computation_lowered:
.L_overlay_start_0:
0x88: {  	s2 =	sld [smem:$0x3FD9]  }
0x89: {  	s3 =	sld [smem:$0x3FFE];
	_ =	sdelay $0x1  }
0x8a: {  	s1 =	srdreg.scid  }
0x8b: {  	s0 =	sand.u32 $0x1, s1  }
0x8c: {  	s14 =	sshll.u32 s0, $0xA;
	s2 =	sadd.s32 s3, s2  }
0x8d: {  	s2 =	sadd.s32 s2, s14  }
0x8e: {  	[smem:$0x3FB0] =	sst s2  }
0x8f: {  	_ = 	snop  }
0x90: {  	s2 =	sld [smem:$0x3FD0];
	_ =	sdelay $0x2  }
0x91: {  	s15 =	simm.s32 $0xA;
	s4 =	simm.s32 $0x10  }
0x92: {  	[smem:s4], [sflag:s15] =	dma.local [hbm:s2], $0x1  }
0x93: {  	_ =	swait.eq [sflag:s15], $0x1  }
0x94: {  	[sflag:s15] =	ssyncset.done $0x0  }
0x95: {  	[sflag:s15] =	ssyncadd.s32 $0xFFFFFFFF  }
0x96: {  	s16 =	sld [smem:$0x11];
	(tm) =	ssettm $0x1  }
0x97: {  	s17 =	sld [smem:$0x3FFB];
	_ =	sdelay $0x3  }
0x98: {  	_ =	strace s17  }
0x99: {  	s3 =	sld [smem:$0x3FFC];
	_ =	sdelay $0x3  }
0x9a: {  	_ =	strace s3  }
0x9b: {  	s3 =	sld [smem:$0x3FFD];
	_ =	sdelay $0x3  }
0x9c: {  	_ =	strace s3  }
0x9d: {  	_ =	strace $0x8FFFFFFF  }
0x9e: {  	s18 =	sld [smem:$0x3FDB];
	_ =	sdelay $0x1  }
0x9f: {  	s19 =	simm.s32 $_scs_section_size  }
0xa0: {  	s5 =	simm.s32 $_size__tile_overlayer_lowered;
	s6 =	simm.s32 $_tile_overlayer_lowered  }
0xa1: {  	s22 =	simm.s32 $0x1BFF;
	s21 =	sshll.u32 s6, $0x1;
	s3 =	sadd.s32 s19, s18  }
0xa2: {  	s7 =	simm.s32 $0x0;
	s20 =	sshll.u32 s5, $0x1;
	s5 =	sadd.s32 s21, s3  }
0xa3: {  	[timem:s7], [sflag:s22] =	dma.local [hbm:s5], s20  }
0xa4: {  	_ =	swait.ge [sflag:s22], s20  }
0xa5: {  	s4 =	ssub.s32 $0x0, s20;
	[sflag:s22] =	ssyncset.done $0x0  }
0xa6: {  	[sflag:s22] =	ssyncadd.s32 s4;
	_ =	sdelay $0x1  }
0xa7: {  	s23 =	simm.s32 $0x1B8B  }
0xa8: {  	_ =	swait.ge [sflag:s23], $0x1  }
0xa9: {  	[sflag:s23] =	ssyncset.done $0x0  }
0xaa: {  	s25 =	simm.s32 $0x1B8E;
	s24 =	sld [smem:$0x3FFE];
	[sflag:s23] =	ssyncadd.s32 $0xFFFFFFFF  }
0xab: {  	s26 =	simm.s32 $execute0_lowered;
	[smem:$0x3FD2] =	sst s25  }
0xac: {  	s5 =	sshll.u32 s26, $0x1;
	_ =	strace $0x80000046;
	[dreg:$0x1] =	wrdreg $0xFFFFFFFF  }
0xad: {  	s28 =	simm.s32 $_size_execute0_lowered;
	s3 =	sadd.s32 s3, s5;
	[dreg:$0x0] =	wrdreg $0x0  }
0xae: {  	s5 =	sshll.u32 s28, $0x1;
	[dreg:$0x2] =	wrdreg s3  }
0xaf: {  	[dreg:$0x3] =	wrdreg s5  }
0xb0: {  	[dreg:$0x4] =	wrdreg $0xC0  }
0xb1: {  	_ =	task [dreg:s7], $0x5FFFF  }
0xb2: {  	[dreg:$0x1] =	wrdreg $0xFFFFFFFF  }
0xb3: {  	[dreg:$0x0] =	wrdreg $0x60  }
0xb4: {  	[dreg:$0x2] =	wrdreg s24  }
0xb5: {  	[dreg:$0x3] =	wrdreg s16  }
0xb6: {  	[dreg:$0x4] =	wrdreg $0x9  }
0xb7: {  	_ =	task.clear_ibuf [dreg:s7], $0x5FFFF;
	_ =	strace $0x90000046  }
0xb8: {  	s29 =	simm.s32 $0x9;
	_ =	strace $0x8000004F  }
0xb9: {  	_ =	swait.ge [sflag:s29], $0x1  }
0xba: {  	[sflag:s29] =	ssyncadd.s32 $0xFFFFFFFF  }
0xbb: {  	_ =	strace $0x9000004F  }
0xbc: {  	_ =	sfence  }
0xbd: {  	s30 =	sld [smem:$0x0];
	_ =	sdelay $0x2  }
0xbe: {  	s31 =	sshll.u32 s1, $0xD;
	s1 =	sshrl.u32 s1, $0x2  }
0xbf: {  	s3 =	sand.u32 $0x4000, s31;
	s1 =	sadd.s32 s1, s30  }
0xc0: {  	s0 =	sor.u32 s3, s0;
	s1 =	sshll.u32 s1, $0x11  }
0xc1: {  	s0 =	sor.u32 s1, s0  }
0xc2: {  	s0 =	sadd.s32 $0x8F2B, s0  }
0xc3: {  	[sflag:s0] =	ssyncadd.remote.s32 $0x1  }
0xc4: {  	_ =	sfence.sel $0xFFFF  }
0xc5: {  	[dreg:$0x0] =	wrdreg $0xFFFFFFFF;
	(pc) =	sbr.abs _section_cstart, $3  }
0xc6: {  	[dreg:$0x1] =	wrdreg $0xFFFFFFFF  }
0xc7: {  	_ =	task.clear_ibuf [dreg:s7], $0x2FFFF;
	_ =	strace $0x9FFFFFFF  }
0xc8: {  	(tm) =	ssettm $0x7FFFFFFF  }
0xc9: {  	_ =	shalt  }
tec
execute0_lowered:
.L_overlay_start_1:
0x0: {  	(tag) =	ssettag $0x1  }
0x1: {  	s4 =	rddreg [dreg:$0x0]  }
0x2: {  	s1 =	rddreg [dreg:$0x1]  }
0x3: {  	s0 =	rddreg [dreg:$0x2];
	s2 =	simm.s32 $0x0  }
0x4: {  	s5 =	srdreg.scid;
	s8 =	simm.s32 $0x80;
	s9 =	simm.s32 $0x4  }
0x5: {  	s10 =	simm.s32 $0x0;
	[smem:$0x7FF] =	sst s2;
	s3 =	sadd.s32 $0x4600, s4  }
0x6: {  	s4 =	sadd.s32 $0x8C600, s4;
	_ =	strace $0x80000047;
	[dreg:$0x3] =	wrdreg s3  }
0x7: {  	s5 =	sand.u32 $0x1, s5;
	s3 =	stileid.u32;
	[dreg:$0x5] =	wrdreg s4  }
0x8: {  	s6 =	ssub.s32 $0x2, s5;
	s5 =	sshll.u32 s5, $0x4;
	[dreg:$0x4] =	wrdreg s8  }
0x9: {  	s8 =	simm.s32 $0x5;
	s7 =	sshrl.u32 s6, $0x1;
	s5 =	sor.u32 s3, s5  }
0xa: {  	s6 =	ssub.s32 s6, s7;
	s31 =	sshll.u32 s5, $0x7;
	s4 =	sshll.u32 s5, $0x3  }
0xb: {  	s7 =	simm.s32 $0x1;
	s5 =	sadd.s32 s1, s31;
	s6 =	smax.u32 s6, $0x1  }
.LBB2_1:
0xc: {  	_ =	strace $0x80000048;
	s11 =	simm.s32 $0x1;
	p0 =	por $0x0, $0x0  }
0xd: {  	[tilespmem:s2], [sflag:$0x1] =	stream.linear.gather [hbm4b:s5+s2], $0x80, $0x200038;
	[tilespmem:$0x8100] =	vst v63  }
0xe: {  	s11 =	simm.s32 @p0 $0x0  }
0xf: {  	p4 =	por $0x1, $0x1;
	s20 =	sand.u32 $0x1, s2;
	p1 =	sne.s32 s11, $0x0  }
0x10: {  	p2 =	por $0x1, $0x1;
	s18 =	simm.s32 $0x6;
	p0 =	por !p4, !p1  }
0x11: {  	s16 =	simm.s32 $0x0;
	p5 =	por $0x0, $0x0;
	p0 =	por !p0, !p0  }
0x12: {  	s23 =	sadd.s32 $0x0, s4;
	s30 =	sadd.s32 $0x1, s20;
	s12 =	sadd.s32 @p0 s4, s11  }
0x13: {  	_ =	strace $0x90000048;
	s13 =	sand.u32 @p0 $0x1, s7;
	s12 =	sshll.u32 @p0 s12, $0x4  }
0x14: {  	_ =	strace @p0 $0x80000049;
	s15 =	simm.s32 @p0 $0x0;
	s12 =	sand.u32 @p0 $0x1FFFFFF0, s12  }
0x15: {  	s14 =	sshll.u32 @p0 s13, $0x7;
	s13 =	sadd.s32 @p0 $0x1, s13;
	s12 =	sadd.s32 @p0 s1, s12  }
0x16: {  	[tilespmem:s14], [sflag:s13] =	stream.linear.gather @p0 [hbm4b:s12+s15], $0x80, $0x200038;
	[tilespmem:$0x8100] =	vst v63  }
0x17: {  	p3 =	por p2, p2;
	s21 =	sshll.u32 s20, $0xE;
	_ =	strace @p0 $0x90000049  }
0x18: {  	s16 =	sand.u32 $0x80, s16;
	p2 =	por p5, p5;
	_ =	strace $0x8000004A  }
0x19: {  	s17 =	sadd.s32 $0x1, s11;
	s22 =	sor.u32 $0x100, s21;
	_ =	swait.ge [sflag:s30], $0x80  }
0x1a: {  	s21 =	simm.s32 $0x1;
	p6 =	por p1, p1;
	[sflag:s30] =	ssyncset.done $0x0  }
0x1b: {  	p1 =	por p3, p3;
	p4 =	por $0x1, $0x1;
	[sflag:s30] =	ssyncadd.s32 $0xFFFFFF80  }
0x1c: {  	s12 =	simm.s32 $0x7;
	s15 =	sand.u32 @!p3 $0x1, s2;
	_ =	strace $0x9000004A  }
0x1d: {  	s13 =	simm.s32 $0x1;
	p3 =	seq.s32 s17, $0x8;
	_ =	strace $0x8000004B  }
0x1e: {  	s13 =	simm.s32 @!p0 $0x0;
	s17 =	simm.s32 @p3 $0x0;
	s19 =	rddreg [dreg:$0x4]  }
0x1f: {  	p0 =	por $0x0, $0x0;
	s14 =	sadd.s32 $0x1, s13;
	s31 =	rddreg [dreg:$0x3]  }
0x20: {  	[tilespmem:s22], [sflag:$0x5] =	stream.indirect.gather [hbm4b:s31+s19], $0x80, s16, s19, $0x2000b8;
	[tilespmem:$0x8100] =	vst v63  }
0x21: {  	p3 =	sne.s32 s11, s17;
	s21 =	simm.s32 @!p0 $0x0;
	_ =	swait.ge [sflag:s8], $0x4000  }
0x22: {  	p5 =	por !p4, !p3;
	p4 =	por $0x0, $0x0;
	[sflag:s8] =	ssyncset.done $0x0  }
0x23: {  	s13 =	simm.s32 $0x0;
	p6 =	por p4, p6;
	[sflag:s8] =	ssyncadd.s32 $0xFFFFC000  }
0x24: {  	s16 =	simm.s32 $0x0;
	s19 =	simm.s32 $0x0;
	_ =	strace $0x9000004B  }
.LBB2_2:
0x25: {  	_ =	strace @p6 $0x8000004C;
	s13 =	sadd.s32 s21, s13;
	s21 =	smov.u32 s12  }
0x26: {  	s12 =	smov.u32 s18;
	s18 =	sadd.s32 $0xFFFFFFFF, s18;
	p0 =	por p3, p3  }
0x27: {  	s28 =	sshll.u32 @p6 s23, $0xB;
	s20 =	sadd.s32 @p6 $0x3, s20;
	s24 =	simm.s32 @!p0 $0x0  }
0x28: {  	s25 =	rddreg [dreg:$0x5];
	s28 =	sand.u32 @p6 $0x1FFFF800, s28;
	s24 =	simm.s32 @p0 $0x1  }
0x29: {  	s25 =	sadd.s32 @p6 s25, s28;
	s28 =	simm.s32 @p6 $0x0;
	p0 =	sne.s32 s18, $0x0  }
0x2a: {  	[hbm4b:s25+s28] =	stream.linear.scatter @p6 [tilespmem:s22], [sflag:s20], $0x4000, $0x200038;
	[tilespmem:$0x8100] =	vst v63  }
0x2b: {  	s20 =	sadd.s32 @!p1 $0x3, s15;
	s15 =	simm.s32 @!p0 $0x0  }
0x2c: {  	s26 =	simm.s32 $0x1;
	[smem:$0x7FC] =	sst s24;
	s15 =	simm.s32 @p0 $0x1  }
0x2d: {  	s26 =	simm.s32 @!p6 $0x0;
	_ =	strace @p6 $0x9000004C;
	[smem:$0x7FD] =	sst s15  }
0x2e: {  	p5 =	por !p5, !p5;
	s19 =	sadd.s32 s26, s19;
	_ =	strace @!p1 $0x8000004D  }
0x2f: {  	s24 =	sand.u32 @!p2 $0x1, s13;
	s22 =	sand.u32 @p5 $0x1, s14;
	_ =	swait.ge @!p1 [sflag:s20], $0x4000  }
0x30: {  	s15 =	smov.u32 s24;
	s24 =	sadd.s32 @p5 s4, s17;
	[sflag:s20] =	ssyncset.done @!p1 $0x0  }
0x31: {  	s25 =	sshll.u32 @p5 s22, $0x7;
	s24 =	sshll.u32 @p5 s24, $0x4;
	[sflag:s20] =	ssyncadd.s32 @!p1 $0xFFFFC000  }
0x32: {  	s20 =	sadd.s32 @p5 $0x1, s22;
	s22 =	sand.u32 @p5 $0x1FFFFFF0, s24;
	_ =	strace @!p1 $0x9000004D  }
0x33: {  	s24 =	simm.s32 @p5 $0x0;
	s22 =	sadd.s32 @p5 s1, s22;
	_ =	strace @p5 $0x80000049  }
0x34: {  	[tilespmem:s25], [sflag:s20] =	stream.linear.gather @p5 [hbm4b:s22+s24], $0x80, $0x200038;
	[tilespmem:$0x8100] =	vst v63  }
0x35: {  	s16 =	sadd.s32 s26, s16;
	s26 =	sand.u32 $0x1, s19;
	_ =	strace @p5 $0x90000049  }
0x36: {  	s24 =	sadd.s32 $0x1, s26;
	_ =	strace $0x8000004A  }
0x37: {  	_ =	swait.ge [sflag:s24], $0x80  }
0x38: {  	[sflag:s24] =	ssyncset.done $0x0  }
0x39: {  	s20 =	simm.s32 $0x1;
	[sflag:s24] =	ssyncadd.s32 $0xFFFFFF80  }
0x3a: {  	s20 =	simm.s32 @!p5 $0x0;
	_ =	strace $0x9000004A  }
0x3b: {  	s14 =	sadd.s32 s20, s14;
	s20 =	sand.u32 $0x1, s16;
	_ =	strace $0x8000004B  }
0x3c: {  	s29 =	sshll.u32 s19, $0x7;
	s25 =	sshll.u32 s20, $0xE;
	s26 =	rddreg [dreg:$0x4]  }
0x3d: {  	s29 =	sand.u32 $0x80, s29;
	s22 =	sor.u32 $0x100, s25;
	s30 =	rddreg [dreg:$0x3]  }
0x3e: {  	[tilespmem:s22], [sflag:$0x5] =	stream.indirect.gather [hbm4b:s30+s26], $0x80, s29, s26, $0x2000b8;
	[tilespmem:$0x8100] =	vst v63  }
0x3f: {  	_ =	swait.ge [sflag:s8], $0x4000  }
0x40: {  	s31 =	sadd.s32 $0x1, s17;
	[sflag:s8] =	ssyncset.done $0x0  }
0x41: {  	s23 =	sadd.s32 s4, s11;
	s11 =	smov.u32 s17;
	[sflag:s8] =	ssyncadd.s32 $0xFFFFC000  }
0x42: {  	p3 =	seq.s32 s31, $0x8;
	s17 =	smov.u32 s31;
	_ =	strace $0x9000004B  }
0x43: {  	s17 =	simm.s32 @p3 $0x0;
	s31 =	sld [smem:$0x7FD]  }
0x44: {  	p6 =	sne.s32 s12, $0x1;
	p0 =	sne.s32 s21, $0x8;
	p3 =	sne.s32 s11, s17  }
0x45: {  	p5 =	por !p6, !p3;
	p6 =	seq.s32 s21, $0x1;
	s21 =	simm.s32 $0x1  }
0x46: {  	s21 =	simm.s32 @!p0 $0x0;
	p0 =	seq.s32 s31, $0x1  }
.Ltmp0:
0x47: {  	s30 =	sld [smem:$0x7FC];
	(pc) =	sbr.rel @p0 .LBB2_2-.Ltmp0, $4  }
0x48: {  	_ = 	snop  }
0x49: {  	p4 =	seq.s32 s12, $0x8  }
0x4a: {  	p1 =	por p2, p2;
	p2 =	por p4, p4;
	p4 =	seq.s32 s30, $0x1  }
0x4b: {  	p6 =	por p6, p4  }
0x4c: {  	_ =	strace @p6 $0x8000004C;
	s23 =	sshll.u32 @p6 s23, $0xB  }
0x4d: {  	s18 =	rddreg [dreg:$0x5];
	s23 =	sand.u32 @p6 $0x1FFFF800, s23  }
0x4e: {  	s20 =	sadd.s32 @p6 $0x3, s20;
	s18 =	sadd.s32 @p6 s18, s23;
	s23 =	simm.s32 @p6 $0x0  }
0x4f: {  	[hbm4b:s18+s23] =	stream.linear.scatter @p6 [tilespmem:s22], [sflag:s20], $0x4000, $0x200038;
	[tilespmem:$0x8100] =	vst v63  }
0x50: {  	p0 =	por !p5, !p5;
	_ =	strace @p6 $0x9000004C  }
0x51: {  	s15 =	sadd.s32 @!p1 $0x3, s15;
	s17 =	sadd.s32 @p0 s4, s17;
	_ =	strace @!p1 $0x8000004D  }
0x52: {  	s14 =	sand.u32 @p0 $0x1, s14;
	s17 =	sshll.u32 @p0 s17, $0x4;
	_ =	swait.ge @!p1 [sflag:s15], $0x4000  }
0x53: {  	s18 =	simm.s32 $0x1;
	s20 =	sshll.u32 @p0 s14, $0x7;
	[sflag:s15] =	ssyncset.done @!p1 $0x0  }
0x54: {  	s14 =	sadd.s32 @p0 $0x1, s14;
	s18 =	simm.s32 @!p6 $0x0;
	[sflag:s15] =	ssyncadd.s32 @!p1 $0xFFFFC000  }
0x55: {  	s19 =	sadd.s32 s18, s19;
	s15 =	sand.u32 @p0 $0x1FFFFFF0, s17;
	_ =	strace @!p1 $0x9000004D  }
0x56: {  	s17 =	simm.s32 @p0 $0x0;
	s15 =	sadd.s32 @p0 s1, s15;
	_ =	strace @p0 $0x80000049  }
0x57: {  	[tilespmem:s20], [sflag:s14] =	stream.linear.gather @p0 [hbm4b:s15+s17], $0x80, $0x200038;
	[tilespmem:$0x8100] =	vst v63  }
0x58: {  	s25 =	sand.u32 $0x1, s19;
	_ =	strace @p0 $0x90000049  }
0x59: {  	s14 =	sadd.s32 $0x1, s25;
	_ =	strace $0x8000004A  }
0x5a: {  	_ =	swait.ge [sflag:s14], $0x80  }
0x5b: {  	[sflag:s14] =	ssyncset.done $0x0  }
0x5c: {  	[sflag:s14] =	ssyncadd.s32 $0xFFFFFF80  }
0x5d: {  	s26 =	sadd.s32 s18, s16;
	_ =	strace $0x9000004A  }
0x5e: {  	s14 =	sand.u32 $0x1, s26;
	_ =	strace $0x8000004B  }
0x5f: {  	s30 =	sshll.u32 s19, $0x7;
	s31 =	sshll.u32 s14, $0xE;
	s28 =	rddreg [dreg:$0x4]  }
0x60: {  	s17 =	sand.u32 $0x80, s30;
	s18 =	sor.u32 $0x100, s31;
	s29 =	rddreg [dreg:$0x3]  }
0x61: {  	[tilespmem:s18], [sflag:$0x5] =	stream.indirect.gather [hbm4b:s29+s28], $0x80, s17, s28, $0x2000b8;
	[tilespmem:$0x8100] =	vst v63  }
0x62: {  	_ =	swait.ge [sflag:s8], $0x4000  }
0x63: {  	[sflag:s8] =	ssyncset.done $0x0  }
0x64: {  	p5 =	por p3, p3;
	p6 =	seq.s32 s12, $0x1;
	[sflag:s8] =	ssyncadd.s32 $0xFFFFC000  }
0x65: {  	s11 =	sadd.s32 s4, s11;
	p0 =	por p6, p5;
	_ =	strace $0x9000004B  }
0x66: {  	s11 =	sshll.u32 @p0 s11, $0xB;
	_ =	strace @p0 $0x8000004C  }
0x67: {  	s13 =	sadd.s32 s21, s13;
	s11 =	sand.u32 @p0 $0x1FFFF800, s11;
	s12 =	rddreg [dreg:$0x5]  }
0x68: {  	s14 =	sadd.s32 @p0 $0x3, s14;
	s11 =	sadd.s32 @p0 s12, s11;
	s12 =	simm.s32 @p0 $0x0  }
0x69: {  	[hbm4b:s11+s12] =	stream.linear.scatter @p0 [tilespmem:s18], [sflag:s14], $0x4000, $0x200038;
	[tilespmem:$0x8100] =	vst v63  }
0x6a: {  	p1 =	por p2, p2;
	s11 =	sand.u32 @!p2 $0x1, s13;
	_ =	strace @p0 $0x9000004C  }
0x6b: {  	s11 =	sadd.s32 @!p1 $0x3, s11;
	_ =	strace @!p1 $0x8000004D  }
0x6c: {  	_ =	swait.ge @!p1 [sflag:s11], $0x4000  }
0x6d: {  	[sflag:s11] =	ssyncset.done @!p1 $0x0  }
0x6e: {  	s10 =	sadd.s32 $0x1, s10;
	[sflag:s11] =	ssyncadd.s32 @!p1 $0xFFFFC000  }
0x6f: {  	p0 =	sne.s32 s10, s6;
	_ =	strace @!p1 $0x9000004D  }
.Ltmp1:
0x70: {  	_ =	strace $0x8000004E;
	(pc) =	sbr.rel @p0 .LBB2_1-.Ltmp1, $4  }
0x71: {  	_ =	swait.ge [sflag:s9], $0x4000  }
0x72: {  	[sflag:s9] =	ssyncset.done $0x0  }
0x73: {  	[sflag:s9] =	ssyncadd.s32 $0xFFFFC000  }
0x74: {  	_ =	strace $0x9000004E  }
0x75: {  	_ =	sfence.sel $0x180000  }
0x76: {  	[bflag:$0x0] =	sbarrier.arrive $0xFFFF  }
0x77: {  	p0 =	sne.s32 s3, $0x0;
	_ =	strace $0x90000047  }
0x78: {  	s0 =	sadd.s32 @!p0 $0x100000, s0;
	[bflag:$0x2] =	sbarrier.arrive $0xFFFF  }
0x79: {  	[sflag:s0] =	ssyncadd.tile.s32 @!p0 $0x1;
	_ =	shalt  }
.Lfunc_end2:
_tile_overlayer_lowered:
.L_overlay_start_2:
0x7a: {  	(tag) =	ssettag $0x2  }
0x7b: {  	s0 =	rddreg [dreg:$0x0];
	s2 =	stileid.u32  }
0x7c: {  	s1 =	rddreg [dreg:$0x1];
	p0 =	sne.s32 s2, $0x0  }
0x7d: {  	s3 =	rddreg [dreg:$0x2];
	[bflag:$0x3] =	sbarrier.arrive $0xFFFF;
	s2 =	simm.s32 @!p0 $0x1C01  }
0x7e: {  	[timem:s3], [sflag:s2] =	dma.local @!p0 [hbm:s0], s1  }
0x7f: {  	s0 =	simm.s32 @!p0 $0x1  }
0x80: {  	_ =	swait.ge @!p0 [sflag:s0], s1  }
0x81: {  	s1 =	ssub.s32 @!p0 $0x0, s1;
	[sflag:s0] =	ssyncset.done @!p0 $0x0  }
0x82: {  	[sflag:s0] =	ssyncadd.s32 @!p0 s1  }
0x83: {  	[bflag:$0x3] =	sbarrier.arrive $0xFFFF  }
0x84: {  	_ =	shalt  }

// kernel: kernel.14.cloned.1.call-start
scs
__scs_entry_jumppad:
0x0: {  	(pc) =	sbr.rel $0x88, $3  }
0x1: {  	(tag) =	ssettag $0x0;
	lr =	simm.s32 $0x1  }
0x2: {  	[smem:$0x3F89] =	sst lr;
	_ =	strace $0xD0000000  }
0x3: {  	_ = 	snop  }
0x4: {  	_ = 	snop  }
0x5: {  	_ = 	snop  }
0x6: {  	_ = 	snop  }
0x7: {  	_ = 	snop  }
__scs_overlays_trampoline_lowered:
0x8: {  	[smem:$0x3F98] =	sst s0  }
0x9: {  	[smem:$0x3F99] =	sst s1  }
0xa: {  	[smem:$0x3F9A] =	sst s2  }
0xb: {  	[smem:$0x3F9B] =	sst s3  }
0xc: {  	[smem:$0x3F9C] =	sst s4  }
0xd: {  	[smem:$0x3F9D] =	sst s5  }
0xe: {  	[smem:$0x3F9E] =	sst s6  }
0xf: {  	[smem:$0x3F9F] =	sst s7  }
0x10: {  	[smem:$0x3FA0] =	sst s8  }
0x11: {  	[smem:$0x3FA1] =	sst s9;
	s0 =	simm.s32 @!p0 $0x0  }
0x12: {  	s1 =	sld [smem:$0x3F87];
	s0 =	simm.s32 @p0 $0x1  }
0x13: {  	[smem:$0x3FA2] =	sst s0;
	s0 =	simm.s32 @!p1 $0x0  }
0x14: {  	s2 =	sld [smem:$0x3F86];
	s0 =	simm.s32 @p1 $0x1  }
0x15: {  	[smem:$0x3FA3] =	sst s0;
	s0 =	simm.s32 @!p2 $0x0  }
0x16: {  	s3 =	sld [smem:$0x3FDB];
	s0 =	simm.s32 @p2 $0x1  }
0x17: {  	s4 =	simm.s32 $0x1BF5;
	[smem:$0x3FA5] =	sst s0  }
0x18: {  	s0 =	sld [smem:$0x3F88];
	_ =	swait.ge [sflag:s4], $0x0  }
0x19: {  	s7 =	sld [smem:$0x3F89]  }
0x1a: {  	s8 =	sadd.s32 $0xFFFFE003, lr  }
0x1b: {  	s9 =	sadd.s32 $0xFFFFFEF7, lr;
	s5 =	simm.s32 $0xFFFFFFFF;
	p2 =	slt.u32 s8, $0xFFFFF086  }
0x1c: {  	p1 =	slt.u32 s9, $0xF7A;
	s5 =	simm.s32 @!p2 $0x0  }
0x1d: {  	s5 =	simm.s32 @p1 $0x1;
	p0 =	seq.s32 s7, s2  }
0x1e: {  	s7 =	smul.u32 @!p0 $0xF7A, s2;
	p2 =	seq.s32 @!p0 s5, $0x0  }
0x1f: {  	s9 =	smul.u32 $0xF7A, s1;
	s8 =	simm.s32 @!p0 $0x1BF5;
	p2 =	por !p2, p0  }
0x20: {  	[sflag:s8] =	ssyncset.s32 @!p0 $0xFFFFF086;
	s6 =	sadd.s32 @!p0 s3, s7;
	s7 =	simm.s32 @!p0 $0x108  }
0x21: {  	s3 =	sadd.s32 s3, s9;
	s6 =	sadd.s32 @!p0 $0x88, s6;
	s7 =	simm.s32 @p2 $0x1082  }
0x22: {  	[simem:s7], [sflag:s8] =	dma.local @!p0 [hbm:s6], $0xF7A  }
0x23: {  	s9 =	sor.u32 $0xD0000000, s2;
	s6 =	simm.s32 $0x108;
	_ =	swait.ge @!p0 [sflag:s8], $0x0  }
0x24: {  	s3 =	sadd.s32 $0x88, s3;
	s6 =	simm.s32 @!p1 $0x1082;
	[sflag:s4] =	ssyncset.s32 $0xFFFFF086  }
0x25: {  	[simem:s6], [sflag:s4] =	dma.local [hbm:s3], $0xF7A  }
0x26: {  	[smem:$0x3F89] =	sst s1;
	(tag) =	ssettag s2;
	_ =	strace s9  }
0x27: {  	s1 =	sld [smem:$0x3F99]  }
0x28: {  	s2 =	sld [smem:$0x3F9A]  }
0x29: {  	s4 =	sld [smem:$0x3F9C]  }
0x2a: {  	p0 =	seq.s32 s5, $0x0;
	s5 =	sld [smem:$0x3F9D]  }
0x2b: {  	s6 =	sld [smem:$0x3F9E]  }
0x2c: {  	s7 =	sld [smem:$0x3F9F]  }
0x2d: {  	s3 =	simm.s32 $0x108;
	s8 =	sld [smem:$0x3FA0]  }
0x2e: {  	s3 =	simm.s32 @!p0 $0x1082;
	s9 =	sld [smem:$0x3FA1]  }
0x2f: {  	lr =	sadd.s32 s0, s3;
	s0 =	sld [smem:$0x3F98]  }
0x30: {  	s3 =	sld [smem:$0x3F9B]  }
0x31: {  	[smem:$0x3FA4] =	sst s10  }
0x32: {  	s10 =	sld [smem:$0x3FA2];
	_ =	sdelay $0x3  }
0x33: {  	p0 =	seq.s32 s10, $0x1;
	s10 =	sld [smem:$0x3FA4];
	_ =	sdelay $0x3  }
0x34: {  	[smem:$0x3FA4] =	sst s10  }
0x35: {  	s10 =	sld [smem:$0x3FA3];
	_ =	sdelay $0x3  }
0x36: {  	p1 =	seq.s32 s10, $0x1;
	s10 =	sld [smem:$0x3FA4];
	_ =	sdelay $0x3  }
0x37: {  	[smem:$0x3FA4] =	sst s10  }
0x38: {  	s10 =	sld [smem:$0x3FA5]  }
0x39: {  	_ = 	snop;
	(pc) =	sbr.ind lr, $3  }
0x3a: {  	_ = 	snop  }
0x3b: {  	_ = 	snop  }
0x3c: {  	p2 =	seq.s32 s10, $0x1;
	s10 =	sld [smem:$0x3FA4]  }
0x3d: {  	_ =	shalt  }
0x3e: {  	_ =	shalt  }
0x3f: {  	_ =	shalt  }
0x40: {  	_ =	shalt  }
0x41: {  	_ =	shalt  }
0x42: {  	_ =	shalt  }
0x43: {  	_ =	shalt  }
0x44: {  	_ =	shalt  }
0x45: {  	_ =	shalt  }
0x46: {  	_ =	shalt  }
0x47: {  	_ =	shalt  }
0x48: {  	_ =	shalt  }
0x49: {  	_ =	shalt  }
0x4a: {  	_ =	shalt  }
0x4b: {  	_ =	shalt  }
0x4c: {  	_ =	shalt  }
0x4d: {  	_ =	shalt  }
0x4e: {  	_ =	shalt  }
0x4f: {  	_ =	shalt  }
0x50: {  	_ =	shalt  }
0x51: {  	_ =	shalt  }
0x52: {  	_ =	shalt  }
0x53: {  	_ =	shalt  }
0x54: {  	_ =	shalt  }
0x55: {  	_ =	shalt  }
0x56: {  	_ =	shalt  }
0x57: {  	_ =	shalt  }
0x58: {  	_ =	shalt  }
0x59: {  	_ =	shalt  }
0x5a: {  	_ =	shalt  }
0x5b: {  	_ =	shalt  }
0x5c: {  	_ =	shalt  }
0x5d: {  	_ =	shalt  }
0x5e: {  	_ =	shalt  }
0x5f: {  	_ =	shalt  }
0x60: {  	_ =	shalt  }
0x61: {  	_ =	shalt  }
0x62: {  	_ =	shalt  }
0x63: {  	_ =	shalt  }
0x64: {  	_ =	shalt  }
0x65: {  	_ =	shalt  }
0x66: {  	_ =	shalt  }
0x67: {  	_ =	shalt  }
0x68: {  	_ =	shalt  }
0x69: {  	_ =	shalt  }
0x6a: {  	_ =	shalt  }
0x6b: {  	_ =	shalt  }
0x6c: {  	_ =	shalt  }
0x6d: {  	_ =	shalt  }
0x6e: {  	_ =	shalt  }
0x6f: {  	_ =	shalt  }
0x70: {  	_ =	shalt  }
0x71: {  	_ =	shalt  }
0x72: {  	_ =	shalt  }
0x73: {  	_ =	shalt  }
0x74: {  	_ =	shalt  }
0x75: {  	_ =	shalt  }
0x76: {  	_ =	shalt  }
0x77: {  	_ =	shalt  }
0x78: {  	_ =	shalt  }
0x79: {  	_ =	shalt  }
0x7a: {  	_ =	shalt  }
0x7b: {  	_ =	shalt  }
0x7c: {  	_ =	shalt  }
0x7d: {  	_ =	shalt  }
0x7e: {  	_ =	shalt  }
0x7f: {  	_ =	shalt  }
0x80: {  	_ =	shalt  }
0x81: {  	_ =	shalt  }
0x82: {  	_ =	shalt  }
0x83: {  	_ =	shalt  }
0x84: {  	_ =	shalt  }
0x85: {  	_ =	shalt  }
0x86: {  	_ =	shalt  }
0x87: {  	_ =	shalt  }
.Lfunc_end0:
.L_simem_size_0:
called_computation.1_lowered:
.L_overlay_start_0:
0x88: {  	s2 =	sld [smem:$0x3FD9]  }
0x89: {  	s3 =	sld [smem:$0x3FFE];
	_ =	sdelay $0x1  }
0x8a: {  	s1 =	srdreg.scid  }
0x8b: {  	s0 =	sand.u32 $0x1, s1  }
0x8c: {  	s14 =	sshll.u32 s0, $0xA;
	s2 =	sadd.s32 s3, s2  }
0x8d: {  	s2 =	sadd.s32 s2, s14  }
0x8e: {  	[smem:$0x3FB0] =	sst s2  }
0x8f: {  	_ = 	snop  }
0x90: {  	s2 =	sld [smem:$0x3FD0];
	_ =	sdelay $0x2  }
0x91: {  	s15 =	simm.s32 $0xA;
	s4 =	simm.s32 $0x10  }
0x92: {  	[smem:s4], [sflag:s15] =	dma.local [hbm:s2], $0x1  }
0x93: {  	_ =	swait.eq [sflag:s15], $0x1  }
0x94: {  	[sflag:s15] =	ssyncset.done $0x0  }
0x95: {  	[sflag:s15] =	ssyncadd.s32 $0xFFFFFFFF  }
0x96: {  	s16 =	sld [smem:$0x11];
	(tm) =	ssettm $0x1  }
0x97: {  	s17 =	sld [smem:$0x3FFB];
	_ =	sdelay $0x3  }
0x98: {  	_ =	strace s17  }
0x99: {  	s3 =	sld [smem:$0x3FFC];
	_ =	sdelay $0x3  }
0x9a: {  	_ =	strace s3  }
0x9b: {  	s3 =	sld [smem:$0x3FFD];
	_ =	sdelay $0x3  }
0x9c: {  	_ =	strace s3  }
0x9d: {  	_ =	strace $0x8FFFFFFF  }
0x9e: {  	s18 =	sld [smem:$0x3FDB];
	_ =	sdelay $0x1  }
0x9f: {  	s19 =	simm.s32 $_scs_section_size  }
0xa0: {  	s5 =	simm.s32 $_size__tile_overlayer_lowered;
	s6 =	simm.s32 $_tile_overlayer_lowered  }
0xa1: {  	s22 =	simm.s32 $0x1BFF;
	s21 =	sshll.u32 s6, $0x1;
	s3 =	sadd.s32 s19, s18  }
0xa2: {  	s7 =	simm.s32 $0x0;
	s20 =	sshll.u32 s5, $0x1;
	s5 =	sadd.s32 s21, s3  }
0xa3: {  	[timem:s7], [sflag:s22] =	dma.local [hbm:s5], s20  }
0xa4: {  	_ =	swait.ge [sflag:s22], s20  }
0xa5: {  	s4 =	ssub.s32 $0x0, s20;
	[sflag:s22] =	ssyncset.done $0x0  }
0xa6: {  	[sflag:s22] =	ssyncadd.s32 s4;
	_ =	sdelay $0x1  }
0xa7: {  	s23 =	simm.s32 $0x1B8B  }
0xa8: {  	_ =	swait.ge [sflag:s23], $0x1  }
0xa9: {  	[sflag:s23] =	ssyncset.done $0x0  }
0xaa: {  	s25 =	simm.s32 $0x1B8E;
	s24 =	sld [smem:$0x3FFE];
	[sflag:s23] =	ssyncadd.s32 $0xFFFFFFFF  }
0xab: {  	s26 =	simm.s32 $execute0_lowered;
	[smem:$0x3FD2] =	sst s25  }
0xac: {  	s5 =	sshll.u32 s26, $0x1;
	_ =	strace $0x80000050;
	[dreg:$0x1] =	wrdreg $0xFFFFFFFF  }
0xad: {  	s28 =	simm.s32 $_size_execute0_lowered;
	s3 =	sadd.s32 s3, s5;
	[dreg:$0x0] =	wrdreg $0x0  }
0xae: {  	s5 =	sshll.u32 s28, $0x1;
	[dreg:$0x2] =	wrdreg s3  }
0xaf: {  	[dreg:$0x3] =	wrdreg s5  }
0xb0: {  	[dreg:$0x4] =	wrdreg $0xC0  }
0xb1: {  	_ =	task [dreg:s7], $0x5FFFF  }
0xb2: {  	[dreg:$0x1] =	wrdreg $0xFFFFFFFF  }
0xb3: {  	[dreg:$0x0] =	wrdreg $0x60  }
0xb4: {  	[dreg:$0x2] =	wrdreg s24  }
0xb5: {  	[dreg:$0x3] =	wrdreg s16  }
0xb6: {  	[dreg:$0x4] =	wrdreg $0x9  }
0xb7: {  	_ =	task.clear_ibuf [dreg:s7], $0x5FFFF;
	_ =	strace $0x90000050  }
0xb8: {  	s29 =	simm.s32 $0x9;
	_ =	strace $0x80000059  }
0xb9: {  	_ =	swait.ge [sflag:s29], $0x1  }
0xba: {  	[sflag:s29] =	ssyncadd.s32 $0xFFFFFFFF  }
0xbb: {  	_ =	strace $0x90000059  }
0xbc: {  	_ =	sfence  }
0xbd: {  	s30 =	sld [smem:$0x0];
	_ =	sdelay $0x2  }
0xbe: {  	s31 =	sshll.u32 s1, $0xD;
	s1 =	sshrl.u32 s1, $0x2  }
0xbf: {  	s3 =	sand.u32 $0x4000, s31;
	s1 =	sadd.s32 s1, s30  }
0xc0: {  	s0 =	sor.u32 s3, s0;
	s1 =	sshll.u32 s1, $0x11  }
0xc1: {  	s0 =	sor.u32 s1, s0  }
0xc2: {  	s0 =	sadd.s32 $0x8F2B, s0  }
0xc3: {  	[sflag:s0] =	ssyncadd.remote.s32 $0x1  }
0xc4: {  	_ =	sfence.sel $0xFFFF  }
0xc5: {  	[dreg:$0x0] =	wrdreg $0xFFFFFFFF;
	(pc) =	sbr.abs _section_cstart, $3  }
0xc6: {  	[dreg:$0x1] =	wrdreg $0xFFFFFFFF  }
0xc7: {  	_ =	task.clear_ibuf [dreg:s7], $0x2FFFF;
	_ =	strace $0x9FFFFFFF  }
0xc8: {  	(tm) =	ssettm $0x7FFFFFFF  }
0xc9: {  	_ =	shalt  }
tec
execute0_lowered:
.L_overlay_start_1:
0x0: {  	(tag) =	ssettag $0x1  }
0x1: {  	s4 =	rddreg [dreg:$0x0]  }
0x2: {  	s1 =	rddreg [dreg:$0x1]  }
0x3: {  	s0 =	rddreg [dreg:$0x2];
	s2 =	simm.s32 $0x0  }
0x4: {  	s5 =	srdreg.scid;
	s8 =	simm.s32 $0x80;
	s9 =	simm.s32 $0x4  }
0x5: {  	s10 =	simm.s32 $0x0;
	[smem:$0x7FF] =	sst s2;
	s3 =	sadd.s32 $0x4600, s4  }
0x6: {  	s4 =	sadd.s32 $0x8C600, s4;
	_ =	strace $0x80000051;
	[dreg:$0x3] =	wrdreg s3  }
0x7: {  	s5 =	sand.u32 $0x1, s5;
	s3 =	stileid.u32;
	[dreg:$0x5] =	wrdreg s4  }
0x8: {  	s6 =	ssub.s32 $0x2, s5;
	s5 =	sshll.u32 s5, $0x4;
	[dreg:$0x4] =	wrdreg s8  }
0x9: {  	s8 =	simm.s32 $0x5;
	s7 =	sshrl.u32 s6, $0x1;
	s5 =	sor.u32 s3, s5  }
0xa: {  	s6 =	ssub.s32 s6, s7;
	s31 =	sshll.u32 s5, $0x7;
	s4 =	sshll.u32 s5, $0x3  }
0xb: {  	s7 =	simm.s32 $0x1;
	s5 =	sadd.s32 s1, s31;
	s6 =	smax.u32 s6, $0x1  }
.LBB2_1:
0xc: {  	_ =	strace $0x80000052;
	s11 =	simm.s32 $0x1;
	p0 =	por $0x0, $0x0  }
0xd: {  	[tilespmem:s2], [sflag:$0x1] =	stream.linear.gather [hbm4b:s5+s2], $0x80, $0x200038;
	[tilespmem:$0x8100] =	vst v63  }
0xe: {  	s11 =	simm.s32 @p0 $0x0  }
0xf: {  	p4 =	por $0x1, $0x1;
	s20 =	sand.u32 $0x1, s2;
	p1 =	sne.s32 s11, $0x0  }
0x10: {  	p2 =	por $0x1, $0x1;
	s18 =	simm.s32 $0x6;
	p0 =	por !p4, !p1  }
0x11: {  	s16 =	simm.s32 $0x0;
	p5 =	por $0x0, $0x0;
	p0 =	por !p0, !p0  }
0x12: {  	s23 =	sadd.s32 $0x0, s4;
	s30 =	sadd.s32 $0x1, s20;
	s12 =	sadd.s32 @p0 s4, s11  }
0x13: {  	_ =	strace $0x90000052;
	s13 =	sand.u32 @p0 $0x1, s7;
	s12 =	sshll.u32 @p0 s12, $0x4  }
0x14: {  	_ =	strace @p0 $0x80000053;
	s15 =	simm.s32 @p0 $0x0;
	s12 =	sand.u32 @p0 $0x1FFFFFF0, s12  }
0x15: {  	s14 =	sshll.u32 @p0 s13, $0x7;
	s13 =	sadd.s32 @p0 $0x1, s13;
	s12 =	sadd.s32 @p0 s1, s12  }
0x16: {  	[tilespmem:s14], [sflag:s13] =	stream.linear.gather @p0 [hbm4b:s12+s15], $0x80, $0x200038;
	[tilespmem:$0x8100] =	vst v63  }
0x17: {  	p3 =	por p2, p2;
	s21 =	sshll.u32 s20, $0xE;
	_ =	strace @p0 $0x90000053  }
0x18: {  	s16 =	sand.u32 $0x80, s16;
	p2 =	por p5, p5;
	_ =	strace $0x80000054  }
0x19: {  	s17 =	sadd.s32 $0x1, s11;
	s22 =	sor.u32 $0x100, s21;
	_ =	swait.ge [sflag:s30], $0x80  }
0x1a: {  	s21 =	simm.s32 $0x1;
	p6 =	por p1, p1;
	[sflag:s30] =	ssyncset.done $0x0  }
0x1b: {  	p1 =	por p3, p3;
	p4 =	por $0x1, $0x1;
	[sflag:s30] =	ssyncadd.s32 $0xFFFFFF80  }
0x1c: {  	s12 =	simm.s32 $0x7;
	s15 =	sand.u32 @!p3 $0x1, s2;
	_ =	strace $0x90000054  }
0x1d: {  	s13 =	simm.s32 $0x1;
	p3 =	seq.s32 s17, $0x8;
	_ =	strace $0x80000055  }
0x1e: {  	s13 =	simm.s32 @!p0 $0x0;
	s17 =	simm.s32 @p3 $0x0;
	s19 =	rddreg [dreg:$0x4]  }
0x1f: {  	p0 =	por $0x0, $0x0;
	s14 =	sadd.s32 $0x1, s13;
	s31 =	rddreg [dreg:$0x3]  }
0x20: {  	[tilespmem:s22], [sflag:$0x5] =	stream.indirect.gather [hbm4b:s31+s19], $0x80, s16, s19, $0x2000b8;
	[tilespmem:$0x8100] =	vst v63  }
0x21: {  	p3 =	sne.s32 s11, s17;
	s21 =	simm.s32 @!p0 $0x0;
	_ =	swait.ge [sflag:s8], $0x4000  }
0x22: {  	p5 =	por !p4, !p3;
	p4 =	por $0x0, $0x0;
	[sflag:s8] =	ssyncset.done $0x0  }
0x23: {  	s13 =	simm.s32 $0x0;
	p6 =	por p4, p6;
	[sflag:s8] =	ssyncadd.s32 $0xFFFFC000  }
0x24: {  	s16 =	simm.s32 $0x0;
	s19 =	simm.s32 $0x0;
	_ =	strace $0x90000055  }
.LBB2_2:
0x25: {  	_ =	strace @p6 $0x80000056;
	s13 =	sadd.s32 s21, s13;
	s21 =	smov.u32 s12  }
0x26: {  	s12 =	smov.u32 s18;
	s18 =	sadd.s32 $0xFFFFFFFF, s18;
	p0 =	por p3, p3  }
0x27: {  	s28 =	sshll.u32 @p6 s23, $0xB;
	s20 =	sadd.s32 @p6 $0x3, s20;
	s24 =	simm.s32 @!p0 $0x0  }
0x28: {  	s25 =	rddreg [dreg:$0x5];
	s28 =	sand.u32 @p6 $0x1FFFF800, s28;
	s24 =	simm.s32 @p0 $0x1  }
0x29: {  	s25 =	sadd.s32 @p6 s25, s28;
	s28 =	simm.s32 @p6 $0x0;
	p0 =	sne.s32 s18, $0x0  }
0x2a: {  	[hbm4b:s25+s28] =	stream.linear.scatter @p6 [tilespmem:s22], [sflag:s20], $0x4000, $0x200038;
	[tilespmem:$0x8100] =	vst v63  }
0x2b: {  	s20 =	sadd.s32 @!p1 $0x3, s15;
	s15 =	simm.s32 @!p0 $0x0  }
0x2c: {  	s26 =	simm.s32 $0x1;
	[smem:$0x7FC] =	sst s24;
	s15 =	simm.s32 @p0 $0x1  }
0x2d: {  	s26 =	simm.s32 @!p6 $0x0;
	_ =	strace @p6 $0x90000056;
	[smem:$0x7FD] =	sst s15  }
0x2e: {  	p5 =	por !p5, !p5;
	s19 =	sadd.s32 s26, s19;
	_ =	strace @!p1 $0x80000057  }
0x2f: {  	s24 =	sand.u32 @!p2 $0x1, s13;
	s22 =	sand.u32 @p5 $0x1, s14;
	_ =	swait.ge @!p1 [sflag:s20], $0x4000  }
0x30: {  	s15 =	smov.u32 s24;
	s24 =	sadd.s32 @p5 s4, s17;
	[sflag:s20] =	ssyncset.done @!p1 $0x0  }
0x31: {  	s25 =	sshll.u32 @p5 s22, $0x7;
	s24 =	sshll.u32 @p5 s24, $0x4;
	[sflag:s20] =	ssyncadd.s32 @!p1 $0xFFFFC000  }
0x32: {  	s20 =	sadd.s32 @p5 $0x1, s22;
	s22 =	sand.u32 @p5 $0x1FFFFFF0, s24;
	_ =	strace @!p1 $0x90000057  }
0x33: {  	s24 =	simm.s32 @p5 $0x0;
	s22 =	sadd.s32 @p5 s1, s22;
	_ =	strace @p5 $0x80000053  }
0x34: {  	[tilespmem:s25], [sflag:s20] =	stream.linear.gather @p5 [hbm4b:s22+s24], $0x80, $0x200038;
	[tilespmem:$0x8100] =	vst v63  }
0x35: {  	s16 =	sadd.s32 s26, s16;
	s26 =	sand.u32 $0x1, s19;
	_ =	strace @p5 $0x90000053  }
0x36: {  	s24 =	sadd.s32 $0x1, s26;
	_ =	strace $0x80000054  }
0x37: {  	_ =	swait.ge [sflag:s24], $0x80  }
0x38: {  	[sflag:s24] =	ssyncset.done $0x0  }
0x39: {  	s20 =	simm.s32 $0x1;
	[sflag:s24] =	ssyncadd.s32 $0xFFFFFF80  }
0x3a: {  	s20 =	simm.s32 @!p5 $0x0;
	_ =	strace $0x90000054  }
0x3b: {  	s14 =	sadd.s32 s20, s14;
	s20 =	sand.u32 $0x1, s16;
	_ =	strace $0x80000055  }
0x3c: {  	s29 =	sshll.u32 s19, $0x7;
	s25 =	sshll.u32 s20, $0xE;
	s26 =	rddreg [dreg:$0x4]  }
0x3d: {  	s29 =	sand.u32 $0x80, s29;
	s22 =	sor.u32 $0x100, s25;
	s30 =	rddreg [dreg:$0x3]  }
0x3e: {  	[tilespmem:s22], [sflag:$0x5] =	stream.indirect.gather [hbm4b:s30+s26], $0x80, s29, s26, $0x2000b8;
	[tilespmem:$0x8100] =	vst v63  }
0x3f: {  	_ =	swait.ge [sflag:s8], $0x4000  }
0x40: {  	s31 =	sadd.s32 $0x1, s17;
	[sflag:s8] =	ssyncset.done $0x0  }
0x41: {  	s23 =	sadd.s32 s4, s11;
	s11 =	smov.u32 s17;
	[sflag:s8] =	ssyncadd.s32 $0xFFFFC000  }
0x42: {  	p3 =	seq.s32 s31, $0x8;
	s17 =	smov.u32 s31;
	_ =	strace $0x90000055  }
0x43: {  	s17 =	simm.s32 @p3 $0x0;
	s31 =	sld [smem:$0x7FD]  }
0x44: {  	p6 =	sne.s32 s12, $0x1;
	p0 =	sne.s32 s21, $0x8;
	p3 =	sne.s32 s11, s17  }
0x45: {  	p5 =	por !p6, !p3;
	p6 =	seq.s32 s21, $0x1;
	s21 =	simm.s32 $0x1  }
0x46: {  	s21 =	simm.s32 @!p0 $0x0;
	p0 =	seq.s32 s31, $0x1  }
.Ltmp0:
0x47: {  	s30 =	sld [smem:$0x7FC];
	(pc) =	sbr.rel @p0 .LBB2_2-.Ltmp0, $4  }
0x48: {  	_ = 	snop  }
0x49: {  	p4 =	seq.s32 s12, $0x8  }
0x4a: {  	p1 =	por p2, p2;
	p2 =	por p4, p4;
	p4 =	seq.s32 s30, $0x1  }
0x4b: {  	p6 =	por p6, p4  }
0x4c: {  	_ =	strace @p6 $0x80000056;
	s23 =	sshll.u32 @p6 s23, $0xB  }
0x4d: {  	s18 =	rddreg [dreg:$0x5];
	s23 =	sand.u32 @p6 $0x1FFFF800, s23  }
0x4e: {  	s20 =	sadd.s32 @p6 $0x3, s20;
	s18 =	sadd.s32 @p6 s18, s23;
	s23 =	simm.s32 @p6 $0x0  }
0x4f: {  	[hbm4b:s18+s23] =	stream.linear.scatter @p6 [tilespmem:s22], [sflag:s20], $0x4000, $0x200038;
	[tilespmem:$0x8100] =	vst v63  }
0x50: {  	p0 =	por !p5, !p5;
	_ =	strace @p6 $0x90000056  }
0x51: {  	s15 =	sadd.s32 @!p1 $0x3, s15;
	s17 =	sadd.s32 @p0 s4, s17;
	_ =	strace @!p1 $0x80000057  }
0x52: {  	s14 =	sand.u32 @p0 $0x1, s14;
	s17 =	sshll.u32 @p0 s17, $0x4;
	_ =	swait.ge @!p1 [sflag:s15], $0x4000  }
0x53: {  	s18 =	simm.s32 $0x1;
	s20 =	sshll.u32 @p0 s14, $0x7;
	[sflag:s15] =	ssyncset.done @!p1 $0x0  }
0x54: {  	s14 =	sadd.s32 @p0 $0x1, s14;
	s18 =	simm.s32 @!p6 $0x0;
	[sflag:s15] =	ssyncadd.s32 @!p1 $0xFFFFC000  }
0x55: {  	s19 =	sadd.s32 s18, s19;
	s15 =	sand.u32 @p0 $0x1FFFFFF0, s17;
	_ =	strace @!p1 $0x90000057  }
0x56: {  	s17 =	simm.s32 @p0 $0x0;
	s15 =	sadd.s32 @p0 s1, s15;
	_ =	strace @p0 $0x80000053  }
0x57: {  	[tilespmem:s20], [sflag:s14] =	stream.linear.gather @p0 [hbm4b:s15+s17], $0x80, $0x200038;
	[tilespmem:$0x8100] =	vst v63  }
0x58: {  	s25 =	sand.u32 $0x1, s19;
	_ =	strace @p0 $0x90000053  }
0x59: {  	s14 =	sadd.s32 $0x1, s25;
	_ =	strace $0x80000054  }
0x5a: {  	_ =	swait.ge [sflag:s14], $0x80  }
0x5b: {  	[sflag:s14] =	ssyncset.done $0x0  }
0x5c: {  	[sflag:s14] =	ssyncadd.s32 $0xFFFFFF80  }
0x5d: {  	s26 =	sadd.s32 s18, s16;
	_ =	strace $0x90000054  }
0x5e: {  	s14 =	sand.u32 $0x1, s26;
	_ =	strace $0x80000055  }
0x5f: {  	s30 =	sshll.u32 s19, $0x7;
	s31 =	sshll.u32 s14, $0xE;
	s28 =	rddreg [dreg:$0x4]  }
0x60: {  	s17 =	sand.u32 $0x80, s30;
	s18 =	sor.u32 $0x100, s31;
	s29 =	rddreg [dreg:$0x3]  }
0x61: {  	[tilespmem:s18], [sflag:$0x5] =	stream.indirect.gather [hbm4b:s29+s28], $0x80, s17, s28, $0x2000b8;
	[tilespmem:$0x8100] =	vst v63  }
0x62: {  	_ =	swait.ge [sflag:s8], $0x4000  }
0x63: {  	[sflag:s8] =	ssyncset.done $0x0  }
0x64: {  	p5 =	por p3, p3;
	p6 =	seq.s32 s12, $0x1;
	[sflag:s8] =	ssyncadd.s32 $0xFFFFC000  }
0x65: {  	s11 =	sadd.s32 s4, s11;
	p0 =	por p6, p5;
	_ =	strace $0x90000055  }
0x66: {  	s11 =	sshll.u32 @p0 s11, $0xB;
	_ =	strace @p0 $0x80000056  }
0x67: {  	s13 =	sadd.s32 s21, s13;
	s11 =	sand.u32 @p0 $0x1FFFF800, s11;
	s12 =	rddreg [dreg:$0x5]  }
0x68: {  	s14 =	sadd.s32 @p0 $0x3, s14;
	s11 =	sadd.s32 @p0 s12, s11;
	s12 =	simm.s32 @p0 $0x0  }
0x69: {  	[hbm4b:s11+s12] =	stream.linear.scatter @p0 [tilespmem:s18], [sflag:s14], $0x4000, $0x200038;
	[tilespmem:$0x8100] =	vst v63  }
0x6a: {  	p1 =	por p2, p2;
	s11 =	sand.u32 @!p2 $0x1, s13;
	_ =	strace @p0 $0x90000056  }
0x6b: {  	s11 =	sadd.s32 @!p1 $0x3, s11;
	_ =	strace @!p1 $0x80000057  }
0x6c: {  	_ =	swait.ge @!p1 [sflag:s11], $0x4000  }
0x6d: {  	[sflag:s11] =	ssyncset.done @!p1 $0x0  }
0x6e: {  	s10 =	sadd.s32 $0x1, s10;
	[sflag:s11] =	ssyncadd.s32 @!p1 $0xFFFFC000  }
0x6f: {  	p0 =	sne.s32 s10, s6;
	_ =	strace @!p1 $0x90000057  }
.Ltmp1:
0x70: {  	_ =	strace $0x80000058;
	(pc) =	sbr.rel @p0 .LBB2_1-.Ltmp1, $4  }
0x71: {  	_ =	swait.ge [sflag:s9], $0x4000  }
0x72: {  	[sflag:s9] =	ssyncset.done $0x0  }
0x73: {  	[sflag:s9] =	ssyncadd.s32 $0xFFFFC000  }
0x74: {  	_ =	strace $0x90000058  }
0x75: {  	_ =	sfence.sel $0x180000  }
0x76: {  	[bflag:$0x0] =	sbarrier.arrive $0xFFFF  }
0x77: {  	p0 =	sne.s32 s3, $0x0;
	_ =	strace $0x90000051  }
0x78: {  	s0 =	sadd.s32 @!p0 $0x100000, s0;
	[bflag:$0x2] =	sbarrier.arrive $0xFFFF  }
0x79: {  	[sflag:s0] =	ssyncadd.tile.s32 @!p0 $0x1;
	_ =	shalt  }
.Lfunc_end2:
_tile_overlayer_lowered:
.L_overlay_start_2:
0x7a: {  	(tag) =	ssettag $0x2  }
0x7b: {  	s0 =	rddreg [dreg:$0x0];
	s2 =	stileid.u32  }
0x7c: {  	s1 =	rddreg [dreg:$0x1];
	p0 =	sne.s32 s2, $0x0  }
0x7d: {  	s3 =	rddreg [dreg:$0x2];
	[bflag:$0x3] =	sbarrier.arrive $0xFFFF;
	s2 =	simm.s32 @!p0 $0x1C01  }
0x7e: {  	[timem:s3], [sflag:s2] =	dma.local @!p0 [hbm:s0], s1  }
0x7f: {  	s0 =	simm.s32 @!p0 $0x1  }
0x80: {  	_ =	swait.ge @!p0 [sflag:s0], s1  }
0x81: {  	s1 =	ssub.s32 @!p0 $0x0, s1;
	[sflag:s0] =	ssyncset.done @!p0 $0x0  }
0x82: {  	[sflag:s0] =	ssyncadd.s32 @!p0 s1  }
0x83: {  	[bflag:$0x3] =	sbarrier.arrive $0xFFFF  }
0x84: {  	_ =	shalt  }

// kernel: kernel.17.cloned.1.call-start
scs
__scs_entry_jumppad:
0x0: {  	(pc) =	sbr.rel $0x88, $3  }
0x1: {  	(tag) =	ssettag $0x0;
	lr =	simm.s32 $0x1  }
0x2: {  	[smem:$0x3F89] =	sst lr;
	_ =	strace $0xD0000000  }
0x3: {  	_ = 	snop  }
0x4: {  	_ = 	snop  }
0x5: {  	_ = 	snop  }
0x6: {  	_ = 	snop  }
0x7: {  	_ = 	snop  }
__scs_overlays_trampoline_lowered:
0x8: {  	[smem:$0x3F98] =	sst s0  }
0x9: {  	[smem:$0x3F99] =	sst s1  }
0xa: {  	[smem:$0x3F9A] =	sst s2  }
0xb: {  	[smem:$0x3F9B] =	sst s3  }
0xc: {  	[smem:$0x3F9C] =	sst s4  }
0xd: {  	[smem:$0x3F9D] =	sst s5  }
0xe: {  	[smem:$0x3F9E] =	sst s6  }
0xf: {  	[smem:$0x3F9F] =	sst s7  }
0x10: {  	[smem:$0x3FA0] =	sst s8  }
0x11: {  	[smem:$0x3FA1] =	sst s9;
	s0 =	simm.s32 @!p0 $0x0  }
0x12: {  	s1 =	sld [smem:$0x3F87];
	s0 =	simm.s32 @p0 $0x1  }
0x13: {  	[smem:$0x3FA2] =	sst s0;
	s0 =	simm.s32 @!p1 $0x0  }
0x14: {  	s2 =	sld [smem:$0x3F86];
	s0 =	simm.s32 @p1 $0x1  }
0x15: {  	[smem:$0x3FA3] =	sst s0;
	s0 =	simm.s32 @!p2 $0x0  }
0x16: {  	s3 =	sld [smem:$0x3FDB];
	s0 =	simm.s32 @p2 $0x1  }
0x17: {  	s4 =	simm.s32 $0x1BF5;
	[smem:$0x3FA5] =	sst s0  }
0x18: {  	s0 =	sld [smem:$0x3F88];
	_ =	swait.ge [sflag:s4], $0x0  }
0x19: {  	s7 =	sld [smem:$0x3F89]  }
0x1a: {  	s8 =	sadd.s32 $0xFFFFE003, lr  }
0x1b: {  	s9 =	sadd.s32 $0xFFFFFEF7, lr;
	s5 =	simm.s32 $0xFFFFFFFF;
	p2 =	slt.u32 s8, $0xFFFFF086  }
0x1c: {  	p1 =	slt.u32 s9, $0xF7A;
	s5 =	simm.s32 @!p2 $0x0  }
0x1d: {  	s5 =	simm.s32 @p1 $0x1;
	p0 =	seq.s32 s7, s2  }
0x1e: {  	s7 =	smul.u32 @!p0 $0xF7A, s2;
	p2 =	seq.s32 @!p0 s5, $0x0  }
0x1f: {  	s9 =	smul.u32 $0xF7A, s1;
	s8 =	simm.s32 @!p0 $0x1BF5;
	p2 =	por !p2, p0  }
0x20: {  	[sflag:s8] =	ssyncset.s32 @!p0 $0xFFFFF086;
	s6 =	sadd.s32 @!p0 s3, s7;
	s7 =	simm.s32 @!p0 $0x108  }
0x21: {  	s3 =	sadd.s32 s3, s9;
	s6 =	sadd.s32 @!p0 $0x88, s6;
	s7 =	simm.s32 @p2 $0x1082  }
0x22: {  	[simem:s7], [sflag:s8] =	dma.local @!p0 [hbm:s6], $0xF7A  }
0x23: {  	s9 =	sor.u32 $0xD0000000, s2;
	s6 =	simm.s32 $0x108;
	_ =	swait.ge @!p0 [sflag:s8], $0x0  }
0x24: {  	s3 =	sadd.s32 $0x88, s3;
	s6 =	simm.s32 @!p1 $0x1082;
	[sflag:s4] =	ssyncset.s32 $0xFFFFF086  }
0x25: {  	[simem:s6], [sflag:s4] =	dma.local [hbm:s3], $0xF7A  }
0x26: {  	[smem:$0x3F89] =	sst s1;
	(tag) =	ssettag s2;
	_ =	strace s9  }
0x27: {  	s1 =	sld [smem:$0x3F99]  }
0x28: {  	s2 =	sld [smem:$0x3F9A]  }
0x29: {  	s4 =	sld [smem:$0x3F9C]  }
0x2a: {  	p0 =	seq.s32 s5, $0x0;
	s5 =	sld [smem:$0x3F9D]  }
0x2b: {  	s6 =	sld [smem:$0x3F9E]  }
0x2c: {  	s7 =	sld [smem:$0x3F9F]  }
0x2d: {  	s3 =	simm.s32 $0x108;
	s8 =	sld [smem:$0x3FA0]  }
0x2e: {  	s3 =	simm.s32 @!p0 $0x1082;
	s9 =	sld [smem:$0x3FA1]  }
0x2f: {  	lr =	sadd.s32 s0, s3;
	s0 =	sld [smem:$0x3F98]  }
0x30: {  	s3 =	sld [smem:$0x3F9B]  }
0x31: {  	[smem:$0x3FA4] =	sst s10  }
0x32: {  	s10 =	sld [smem:$0x3FA2];
	_ =	sdelay $0x3  }
0x33: {  	p0 =	seq.s32 s10, $0x1;
	s10 =	sld [smem:$0x3FA4];
	_ =	sdelay $0x3  }
0x34: {  	[smem:$0x3FA4] =	sst s10  }
0x35: {  	s10 =	sld [smem:$0x3FA3];
	_ =	sdelay $0x3  }
0x36: {  	p1 =	seq.s32 s10, $0x1;
	s10 =	sld [smem:$0x3FA4];
	_ =	sdelay $0x3  }
0x37: {  	[smem:$0x3FA4] =	sst s10  }
0x38: {  	s10 =	sld [smem:$0x3FA5]  }
0x39: {  	_ = 	snop;
	(pc) =	sbr.ind lr, $3  }
0x3a: {  	_ = 	snop  }
0x3b: {  	_ = 	snop  }
0x3c: {  	p2 =	seq.s32 s10, $0x1;
	s10 =	sld [smem:$0x3FA4]  }
0x3d: {  	_ =	shalt  }
0x3e: {  	_ =	shalt  }
0x3f: {  	_ =	shalt  }
0x40: {  	_ =	shalt  }
0x41: {  	_ =	shalt  }
0x42: {  	_ =	shalt  }
0x43: {  	_ =	shalt  }
0x44: {  	_ =	shalt  }
0x45: {  	_ =	shalt  }
0x46: {  	_ =	shalt  }
0x47: {  	_ =	shalt  }
0x48: {  	_ =	shalt  }
0x49: {  	_ =	shalt  }
0x4a: {  	_ =	shalt  }
0x4b: {  	_ =	shalt  }
0x4c: {  	_ =	shalt  }
0x4d: {  	_ =	shalt  }
0x4e: {  	_ =	shalt  }
0x4f: {  	_ =	shalt  }
0x50: {  	_ =	shalt  }
0x51: {  	_ =	shalt  }
0x52: {  	_ =	shalt  }
0x53: {  	_ =	shalt  }
0x54: {  	_ =	shalt  }
0x55: {  	_ =	shalt  }
0x56: {  	_ =	shalt  }
0x57: {  	_ =	shalt  }
0x58: {  	_ =	shalt  }
0x59: {  	_ =	shalt  }
0x5a: {  	_ =	shalt  }
0x5b: {  	_ =	shalt  }
0x5c: {  	_ =	shalt  }
0x5d: {  	_ =	shalt  }
0x5e: {  	_ =	shalt  }
0x5f: {  	_ =	shalt  }
0x60: {  	_ =	shalt  }
0x61: {  	_ =	shalt  }
0x62: {  	_ =	shalt  }
0x63: {  	_ =	shalt  }
0x64: {  	_ =	shalt  }
0x65: {  	_ =	shalt  }
0x66: {  	_ =	shalt  }
0x67: {  	_ =	shalt  }
0x68: {  	_ =	shalt  }
0x69: {  	_ =	shalt  }
0x6a: {  	_ =	shalt  }
0x6b: {  	_ =	shalt  }
0x6c: {  	_ =	shalt  }
0x6d: {  	_ =	shalt  }
0x6e: {  	_ =	shalt  }
0x6f: {  	_ =	shalt  }
0x70: {  	_ =	shalt  }
0x71: {  	_ =	shalt  }
0x72: {  	_ =	shalt  }
0x73: {  	_ =	shalt  }
0x74: {  	_ =	shalt  }
0x75: {  	_ =	shalt  }
0x76: {  	_ =	shalt  }
0x77: {  	_ =	shalt  }
0x78: {  	_ =	shalt  }
0x79: {  	_ =	shalt  }
0x7a: {  	_ =	shalt  }
0x7b: {  	_ =	shalt  }
0x7c: {  	_ =	shalt  }
0x7d: {  	_ =	shalt  }
0x7e: {  	_ =	shalt  }
0x7f: {  	_ =	shalt  }
0x80: {  	_ =	shalt  }
0x81: {  	_ =	shalt  }
0x82: {  	_ =	shalt  }
0x83: {  	_ =	shalt  }
0x84: {  	_ =	shalt  }
0x85: {  	_ =	shalt  }
0x86: {  	_ =	shalt  }
0x87: {  	_ =	shalt  }
.Lfunc_end0:
.L_simem_size_0:
called_computation.2_lowered:
.L_overlay_start_0:
0x88: {  	s2 =	sld [smem:$0x3FD9]  }
0x89: {  	s3 =	sld [smem:$0x3FFE];
	_ =	sdelay $0x1  }
0x8a: {  	s1 =	srdreg.scid  }
0x8b: {  	s0 =	sand.u32 $0x1, s1  }
0x8c: {  	s14 =	sshll.u32 s0, $0xA;
	s2 =	sadd.s32 s3, s2  }
0x8d: {  	s2 =	sadd.s32 s2, s14  }
0x8e: {  	[smem:$0x3FB0] =	sst s2  }
0x8f: {  	_ = 	snop  }
0x90: {  	s2 =	sld [smem:$0x3FD0];
	_ =	sdelay $0x2  }
0x91: {  	s15 =	simm.s32 $0xA;
	s4 =	simm.s32 $0x10  }
0x92: {  	[smem:s4], [sflag:s15] =	dma.local [hbm:s2], $0x1  }
0x93: {  	_ =	swait.eq [sflag:s15], $0x1  }
0x94: {  	[sflag:s15] =	ssyncset.done $0x0  }
0x95: {  	[sflag:s15] =	ssyncadd.s32 $0xFFFFFFFF  }
0x96: {  	s16 =	sld [smem:$0x11];
	(tm) =	ssettm $0x1  }
0x97: {  	s17 =	sld [smem:$0x3FFB];
	_ =	sdelay $0x3  }
0x98: {  	_ =	strace s17  }
0x99: {  	s3 =	sld [smem:$0x3FFC];
	_ =	sdelay $0x3  }
0x9a: {  	_ =	strace s3  }
0x9b: {  	s3 =	sld [smem:$0x3FFD];
	_ =	sdelay $0x3  }
0x9c: {  	_ =	strace s3  }
0x9d: {  	_ =	strace $0x8FFFFFFF  }
0x9e: {  	s18 =	sld [smem:$0x3FDB];
	_ =	sdelay $0x1  }
0x9f: {  	s19 =	simm.s32 $_scs_section_size  }
0xa0: {  	s5 =	simm.s32 $_size__tile_overlayer_lowered;
	s6 =	simm.s32 $_tile_overlayer_lowered  }
0xa1: {  	s22 =	simm.s32 $0x1BFF;
	s21 =	sshll.u32 s6, $0x1;
	s3 =	sadd.s32 s19, s18  }
0xa2: {  	s7 =	simm.s32 $0x0;
	s20 =	sshll.u32 s5, $0x1;
	s5 =	sadd.s32 s21, s3  }
0xa3: {  	[timem:s7], [sflag:s22] =	dma.local [hbm:s5], s20  }
0xa4: {  	_ =	swait.ge [sflag:s22], s20  }
0xa5: {  	s4 =	ssub.s32 $0x0, s20;
	[sflag:s22] =	ssyncset.done $0x0  }
0xa6: {  	[sflag:s22] =	ssyncadd.s32 s4;
	_ =	sdelay $0x1  }
0xa7: {  	s23 =	simm.s32 $0x1B8B  }
0xa8: {  	_ =	swait.ge [sflag:s23], $0x1  }
0xa9: {  	[sflag:s23] =	ssyncset.done $0x0  }
0xaa: {  	s25 =	simm.s32 $0x1B8E;
	s24 =	sld [smem:$0x3FFE];
	[sflag:s23] =	ssyncadd.s32 $0xFFFFFFFF  }
0xab: {  	s26 =	simm.s32 $execute0_lowered;
	[smem:$0x3FD2] =	sst s25  }
0xac: {  	s5 =	sshll.u32 s26, $0x1;
	_ =	strace $0x8000005A;
	[dreg:$0x1] =	wrdreg $0xFFFFFFFF  }
0xad: {  	s28 =	simm.s32 $_size_execute0_lowered;
	s3 =	sadd.s32 s3, s5;
	[dreg:$0x0] =	wrdreg $0x0  }
0xae: {  	s5 =	sshll.u32 s28, $0x1;
	[dreg:$0x2] =	wrdreg s3  }
0xaf: {  	[dreg:$0x3] =	wrdreg s5  }
0xb0: {  	[dreg:$0x4] =	wrdreg $0xC0  }
0xb1: {  	_ =	task [dreg:s7], $0x5FFFF  }
0xb2: {  	[dreg:$0x1] =	wrdreg $0xFFFFFFFF  }
0xb3: {  	[dreg:$0x0] =	wrdreg $0x60  }
0xb4: {  	[dreg:$0x2] =	wrdreg s24  }
0xb5: {  	[dreg:$0x3] =	wrdreg s16  }
0xb6: {  	[dreg:$0x4] =	wrdreg $0x9  }
0xb7: {  	_ =	task.clear_ibuf [dreg:s7], $0x5FFFF;
	_ =	strace $0x9000005A  }
0xb8: {  	s29 =	simm.s32 $0x9;
	_ =	strace $0x80000063  }
0xb9: {  	_ =	swait.ge [sflag:s29], $0x1  }
0xba: {  	[sflag:s29] =	ssyncadd.s32 $0xFFFFFFFF  }
0xbb: {  	_ =	strace $0x90000063  }
0xbc: {  	_ =	sfence  }
0xbd: {  	s30 =	sld [smem:$0x0];
	_ =	sdelay $0x2  }
0xbe: {  	s31 =	sshll.u32 s1, $0xD;
	s1 =	sshrl.u32 s1, $0x2  }
0xbf: {  	s3 =	sand.u32 $0x4000, s31;
	s1 =	sadd.s32 s1, s30  }
0xc0: {  	s0 =	sor.u32 s3, s0;
	s1 =	sshll.u32 s1, $0x11  }
0xc1: {  	s0 =	sor.u32 s1, s0  }
0xc2: {  	s0 =	sadd.s32 $0x8F2B, s0  }
0xc3: {  	[sflag:s0] =	ssyncadd.remote.s32 $0x1  }
0xc4: {  	_ =	sfence.sel $0xFFFF  }
0xc5: {  	[dreg:$0x0] =	wrdreg $0xFFFFFFFF;
	(pc) =	sbr.abs _section_cstart, $3  }
0xc6: {  	[dreg:$0x1] =	wrdreg $0xFFFFFFFF  }
0xc7: {  	_ =	task.clear_ibuf [dreg:s7], $0x2FFFF;
	_ =	strace $0x9FFFFFFF  }
0xc8: {  	(tm) =	ssettm $0x7FFFFFFF  }
0xc9: {  	_ =	shalt  }
tec
execute0_lowered:
.L_overlay_start_1:
0x0: {  	(tag) =	ssettag $0x1  }
0x1: {  	s4 =	rddreg [dreg:$0x0]  }
0x2: {  	s1 =	rddreg [dreg:$0x1]  }
0x3: {  	s0 =	rddreg [dreg:$0x2];
	s2 =	simm.s32 $0x0  }
0x4: {  	s5 =	srdreg.scid;
	s8 =	simm.s32 $0x80;
	s9 =	simm.s32 $0x4  }
0x5: {  	s10 =	simm.s32 $0x0;
	[smem:$0x7FF] =	sst s2;
	s3 =	sadd.s32 $0x4600, s4  }
0x6: {  	s4 =	sadd.s32 $0x8C600, s4;
	_ =	strace $0x8000005B;
	[dreg:$0x3] =	wrdreg s3  }
0x7: {  	s5 =	sand.u32 $0x1, s5;
	s3 =	stileid.u32;
	[dreg:$0x5] =	wrdreg s4  }
0x8: {  	s6 =	ssub.s32 $0x2, s5;
	s5 =	sshll.u32 s5, $0x4;
	[dreg:$0x4] =	wrdreg s8  }
0x9: {  	s8 =	simm.s32 $0x5;
	s7 =	sshrl.u32 s6, $0x1;
	s5 =	sor.u32 s3, s5  }
0xa: {  	s6 =	ssub.s32 s6, s7;
	s31 =	sshll.u32 s5, $0x7;
	s4 =	sshll.u32 s5, $0x3  }
0xb: {  	s7 =	simm.s32 $0x1;
	s5 =	sadd.s32 s1, s31;
	s6 =	smax.u32 s6, $0x1  }
.LBB2_1:
0xc: {  	_ =	strace $0x8000005C;
	s11 =	simm.s32 $0x1;
	p0 =	por $0x0, $0x0  }
0xd: {  	[tilespmem:s2], [sflag:$0x1] =	stream.linear.gather [hbm4b:s5+s2], $0x80, $0x200038;
	[tilespmem:$0x8100] =	vst v63  }
0xe: {  	s11 =	simm.s32 @p0 $0x0  }
0xf: {  	p4 =	por $0x1, $0x1;
	s20 =	sand.u32 $0x1, s2;
	p1 =	sne.s32 s11, $0x0  }
0x10: {  	p2 =	por $0x1, $0x1;
	s18 =	simm.s32 $0x6;
	p0 =	por !p4, !p1  }
0x11: {  	s16 =	simm.s32 $0x0;
	p5 =	por $0x0, $0x0;
	p0 =	por !p0, !p0  }
0x12: {  	s23 =	sadd.s32 $0x0, s4;
	s30 =	sadd.s32 $0x1, s20;
	s12 =	sadd.s32 @p0 s4, s11  }
0x13: {  	_ =	strace $0x9000005C;
	s13 =	sand.u32 @p0 $0x1, s7;
	s12 =	sshll.u32 @p0 s12, $0x4  }
0x14: {  	_ =	strace @p0 $0x8000005D;
	s15 =	simm.s32 @p0 $0x0;
	s12 =	sand.u32 @p0 $0x1FFFFFF0, s12  }
0x15: {  	s14 =	sshll.u32 @p0 s13, $0x7;
	s13 =	sadd.s32 @p0 $0x1, s13;
	s12 =	sadd.s32 @p0 s1, s12  }
0x16: {  	[tilespmem:s14], [sflag:s13] =	stream.linear.gather @p0 [hbm4b:s12+s15], $0x80, $0x200038;
	[tilespmem:$0x8100] =	vst v63  }
0x17: {  	p3 =	por p2, p2;
	s21 =	sshll.u32 s20, $0xE;
	_ =	strace @p0 $0x9000005D  }
0x18: {  	s16 =	sand.u32 $0x80, s16;
	p2 =	por p5, p5;
	_ =	strace $0x8000005E  }
0x19: {  	s17 =	sadd.s32 $0x1, s11;
	s22 =	sor.u32 $0x100, s21;
	_ =	swait.ge [sflag:s30], $0x80  }
0x1a: {  	s21 =	simm.s32 $0x1;
	p6 =	por p1, p1;
	[sflag:s30] =	ssyncset.done $0x0  }
0x1b: {  	p1 =	por p3, p3;
	p4 =	por $0x1, $0x1;
	[sflag:s30] =	ssyncadd.s32 $0xFFFFFF80  }
0x1c: {  	s12 =	simm.s32 $0x7;
	s15 =	sand.u32 @!p3 $0x1, s2;
	_ =	strace $0x9000005E  }
0x1d: {  	s13 =	simm.s32 $0x1;
	p3 =	seq.s32 s17, $0x8;
	_ =	strace $0x8000005F  }
0x1e: {  	s13 =	simm.s32 @!p0 $0x0;
	s17 =	simm.s32 @p3 $0x0;
	s19 =	rddreg [dreg:$0x4]  }
0x1f: {  	p0 =	por $0x0, $0x0;
	s14 =	sadd.s32 $0x1, s13;
	s31 =	rddreg [dreg:$0x3]  }
0x20: {  	[tilespmem:s22], [sflag:$0x5] =	stream.indirect.gather [hbm4b:s31+s19], $0x80, s16, s19, $0x2000b8;
	[tilespmem:$0x8100] =	vst v63  }
0x21: {  	p3 =	sne.s32 s11, s17;
	s21 =	simm.s32 @!p0 $0x0;
	_ =	swait.ge [sflag:s8], $0x4000  }
0x22: {  	p5 =	por !p4, !p3;
	p4 =	por $0x0, $0x0;
	[sflag:s8] =	ssyncset.done $0x0  }
0x23: {  	s13 =	simm.s32 $0x0;
	p6 =	por p4, p6;
	[sflag:s8] =	ssyncadd.s32 $0xFFFFC000  }
0x24: {  	s16 =	simm.s32 $0x0;
	s19 =	simm.s32 $0x0;
	_ =	strace $0x9000005F  }
.LBB2_2:
0x25: {  	_ =	strace @p6 $0x80000060;
	s13 =	sadd.s32 s21, s13;
	s21 =	smov.u32 s12  }
0x26: {  	s12 =	smov.u32 s18;
	s18 =	sadd.s32 $0xFFFFFFFF, s18;
	p0 =	por p3, p3  }
0x27: {  	s28 =	sshll.u32 @p6 s23, $0xB;
	s20 =	sadd.s32 @p6 $0x3, s20;
	s24 =	simm.s32 @!p0 $0x0  }
0x28: {  	s25 =	rddreg [dreg:$0x5];
	s28 =	sand.u32 @p6 $0x1FFFF800, s28;
	s24 =	simm.s32 @p0 $0x1  }
0x29: {  	s25 =	sadd.s32 @p6 s25, s28;
	s28 =	simm.s32 @p6 $0x0;
	p0 =	sne.s32 s18, $0x0  }
0x2a: {  	[hbm4b:s25+s28] =	stream.linear.scatter @p6 [tilespmem:s22], [sflag:s20], $0x4000, $0x200038;
	[tilespmem:$0x8100] =	vst v63  }
0x2b: {  	s20 =	sadd.s32 @!p1 $0x3, s15;
	s15 =	simm.s32 @!p0 $0x0  }
0x2c: {  	s26 =	simm.s32 $0x1;
	[smem:$0x7FC] =	sst s24;
	s15 =	simm.s32 @p0 $0x1  }
0x2d: {  	s26 =	simm.s32 @!p6 $0x0;
	_ =	strace @p6 $0x90000060;
	[smem:$0x7FD] =	sst s15  }
0x2e: {  	p5 =	por !p5, !p5;
	s19 =	sadd.s32 s26, s19;
	_ =	strace @!p1 $0x80000061  }
0x2f: {  	s24 =	sand.u32 @!p2 $0x1, s13;
	s22 =	sand.u32 @p5 $0x1, s14;
	_ =	swait.ge @!p1 [sflag:s20], $0x4000  }
0x30: {  	s15 =	smov.u32 s24;
	s24 =	sadd.s32 @p5 s4, s17;
	[sflag:s20] =	ssyncset.done @!p1 $0x0  }
0x31: {  	s25 =	sshll.u32 @p5 s22, $0x7;
	s24 =	sshll.u32 @p5 s24, $0x4;
	[sflag:s20] =	ssyncadd.s32 @!p1 $0xFFFFC000  }
0x32: {  	s20 =	sadd.s32 @p5 $0x1, s22;
	s22 =	sand.u32 @p5 $0x1FFFFFF0, s24;
	_ =	strace @!p1 $0x90000061  }
0x33: {  	s24 =	simm.s32 @p5 $0x0;
	s22 =	sadd.s32 @p5 s1, s22;
	_ =	strace @p5 $0x8000005D  }
0x34: {  	[tilespmem:s25], [sflag:s20] =	stream.linear.gather @p5 [hbm4b:s22+s24], $0x80, $0x200038;
	[tilespmem:$0x8100] =	vst v63  }
0x35: {  	s16 =	sadd.s32 s26, s16;
	s26 =	sand.u32 $0x1, s19;
	_ =	strace @p5 $0x9000005D  }
0x36: {  	s24 =	sadd.s32 $0x1, s26;
	_ =	strace $0x8000005E  }
0x37: {  	_ =	swait.ge [sflag:s24], $0x80  }
0x38: {  	[sflag:s24] =	ssyncset.done $0x0  }
0x39: {  	s20 =	simm.s32 $0x1;
	[sflag:s24] =	ssyncadd.s32 $0xFFFFFF80  }
0x3a: {  	s20 =	simm.s32 @!p5 $0x0;
	_ =	strace $0x9000005E  }
0x3b: {  	s14 =	sadd.s32 s20, s14;
	s20 =	sand.u32 $0x1, s16;
	_ =	strace $0x8000005F  }
0x3c: {  	s29 =	sshll.u32 s19, $0x7;
	s25 =	sshll.u32 s20, $0xE;
	s26 =	rddreg [dreg:$0x4]  }
0x3d: {  	s29 =	sand.u32 $0x80, s29;
	s22 =	sor.u32 $0x100, s25;
	s30 =	rddreg [dreg:$0x3]  }
0x3e: {  	[tilespmem:s22], [sflag:$0x5] =	stream.indirect.gather [hbm4b:s30+s26], $0x80, s29, s26, $0x2000b8;
	[tilespmem:$0x8100] =	vst v63  }
0x3f: {  	_ =	swait.ge [sflag:s8], $0x4000  }
0x40: {  	s31 =	sadd.s32 $0x1, s17;
	[sflag:s8] =	ssyncset.done $0x0  }
0x41: {  	s23 =	sadd.s32 s4, s11;
	s11 =	smov.u32 s17;
	[sflag:s8] =	ssyncadd.s32 $0xFFFFC000  }
0x42: {  	p3 =	seq.s32 s31, $0x8;
	s17 =	smov.u32 s31;
	_ =	strace $0x9000005F  }
0x43: {  	s17 =	simm.s32 @p3 $0x0;
	s31 =	sld [smem:$0x7FD]  }
0x44: {  	p6 =	sne.s32 s12, $0x1;
	p0 =	sne.s32 s21, $0x8;
	p3 =	sne.s32 s11, s17  }
0x45: {  	p5 =	por !p6, !p3;
	p6 =	seq.s32 s21, $0x1;
	s21 =	simm.s32 $0x1  }
0x46: {  	s21 =	simm.s32 @!p0 $0x0;
	p0 =	seq.s32 s31, $0x1  }
.Ltmp0:
0x47: {  	s30 =	sld [smem:$0x7FC];
	(pc) =	sbr.rel @p0 .LBB2_2-.Ltmp0, $4  }
0x48: {  	_ = 	snop  }
0x49: {  	p4 =	seq.s32 s12, $0x8  }
0x4a: {  	p1 =	por p2, p2;
	p2 =	por p4, p4;
	p4 =	seq.s32 s30, $0x1  }
0x4b: {  	p6 =	por p6, p4  }
0x4c: {  	_ =	strace @p6 $0x80000060;
	s23 =	sshll.u32 @p6 s23, $0xB  }
0x4d: {  	s18 =	rddreg [dreg:$0x5];
	s23 =	sand.u32 @p6 $0x1FFFF800, s23  }
0x4e: {  	s20 =	sadd.s32 @p6 $0x3, s20;
	s18 =	sadd.s32 @p6 s18, s23;
	s23 =	simm.s32 @p6 $0x0  }
0x4f: {  	[hbm4b:s18+s23] =	stream.linear.scatter @p6 [tilespmem:s22], [sflag:s20], $0x4000, $0x200038;
	[tilespmem:$0x8100] =	vst v63  }
0x50: {  	p0 =	por !p5, !p5;
	_ =	strace @p6 $0x90000060  }
0x51: {  	s15 =	sadd.s32 @!p1 $0x3, s15;
	s17 =	sadd.s32 @p0 s4, s17;
	_ =	strace @!p1 $0x80000061  }
0x52: {  	s14 =	sand.u32 @p0 $0x1, s14;
	s17 =	sshll.u32 @p0 s17, $0x4;
	_ =	swait.ge @!p1 [sflag:s15], $0x4000  }
0x53: {  	s18 =	simm.s32 $0x1;
	s20 =	sshll.u32 @p0 s14, $0x7;
	[sflag:s15] =	ssyncset.done @!p1 $0x0  }
0x54: {  	s14 =	sadd.s32 @p0 $0x1, s14;
	s18 =	simm.s32 @!p6 $0x0;
	[sflag:s15] =	ssyncadd.s32 @!p1 $0xFFFFC000  }
0x55: {  	s19 =	sadd.s32 s18, s19;
	s15 =	sand.u32 @p0 $0x1FFFFFF0, s17;
	_ =	strace @!p1 $0x90000061  }
0x56: {  	s17 =	simm.s32 @p0 $0x0;
	s15 =	sadd.s32 @p0 s1, s15;
	_ =	strace @p0 $0x8000005D  }
0x57: {  	[tilespmem:s20], [sflag:s14] =	stream.linear.gather @p0 [hbm4b:s15+s17], $0x80, $0x200038;
	[tilespmem:$0x8100] =	vst v63  }
0x58: {  	s25 =	sand.u32 $0x1, s19;
	_ =	strace @p0 $0x9000005D  }
0x59: {  	s14 =	sadd.s32 $0x1, s25;
	_ =	strace $0x8000005E  }
0x5a: {  	_ =	swait.ge [sflag:s14], $0x80  }
0x5b: {  	[sflag:s14] =	ssyncset.done $0x0  }
0x5c: {  	[sflag:s14] =	ssyncadd.s32 $0xFFFFFF80  }
0x5d: {  	s26 =	sadd.s32 s18, s16;
	_ =	strace $0x9000005E  }
0x5e: {  	s14 =	sand.u32 $0x1, s26;
	_ =	strace $0x8000005F  }
0x5f: {  	s30 =	sshll.u32 s19, $0x7;
	s31 =	sshll.u32 s14, $0xE;
	s28 =	rddreg [dreg:$0x4]  }
0x60: {  	s17 =	sand.u32 $0x80, s30;
	s18 =	sor.u32 $0x100, s31;
	s29 =	rddreg [dreg:$0x3]  }
0x61: {  	[tilespmem:s18], [sflag:$0x5] =	stream.indirect.gather [hbm4b:s29+s28], $0x80, s17, s28, $0x2000b8;
	[tilespmem:$0x8100] =	vst v63  }
0x62: {  	_ =	swait.ge [sflag:s8], $0x4000  }
0x63: {  	[sflag:s8] =	ssyncset.done $0x0  }
0x64: {  	p5 =	por p3, p3;
	p6 =	seq.s32 s12, $0x1;
	[sflag:s8] =	ssyncadd.s32 $0xFFFFC000  }
0x65: {  	s11 =	sadd.s32 s4, s11;
	p0 =	por p6, p5;
	_ =	strace $0x9000005F  }
0x66: {  	s11 =	sshll.u32 @p0 s11, $0xB;
	_ =	strace @p0 $0x80000060  }
0x67: {  	s13 =	sadd.s32 s21, s13;
	s11 =	sand.u32 @p0 $0x1FFFF800, s11;
	s12 =	rddreg [dreg:$0x5]  }
0x68: {  	s14 =	sadd.s32 @p0 $0x3, s14;
	s11 =	sadd.s32 @p0 s12, s11;
	s12 =	simm.s32 @p0 $0x0  }
0x69: {  	[hbm4b:s11+s12] =	stream.linear.scatter @p0 [tilespmem:s18], [sflag:s14], $0x4000, $0x200038;
	[tilespmem:$0x8100] =	vst v63  }
0x6a: {  	p1 =	por p2, p2;
	s11 =	sand.u32 @!p2 $0x1, s13;
	_ =	strace @p0 $0x90000060  }
0x6b: {  	s11 =	sadd.s32 @!p1 $0x3, s11;
	_ =	strace @!p1 $0x80000061  }
0x6c: {  	_ =	swait.ge @!p1 [sflag:s11], $0x4000  }
0x6d: {  	[sflag:s11] =	ssyncset.done @!p1 $0x0  }
0x6e: {  	s10 =	sadd.s32 $0x1, s10;
	[sflag:s11] =	ssyncadd.s32 @!p1 $0xFFFFC000  }
0x6f: {  	p0 =	sne.s32 s10, s6;
	_ =	strace @!p1 $0x90000061  }
.Ltmp1:
0x70: {  	_ =	strace $0x80000062;
	(pc) =	sbr.rel @p0 .LBB2_1-.Ltmp1, $4  }
0x71: {  	_ =	swait.ge [sflag:s9], $0x4000  }
0x72: {  	[sflag:s9] =	ssyncset.done $0x0  }
0x73: {  	[sflag:s9] =	ssyncadd.s32 $0xFFFFC000  }
0x74: {  	_ =	strace $0x90000062  }
0x75: {  	_ =	sfence.sel $0x180000  }
0x76: {  	[bflag:$0x0] =	sbarrier.arrive $0xFFFF  }
0x77: {  	p0 =	sne.s32 s3, $0x0;
	_ =	strace $0x9000005B  }
0x78: {  	s0 =	sadd.s32 @!p0 $0x100000, s0;
	[bflag:$0x2] =	sbarrier.arrive $0xFFFF  }
0x79: {  	[sflag:s0] =	ssyncadd.tile.s32 @!p0 $0x1;
	_ =	shalt  }
.Lfunc_end2:
_tile_overlayer_lowered:
.L_overlay_start_2:
0x7a: {  	(tag) =	ssettag $0x2  }
0x7b: {  	s0 =	rddreg [dreg:$0x0];
	s2 =	stileid.u32  }
0x7c: {  	s1 =	rddreg [dreg:$0x1];
	p0 =	sne.s32 s2, $0x0  }
0x7d: {  	s3 =	rddreg [dreg:$0x2];
	[bflag:$0x3] =	sbarrier.arrive $0xFFFF;
	s2 =	simm.s32 @!p0 $0x1C01  }
0x7e: {  	[timem:s3], [sflag:s2] =	dma.local @!p0 [hbm:s0], s1  }
0x7f: {  	s0 =	simm.s32 @!p0 $0x1  }
0x80: {  	_ =	swait.ge @!p0 [sflag:s0], s1  }
0x81: {  	s1 =	ssub.s32 @!p0 $0x0, s1;
	[sflag:s0] =	ssyncset.done @!p0 $0x0  }
0x82: {  	[sflag:s0] =	ssyncadd.s32 @!p0 s1  }
0x83: {  	[bflag:$0x3] =	sbarrier.arrive $0xFFFF  }
0x84: {  	_ =	shalt  }

</sc_bundles>
